<compile_context>
chip_gen: v7x
topology: tpu7x:2x2x1
jax: 0.10.2.dev20260603
libtpu: 0.0.44.dev20260713+nightly
codegen_flags: <defaults>
</compile_context>

<pallas_src>
import functools

import jax
import jax.numpy as jnp
from jax import lax
from jax.experimental import pallas as pl
from jax.experimental.pallas import tpu as pltpu
from jax.experimental.pallas import tpu_sc as plsc

BUCKET_N = 1000000
DIM = 32
NUM_CORES = 2
NUM_SUBCORES = 16
NUM_WORKERS = NUM_CORES * NUM_SUBCORES
LANES = 16
CHUNK = 512
SUB = 128


@functools.lru_cache(maxsize=None)
def _make_launcher(n_ids):
    per_w = n_ids // NUM_WORKERS
    n_chunks = per_w // CHUNK
    assert n_chunks % 2 == 0
    mesh = plsc.VectorSubcoreMesh(core_axis_name="c", subcore_axis_name="s")

    buf_shapes = [
        pltpu.VMEM((CHUNK,), jnp.int32),
        pltpu.VMEM((CHUNK // SUB, SUB), jnp.int32),
        pltpu.VMEM((CHUNK // SUB, SUB), jnp.int32),
        pltpu.VMEM((CHUNK,), jnp.float32),
        pltpu.VMEM((CHUNK,), jnp.float32),
        pltpu.VMEM((CHUNK, DIM), jnp.float32),
        pltpu.VMEM((CHUNK, DIM), jnp.float32),
        pltpu.VMEM((CHUNK, DIM), jnp.float32),
        pltpu.SemaphoreType.DMA,
        pltpu.SemaphoreType.DMA,
    ]

    @functools.partial(
        pl.kernel,
        mesh=mesh,
        out_type=jax.ShapeDtypeStruct((n_ids, DIM), jnp.float32),
        compiler_params=pltpu.CompilerParams(
            needs_layout_passes=False, use_tc_tiling_on_sc=False),
        scratch_types=[pltpu.VMEM((LANES, LANES), jnp.int32)] + buf_shapes * 2,
    )
    def launch(ids_hbm, w_hbm, par_hbm, out_hbm, par_v, *bufs):
        ba = bufs[:10]
        bb = bufs[10:]
        wid = lax.axis_index("s") * NUM_CORES + lax.axis_index("c")
        base = wid * per_w
        pltpu.sync_copy(par_hbm, par_v)
        a0 = par_v[0, :]
        b0 = par_v[1, :]
        a1 = par_v[2, :]
        b1 = par_v[3, :]
        sa0 = par_v[4, :]
        sb0 = par_v[5, :]
        sa1 = par_v[6, :]
        sb1 = par_v[7, :]

        def floor_mod(v):
            r = lax.rem(v, BUCKET_N)
            return jnp.where(r < 0, r + BUCKET_N, r)

        def prep(c, buf):
            ids_v, idx0_v, idx1_v, s0_v, s1_v, rows0_v, rows1_v, _, gsem, _ = buf
            off = base + c * CHUNK
            pltpu.sync_copy(ids_hbm.at[pl.ds(off, CHUNK)], ids_v)

            def hash_body(i, _):
                idv = ids_v[pl.ds(i * LANES, LANES)]
                r0 = floor_mod(idv * a0 + b0)
                r1 = floor_mod(idv * a1 + b1)
                u0 = idv * sa0 + sb0
                u1 = idv * sa1 + sb1
                f0 = jnp.where((u0 & 1) == 1, 0.5, -0.5).astype(jnp.float32)
                f1 = jnp.where((u1 & 1) == 1, 0.5, -0.5).astype(jnp.float32)
                j = i // (SUB // LANES)
                k = i % (SUB // LANES)
                idx0_v[j, pl.ds(k * LANES, LANES)] = r0
                idx1_v[j, pl.ds(k * LANES, LANES)] = r1
                s0_v[pl.ds(i * LANES, LANES)] = f0
                s1_v[pl.ds(i * LANES, LANES)] = f1
                return 0

            lax.fori_loop(0, CHUNK // LANES, hash_body, 0)
            for j in range(CHUNK // SUB):
                pltpu.async_copy(w_hbm.at[idx0_v.at[j]],
                                 rows0_v.at[pl.ds(j * SUB, SUB)], gsem)
                pltpu.async_copy(w_hbm.at[idx1_v.at[j]],
                                 rows1_v.at[pl.ds(j * SUB, SUB)], gsem)

        def drain_gathers(buf):
            rows0_v, rows1_v, gsem = buf[5], buf[6], buf[8]
            pltpu.make_async_copy(
                out_hbm.at[pl.ds(0, CHUNK)], rows0_v, gsem).wait()
            pltpu.make_async_copy(
                out_hbm.at[pl.ds(0, CHUNK)], rows1_v, gsem).wait()

        def drain_out(buf):
            outb_v, osem = buf[7], buf[9]
            pltpu.make_async_copy(
                outb_v, out_hbm.at[pl.ds(0, CHUNK)], osem).wait()

        def combine_and_send(c, buf):
            s0_v, s1_v, rows0_v, rows1_v, outb_v, osem = (
                buf[3], buf[4], buf[5], buf[6], buf[7], buf[9])

            def body(t, _):
                for u in range(4):
                    n = t * 4 + u
                    nf = jnp.full((LANES,), n, jnp.int32)
                    g0 = plsc.load_gather(s0_v, [nf])
                    g1 = plsc.load_gather(s1_v, [nf])
                    for h in (0, LANES):
                        outb_v[n, pl.ds(h, LANES)] = (
                            rows0_v[n, pl.ds(h, LANES)] * g0
                            + rows1_v[n, pl.ds(h, LANES)] * g1)
                return 0

            lax.fori_loop(0, CHUNK // 4, body, 0)
            off = base + c * CHUNK
            pltpu.async_copy(outb_v, out_hbm.at[pl.ds(off, CHUNK)], osem)

        prep(0, ba)

        def pair_body(q, _):
            c = 2 * q
            prep(c + 1, bb)
            drain_gathers(ba)

            @pl.when(q > 0)
            def _():
                drain_out(ba)

            combine_and_send(c, ba)

            @pl.when(c + 2 < n_chunks)
            def _():
                prep(c + 2, ba)

            drain_gathers(bb)

            @pl.when(q > 0)
            def _():
                drain_out(bb)

            combine_and_send(c + 1, bb)
            return 0

        lax.fori_loop(0, n_chunks // 2, pair_body, 0)
        drain_out(ba)
        drain_out(bb)

    return launch


def kernel(input_ids, weight, hash_a, hash_b, sign_a, sign_b):
    b, t = input_ids.shape
    n = b * t
    ids = input_ids.reshape(n).astype(jnp.int32)
    par = jnp.stack([hash_a[0], hash_b[0], hash_a[1], hash_b[1],
                     sign_a[0], sign_b[0], sign_a[1], sign_b[1]])
    par = jnp.concatenate([par.astype(jnp.int32), jnp.zeros((8,), jnp.int32)])
    par = jnp.broadcast_to(par[:, None], (LANES, LANES))
    out = _make_launcher(n)(ids, weight.astype(jnp.float32), par)
    return out.reshape(b, t, DIM)

# --- scband reference (transcript-rebuilt; emitter-appended) ---
"""Pipeline reference for scband-hash-embedding-layer-30855045054746 (READ-ONLY COPY).

The authoritative reference and input builder live on the scoring server;
editing this copy changes nothing except your own understanding.
"""

import jax, jax.numpy as jnp
import numpy as np

VOCAB_SIZE = 1000000
HIDDEN_DIM = 32
BUCKET_SIZE = 1000000
NUM_HASH = 2


def setup_inputs(seed: int = 0) -> dict:
    key = jax.random.key(seed)
    k_ids, k_w, k_ha, k_hb, k_sa, k_sb = jax.random.split(key, 6)
    input_ids = jax.random.randint(k_ids, (4096, 200), 0, VOCAB_SIZE, dtype=jnp.int64) if jax.config.jax_enable_x64 else jax.random.randint(k_ids, (4096, 200), 0, VOCAB_SIZE, dtype=jnp.int32)
    weight = jax.random.normal(k_w, (BUCKET_SIZE, HIDDEN_DIM), dtype=jnp.float32) * 0.02
    hash_a = jax.random.randint(k_ha, (NUM_HASH,), 1, BUCKET_SIZE)
    hash_b = jax.random.randint(k_hb, (NUM_HASH,), 0, BUCKET_SIZE)
    sign_a = jax.random.randint(k_sa, (NUM_HASH,), 1, BUCKET_SIZE)
    sign_b = jax.random.randint(k_sb, (NUM_HASH,), 0, BUCKET_SIZE)
    return {"input_ids": input_ids, "weight": weight, "hash_a": hash_a, "hash_b": hash_b, "sign_a": sign_a, "sign_b": sign_b}


def reference(input_ids, weight, hash_a, hash_b, sign_a, sign_b):
    ids = input_ids.astype(jnp.int64) if jax.config.jax_enable_x64 else input_ids.astype(jnp.int32)
    ids = ids[..., None]  # [B, T, 1]
    buckets = (ids * hash_a + hash_b) % BUCKET_SIZE          # [B, T, H]
    signs = ((ids * sign_a + sign_b) % 2 * 2 - 1).astype(jnp.float32)  # [B, T, H]
    embedded = jnp.take(weight, buckets, axis=0)             # [B, T, H, D]
    embedded = embedded * signs[..., None]
    output = embedded.mean(axis=2)                           # [B, T, D]
    return output

if __name__ == "__main__":
    import jax
    _d = setup_inputs()
    print(jax.jit(kernel)(*tuple(_d.values())))

</pallas_src>

<mosaic_0001>
#map = affine_map<(d0, d1) -> (0)>
#map1 = affine_map<(d0, d1) -> (0, 0)>
module attributes {stable_mosaic.version = 14 : i64} {
  func.func @launch(%arg0: i32, %arg1: i32, %arg2: memref<819200xi32, #tpu.memory_space<hbm>>, %arg3: memref<1000000x32xf32, #tpu.memory_space<hbm>>, %arg4: memref<16x16xi32, #tpu.memory_space<hbm>>, %arg5: memref<819200x32xf32, #tpu.memory_space<hbm>>, %arg6: memref<16x16xi32, #tpu.memory_space<vmem>>, %arg7: memref<512xi32, #tpu.memory_space<vmem>>, %arg8: memref<4x128xi32, #tpu.memory_space<vmem>>, %arg9: memref<4x128xi32, #tpu.memory_space<vmem>>, %arg10: memref<512xf32, #tpu.memory_space<vmem>>, %arg11: memref<512xf32, #tpu.memory_space<vmem>>, %arg12: memref<512x32xf32, #tpu.memory_space<vmem>>, %arg13: memref<512x32xf32, #tpu.memory_space<vmem>>, %arg14: memref<512x32xf32, #tpu.memory_space<vmem>>, %arg15: memref<!tpu.dma_semaphore, #tpu.memory_space<semaphore_mem>>, %arg16: memref<!tpu.dma_semaphore, #tpu.memory_space<semaphore_mem>>, %arg17: memref<512xi32, #tpu.memory_space<vmem>>, %arg18: memref<4x128xi32, #tpu.memory_space<vmem>>, %arg19: memref<4x128xi32, #tpu.memory_space<vmem>>, %arg20: memref<512xf32, #tpu.memory_space<vmem>>, %arg21: memref<512xf32, #tpu.memory_space<vmem>>, %arg22: memref<512x32xf32, #tpu.memory_space<vmem>>, %arg23: memref<512x32xf32, #tpu.memory_space<vmem>>, %arg24: memref<512x32xf32, #tpu.memory_space<vmem>>, %arg25: memref<!tpu.dma_semaphore, #tpu.memory_space<semaphore_mem>>, %arg26: memref<!tpu.dma_semaphore, #tpu.memory_space<semaphore_mem>>) attributes {dimension_semantics = [#tpu.dimension_semantics<core_parallel>, #tpu.dimension_semantics<subcore_parallel>], iteration_bounds = array<i64: 2, 16>, scalar_prefetch = 0 : i64, scratch_operands = 21 : i64, tpu.core_type = #tpu.core_type<sc_vector_subcore>, window_params = [{transform_indices = #map}, {transform_indices = #map1}, {transform_indices = #map1}, {transform_indices = #map1}]} {
    %mul3A = arith.constant 2 : i32
    %mul3A_0 = arith.muli %arg1, %mul3A : i32
    %add3A = arith.addi %mul3A_0, %arg0 : i32
    %mul3A_1 = arith.constant 25600 : i32
    %mul3A_2 = arith.muli %add3A, %mul3A_1 : i32
    "tpu.region"() ({
      %run_scoped3A = tpu.sem_alloc : memref<!tpu.dma_semaphore, #tpu.memory_space<semaphore_mem>>
      tpu.enqueue_dma source(%arg4 : memref<16x16xi32, #tpu.memory_space<hbm>>) target(%arg6 : memref<16x16xi32, #tpu.memory_space<vmem>>) target_semaphore(%run_scoped3A : memref<!tpu.dma_semaphore, #tpu.memory_space<semaphore_mem>>)
      tpu.wait_dma2 semaphore(%run_scoped3A : memref<!tpu.dma_semaphore, #tpu.memory_space<semaphore_mem>>) src(%arg4 : memref<16x16xi32, #tpu.memory_space<hbm>>) dst(%arg6 : memref<16x16xi32, #tpu.memory_space<vmem>>)
      tpu.yield
    }) : () -> ()
    %get3A = arith.constant 0 : i32
    %get3A_3 = arith.index_cast %get3A : i32 to index
    %get3A_4 = arith.constant 0 : index
    %get3A_5 = tpu.vector_load %arg6[%get3A_3, %get3A_4] {strides = array<i32>} : memref<16x16xi32, #tpu.memory_space<vmem>>, vector<16xi32>,
    %get3A_6 = arith.constant 1 : i32
    %get3A_7 = arith.index_cast %get3A_6 : i32 to index
    %get3A_8 = arith.constant 0 : index
    %get3A_9 = tpu.vector_load %arg6[%get3A_7, %get3A_8] {strides = array<i32>} : memref<16x16xi32, #tpu.memory_space<vmem>>, vector<16xi32>,
    %get3A_10 = arith.constant 2 : i32
    %get3A_11 = arith.index_cast %get3A_10 : i32 to index
    %get3A_12 = arith.constant 0 : index
    %get3A_13 = tpu.vector_load %arg6[%get3A_11, %get3A_12] {strides = array<i32>} : memref<16x16xi32, #tpu.memory_space<vmem>>, vector<16xi32>,
    %get3A_14 = arith.constant 3 : i32
    %get3A_15 = arith.index_cast %get3A_14 : i32 to index
    %get3A_16 = arith.constant 0 : index
    %get3A_17 = tpu.vector_load %arg6[%get3A_15, %get3A_16] {strides = array<i32>} : memref<16x16xi32, #tpu.memory_space<vmem>>, vector<16xi32>,
    %get3A_18 = arith.constant 4 : i32
    %get3A_19 = arith.index_cast %get3A_18 : i32 to index
    %get3A_20 = arith.constant 0 : index
    %get3A_21 = tpu.vector_load %arg6[%get3A_19, %get3A_20] {strides = array<i32>} : memref<16x16xi32, #tpu.memory_space<vmem>>, vector<16xi32>,
    %get3A_22 = arith.constant 5 : i32
    %get3A_23 = arith.index_cast %get3A_22 : i32 to index
    %get3A_24 = arith.constant 0 : index
    %get3A_25 = tpu.vector_load %arg6[%get3A_23, %get3A_24] {strides = array<i32>} : memref<16x16xi32, #tpu.memory_space<vmem>>, vector<16xi32>,
    %get3A_26 = arith.constant 6 : i32
    %get3A_27 = arith.index_cast %get3A_26 : i32 to index
    %get3A_28 = arith.constant 0 : index
    %get3A_29 = tpu.vector_load %arg6[%get3A_27, %get3A_28] {strides = array<i32>} : memref<16x16xi32, #tpu.memory_space<vmem>>, vector<16xi32>,
    %get3A_30 = arith.constant 7 : i32
    %get3A_31 = arith.index_cast %get3A_30 : i32 to index
    %get3A_32 = arith.constant 0 : index
    %get3A_33 = tpu.vector_load %arg6[%get3A_31, %get3A_32] {strides = array<i32>} : memref<16x16xi32, #tpu.memory_space<vmem>>, vector<16xi32>,
    %add3A_34 = arith.constant 0 : i32
    %add3A_35 = arith.addi %mul3A_2, %add3A_34 : i32
    "tpu.region"() ({
      %run_scoped3A = tpu.sem_alloc : memref<!tpu.dma_semaphore, #tpu.memory_space<semaphore_mem>>
      %dma_start3A_139 = tpu.memref_slice %arg2[%add3A_35] : memref<819200xi32, #tpu.memory_space<hbm>> -> memref<512xi32, #tpu.memory_space<hbm>>
      %dma_start3A_140 = tpu.memref_slice %arg2[%add3A_35] : memref<819200xi32, #tpu.memory_space<hbm>> -> memref<512xi32, #tpu.memory_space<hbm>>
      tpu.enqueue_dma source(%dma_start3A_140 : memref<512xi32, #tpu.memory_space<hbm>>) target(%arg7 : memref<512xi32, #tpu.memory_space<vmem>>) target_semaphore(%run_scoped3A : memref<!tpu.dma_semaphore, #tpu.memory_space<semaphore_mem>>)
      %dma_wait3A_141 = tpu.memref_slice %arg2[%add3A_35] : memref<819200xi32, #tpu.memory_space<hbm>> -> memref<512xi32, #tpu.memory_space<hbm>>
      %dma_wait3A_142 = tpu.memref_slice %arg2[%add3A_35] : memref<819200xi32, #tpu.memory_space<hbm>> -> memref<512xi32, #tpu.memory_space<hbm>>
      tpu.wait_dma2 semaphore(%run_scoped3A : memref<!tpu.dma_semaphore, #tpu.memory_space<semaphore_mem>>) src(%dma_wait3A_142 : memref<512xi32, #tpu.memory_space<hbm>>) dst(%arg7 : memref<512xi32, #tpu.memory_space<vmem>>)
      tpu.yield
    }) : () -> ()
    %scan3A = arith.constant 0 : i32
    %scan3A_36 = arith.constant 0 : i32
    %scan3A_37 = arith.constant 32 : i32
    %scan3A_38 = arith.addi %scan3A_36, %scan3A_37 : i32
    %scan3A_39 = arith.constant 1 : i32
    %scan3A_40 = scf.for %scan3A_139 = %scan3A_36 to %scan3A_38 step %scan3A_39 iter_args(%scan3A_140 = %scan3A) -> (i32)  : i32 {
      %mul3A_141 = arith.constant 16 : i32
      %mul3A_142 = arith.muli %scan3A_139, %mul3A_141 : i32
      %get3A_143 = arith.index_cast %mul3A_142 : i32 to index
      %get3A_144 = tpu.vector_load %arg7[%get3A_143] {strides = array<i32>} : memref<512xi32, #tpu.memory_space<vmem>>, vector<16xi32>,
      %mul3A_145 = arith.muli %get3A_144, %get3A_5 : vector<16xi32>
      %add3A_146 = arith.addi %mul3A_145, %get3A_9 : vector<16xi32>
      %rem3A = arith.constant 1000000 : i32
      %rem3A_147 = vector.broadcast %rem3A : i32 to vector<16xi32>
      %rem3A_148 = arith.remsi %add3A_146, %rem3A_147 : vector<16xi32>
      %lt3A = arith.constant 0 : i32
      %lt3A_149 = vector.broadcast %lt3A : i32 to vector<16xi32>
      %lt3A_150 = arith.cmpi slt, %rem3A_148, %lt3A_149 : vector<16xi32>
      %add3A_151 = arith.constant 1000000 : i32
      %add3A_152 = vector.broadcast %add3A_151 : i32 to vector<16xi32>
      %add3A_153 = arith.addi %rem3A_148, %add3A_152 : vector<16xi32>
      %select_n3A = arith.select %lt3A_150, %add3A_153, %rem3A_148 : vector<16xi1>, vector<16xi32>
      %mul3A_154 = arith.muli %get3A_144, %get3A_13 : vector<16xi32>
      %add3A_155 = arith.addi %mul3A_154, %get3A_17 : vector<16xi32>
      %rem3A_156 = arith.constant 1000000 : i32
      %rem3A_157 = vector.broadcast %rem3A_156 : i32 to vector<16xi32>
      %rem3A_158 = arith.remsi %add3A_155, %rem3A_157 : vector<16xi32>
      %lt3A_159 = arith.constant 0 : i32
      %lt3A_160 = vector.broadcast %lt3A_159 : i32 to vector<16xi32>
      %lt3A_161 = arith.cmpi slt, %rem3A_158, %lt3A_160 : vector<16xi32>
      %add3A_162 = arith.constant 1000000 : i32
      %add3A_163 = vector.broadcast %add3A_162 : i32 to vector<16xi32>
      %add3A_164 = arith.addi %rem3A_158, %add3A_163 : vector<16xi32>
      %select_n3A_165 = arith.select %lt3A_161, %add3A_164, %rem3A_158 : vector<16xi1>, vector<16xi32>
      %mul3A_166 = arith.muli %get3A_144, %get3A_21 : vector<16xi32>
      %add3A_167 = arith.addi %mul3A_166, %get3A_25 : vector<16xi32>
      %mul3A_168 = arith.muli %get3A_144, %get3A_29 : vector<16xi32>
      %add3A_169 = arith.addi %mul3A_168, %get3A_33 : vector<16xi32>
      %and3A = arith.constant 1 : i32
      %and3A_170 = vector.broadcast %and3A : i32 to vector<16xi32>
      %and3A_171 = arith.andi %add3A_167, %and3A_170 : vector<16xi32>
      %eq3A = arith.constant 1 : i32
      %eq3A_172 = vector.broadcast %eq3A : i32 to vector<16xi32>
      %eq3A_173 = arith.cmpi eq, %and3A_171, %eq3A_172 : vector<16xi32>
      %jit3A = arith.constant 5.000000e-01 : f32
      %jit3A_174 = arith.constant -5.000000e-01 : f32
      %broadcast_in_dim3A = vector.broadcast %jit3A : f32 to vector<16xf32>
      %broadcast_in_dim3A_175 = vector.broadcast %jit3A_174 : f32 to vector<16xf32>
      %select_n3A_176 = arith.select %eq3A_173, %broadcast_in_dim3A, %broadcast_in_dim3A_175 : vector<16xi1>, vector<16xf32>
      %and3A_177 = arith.constant 1 : i32
      %and3A_178 = vector.broadcast %and3A_177 : i32 to vector<16xi32>
      %and3A_179 = arith.andi %add3A_169, %and3A_178 : vector<16xi32>
      %eq3A_180 = arith.constant 1 : i32
      %eq3A_181 = vector.broadcast %eq3A_180 : i32 to vector<16xi32>
      %eq3A_182 = arith.cmpi eq, %and3A_179, %eq3A_181 : vector<16xi32>
      %jit3A_183 = arith.constant 5.000000e-01 : f32
      %jit3A_184 = arith.constant -5.000000e-01 : f32
      %broadcast_in_dim3A_185 = vector.broadcast %jit3A_183 : f32 to vector<16xf32>
      %broadcast_in_dim3A_186 = vector.broadcast %jit3A_184 : f32 to vector<16xf32>
      %select_n3A_187 = arith.select %eq3A_182, %broadcast_in_dim3A_185, %broadcast_in_dim3A_186 : vector<16xi1>, vector<16xf32>
      %jit3A_188 = arith.constant 8 : i32
      %div3A = arith.divsi %scan3A_139, %jit3A_188 : i32
      %sign3A = arith.constant 0 : i32
      %sign3A_189 = arith.cmpi sgt, %scan3A_139, %sign3A : i32
      %sign3A_190 = arith.extui %sign3A_189 : i1 to i32
      %sign3A_191 = arith.constant 0 : i32
      %sign3A_192 = arith.cmpi slt, %scan3A_139, %sign3A_191 : i32
      %sign3A_193 = arith.extui %sign3A_192 : i1 to i32
      %sign3A_194 = arith.subi %sign3A_190, %sign3A_193 : i32
      %sign3A_195 = arith.constant 0 : i32
      %sign3A_196 = arith.cmpi sgt, %jit3A_188, %sign3A_195 : i32
      %sign3A_197 = arith.extui %sign3A_196 : i1 to i32
      %sign3A_198 = arith.constant 0 : i32
      %sign3A_199 = arith.cmpi slt, %jit3A_188, %sign3A_198 : i32
      %sign3A_200 = arith.extui %sign3A_199 : i1 to i32
      %sign3A_201 = arith.subi %sign3A_197, %sign3A_200 : i32
      %ne3A = arith.cmpi ne, %sign3A_194, %sign3A_201 : i32
      %rem3A_202 = arith.remsi %scan3A_139, %jit3A_188 : i32
      %ne3A_203 = arith.constant 0 : i32
      %ne3A_204 = arith.cmpi ne, %rem3A_202, %ne3A_203 : i32
      %and3A_205 = arith.andi %ne3A, %ne3A_204 : i1
      %sub3A = arith.constant 1 : i32
      %sub3A_206 = arith.subi %div3A, %sub3A : i32
      %select_n3A_207 = arith.select %and3A_205, %sub3A_206, %div3A : i32
      %jit3A_208 = arith.constant 8 : i32
      %eq3A_209 = arith.constant 0 : i32
      %eq3A_210 = arith.cmpi eq, %jit3A_208, %eq3A_209 : i32
      %jit3A_211 = arith.constant 1 : i32
      %select_n3A_212 = arith.select %eq3A_210, %jit3A_211, %jit3A_208 : i32
      %rem3A_213 = arith.remsi %scan3A_139, %select_n3A_212 : i32
      %ne3A_214 = arith.constant 0 : i32
      %ne3A_215 = arith.cmpi ne, %rem3A_213, %ne3A_214 : i32
      %lt3A_216 = arith.constant 0 : i32
      %lt3A_217 = arith.cmpi slt, %rem3A_213, %lt3A_216 : i32
      %lt3A_218 = arith.constant 0 : i32
      %lt3A_219 = arith.cmpi slt, %select_n3A_212, %lt3A_218 : i32
      %ne3A_220 = arith.xori %lt3A_217, %lt3A_219 : i1
      %and3A_221 = arith.andi %ne3A_220, %ne3A_215 : i1
      %add3A_222 = arith.addi %rem3A_213, %select_n3A_212 : i32
      %select_n3A_223 = arith.select %and3A_221, %add3A_222, %rem3A_213 : i32
      %mul3A_224 = arith.constant 16 : i32
      %mul3A_225 = arith.muli %select_n3A_223, %mul3A_224 : i32
      %swap3A = arith.index_cast %select_n3A_207 : i32 to index
      %swap3A_226 = arith.index_cast %mul3A_225 : i32 to index
      %swap3A_227 = tpu.vector_load %arg8[%swap3A, %swap3A_226] {strides = array<i32>} : memref<4x128xi32, #tpu.memory_space<vmem>>, vector<16xi32>,
      tpu.vector_store %arg8[%swap3A, %swap3A_226], %select_n3A {strides = array<i32>} : memref<4x128xi32, #tpu.memory_space<vmem>>, vector<16xi32>,
      %mul3A_228 = arith.constant 16 : i32
      %mul3A_229 = arith.muli %select_n3A_223, %mul3A_228 : i32
      %swap3A_230 = arith.index_cast %select_n3A_207 : i32 to index
      %swap3A_231 = arith.index_cast %mul3A_229 : i32 to index
      %swap3A_232 = tpu.vector_load %arg9[%swap3A_230, %swap3A_231] {strides = array<i32>} : memref<4x128xi32, #tpu.memory_space<vmem>>, vector<16xi32>,
      tpu.vector_store %arg9[%swap3A_230, %swap3A_231], %select_n3A_165 {strides = array<i32>} : memref<4x128xi32, #tpu.memory_space<vmem>>, vector<16xi32>,
      %mul3A_233 = arith.constant 16 : i32
      %mul3A_234 = arith.muli %scan3A_139, %mul3A_233 : i32
      %swap3A_235 = arith.index_cast %mul3A_234 : i32 to index
      %swap3A_236 = tpu.vector_load %arg10[%swap3A_235] {strides = array<i32>} : memref<512xf32, #tpu.memory_space<vmem>>, vector<16xf32>,
      tpu.vector_store %arg10[%swap3A_235], %select_n3A_176 {strides = array<i32>} : memref<512xf32, #tpu.memory_space<vmem>>, vector<16xf32>,
      %mul3A_237 = arith.constant 16 : i32
      %mul3A_238 = arith.muli %scan3A_139, %mul3A_237 : i32
      %swap3A_239 = arith.index_cast %mul3A_238 : i32 to index
      %swap3A_240 = tpu.vector_load %arg11[%swap3A_239] {strides = array<i32>} : memref<512xf32, #tpu.memory_space<vmem>>, vector<16xf32>,
      tpu.vector_store %arg11[%swap3A_239], %select_n3A_187 {strides = array<i32>} : memref<512xf32, #tpu.memory_space<vmem>>, vector<16xf32>,
      %scan3A_241 = arith.constant 0 : i32
      scf.yield %scan3A_241 : i32
    }
    %scan3A_41 = arith.constant 32 : i32
    %dma_start3A = arith.constant 0 : i32
    %dma_start3A_42 = arith.constant 0 : i32
    %dma_start3A_43 = arith.constant 0 : i32
    %dma_start3A_44 = tpu.memref_slice %arg12[%dma_start3A_42, %dma_start3A_43] : memref<512x32xf32, #tpu.memory_space<vmem>> -> memref<128x32xf32, #tpu.memory_space<vmem>>
    %dma_start3A_45 = arith.constant 0 : i32
    %dma_start3A_46 = tpu.memref_slice %arg8[%dma_start3A, %dma_start3A_45] : memref<4x128xi32, #tpu.memory_space<vmem>> -> memref<1x128xi32, #tpu.memory_space<vmem>>
    %dma_start3A_47 = tpu.memref_squeeze %dma_start3A_46 : memref<1x128xi32, #tpu.memory_space<vmem>> -> memref<128xi32, #tpu.memory_space<vmem>>
    %dma_start3A_48 = arith.constant 0 : i32
    %dma_start3A_49 = arith.constant 0 : i32
    %dma_start3A_50 = tpu.memref_slice %arg3[%dma_start3A_48, %dma_start3A_49] : memref<1000000x32xf32, #tpu.memory_space<hbm>> -> memref<1000000x32xf32, #tpu.memory_space<hbm>>
    tpu.enqueue_indirect_dma source(%dma_start3A_50 : memref<1000000x32xf32, #tpu.memory_space<hbm>>) target(%dma_start3A_44 : memref<128x32xf32, #tpu.memory_space<vmem>>) offsets(%dma_start3A_47 : memref<128xi32, #tpu.memory_space<vmem>>) semaphore(%arg15 : memref<!tpu.dma_semaphore, #tpu.memory_space<semaphore_mem>>)
    %dma_start3A_51 = arith.constant 0 : i32
    %dma_start3A_52 = arith.constant 0 : i32
    %dma_start3A_53 = arith.constant 0 : i32
    %dma_start3A_54 = tpu.memref_slice %arg13[%dma_start3A_52, %dma_start3A_53] : memref<512x32xf32, #tpu.memory_space<vmem>> -> memref<128x32xf32, #tpu.memory_space<vmem>>
    %dma_start3A_55 = arith.constant 0 : i32
    %dma_start3A_56 = tpu.memref_slice %arg9[%dma_start3A_51, %dma_start3A_55] : memref<4x128xi32, #tpu.memory_space<vmem>> -> memref<1x128xi32, #tpu.memory_space<vmem>>
    %dma_start3A_57 = tpu.memref_squeeze %dma_start3A_56 : memref<1x128xi32, #tpu.memory_space<vmem>> -> memref<128xi32, #tpu.memory_space<vmem>>
    %dma_start3A_58 = arith.constant 0 : i32
    %dma_start3A_59 = arith.constant 0 : i32
    %dma_start3A_60 = tpu.memref_slice %arg3[%dma_start3A_58, %dma_start3A_59] : memref<1000000x32xf32, #tpu.memory_space<hbm>> -> memref<1000000x32xf32, #tpu.memory_space<hbm>>
    tpu.enqueue_indirect_dma source(%dma_start3A_60 : memref<1000000x32xf32, #tpu.memory_space<hbm>>) target(%dma_start3A_54 : memref<128x32xf32, #tpu.memory_space<vmem>>) offsets(%dma_start3A_57 : memref<128xi32, #tpu.memory_space<vmem>>) semaphore(%arg15 : memref<!tpu.dma_semaphore, #tpu.memory_space<semaphore_mem>>)
    %dma_start3A_61 = arith.constant 1 : i32
    %dma_start3A_62 = arith.constant 128 : i32
    %dma_start3A_63 = arith.constant 0 : i32
    %dma_start3A_64 = tpu.memref_slice %arg12[%dma_start3A_62, %dma_start3A_63] : memref<512x32xf32, #tpu.memory_space<vmem>> -> memref<128x32xf32, #tpu.memory_space<vmem>>
    %dma_start3A_65 = arith.constant 0 : i32
    %dma_start3A_66 = tpu.memref_slice %arg8[%dma_start3A_61, %dma_start3A_65] : memref<4x128xi32, #tpu.memory_space<vmem>> -> memref<1x128xi32, #tpu.memory_space<vmem>>
    %dma_start3A_67 = tpu.memref_squeeze %dma_start3A_66 : memref<1x128xi32, #tpu.memory_space<vmem>> -> memref<128xi32, #tpu.memory_space<vmem>>
    %dma_start3A_68 = arith.constant 0 : i32
    %dma_start3A_69 = arith.constant 0 : i32
    %dma_start3A_70 = tpu.memref_slice %arg3[%dma_start3A_68, %dma_start3A_69] : memref<1000000x32xf32, #tpu.memory_space<hbm>> -> memref<1000000x32xf32, #tpu.memory_space<hbm>>
    tpu.enqueue_indirect_dma source(%dma_start3A_70 : memref<1000000x32xf32, #tpu.memory_space<hbm>>) target(%dma_start3A_64 : memref<128x32xf32, #tpu.memory_space<vmem>>) offsets(%dma_start3A_67 : memref<128xi32, #tpu.memory_space<vmem>>) semaphore(%arg15 : memref<!tpu.dma_semaphore, #tpu.memory_space<semaphore_mem>>)
    %dma_start3A_71 = arith.constant 1 : i32
    %dma_start3A_72 = arith.constant 128 : i32
    %dma_start3A_73 = arith.constant 0 : i32
    %dma_start3A_74 = tpu.memref_slice %arg13[%dma_start3A_72, %dma_start3A_73] : memref<512x32xf32, #tpu.memory_space<vmem>> -> memref<128x32xf32, #tpu.memory_space<vmem>>
    %dma_start3A_75 = arith.constant 0 : i32
    %dma_start3A_76 = tpu.memref_slice %arg9[%dma_start3A_71, %dma_start3A_75] : memref<4x128xi32, #tpu.memory_space<vmem>> -> memref<1x128xi32, #tpu.memory_space<vmem>>
    %dma_start3A_77 = tpu.memref_squeeze %dma_start3A_76 : memref<1x128xi32, #tpu.memory_space<vmem>> -> memref<128xi32, #tpu.memory_space<vmem>>
    %dma_start3A_78 = arith.constant 0 : i32
    %dma_start3A_79 = arith.constant 0 : i32
    %dma_start3A_80 = tpu.memref_slice %arg3[%dma_start3A_78, %dma_start3A_79] : memref<1000000x32xf32, #tpu.memory_space<hbm>> -> memref<1000000x32xf32, #tpu.memory_space<hbm>>
    tpu.enqueue_indirect_dma source(%dma_start3A_80 : memref<1000000x32xf32, #tpu.memory_space<hbm>>) target(%dma_start3A_74 : memref<128x32xf32, #tpu.memory_space<vmem>>) offsets(%dma_start3A_77 : memref<128xi32, #tpu.memory_space<vmem>>) semaphore(%arg15 : memref<!tpu.dma_semaphore, #tpu.memory_space<semaphore_mem>>)
    %dma_start3A_81 = arith.constant 2 : i32
    %dma_start3A_82 = arith.constant 256 : i32
    %dma_start3A_83 = arith.constant 0 : i32
    %dma_start3A_84 = tpu.memref_slice %arg12[%dma_start3A_82, %dma_start3A_83] : memref<512x32xf32, #tpu.memory_space<vmem>> -> memref<128x32xf32, #tpu.memory_space<vmem>>
    %dma_start3A_85 = arith.constant 0 : i32
    %dma_start3A_86 = tpu.memref_slice %arg8[%dma_start3A_81, %dma_start3A_85] : memref<4x128xi32, #tpu.memory_space<vmem>> -> memref<1x128xi32, #tpu.memory_space<vmem>>
    %dma_start3A_87 = tpu.memref_squeeze %dma_start3A_86 : memref<1x128xi32, #tpu.memory_space<vmem>> -> memref<128xi32, #tpu.memory_space<vmem>>
    %dma_start3A_88 = arith.constant 0 : i32
    %dma_start3A_89 = arith.constant 0 : i32
    %dma_start3A_90 = tpu.memref_slice %arg3[%dma_start3A_88, %dma_start3A_89] : memref<1000000x32xf32, #tpu.memory_space<hbm>> -> memref<1000000x32xf32, #tpu.memory_space<hbm>>
    tpu.enqueue_indirect_dma source(%dma_start3A_90 : memref<1000000x32xf32, #tpu.memory_space<hbm>>) target(%dma_start3A_84 : memref<128x32xf32, #tpu.memory_space<vmem>>) offsets(%dma_start3A_87 : memref<128xi32, #tpu.memory_space<vmem>>) semaphore(%arg15 : memref<!tpu.dma_semaphore, #tpu.memory_space<semaphore_mem>>)
    %dma_start3A_91 = arith.constant 2 : i32
    %dma_start3A_92 = arith.constant 256 : i32
    %dma_start3A_93 = arith.constant 0 : i32
    %dma_start3A_94 = tpu.memref_slice %arg13[%dma_start3A_92, %dma_start3A_93] : memref<512x32xf32, #tpu.memory_space<vmem>> -> memref<128x32xf32, #tpu.memory_space<vmem>>
    %dma_start3A_95 = arith.constant 0 : i32
    %dma_start3A_96 = tpu.memref_slice %arg9[%dma_start3A_91, %dma_start3A_95] : memref<4x128xi32, #tpu.memory_space<vmem>> -> memref<1x128xi32, #tpu.memory_space<vmem>>
    %dma_start3A_97 = tpu.memref_squeeze %dma_start3A_96 : memref<1x128xi32, #tpu.memory_space<vmem>> -> memref<128xi32, #tpu.memory_space<vmem>>
    %dma_start3A_98 = arith.constant 0 : i32
    %dma_start3A_99 = arith.constant 0 : i32
    %dma_start3A_100 = tpu.memref_slice %arg3[%dma_start3A_98, %dma_start3A_99] : memref<1000000x32xf32, #tpu.memory_space<hbm>> -> memref<1000000x32xf32, #tpu.memory_space<hbm>>
    tpu.enqueue_indirect_dma source(%dma_start3A_100 : memref<1000000x32xf32, #tpu.memory_space<hbm>>) target(%dma_start3A_94 : memref<128x32xf32, #tpu.memory_space<vmem>>) offsets(%dma_start3A_97 : memref<128xi32, #tpu.memory_space<vmem>>) semaphore(%arg15 : memref<!tpu.dma_semaphore, #tpu.memory_space<semaphore_mem>>)
    %dma_start3A_101 = arith.constant 3 : i32
    %dma_start3A_102 = arith.constant 384 : i32
    %dma_start3A_103 = arith.constant 0 : i32
    %dma_start3A_104 = tpu.memref_slice %arg12[%dma_start3A_102, %dma_start3A_103] : memref<512x32xf32, #tpu.memory_space<vmem>> -> memref<128x32xf32, #tpu.memory_space<vmem>>
    %dma_start3A_105 = arith.constant 0 : i32
    %dma_start3A_106 = tpu.memref_slice %arg8[%dma_start3A_101, %dma_start3A_105] : memref<4x128xi32, #tpu.memory_space<vmem>> -> memref<1x128xi32, #tpu.memory_space<vmem>>
    %dma_start3A_107 = tpu.memref_squeeze %dma_start3A_106 : memref<1x128xi32, #tpu.memory_space<vmem>> -> memref<128xi32, #tpu.memory_space<vmem>>
    %dma_start3A_108 = arith.constant 0 : i32
    %dma_start3A_109 = arith.constant 0 : i32
    %dma_start3A_110 = tpu.memref_slice %arg3[%dma_start3A_108, %dma_start3A_109] : memref<1000000x32xf32, #tpu.memory_space<hbm>> -> memref<1000000x32xf32, #tpu.memory_space<hbm>>
    tpu.enqueue_indirect_dma source(%dma_start3A_110 : memref<1000000x32xf32, #tpu.memory_space<hbm>>) target(%dma_start3A_104 : memref<128x32xf32, #tpu.memory_space<vmem>>) offsets(%dma_start3A_107 : memref<128xi32, #tpu.memory_space<vmem>>) semaphore(%arg15 : memref<!tpu.dma_semaphore, #tpu.memory_space<semaphore_mem>>)
    %dma_start3A_111 = arith.constant 3 : i32
    %dma_start3A_112 = arith.constant 384 : i32
    %dma_start3A_113 = arith.constant 0 : i32
    %dma_start3A_114 = tpu.memref_slice %arg13[%dma_start3A_112, %dma_start3A_113] : memref<512x32xf32, #tpu.memory_space<vmem>> -> memref<128x32xf32, #tpu.memory_space<vmem>>
    %dma_start3A_115 = arith.constant 0 : i32
    %dma_start3A_116 = tpu.memref_slice %arg9[%dma_start3A_111, %dma_start3A_115] : memref<4x128xi32, #tpu.memory_space<vmem>> -> memref<1x128xi32, #tpu.memory_space<vmem>>
    %dma_start3A_117 = tpu.memref_squeeze %dma_start3A_116 : memref<1x128xi32, #tpu.memory_space<vmem>> -> memref<128xi32, #tpu.memory_space<vmem>>
    %dma_start3A_118 = arith.constant 0 : i32
    %dma_start3A_119 = arith.constant 0 : i32
    %dma_start3A_120 = tpu.memref_slice %arg3[%dma_start3A_118, %dma_start3A_119] : memref<1000000x32xf32, #tpu.memory_space<hbm>> -> memref<1000000x32xf32, #tpu.memory_space<hbm>>
    tpu.enqueue_indirect_dma source(%dma_start3A_120 : memref<1000000x32xf32, #tpu.memory_space<hbm>>) target(%dma_start3A_114 : memref<128x32xf32, #tpu.memory_space<vmem>>) offsets(%dma_start3A_117 : memref<128xi32, #tpu.memory_space<vmem>>) semaphore(%arg15 : memref<!tpu.dma_semaphore, #tpu.memory_space<semaphore_mem>>)
    %scan3A_121 = arith.constant 0 : i32
    %scan3A_122 = arith.constant 0 : i32
    %scan3A_123 = arith.constant 25 : i32
    %scan3A_124 = arith.addi %scan3A_122, %scan3A_123 : i32
    %scan3A_125 = arith.constant 1 : i32
    %scan3A_126 = scf.for %scan3A_139 = %scan3A_122 to %scan3A_124 step %scan3A_125 iter_args(%scan3A_140 = %scan3A_121) -> (i32)  : i32 {
      %mul3A_141 = arith.constant 2 : i32
      %mul3A_142 = arith.muli %mul3A_141, %scan3A_139 : i32
      %add3A_143 = arith.constant 1 : i32
      %add3A_144 = arith.addi %mul3A_142, %add3A_143 : i32
      %mul3A_145 = arith.constant 512 : i32
      %mul3A_146 = arith.muli %add3A_144, %mul3A_145 : i32
      %add3A_147 = arith.addi %mul3A_2, %mul3A_146 : i32
      "tpu.region"() ({
        %run_scoped3A = tpu.sem_alloc : memref<!tpu.dma_semaphore, #tpu.memory_space<semaphore_mem>>
        %dma_start3A_303 = tpu.memref_slice %arg2[%add3A_147] : memref<819200xi32, #tpu.memory_space<hbm>> -> memref<512xi32, #tpu.memory_space<hbm>>
        %dma_start3A_304 = tpu.memref_slice %arg2[%add3A_147] : memref<819200xi32, #tpu.memory_space<hbm>> -> memref<512xi32, #tpu.memory_space<hbm>>
        tpu.enqueue_dma source(%dma_start3A_304 : memref<512xi32, #tpu.memory_space<hbm>>) target(%arg17 : memref<512xi32, #tpu.memory_space<vmem>>) target_semaphore(%run_scoped3A : memref<!tpu.dma_semaphore, #tpu.memory_space<semaphore_mem>>)
        %dma_wait3A_305 = tpu.memref_slice %arg2[%add3A_147] : memref<819200xi32, #tpu.memory_space<hbm>> -> memref<512xi32, #tpu.memory_space<hbm>>
        %dma_wait3A_306 = tpu.memref_slice %arg2[%add3A_147] : memref<819200xi32, #tpu.memory_space<hbm>> -> memref<512xi32, #tpu.memory_space<hbm>>
        tpu.wait_dma2 semaphore(%run_scoped3A : memref<!tpu.dma_semaphore, #tpu.memory_space<semaphore_mem>>) src(%dma_wait3A_306 : memref<512xi32, #tpu.memory_space<hbm>>) dst(%arg17 : memref<512xi32, #tpu.memory_space<vmem>>)
        tpu.yield
      }) : () -> ()
      %scan3A_148 = arith.constant 0 : i32
      %scan3A_149 = arith.constant 0 : i32
      %scan3A_150 = arith.constant 32 : i32
      %scan3A_151 = arith.addi %scan3A_149, %scan3A_150 : i32
      %scan3A_152 = arith.constant 1 : i32
      %scan3A_153 = scf.for %scan3A_303 = %scan3A_149 to %scan3A_151 step %scan3A_152 iter_args(%scan3A_304 = %scan3A_148) -> (i32)  : i32 {
        %mul3A_305 = arith.constant 16 : i32
        %mul3A_306 = arith.muli %scan3A_303, %mul3A_305 : i32
        %get3A_307 = arith.index_cast %mul3A_306 : i32 to index
        %get3A_308 = tpu.vector_load %arg17[%get3A_307] {strides = array<i32>} : memref<512xi32, #tpu.memory_space<vmem>>, vector<16xi32>,
        %mul3A_309 = arith.muli %get3A_308, %get3A_5 : vector<16xi32>
        %add3A_310 = arith.addi %mul3A_309, %get3A_9 : vector<16xi32>
        %rem3A = arith.constant 1000000 : i32
        %rem3A_311 = vector.broadcast %rem3A : i32 to vector<16xi32>
        %rem3A_312 = arith.remsi %add3A_310, %rem3A_311 : vector<16xi32>
        %lt3A_313 = arith.constant 0 : i32
        %lt3A_314 = vector.broadcast %lt3A_313 : i32 to vector<16xi32>
        %lt3A_315 = arith.cmpi slt, %rem3A_312, %lt3A_314 : vector<16xi32>
        %add3A_316 = arith.constant 1000000 : i32
        %add3A_317 = vector.broadcast %add3A_316 : i32 to vector<16xi32>
        %add3A_318 = arith.addi %rem3A_312, %add3A_317 : vector<16xi32>
        %select_n3A = arith.select %lt3A_315, %add3A_318, %rem3A_312 : vector<16xi1>, vector<16xi32>
        %mul3A_319 = arith.muli %get3A_308, %get3A_13 : vector<16xi32>
        %add3A_320 = arith.addi %mul3A_319, %get3A_17 : vector<16xi32>
        %rem3A_321 = arith.constant 1000000 : i32
        %rem3A_322 = vector.broadcast %rem3A_321 : i32 to vector<16xi32>
        %rem3A_323 = arith.remsi %add3A_320, %rem3A_322 : vector<16xi32>
        %lt3A_324 = arith.constant 0 : i32
        %lt3A_325 = vector.broadcast %lt3A_324 : i32 to vector<16xi32>
        %lt3A_326 = arith.cmpi slt, %rem3A_323, %lt3A_325 : vector<16xi32>
        %add3A_327 = arith.constant 1000000 : i32
        %add3A_328 = vector.broadcast %add3A_327 : i32 to vector<16xi32>
        %add3A_329 = arith.addi %rem3A_323, %add3A_328 : vector<16xi32>
        %select_n3A_330 = arith.select %lt3A_326, %add3A_329, %rem3A_323 : vector<16xi1>, vector<16xi32>
        %mul3A_331 = arith.muli %get3A_308, %get3A_21 : vector<16xi32>
        %add3A_332 = arith.addi %mul3A_331, %get3A_25 : vector<16xi32>
        %mul3A_333 = arith.muli %get3A_308, %get3A_29 : vector<16xi32>
        %add3A_334 = arith.addi %mul3A_333, %get3A_33 : vector<16xi32>
        %and3A = arith.constant 1 : i32
        %and3A_335 = vector.broadcast %and3A : i32 to vector<16xi32>
        %and3A_336 = arith.andi %add3A_332, %and3A_335 : vector<16xi32>
        %eq3A = arith.constant 1 : i32
        %eq3A_337 = vector.broadcast %eq3A : i32 to vector<16xi32>
        %eq3A_338 = arith.cmpi eq, %and3A_336, %eq3A_337 : vector<16xi32>
        %jit3A = arith.constant 5.000000e-01 : f32
        %jit3A_339 = arith.constant -5.000000e-01 : f32
        %broadcast_in_dim3A = vector.broadcast %jit3A : f32 to vector<16xf32>
        %broadcast_in_dim3A_340 = vector.broadcast %jit3A_339 : f32 to vector<16xf32>
        %select_n3A_341 = arith.select %eq3A_338, %broadcast_in_dim3A, %broadcast_in_dim3A_340 : vector<16xi1>, vector<16xf32>
        %and3A_342 = arith.constant 1 : i32
        %and3A_343 = vector.broadcast %and3A_342 : i32 to vector<16xi32>
        %and3A_344 = arith.andi %add3A_334, %and3A_343 : vector<16xi32>
        %eq3A_345 = arith.constant 1 : i32
        %eq3A_346 = vector.broadcast %eq3A_345 : i32 to vector<16xi32>
        %eq3A_347 = arith.cmpi eq, %and3A_344, %eq3A_346 : vector<16xi32>
        %jit3A_348 = arith.constant 5.000000e-01 : f32
        %jit3A_349 = arith.constant -5.000000e-01 : f32
        %broadcast_in_dim3A_350 = vector.broadcast %jit3A_348 : f32 to vector<16xf32>
        %broadcast_in_dim3A_351 = vector.broadcast %jit3A_349 : f32 to vector<16xf32>
        %select_n3A_352 = arith.select %eq3A_347, %broadcast_in_dim3A_350, %broadcast_in_dim3A_351 : vector<16xi1>, vector<16xf32>
        %jit3A_353 = arith.constant 8 : i32
        %div3A = arith.divsi %scan3A_303, %jit3A_353 : i32
        %sign3A = arith.constant 0 : i32
        %sign3A_354 = arith.cmpi sgt, %scan3A_303, %sign3A : i32
        %sign3A_355 = arith.extui %sign3A_354 : i1 to i32
        %sign3A_356 = arith.constant 0 : i32
        %sign3A_357 = arith.cmpi slt, %scan3A_303, %sign3A_356 : i32
        %sign3A_358 = arith.extui %sign3A_357 : i1 to i32
        %sign3A_359 = arith.subi %sign3A_355, %sign3A_358 : i32
        %sign3A_360 = arith.constant 0 : i32
        %sign3A_361 = arith.cmpi sgt, %jit3A_353, %sign3A_360 : i32
        %sign3A_362 = arith.extui %sign3A_361 : i1 to i32
        %sign3A_363 = arith.constant 0 : i32
        %sign3A_364 = arith.cmpi slt, %jit3A_353, %sign3A_363 : i32
        %sign3A_365 = arith.extui %sign3A_364 : i1 to i32
        %sign3A_366 = arith.subi %sign3A_362, %sign3A_365 : i32
        %ne3A = arith.cmpi ne, %sign3A_359, %sign3A_366 : i32
        %rem3A_367 = arith.remsi %scan3A_303, %jit3A_353 : i32
        %ne3A_368 = arith.constant 0 : i32
        %ne3A_369 = arith.cmpi ne, %rem3A_367, %ne3A_368 : i32
        %and3A_370 = arith.andi %ne3A, %ne3A_369 : i1
        %sub3A = arith.constant 1 : i32
        %sub3A_371 = arith.subi %div3A, %sub3A : i32
        %select_n3A_372 = arith.select %and3A_370, %sub3A_371, %div3A : i32
        %jit3A_373 = arith.constant 8 : i32
        %eq3A_374 = arith.constant 0 : i32
        %eq3A_375 = arith.cmpi eq, %jit3A_373, %eq3A_374 : i32
        %jit3A_376 = arith.constant 1 : i32
        %select_n3A_377 = arith.select %eq3A_375, %jit3A_376, %jit3A_373 : i32
        %rem3A_378 = arith.remsi %scan3A_303, %select_n3A_377 : i32
        %ne3A_379 = arith.constant 0 : i32
        %ne3A_380 = arith.cmpi ne, %rem3A_378, %ne3A_379 : i32
        %lt3A_381 = arith.constant 0 : i32
        %lt3A_382 = arith.cmpi slt, %rem3A_378, %lt3A_381 : i32
        %lt3A_383 = arith.constant 0 : i32
        %lt3A_384 = arith.cmpi slt, %select_n3A_377, %lt3A_383 : i32
        %ne3A_385 = arith.xori %lt3A_382, %lt3A_384 : i1
        %and3A_386 = arith.andi %ne3A_385, %ne3A_380 : i1
        %add3A_387 = arith.addi %rem3A_378, %select_n3A_377 : i32
        %select_n3A_388 = arith.select %and3A_386, %add3A_387, %rem3A_378 : i32
        %mul3A_389 = arith.constant 16 : i32
        %mul3A_390 = arith.muli %select_n3A_388, %mul3A_389 : i32
        %swap3A = arith.index_cast %select_n3A_372 : i32 to index
        %swap3A_391 = arith.index_cast %mul3A_390 : i32 to index
        %swap3A_392 = tpu.vector_load %arg18[%swap3A, %swap3A_391] {strides = array<i32>} : memref<4x128xi32, #tpu.memory_space<vmem>>, vector<16xi32>,
        tpu.vector_store %arg18[%swap3A, %swap3A_391], %select_n3A {strides = array<i32>} : memref<4x128xi32, #tpu.memory_space<vmem>>, vector<16xi32>,
        %mul3A_393 = arith.constant 16 : i32
        %mul3A_394 = arith.muli %select_n3A_388, %mul3A_393 : i32
        %swap3A_395 = arith.index_cast %select_n3A_372 : i32 to index
        %swap3A_396 = arith.index_cast %mul3A_394 : i32 to index
        %swap3A_397 = tpu.vector_load %arg19[%swap3A_395, %swap3A_396] {strides = array<i32>} : memref<4x128xi32, #tpu.memory_space<vmem>>, vector<16xi32>,
        tpu.vector_store %arg19[%swap3A_395, %swap3A_396], %select_n3A_330 {strides = array<i32>} : memref<4x128xi32, #tpu.memory_space<vmem>>, vector<16xi32>,
        %mul3A_398 = arith.constant 16 : i32
        %mul3A_399 = arith.muli %scan3A_303, %mul3A_398 : i32
        %swap3A_400 = arith.index_cast %mul3A_399 : i32 to index
        %swap3A_401 = tpu.vector_load %arg20[%swap3A_400] {strides = array<i32>} : memref<512xf32, #tpu.memory_space<vmem>>, vector<16xf32>,
        tpu.vector_store %arg20[%swap3A_400], %select_n3A_341 {strides = array<i32>} : memref<512xf32, #tpu.memory_space<vmem>>, vector<16xf32>,
        %mul3A_402 = arith.constant 16 : i32
        %mul3A_403 = arith.muli %scan3A_303, %mul3A_402 : i32
        %swap3A_404 = arith.index_cast %mul3A_403 : i32 to index
        %swap3A_405 = tpu.vector_load %arg21[%swap3A_404] {strides = array<i32>} : memref<512xf32, #tpu.memory_space<vmem>>, vector<16xf32>,
        tpu.vector_store %arg21[%swap3A_404], %select_n3A_352 {strides = array<i32>} : memref<512xf32, #tpu.memory_space<vmem>>, vector<16xf32>,
        %scan3A_406 = arith.constant 0 : i32
        scf.yield %scan3A_406 : i32
      }
      %scan3A_154 = arith.constant 32 : i32
      %dma_start3A_155 = arith.constant 0 : i32
      %dma_start3A_156 = arith.constant 0 : i32
      %dma_start3A_157 = arith.constant 0 : i32
      %dma_start3A_158 = tpu.memref_slice %arg22[%dma_start3A_156, %dma_start3A_157] : memref<512x32xf32, #tpu.memory_space<vmem>> -> memref<128x32xf32, #tpu.memory_space<vmem>>
      %dma_start3A_159 = arith.constant 0 : i32
      %dma_start3A_160 = tpu.memref_slice %arg18[%dma_start3A_155, %dma_start3A_159] : memref<4x128xi32, #tpu.memory_space<vmem>> -> memref<1x128xi32, #tpu.memory_space<vmem>>
      %dma_start3A_161 = tpu.memref_squeeze %dma_start3A_160 : memref<1x128xi32, #tpu.memory_space<vmem>> -> memref<128xi32, #tpu.memory_space<vmem>>
      %dma_start3A_162 = arith.constant 0 : i32
      %dma_start3A_163 = arith.constant 0 : i32
      %dma_start3A_164 = tpu.memref_slice %arg3[%dma_start3A_162, %dma_start3A_163] : memref<1000000x32xf32, #tpu.memory_space<hbm>> -> memref<1000000x32xf32, #tpu.memory_space<hbm>>
      tpu.enqueue_indirect_dma source(%dma_start3A_164 : memref<1000000x32xf32, #tpu.memory_space<hbm>>) target(%dma_start3A_158 : memref<128x32xf32, #tpu.memory_space<vmem>>) offsets(%dma_start3A_161 : memref<128xi32, #tpu.memory_space<vmem>>) semaphore(%arg25 : memref<!tpu.dma_semaphore, #tpu.memory_space<semaphore_mem>>)
      %dma_start3A_165 = arith.constant 0 : i32
      %dma_start3A_166 = arith.constant 0 : i32
      %dma_start3A_167 = arith.constant 0 : i32
      %dma_start3A_168 = tpu.memref_slice %arg23[%dma_start3A_166, %dma_start3A_167] : memref<512x32xf32, #tpu.memory_space<vmem>> -> memref<128x32xf32, #tpu.memory_space<vmem>>
      %dma_start3A_169 = arith.constant 0 : i32
      %dma_start3A_170 = tpu.memref_slice %arg19[%dma_start3A_165, %dma_start3A_169] : memref<4x128xi32, #tpu.memory_space<vmem>> -> memref<1x128xi32, #tpu.memory_space<vmem>>
      %dma_start3A_171 = tpu.memref_squeeze %dma_start3A_170 : memref<1x128xi32, #tpu.memory_space<vmem>> -> memref<128xi32, #tpu.memory_space<vmem>>
      %dma_start3A_172 = arith.constant 0 : i32
      %dma_start3A_173 = arith.constant 0 : i32
      %dma_start3A_174 = tpu.memref_slice %arg3[%dma_start3A_172, %dma_start3A_173] : memref<1000000x32xf32, #tpu.memory_space<hbm>> -> memref<1000000x32xf32, #tpu.memory_space<hbm>>
      tpu.enqueue_indirect_dma source(%dma_start3A_174 : memref<1000000x32xf32, #tpu.memory_space<hbm>>) target(%dma_start3A_168 : memref<128x32xf32, #tpu.memory_space<vmem>>) offsets(%dma_start3A_171 : memref<128xi32, #tpu.memory_space<vmem>>) semaphore(%arg25 : memref<!tpu.dma_semaphore, #tpu.memory_space<semaphore_mem>>)
      %dma_start3A_175 = arith.constant 1 : i32
      %dma_start3A_176 = arith.constant 128 : i32
      %dma_start3A_177 = arith.constant 0 : i32
      %dma_start3A_178 = tpu.memref_slice %arg22[%dma_start3A_176, %dma_start3A_177] : memref<512x32xf32, #tpu.memory_space<vmem>> -> memref<128x32xf32, #tpu.memory_space<vmem>>
      %dma_start3A_179 = arith.constant 0 : i32
      %dma_start3A_180 = tpu.memref_slice %arg18[%dma_start3A_175, %dma_start3A_179] : memref<4x128xi32, #tpu.memory_space<vmem>> -> memref<1x128xi32, #tpu.memory_space<vmem>>
      %dma_start3A_181 = tpu.memref_squeeze %dma_start3A_180 : memref<1x128xi32, #tpu.memory_space<vmem>> -> memref<128xi32, #tpu.memory_space<vmem>>
      %dma_start3A_182 = arith.constant 0 : i32
      %dma_start3A_183 = arith.constant 0 : i32
      %dma_start3A_184 = tpu.memref_slice %arg3[%dma_start3A_182, %dma_start3A_183] : memref<1000000x32xf32, #tpu.memory_space<hbm>> -> memref<1000000x32xf32, #tpu.memory_space<hbm>>
      tpu.enqueue_indirect_dma source(%dma_start3A_184 : memref<1000000x32xf32, #tpu.memory_space<hbm>>) target(%dma_start3A_178 : memref<128x32xf32, #tpu.memory_space<vmem>>) offsets(%dma_start3A_181 : memref<128xi32, #tpu.memory_space<vmem>>) semaphore(%arg25 : memref<!tpu.dma_semaphore, #tpu.memory_space<semaphore_mem>>)
      %dma_start3A_185 = arith.constant 1 : i32
      %dma_start3A_186 = arith.constant 128 : i32
      %dma_start3A_187 = arith.constant 0 : i32
      %dma_start3A_188 = tpu.memref_slice %arg23[%dma_start3A_186, %dma_start3A_187] : memref<512x32xf32, #tpu.memory_space<vmem>> -> memref<128x32xf32, #tpu.memory_space<vmem>>
      %dma_start3A_189 = arith.constant 0 : i32
      %dma_start3A_190 = tpu.memref_slice %arg19[%dma_start3A_185, %dma_start3A_189] : memref<4x128xi32, #tpu.memory_space<vmem>> -> memref<1x128xi32, #tpu.memory_space<vmem>>
      %dma_start3A_191 = tpu.memref_squeeze %dma_start3A_190 : memref<1x128xi32, #tpu.memory_space<vmem>> -> memref<128xi32, #tpu.memory_space<vmem>>
      %dma_start3A_192 = arith.constant 0 : i32
      %dma_start3A_193 = arith.constant 0 : i32
      %dma_start3A_194 = tpu.memref_slice %arg3[%dma_start3A_192, %dma_start3A_193] : memref<1000000x32xf32, #tpu.memory_space<hbm>> -> memref<1000000x32xf32, #tpu.memory_space<hbm>>
      tpu.enqueue_indirect_dma source(%dma_start3A_194 : memref<1000000x32xf32, #tpu.memory_space<hbm>>) target(%dma_start3A_188 : memref<128x32xf32, #tpu.memory_space<vmem>>) offsets(%dma_start3A_191 : memref<128xi32, #tpu.memory_space<vmem>>) semaphore(%arg25 : memref<!tpu.dma_semaphore, #tpu.memory_space<semaphore_mem>>)
      %dma_start3A_195 = arith.constant 2 : i32
      %dma_start3A_196 = arith.constant 256 : i32
      %dma_start3A_197 = arith.constant 0 : i32
      %dma_start3A_198 = tpu.memref_slice %arg22[%dma_start3A_196, %dma_start3A_197] : memref<512x32xf32, #tpu.memory_space<vmem>> -> memref<128x32xf32, #tpu.memory_space<vmem>>
      %dma_start3A_199 = arith.constant 0 : i32
      %dma_start3A_200 = tpu.memref_slice %arg18[%dma_start3A_195, %dma_start3A_199] : memref<4x128xi32, #tpu.memory_space<vmem>> -> memref<1x128xi32, #tpu.memory_space<vmem>>
      %dma_start3A_201 = tpu.memref_squeeze %dma_start3A_200 : memref<1x128xi32, #tpu.memory_space<vmem>> -> memref<128xi32, #tpu.memory_space<vmem>>
      %dma_start3A_202 = arith.constant 0 : i32
      %dma_start3A_203 = arith.constant 0 : i32
      %dma_start3A_204 = tpu.memref_slice %arg3[%dma_start3A_202, %dma_start3A_203] : memref<1000000x32xf32, #tpu.memory_space<hbm>> -> memref<1000000x32xf32, #tpu.memory_space<hbm>>
      tpu.enqueue_indirect_dma source(%dma_start3A_204 : memref<1000000x32xf32, #tpu.memory_space<hbm>>) target(%dma_start3A_198 : memref<128x32xf32, #tpu.memory_space<vmem>>) offsets(%dma_start3A_201 : memref<128xi32, #tpu.memory_space<vmem>>) semaphore(%arg25 : memref<!tpu.dma_semaphore, #tpu.memory_space<semaphore_mem>>)
      %dma_start3A_205 = arith.constant 2 : i32
      %dma_start3A_206 = arith.constant 256 : i32
      %dma_start3A_207 = arith.constant 0 : i32
      %dma_start3A_208 = tpu.memref_slice %arg23[%dma_start3A_206, %dma_start3A_207] : memref<512x32xf32, #tpu.memory_space<vmem>> -> memref<128x32xf32, #tpu.memory_space<vmem>>
      %dma_start3A_209 = arith.constant 0 : i32
      %dma_start3A_210 = tpu.memref_slice %arg19[%dma_start3A_205, %dma_start3A_209] : memref<4x128xi32, #tpu.memory_space<vmem>> -> memref<1x128xi32, #tpu.memory_space<vmem>>
      %dma_start3A_211 = tpu.memref_squeeze %dma_start3A_210 : memref<1x128xi32, #tpu.memory_space<vmem>> -> memref<128xi32, #tpu.memory_space<vmem>>
      %dma_start3A_212 = arith.constant 0 : i32
      %dma_start3A_213 = arith.constant 0 : i32
      %dma_start3A_214 = tpu.memref_slice %arg3[%dma_start3A_212, %dma_start3A_213] : memref<1000000x32xf32, #tpu.memory_space<hbm>> -> memref<1000000x32xf32, #tpu.memory_space<hbm>>
      tpu.enqueue_indirect_dma source(%dma_start3A_214 : memref<1000000x32xf32, #tpu.memory_space<hbm>>) target(%dma_start3A_208 : memref<128x32xf32, #tpu.memory_space<vmem>>) offsets(%dma_start3A_211 : memref<128xi32, #tpu.memory_space<vmem>>) semaphore(%arg25 : memref<!tpu.dma_semaphore, #tpu.memory_space<semaphore_mem>>)
      %dma_start3A_215 = arith.constant 3 : i32
      %dma_start3A_216 = arith.constant 384 : i32
      %dma_start3A_217 = arith.constant 0 : i32
      %dma_start3A_218 = tpu.memref_slice %arg22[%dma_start3A_216, %dma_start3A_217] : memref<512x32xf32, #tpu.memory_space<vmem>> -> memref<128x32xf32, #tpu.memory_space<vmem>>
      %dma_start3A_219 = arith.constant 0 : i32
      %dma_start3A_220 = tpu.memref_slice %arg18[%dma_start3A_215, %dma_start3A_219] : memref<4x128xi32, #tpu.memory_space<vmem>> -> memref<1x128xi32, #tpu.memory_space<vmem>>
      %dma_start3A_221 = tpu.memref_squeeze %dma_start3A_220 : memref<1x128xi32, #tpu.memory_space<vmem>> -> memref<128xi32, #tpu.memory_space<vmem>>
      %dma_start3A_222 = arith.constant 0 : i32
      %dma_start3A_223 = arith.constant 0 : i32
      %dma_start3A_224 = tpu.memref_slice %arg3[%dma_start3A_222, %dma_start3A_223] : memref<1000000x32xf32, #tpu.memory_space<hbm>> -> memref<1000000x32xf32, #tpu.memory_space<hbm>>
      tpu.enqueue_indirect_dma source(%dma_start3A_224 : memref<1000000x32xf32, #tpu.memory_space<hbm>>) target(%dma_start3A_218 : memref<128x32xf32, #tpu.memory_space<vmem>>) offsets(%dma_start3A_221 : memref<128xi32, #tpu.memory_space<vmem>>) semaphore(%arg25 : memref<!tpu.dma_semaphore, #tpu.memory_space<semaphore_mem>>)
      %dma_start3A_225 = arith.constant 3 : i32
      %dma_start3A_226 = arith.constant 384 : i32
      %dma_start3A_227 = arith.constant 0 : i32
      %dma_start3A_228 = tpu.memref_slice %arg23[%dma_start3A_226, %dma_start3A_227] : memref<512x32xf32, #tpu.memory_space<vmem>> -> memref<128x32xf32, #tpu.memory_space<vmem>>
      %dma_start3A_229 = arith.constant 0 : i32
      %dma_start3A_230 = tpu.memref_slice %arg19[%dma_start3A_225, %dma_start3A_229] : memref<4x128xi32, #tpu.memory_space<vmem>> -> memref<1x128xi32, #tpu.memory_space<vmem>>
      %dma_start3A_231 = tpu.memref_squeeze %dma_start3A_230 : memref<1x128xi32, #tpu.memory_space<vmem>> -> memref<128xi32, #tpu.memory_space<vmem>>
      %dma_start3A_232 = arith.constant 0 : i32
      %dma_start3A_233 = arith.constant 0 : i32
      %dma_start3A_234 = tpu.memref_slice %arg3[%dma_start3A_232, %dma_start3A_233] : memref<1000000x32xf32, #tpu.memory_space<hbm>> -> memref<1000000x32xf32, #tpu.memory_space<hbm>>
      tpu.enqueue_indirect_dma source(%dma_start3A_234 : memref<1000000x32xf32, #tpu.memory_space<hbm>>) target(%dma_start3A_228 : memref<128x32xf32, #tpu.memory_space<vmem>>) offsets(%dma_start3A_231 : memref<128xi32, #tpu.memory_space<vmem>>) semaphore(%arg25 : memref<!tpu.dma_semaphore, #tpu.memory_space<semaphore_mem>>)
      %dma_wait3A_235 = arith.constant 0 : i32
      %dma_wait3A_236 = arith.constant 0 : i32
      %dma_wait3A_237 = tpu.memref_slice %arg5[%dma_wait3A_235, %dma_wait3A_236] : memref<819200x32xf32, #tpu.memory_space<hbm>> -> memref<512x32xf32, #tpu.memory_space<hbm>>
      %dma_wait3A_238 = arith.constant 0 : i32
      %dma_wait3A_239 = arith.constant 0 : i32
      %dma_wait3A_240 = tpu.memref_slice %arg5[%dma_wait3A_238, %dma_wait3A_239] : memref<819200x32xf32, #tpu.memory_space<hbm>> -> memref<512x32xf32, #tpu.memory_space<hbm>>
      tpu.wait_dma2 semaphore(%arg15 : memref<!tpu.dma_semaphore, #tpu.memory_space<semaphore_mem>>) src(%dma_wait3A_240 : memref<512x32xf32, #tpu.memory_space<hbm>>) dst(%arg12 : memref<512x32xf32, #tpu.memory_space<vmem>>)
      %dma_wait3A_241 = arith.constant 0 : i32
      %dma_wait3A_242 = arith.constant 0 : i32
      %dma_wait3A_243 = tpu.memref_slice %arg5[%dma_wait3A_241, %dma_wait3A_242] : memref<819200x32xf32, #tpu.memory_space<hbm>> -> memref<512x32xf32, #tpu.memory_space<hbm>>
      %dma_wait3A_244 = arith.constant 0 : i32
      %dma_wait3A_245 = arith.constant 0 : i32
      %dma_wait3A_246 = tpu.memref_slice %arg5[%dma_wait3A_244, %dma_wait3A_245] : memref<819200x32xf32, #tpu.memory_space<hbm>> -> memref<512x32xf32, #tpu.memory_space<hbm>>
      tpu.wait_dma2 semaphore(%arg15 : memref<!tpu.dma_semaphore, #tpu.memory_space<semaphore_mem>>) src(%dma_wait3A_246 : memref<512x32xf32, #tpu.memory_space<hbm>>) dst(%arg13 : memref<512x32xf32, #tpu.memory_space<vmem>>)
      %gt3A = arith.constant 0 : i32
      %gt3A_247 = arith.cmpi sgt, %scan3A_139, %gt3A : i32
      %convert_element_type3A = arith.extui %gt3A_247 : i1 to i32
      %cond3A = arith.constant 0 : i32
      %cond3A_248 = arith.cmpi ne, %convert_element_type3A, %cond3A : i32
      scf.if %cond3A_248 {
        %dma_wait3A_303 = arith.constant 0 : i32
        %dma_wait3A_304 = arith.constant 0 : i32
        %dma_wait3A_305 = tpu.memref_slice %arg5[%dma_wait3A_303, %dma_wait3A_304] : memref<819200x32xf32, #tpu.memory_space<hbm>> -> memref<512x32xf32, #tpu.memory_space<hbm>>
        %dma_wait3A_306 = arith.constant 0 : i32
        %dma_wait3A_307 = arith.constant 0 : i32
        %dma_wait3A_308 = tpu.memref_slice %arg5[%dma_wait3A_306, %dma_wait3A_307] : memref<819200x32xf32, #tpu.memory_space<hbm>> -> memref<512x32xf32, #tpu.memory_space<hbm>>
        tpu.wait_dma2 semaphore(%arg16 : memref<!tpu.dma_semaphore, #tpu.memory_space<semaphore_mem>>) src(%arg14 : memref<512x32xf32, #tpu.memory_space<vmem>>) dst(%dma_wait3A_308 : memref<512x32xf32, #tpu.memory_space<hbm>>)
      } else {
      }
      %scan3A_249 = arith.constant 0 : i32
      %scan3A_250 = arith.constant 0 : i32
      %scan3A_251 = arith.constant 128 : i32
      %scan3A_252 = arith.addi %scan3A_250, %scan3A_251 : i32
      %scan3A_253 = arith.constant 1 : i32
      %scan3A_254 = scf.for %scan3A_303 = %scan3A_250 to %scan3A_252 step %scan3A_253 iter_args(%scan3A_304 = %scan3A_249) -> (i32)  : i32 {
        %mul3A_305 = arith.constant 4 : i32
        %mul3A_306 = arith.muli %scan3A_303, %mul3A_305 : i32
        %add3A_307 = arith.constant 0 : i32
        %add3A_308 = arith.addi %mul3A_306, %add3A_307 : i32
        %broadcast_in_dim3A = vector.broadcast %add3A_308 : i32 to vector<16xi32>
        %gather3A = tpu.vector_load_idx %arg10[%broadcast_in_dim3A] : memref<512xf32, #tpu.memory_space<vmem>>[vector<16xi32>], vector<16xf32>,
        %gather3A_309 = tpu.vector_load_idx %arg11[%broadcast_in_dim3A] : memref<512xf32, #tpu.memory_space<vmem>>[vector<16xi32>], vector<16xf32>,
        %get3A_310 = arith.index_cast %add3A_308 : i32 to index
        %get3A_311 = arith.constant 0 : index
        %get3A_312 = tpu.vector_load %arg12[%get3A_310, %get3A_311] {strides = array<i32>} : memref<512x32xf32, #tpu.memory_space<vmem>>, vector<16xf32>,
        %mul3A_313 = arith.mulf %get3A_312, %gather3A : vector<16xf32>
        %get3A_314 = arith.index_cast %add3A_308 : i32 to index
        %get3A_315 = arith.constant 0 : index
        %get3A_316 = tpu.vector_load %arg13[%get3A_314, %get3A_315] {strides = array<i32>} : memref<512x32xf32, #tpu.memory_space<vmem>>, vector<16xf32>,
        %mul3A_317 = arith.mulf %get3A_316, %gather3A_309 : vector<16xf32>
        %add3A_318 = arith.addf %mul3A_313, %mul3A_317 : vector<16xf32>
        %swap3A = arith.index_cast %add3A_308 : i32 to index
        %swap3A_319 = arith.constant 0 : index
        %swap3A_320 = tpu.vector_load %arg14[%swap3A, %swap3A_319] {strides = array<i32>} : memref<512x32xf32, #tpu.memory_space<vmem>>, vector<16xf32>,
        tpu.vector_store %arg14[%swap3A, %swap3A_319], %add3A_318 {strides = array<i32>} : memref<512x32xf32, #tpu.memory_space<vmem>>, vector<16xf32>,
        %get3A_321 = arith.index_cast %add3A_308 : i32 to index
        %get3A_322 = arith.constant 16 : index
        %get3A_323 = tpu.vector_load %arg12[%get3A_321, %get3A_322] {strides = array<i32>} : memref<512x32xf32, #tpu.memory_space<vmem>>, vector<16xf32>,
        %mul3A_324 = arith.mulf %get3A_323, %gather3A : vector<16xf32>
        %get3A_325 = arith.index_cast %add3A_308 : i32 to index
        %get3A_326 = arith.constant 16 : index
        %get3A_327 = tpu.vector_load %arg13[%get3A_325, %get3A_326] {strides = array<i32>} : memref<512x32xf32, #tpu.memory_space<vmem>>, vector<16xf32>,
        %mul3A_328 = arith.mulf %get3A_327, %gather3A_309 : vector<16xf32>
        %add3A_329 = arith.addf %mul3A_324, %mul3A_328 : vector<16xf32>
        %swap3A_330 = arith.index_cast %add3A_308 : i32 to index
        %swap3A_331 = arith.constant 16 : index
        %swap3A_332 = tpu.vector_load %arg14[%swap3A_330, %swap3A_331] {strides = array<i32>} : memref<512x32xf32, #tpu.memory_space<vmem>>, vector<16xf32>,
        tpu.vector_store %arg14[%swap3A_330, %swap3A_331], %add3A_329 {strides = array<i32>} : memref<512x32xf32, #tpu.memory_space<vmem>>, vector<16xf32>,
        %mul3A_333 = arith.constant 4 : i32
        %mul3A_334 = arith.muli %scan3A_303, %mul3A_333 : i32
        %add3A_335 = arith.constant 1 : i32
        %add3A_336 = arith.addi %mul3A_334, %add3A_335 : i32
        %broadcast_in_dim3A_337 = vector.broadcast %add3A_336 : i32 to vector<16xi32>
        %gather3A_338 = tpu.vector_load_idx %arg10[%broadcast_in_dim3A_337] : memref<512xf32, #tpu.memory_space<vmem>>[vector<16xi32>], vector<16xf32>,
        %gather3A_339 = tpu.vector_load_idx %arg11[%broadcast_in_dim3A_337] : memref<512xf32, #tpu.memory_space<vmem>>[vector<16xi32>], vector<16xf32>,
        %get3A_340 = arith.index_cast %add3A_336 : i32 to index
        %get3A_341 = arith.constant 0 : index
        %get3A_342 = tpu.vector_load %arg12[%get3A_340, %get3A_341] {strides = array<i32>} : memref<512x32xf32, #tpu.memory_space<vmem>>, vector<16xf32>,
        %mul3A_343 = arith.mulf %get3A_342, %gather3A_338 : vector<16xf32>
        %get3A_344 = arith.index_cast %add3A_336 : i32 to index
        %get3A_345 = arith.constant 0 : index
        %get3A_346 = tpu.vector_load %arg13[%get3A_344, %get3A_345] {strides = array<i32>} : memref<512x32xf32, #tpu.memory_space<vmem>>, vector<16xf32>,
        %mul3A_347 = arith.mulf %get3A_346, %gather3A_339 : vector<16xf32>
        %add3A_348 = arith.addf %mul3A_343, %mul3A_347 : vector<16xf32>
        %swap3A_349 = arith.index_cast %add3A_336 : i32 to index
        %swap3A_350 = arith.constant 0 : index
        %swap3A_351 = tpu.vector_load %arg14[%swap3A_349, %swap3A_350] {strides = array<i32>} : memref<512x32xf32, #tpu.memory_space<vmem>>, vector<16xf32>,
        tpu.vector_store %arg14[%swap3A_349, %swap3A_350], %add3A_348 {strides = array<i32>} : memref<512x32xf32, #tpu.memory_space<vmem>>, vector<16xf32>,
        %get3A_352 = arith.index_cast %add3A_336 : i32 to index
        %get3A_353 = arith.constant 16 : index
        %get3A_354 = tpu.vector_load %arg12[%get3A_352, %get3A_353] {strides = array<i32>} : memref<512x32xf32, #tpu.memory_space<vmem>>, vector<16xf32>,
        %mul3A_355 = arith.mulf %get3A_354, %gather3A_338 : vector<16xf32>
        %get3A_356 = arith.index_cast %add3A_336 : i32 to index
        %get3A_357 = arith.constant 16 : index
        %get3A_358 = tpu.vector_load %arg13[%get3A_356, %get3A_357] {strides = array<i32>} : memref<512x32xf32, #tpu.memory_space<vmem>>, vector<16xf32>,
        %mul3A_359 = arith.mulf %get3A_358, %gather3A_339 : vector<16xf32>
        %add3A_360 = arith.addf %mul3A_355, %mul3A_359 : vector<16xf32>
        %swap3A_361 = arith.index_cast %add3A_336 : i32 to index
        %swap3A_362 = arith.constant 16 : index
        %swap3A_363 = tpu.vector_load %arg14[%swap3A_361, %swap3A_362] {strides = array<i32>} : memref<512x32xf32, #tpu.memory_space<vmem>>, vector<16xf32>,
        tpu.vector_store %arg14[%swap3A_361, %swap3A_362], %add3A_360 {strides = array<i32>} : memref<512x32xf32, #tpu.memory_space<vmem>>, vector<16xf32>,
        %mul3A_364 = arith.constant 4 : i32
        %mul3A_365 = arith.muli %scan3A_303, %mul3A_364 : i32
        %add3A_366 = arith.constant 2 : i32
        %add3A_367 = arith.addi %mul3A_365, %add3A_366 : i32
        %broadcast_in_dim3A_368 = vector.broadcast %add3A_367 : i32 to vector<16xi32>
        %gather3A_369 = tpu.vector_load_idx %arg10[%broadcast_in_dim3A_368] : memref<512xf32, #tpu.memory_space<vmem>>[vector<16xi32>], vector<16xf32>,
        %gather3A_370 = tpu.vector_load_idx %arg11[%broadcast_in_dim3A_368] : memref<512xf32, #tpu.memory_space<vmem>>[vector<16xi32>], vector<16xf32>,
        %get3A_371 = arith.index_cast %add3A_367 : i32 to index
        %get3A_372 = arith.constant 0 : index
        %get3A_373 = tpu.vector_load %arg12[%get3A_371, %get3A_372] {strides = array<i32>} : memref<512x32xf32, #tpu.memory_space<vmem>>, vector<16xf32>,
        %mul3A_374 = arith.mulf %get3A_373, %gather3A_369 : vector<16xf32>
        %get3A_375 = arith.index_cast %add3A_367 : i32 to index
        %get3A_376 = arith.constant 0 : index
        %get3A_377 = tpu.vector_load %arg13[%get3A_375, %get3A_376] {strides = array<i32>} : memref<512x32xf32, #tpu.memory_space<vmem>>, vector<16xf32>,
        %mul3A_378 = arith.mulf %get3A_377, %gather3A_370 : vector<16xf32>
        %add3A_379 = arith.addf %mul3A_374, %mul3A_378 : vector<16xf32>
        %swap3A_380 = arith.index_cast %add3A_367 : i32 to index
        %swap3A_381 = arith.constant 0 : index
        %swap3A_382 = tpu.vector_load %arg14[%swap3A_380, %swap3A_381] {strides = array<i32>} : memref<512x32xf32, #tpu.memory_space<vmem>>, vector<16xf32>,
        tpu.vector_store %arg14[%swap3A_380, %swap3A_381], %add3A_379 {strides = array<i32>} : memref<512x32xf32, #tpu.memory_space<vmem>>, vector<16xf32>,
        %get3A_383 = arith.index_cast %add3A_367 : i32 to index
        %get3A_384 = arith.constant 16 : index
        %get3A_385 = tpu.vector_load %arg12[%get3A_383, %get3A_384] {strides = array<i32>} : memref<512x32xf32, #tpu.memory_space<vmem>>, vector<16xf32>,
        %mul3A_386 = arith.mulf %get3A_385, %gather3A_369 : vector<16xf32>
        %get3A_387 = arith.index_cast %add3A_367 : i32 to index
        %get3A_388 = arith.constant 16 : index
        %get3A_389 = tpu.vector_load %arg13[%get3A_387, %get3A_388] {strides = array<i32>} : memref<512x32xf32, #tpu.memory_space<vmem>>, vector<16xf32>,
        %mul3A_390 = arith.mulf %get3A_389, %gather3A_370 : vector<16xf32>
        %add3A_391 = arith.addf %mul3A_386, %mul3A_390 : vector<16xf32>
        %swap3A_392 = arith.index_cast %add3A_367 : i32 to index
        %swap3A_393 = arith.constant 16 : index
        %swap3A_394 = tpu.vector_load %arg14[%swap3A_392, %swap3A_393] {strides = array<i32>} : memref<512x32xf32, #tpu.memory_space<vmem>>, vector<16xf32>,
        tpu.vector_store %arg14[%swap3A_392, %swap3A_393], %add3A_391 {strides = array<i32>} : memref<512x32xf32, #tpu.memory_space<vmem>>, vector<16xf32>,
        %mul3A_395 = arith.constant 4 : i32
        %mul3A_396 = arith.muli %scan3A_303, %mul3A_395 : i32
        %add3A_397 = arith.constant 3 : i32
        %add3A_398 = arith.addi %mul3A_396, %add3A_397 : i32
        %broadcast_in_dim3A_399 = vector.broadcast %add3A_398 : i32 to vector<16xi32>
        %gather3A_400 = tpu.vector_load_idx %arg10[%broadcast_in_dim3A_399] : memref<512xf32, #tpu.memory_space<vmem>>[vector<16xi32>], vector<16xf32>,
        %gather3A_401 = tpu.vector_load_idx %arg11[%broadcast_in_dim3A_399] : memref<512xf32, #tpu.memory_space<vmem>>[vector<16xi32>], vector<16xf32>,
        %get3A_402 = arith.index_cast %add3A_398 : i32 to index
        %get3A_403 = arith.constant 0 : index
        %get3A_404 = tpu.vector_load %arg12[%get3A_402, %get3A_403] {strides = array<i32>} : memref<512x32xf32, #tpu.memory_space<vmem>>, vector<16xf32>,
        %mul3A_405 = arith.mulf %get3A_404, %gather3A_400 : vector<16xf32>
        %get3A_406 = arith.index_cast %add3A_398 : i32 to index
        %get3A_407 = arith.constant 0 : index
        %get3A_408 = tpu.vector_load %arg13[%get3A_406, %get3A_407] {strides = array<i32>} : memref<512x32xf32, #tpu.memory_space<vmem>>, vector<16xf32>,
        %mul3A_409 = arith.mulf %get3A_408, %gather3A_401 : vector<16xf32>
        %add3A_410 = arith.addf %mul3A_405, %mul3A_409 : vector<16xf32>
        %swap3A_411 = arith.index_cast %add3A_398 : i32 to index
        %swap3A_412 = arith.constant 0 : index
        %swap3A_413 = tpu.vector_load %arg14[%swap3A_411, %swap3A_412] {strides = array<i32>} : memref<512x32xf32, #tpu.memory_space<vmem>>, vector<16xf32>,
        tpu.vector_store %arg14[%swap3A_411, %swap3A_412], %add3A_410 {strides = array<i32>} : memref<512x32xf32, #tpu.memory_space<vmem>>, vector<16xf32>,
        %get3A_414 = arith.index_cast %add3A_398 : i32 to index
        %get3A_415 = arith.constant 16 : index
        %get3A_416 = tpu.vector_load %arg12[%get3A_414, %get3A_415] {strides = array<i32>} : memref<512x32xf32, #tpu.memory_space<vmem>>, vector<16xf32>,
        %mul3A_417 = arith.mulf %get3A_416, %gather3A_400 : vector<16xf32>
        %get3A_418 = arith.index_cast %add3A_398 : i32 to index
        %get3A_419 = arith.constant 16 : index
        %get3A_420 = tpu.vector_load %arg13[%get3A_418, %get3A_419] {strides = array<i32>} : memref<512x32xf32, #tpu.memory_space<vmem>>, vector<16xf32>,
        %mul3A_421 = arith.mulf %get3A_420, %gather3A_401 : vector<16xf32>
        %add3A_422 = arith.addf %mul3A_417, %mul3A_421 : vector<16xf32>
        %swap3A_423 = arith.index_cast %add3A_398 : i32 to index
        %swap3A_424 = arith.constant 16 : index
        %swap3A_425 = tpu.vector_load %arg14[%swap3A_423, %swap3A_424] {strides = array<i32>} : memref<512x32xf32, #tpu.memory_space<vmem>>, vector<16xf32>,
        tpu.vector_store %arg14[%swap3A_423, %swap3A_424], %add3A_422 {strides = array<i32>} : memref<512x32xf32, #tpu.memory_space<vmem>>, vector<16xf32>,
        %scan3A_426 = arith.constant 0 : i32
        scf.yield %scan3A_426 : i32
      }
      %scan3A_255 = arith.constant 128 : i32
      %mul3A_256 = arith.constant 512 : i32
      %mul3A_257 = arith.muli %mul3A_142, %mul3A_256 : i32
      %add3A_258 = arith.addi %mul3A_2, %mul3A_257 : i32
      %dma_start3A_259 = arith.constant 0 : i32
      %dma_start3A_260 = tpu.memref_slice %arg5[%add3A_258, %dma_start3A_259] : memref<819200x32xf32, #tpu.memory_space<hbm>> -> memref<512x32xf32, #tpu.memory_space<hbm>>
      %dma_start3A_261 = arith.constant 0 : i32
      %dma_start3A_262 = tpu.memref_slice %arg5[%add3A_258, %dma_start3A_261] : memref<819200x32xf32, #tpu.memory_space<hbm>> -> memref<512x32xf32, #tpu.memory_space<hbm>>
      tpu.enqueue_dma source(%arg14 : memref<512x32xf32, #tpu.memory_space<vmem>>) target(%dma_start3A_262 : memref<512x32xf32, #tpu.memory_space<hbm>>) target_semaphore(%arg16 : memref<!tpu.dma_semaphore, #tpu.memory_space<semaphore_mem>>)
      %add3A_263 = arith.constant 2 : i32
      %add3A_264 = arith.addi %mul3A_142, %add3A_263 : i32
      %lt3A = arith.constant 50 : i32
      %lt3A_265 = arith.cmpi slt, %add3A_264, %lt3A : i32
      %convert_element_type3A_266 = arith.extui %lt3A_265 : i1 to i32
      %cond3A_267 = arith.constant 0 : i32
      %cond3A_268 = arith.cmpi ne, %convert_element_type3A_266, %cond3A_267 : i32
      scf.if %cond3A_268 {
        %add3A_303 = arith.constant 2 : i32
        %add3A_304 = arith.addi %mul3A_142, %add3A_303 : i32
        %mul3A_305 = arith.constant 512 : i32
        %mul3A_306 = arith.muli %add3A_304, %mul3A_305 : i32
        %add3A_307 = arith.addi %mul3A_2, %mul3A_306 : i32
        "tpu.region"() ({
          %run_scoped3A = tpu.sem_alloc : memref<!tpu.dma_semaphore, #tpu.memory_space<semaphore_mem>>
          %dma_start3A_395 = tpu.memref_slice %arg2[%add3A_307] : memref<819200xi32, #tpu.memory_space<hbm>> -> memref<512xi32, #tpu.memory_space<hbm>>
          %dma_start3A_396 = tpu.memref_slice %arg2[%add3A_307] : memref<819200xi32, #tpu.memory_space<hbm>> -> memref<512xi32, #tpu.memory_space<hbm>>
          tpu.enqueue_dma source(%dma_start3A_396 : memref<512xi32, #tpu.memory_space<hbm>>) target(%arg7 : memref<512xi32, #tpu.memory_space<vmem>>) target_semaphore(%run_scoped3A : memref<!tpu.dma_semaphore, #tpu.memory_space<semaphore_mem>>)
          %dma_wait3A_397 = tpu.memref_slice %arg2[%add3A_307] : memref<819200xi32, #tpu.memory_space<hbm>> -> memref<512xi32, #tpu.memory_space<hbm>>
          %dma_wait3A_398 = tpu.memref_slice %arg2[%add3A_307] : memref<819200xi32, #tpu.memory_space<hbm>> -> memref<512xi32, #tpu.memory_space<hbm>>
          tpu.wait_dma2 semaphore(%run_scoped3A : memref<!tpu.dma_semaphore, #tpu.memory_space<semaphore_mem>>) src(%dma_wait3A_398 : memref<512xi32, #tpu.memory_space<hbm>>) dst(%arg7 : memref<512xi32, #tpu.memory_space<vmem>>)
          tpu.yield
        }) : () -> ()
        %scan3A_308 = arith.constant 0 : i32
        %scan3A_309 = arith.constant 0 : i32
        %scan3A_310 = arith.constant 32 : i32
        %scan3A_311 = arith.addi %scan3A_309, %scan3A_310 : i32
        %scan3A_312 = arith.constant 1 : i32
        %scan3A_313 = scf.for %scan3A_395 = %scan3A_309 to %scan3A_311 step %scan3A_312 iter_args(%scan3A_396 = %scan3A_308) -> (i32)  : i32 {
          %mul3A_397 = arith.constant 16 : i32
          %mul3A_398 = arith.muli %scan3A_395, %mul3A_397 : i32
          %get3A_399 = arith.index_cast %mul3A_398 : i32 to index
          %get3A_400 = tpu.vector_load %arg7[%get3A_399] {strides = array<i32>} : memref<512xi32, #tpu.memory_space<vmem>>, vector<16xi32>,
          %mul3A_401 = arith.muli %get3A_400, %get3A_5 : vector<16xi32>
          %add3A_402 = arith.addi %mul3A_401, %get3A_9 : vector<16xi32>
          %rem3A = arith.constant 1000000 : i32
          %rem3A_403 = vector.broadcast %rem3A : i32 to vector<16xi32>
          %rem3A_404 = arith.remsi %add3A_402, %rem3A_403 : vector<16xi32>
          %lt3A_405 = arith.constant 0 : i32
          %lt3A_406 = vector.broadcast %lt3A_405 : i32 to vector<16xi32>
          %lt3A_407 = arith.cmpi slt, %rem3A_404, %lt3A_406 : vector<16xi32>
          %add3A_408 = arith.constant 1000000 : i32
          %add3A_409 = vector.broadcast %add3A_408 : i32 to vector<16xi32>
          %add3A_410 = arith.addi %rem3A_404, %add3A_409 : vector<16xi32>
          %select_n3A = arith.select %lt3A_407, %add3A_410, %rem3A_404 : vector<16xi1>, vector<16xi32>
          %mul3A_411 = arith.muli %get3A_400, %get3A_13 : vector<16xi32>
          %add3A_412 = arith.addi %mul3A_411, %get3A_17 : vector<16xi32>
          %rem3A_413 = arith.constant 1000000 : i32
          %rem3A_414 = vector.broadcast %rem3A_413 : i32 to vector<16xi32>
          %rem3A_415 = arith.remsi %add3A_412, %rem3A_414 : vector<16xi32>
          %lt3A_416 = arith.constant 0 : i32
          %lt3A_417 = vector.broadcast %lt3A_416 : i32 to vector<16xi32>
          %lt3A_418 = arith.cmpi slt, %rem3A_415, %lt3A_417 : vector<16xi32>
          %add3A_419 = arith.constant 1000000 : i32
          %add3A_420 = vector.broadcast %add3A_419 : i32 to vector<16xi32>
          %add3A_421 = arith.addi %rem3A_415, %add3A_420 : vector<16xi32>
          %select_n3A_422 = arith.select %lt3A_418, %add3A_421, %rem3A_415 : vector<16xi1>, vector<16xi32>
          %mul3A_423 = arith.muli %get3A_400, %get3A_21 : vector<16xi32>
          %add3A_424 = arith.addi %mul3A_423, %get3A_25 : vector<16xi32>
          %mul3A_425 = arith.muli %get3A_400, %get3A_29 : vector<16xi32>
          %add3A_426 = arith.addi %mul3A_425, %get3A_33 : vector<16xi32>
          %and3A = arith.constant 1 : i32
          %and3A_427 = vector.broadcast %and3A : i32 to vector<16xi32>
          %and3A_428 = arith.andi %add3A_424, %and3A_427 : vector<16xi32>
          %eq3A = arith.constant 1 : i32
          %eq3A_429 = vector.broadcast %eq3A : i32 to vector<16xi32>
          %eq3A_430 = arith.cmpi eq, %and3A_428, %eq3A_429 : vector<16xi32>
          %jit3A = arith.constant 5.000000e-01 : f32
          %jit3A_431 = arith.constant -5.000000e-01 : f32
          %broadcast_in_dim3A = vector.broadcast %jit3A : f32 to vector<16xf32>
          %broadcast_in_dim3A_432 = vector.broadcast %jit3A_431 : f32 to vector<16xf32>
          %select_n3A_433 = arith.select %eq3A_430, %broadcast_in_dim3A, %broadcast_in_dim3A_432 : vector<16xi1>, vector<16xf32>
          %and3A_434 = arith.constant 1 : i32
          %and3A_435 = vector.broadcast %and3A_434 : i32 to vector<16xi32>
          %and3A_436 = arith.andi %add3A_426, %and3A_435 : vector<16xi32>
          %eq3A_437 = arith.constant 1 : i32
          %eq3A_438 = vector.broadcast %eq3A_437 : i32 to vector<16xi32>
          %eq3A_439 = arith.cmpi eq, %and3A_436, %eq3A_438 : vector<16xi32>
          %jit3A_440 = arith.constant 5.000000e-01 : f32
          %jit3A_441 = arith.constant -5.000000e-01 : f32
          %broadcast_in_dim3A_442 = vector.broadcast %jit3A_440 : f32 to vector<16xf32>
          %broadcast_in_dim3A_443 = vector.broadcast %jit3A_441 : f32 to vector<16xf32>
          %select_n3A_444 = arith.select %eq3A_439, %broadcast_in_dim3A_442, %broadcast_in_dim3A_443 : vector<16xi1>, vector<16xf32>
          %jit3A_445 = arith.constant 8 : i32
          %div3A = arith.divsi %scan3A_395, %jit3A_445 : i32
          %sign3A = arith.constant 0 : i32
          %sign3A_446 = arith.cmpi sgt, %scan3A_395, %sign3A : i32
          %sign3A_447 = arith.extui %sign3A_446 : i1 to i32
          %sign3A_448 = arith.constant 0 : i32
          %sign3A_449 = arith.cmpi slt, %scan3A_395, %sign3A_448 : i32
          %sign3A_450 = arith.extui %sign3A_449 : i1 to i32
          %sign3A_451 = arith.subi %sign3A_447, %sign3A_450 : i32
          %sign3A_452 = arith.constant 0 : i32
          %sign3A_453 = arith.cmpi sgt, %jit3A_445, %sign3A_452 : i32
          %sign3A_454 = arith.extui %sign3A_453 : i1 to i32
          %sign3A_455 = arith.constant 0 : i32
          %sign3A_456 = arith.cmpi slt, %jit3A_445, %sign3A_455 : i32
          %sign3A_457 = arith.extui %sign3A_456 : i1 to i32
          %sign3A_458 = arith.subi %sign3A_454, %sign3A_457 : i32
          %ne3A = arith.cmpi ne, %sign3A_451, %sign3A_458 : i32
          %rem3A_459 = arith.remsi %scan3A_395, %jit3A_445 : i32
          %ne3A_460 = arith.constant 0 : i32
          %ne3A_461 = arith.cmpi ne, %rem3A_459, %ne3A_460 : i32
          %and3A_462 = arith.andi %ne3A, %ne3A_461 : i1
          %sub3A = arith.constant 1 : i32
          %sub3A_463 = arith.subi %div3A, %sub3A : i32
          %select_n3A_464 = arith.select %and3A_462, %sub3A_463, %div3A : i32
          %jit3A_465 = arith.constant 8 : i32
          %eq3A_466 = arith.constant 0 : i32
          %eq3A_467 = arith.cmpi eq, %jit3A_465, %eq3A_466 : i32
          %jit3A_468 = arith.constant 1 : i32
          %select_n3A_469 = arith.select %eq3A_467, %jit3A_468, %jit3A_465 : i32
          %rem3A_470 = arith.remsi %scan3A_395, %select_n3A_469 : i32
          %ne3A_471 = arith.constant 0 : i32
          %ne3A_472 = arith.cmpi ne, %rem3A_470, %ne3A_471 : i32
          %lt3A_473 = arith.constant 0 : i32
          %lt3A_474 = arith.cmpi slt, %rem3A_470, %lt3A_473 : i32
          %lt3A_475 = arith.constant 0 : i32
          %lt3A_476 = arith.cmpi slt, %select_n3A_469, %lt3A_475 : i32
          %ne3A_477 = arith.xori %lt3A_474, %lt3A_476 : i1
          %and3A_478 = arith.andi %ne3A_477, %ne3A_472 : i1
          %add3A_479 = arith.addi %rem3A_470, %select_n3A_469 : i32
          %select_n3A_480 = arith.select %and3A_478, %add3A_479, %rem3A_470 : i32
          %mul3A_481 = arith.constant 16 : i32
          %mul3A_482 = arith.muli %select_n3A_480, %mul3A_481 : i32
          %swap3A = arith.index_cast %select_n3A_464 : i32 to index
          %swap3A_483 = arith.index_cast %mul3A_482 : i32 to index
          %swap3A_484 = tpu.vector_load %arg8[%swap3A, %swap3A_483] {strides = array<i32>} : memref<4x128xi32, #tpu.memory_space<vmem>>, vector<16xi32>,
          tpu.vector_store %arg8[%swap3A, %swap3A_483], %select_n3A {strides = array<i32>} : memref<4x128xi32, #tpu.memory_space<vmem>>, vector<16xi32>,
          %mul3A_485 = arith.constant 16 : i32
          %mul3A_486 = arith.muli %select_n3A_480, %mul3A_485 : i32
          %swap3A_487 = arith.index_cast %select_n3A_464 : i32 to index
          %swap3A_488 = arith.index_cast %mul3A_486 : i32 to index
          %swap3A_489 = tpu.vector_load %arg9[%swap3A_487, %swap3A_488] {strides = array<i32>} : memref<4x128xi32, #tpu.memory_space<vmem>>, vector<16xi32>,
          tpu.vector_store %arg9[%swap3A_487, %swap3A_488], %select_n3A_422 {strides = array<i32>} : memref<4x128xi32, #tpu.memory_space<vmem>>, vector<16xi32>,
          %mul3A_490 = arith.constant 16 : i32
          %mul3A_491 = arith.muli %scan3A_395, %mul3A_490 : i32
          %swap3A_492 = arith.index_cast %mul3A_491 : i32 to index
          %swap3A_493 = tpu.vector_load %arg10[%swap3A_492] {strides = array<i32>} : memref<512xf32, #tpu.memory_space<vmem>>, vector<16xf32>,
          tpu.vector_store %arg10[%swap3A_492], %select_n3A_433 {strides = array<i32>} : memref<512xf32, #tpu.memory_space<vmem>>, vector<16xf32>,
          %mul3A_494 = arith.constant 16 : i32
          %mul3A_495 = arith.muli %scan3A_395, %mul3A_494 : i32
          %swap3A_496 = arith.index_cast %mul3A_495 : i32 to index
          %swap3A_497 = tpu.vector_load %arg11[%swap3A_496] {strides = array<i32>} : memref<512xf32, #tpu.memory_space<vmem>>, vector<16xf32>,
          tpu.vector_store %arg11[%swap3A_496], %select_n3A_444 {strides = array<i32>} : memref<512xf32, #tpu.memory_space<vmem>>, vector<16xf32>,
          %scan3A_498 = arith.constant 0 : i32
          scf.yield %scan3A_498 : i32
        }
        %scan3A_314 = arith.constant 32 : i32
        %dma_start3A_315 = arith.constant 0 : i32
        %dma_start3A_316 = arith.constant 0 : i32
        %dma_start3A_317 = arith.constant 0 : i32
        %dma_start3A_318 = tpu.memref_slice %arg12[%dma_start3A_316, %dma_start3A_317] : memref<512x32xf32, #tpu.memory_space<vmem>> -> memref<128x32xf32, #tpu.memory_space<vmem>>
        %dma_start3A_319 = arith.constant 0 : i32
        %dma_start3A_320 = tpu.memref_slice %arg8[%dma_start3A_315, %dma_start3A_319] : memref<4x128xi32, #tpu.memory_space<vmem>> -> memref<1x128xi32, #tpu.memory_space<vmem>>
        %dma_start3A_321 = tpu.memref_squeeze %dma_start3A_320 : memref<1x128xi32, #tpu.memory_space<vmem>> -> memref<128xi32, #tpu.memory_space<vmem>>
        %dma_start3A_322 = arith.constant 0 : i32
        %dma_start3A_323 = arith.constant 0 : i32
        %dma_start3A_324 = tpu.memref_slice %arg3[%dma_start3A_322, %dma_start3A_323] : memref<1000000x32xf32, #tpu.memory_space<hbm>> -> memref<1000000x32xf32, #tpu.memory_space<hbm>>
        tpu.enqueue_indirect_dma source(%dma_start3A_324 : memref<1000000x32xf32, #tpu.memory_space<hbm>>) target(%dma_start3A_318 : memref<128x32xf32, #tpu.memory_space<vmem>>) offsets(%dma_start3A_321 : memref<128xi32, #tpu.memory_space<vmem>>) semaphore(%arg15 : memref<!tpu.dma_semaphore, #tpu.memory_space<semaphore_mem>>)
        %dma_start3A_325 = arith.constant 0 : i32
        %dma_start3A_326 = arith.constant 0 : i32
        %dma_start3A_327 = arith.constant 0 : i32
        %dma_start3A_328 = tpu.memref_slice %arg13[%dma_start3A_326, %dma_start3A_327] : memref<512x32xf32, #tpu.memory_space<vmem>> -> memref<128x32xf32, #tpu.memory_space<vmem>>
        %dma_start3A_329 = arith.constant 0 : i32
        %dma_start3A_330 = tpu.memref_slice %arg9[%dma_start3A_325, %dma_start3A_329] : memref<4x128xi32, #tpu.memory_space<vmem>> -> memref<1x128xi32, #tpu.memory_space<vmem>>
        %dma_start3A_331 = tpu.memref_squeeze %dma_start3A_330 : memref<1x128xi32, #tpu.memory_space<vmem>> -> memref<128xi32, #tpu.memory_space<vmem>>
        %dma_start3A_332 = arith.constant 0 : i32
        %dma_start3A_333 = arith.constant 0 : i32
        %dma_start3A_334 = tpu.memref_slice %arg3[%dma_start3A_332, %dma_start3A_333] : memref<1000000x32xf32, #tpu.memory_space<hbm>> -> memref<1000000x32xf32, #tpu.memory_space<hbm>>
        tpu.enqueue_indirect_dma source(%dma_start3A_334 : memref<1000000x32xf32, #tpu.memory_space<hbm>>) target(%dma_start3A_328 : memref<128x32xf32, #tpu.memory_space<vmem>>) offsets(%dma_start3A_331 : memref<128xi32, #tpu.memory_space<vmem>>) semaphore(%arg15 : memref<!tpu.dma_semaphore, #tpu.memory_space<semaphore_mem>>)
        %dma_start3A_335 = arith.constant 1 : i32
        %dma_start3A_336 = arith.constant 128 : i32
        %dma_start3A_337 = arith.constant 0 : i32
        %dma_start3A_338 = tpu.memref_slice %arg12[%dma_start3A_336, %dma_start3A_337] : memref<512x32xf32, #tpu.memory_space<vmem>> -> memref<128x32xf32, #tpu.memory_space<vmem>>
        %dma_start3A_339 = arith.constant 0 : i32
        %dma_start3A_340 = tpu.memref_slice %arg8[%dma_start3A_335, %dma_start3A_339] : memref<4x128xi32, #tpu.memory_space<vmem>> -> memref<1x128xi32, #tpu.memory_space<vmem>>
        %dma_start3A_341 = tpu.memref_squeeze %dma_start3A_340 : memref<1x128xi32, #tpu.memory_space<vmem>> -> memref<128xi32, #tpu.memory_space<vmem>>
        %dma_start3A_342 = arith.constant 0 : i32
        %dma_start3A_343 = arith.constant 0 : i32
        %dma_start3A_344 = tpu.memref_slice %arg3[%dma_start3A_342, %dma_start3A_343] : memref<1000000x32xf32, #tpu.memory_space<hbm>> -> memref<1000000x32xf32, #tpu.memory_space<hbm>>
        tpu.enqueue_indirect_dma source(%dma_start3A_344 : memref<1000000x32xf32, #tpu.memory_space<hbm>>) target(%dma_start3A_338 : memref<128x32xf32, #tpu.memory_space<vmem>>) offsets(%dma_start3A_341 : memref<128xi32, #tpu.memory_space<vmem>>) semaphore(%arg15 : memref<!tpu.dma_semaphore, #tpu.memory_space<semaphore_mem>>)
        %dma_start3A_345 = arith.constant 1 : i32
        %dma_start3A_346 = arith.constant 128 : i32
        %dma_start3A_347 = arith.constant 0 : i32
        %dma_start3A_348 = tpu.memref_slice %arg13[%dma_start3A_346, %dma_start3A_347] : memref<512x32xf32, #tpu.memory_space<vmem>> -> memref<128x32xf32, #tpu.memory_space<vmem>>
        %dma_start3A_349 = arith.constant 0 : i32
        %dma_start3A_350 = tpu.memref_slice %arg9[%dma_start3A_345, %dma_start3A_349] : memref<4x128xi32, #tpu.memory_space<vmem>> -> memref<1x128xi32, #tpu.memory_space<vmem>>
        %dma_start3A_351 = tpu.memref_squeeze %dma_start3A_350 : memref<1x128xi32, #tpu.memory_space<vmem>> -> memref<128xi32, #tpu.memory_space<vmem>>
        %dma_start3A_352 = arith.constant 0 : i32
        %dma_start3A_353 = arith.constant 0 : i32
        %dma_start3A_354 = tpu.memref_slice %arg3[%dma_start3A_352, %dma_start3A_353] : memref<1000000x32xf32, #tpu.memory_space<hbm>> -> memref<1000000x32xf32, #tpu.memory_space<hbm>>
        tpu.enqueue_indirect_dma source(%dma_start3A_354 : memref<1000000x32xf32, #tpu.memory_space<hbm>>) target(%dma_start3A_348 : memref<128x32xf32, #tpu.memory_space<vmem>>) offsets(%dma_start3A_351 : memref<128xi32, #tpu.memory_space<vmem>>) semaphore(%arg15 : memref<!tpu.dma_semaphore, #tpu.memory_space<semaphore_mem>>)
        %dma_start3A_355 = arith.constant 2 : i32
        %dma_start3A_356 = arith.constant 256 : i32
        %dma_start3A_357 = arith.constant 0 : i32
        %dma_start3A_358 = tpu.memref_slice %arg12[%dma_start3A_356, %dma_start3A_357] : memref<512x32xf32, #tpu.memory_space<vmem>> -> memref<128x32xf32, #tpu.memory_space<vmem>>
        %dma_start3A_359 = arith.constant 0 : i32
        %dma_start3A_360 = tpu.memref_slice %arg8[%dma_start3A_355, %dma_start3A_359] : memref<4x128xi32, #tpu.memory_space<vmem>> -> memref<1x128xi32, #tpu.memory_space<vmem>>
        %dma_start3A_361 = tpu.memref_squeeze %dma_start3A_360 : memref<1x128xi32, #tpu.memory_space<vmem>> -> memref<128xi32, #tpu.memory_space<vmem>>
        %dma_start3A_362 = arith.constant 0 : i32
        %dma_start3A_363 = arith.constant 0 : i32
        %dma_start3A_364 = tpu.memref_slice %arg3[%dma_start3A_362, %dma_start3A_363] : memref<1000000x32xf32, #tpu.memory_space<hbm>> -> memref<1000000x32xf32, #tpu.memory_space<hbm>>
        tpu.enqueue_indirect_dma source(%dma_start3A_364 : memref<1000000x32xf32, #tpu.memory_space<hbm>>) target(%dma_start3A_358 : memref<128x32xf32, #tpu.memory_space<vmem>>) offsets(%dma_start3A_361 : memref<128xi32, #tpu.memory_space<vmem>>) semaphore(%arg15 : memref<!tpu.dma_semaphore, #tpu.memory_space<semaphore_mem>>)
        %dma_start3A_365 = arith.constant 2 : i32
        %dma_start3A_366 = arith.constant 256 : i32
        %dma_start3A_367 = arith.constant 0 : i32
        %dma_start3A_368 = tpu.memref_slice %arg13[%dma_start3A_366, %dma_start3A_367] : memref<512x32xf32, #tpu.memory_space<vmem>> -> memref<128x32xf32, #tpu.memory_space<vmem>>
        %dma_start3A_369 = arith.constant 0 : i32
        %dma_start3A_370 = tpu.memref_slice %arg9[%dma_start3A_365, %dma_start3A_369] : memref<4x128xi32, #tpu.memory_space<vmem>> -> memref<1x128xi32, #tpu.memory_space<vmem>>
        %dma_start3A_371 = tpu.memref_squeeze %dma_start3A_370 : memref<1x128xi32, #tpu.memory_space<vmem>> -> memref<128xi32, #tpu.memory_space<vmem>>
        %dma_start3A_372 = arith.constant 0 : i32
        %dma_start3A_373 = arith.constant 0 : i32
        %dma_start3A_374 = tpu.memref_slice %arg3[%dma_start3A_372, %dma_start3A_373] : memref<1000000x32xf32, #tpu.memory_space<hbm>> -> memref<1000000x32xf32, #tpu.memory_space<hbm>>
        tpu.enqueue_indirect_dma source(%dma_start3A_374 : memref<1000000x32xf32, #tpu.memory_space<hbm>>) target(%dma_start3A_368 : memref<128x32xf32, #tpu.memory_space<vmem>>) offsets(%dma_start3A_371 : memref<128xi32, #tpu.memory_space<vmem>>) semaphore(%arg15 : memref<!tpu.dma_semaphore, #tpu.memory_space<semaphore_mem>>)
        %dma_start3A_375 = arith.constant 3 : i32
        %dma_start3A_376 = arith.constant 384 : i32
        %dma_start3A_377 = arith.constant 0 : i32
        %dma_start3A_378 = tpu.memref_slice %arg12[%dma_start3A_376, %dma_start3A_377] : memref<512x32xf32, #tpu.memory_space<vmem>> -> memref<128x32xf32, #tpu.memory_space<vmem>>
        %dma_start3A_379 = arith.constant 0 : i32
        %dma_start3A_380 = tpu.memref_slice %arg8[%dma_start3A_375, %dma_start3A_379] : memref<4x128xi32, #tpu.memory_space<vmem>> -> memref<1x128xi32, #tpu.memory_space<vmem>>
        %dma_start3A_381 = tpu.memref_squeeze %dma_start3A_380 : memref<1x128xi32, #tpu.memory_space<vmem>> -> memref<128xi32, #tpu.memory_space<vmem>>
        %dma_start3A_382 = arith.constant 0 : i32
        %dma_start3A_383 = arith.constant 0 : i32
        %dma_start3A_384 = tpu.memref_slice %arg3[%dma_start3A_382, %dma_start3A_383] : memref<1000000x32xf32, #tpu.memory_space<hbm>> -> memref<1000000x32xf32, #tpu.memory_space<hbm>>
        tpu.enqueue_indirect_dma source(%dma_start3A_384 : memref<1000000x32xf32, #tpu.memory_space<hbm>>) target(%dma_start3A_378 : memref<128x32xf32, #tpu.memory_space<vmem>>) offsets(%dma_start3A_381 : memref<128xi32, #tpu.memory_space<vmem>>) semaphore(%arg15 : memref<!tpu.dma_semaphore, #tpu.memory_space<semaphore_mem>>)
        %dma_start3A_385 = arith.constant 3 : i32
        %dma_start3A_386 = arith.constant 384 : i32
        %dma_start3A_387 = arith.constant 0 : i32
        %dma_start3A_388 = tpu.memref_slice %arg13[%dma_start3A_386, %dma_start3A_387] : memref<512x32xf32, #tpu.memory_space<vmem>> -> memref<128x32xf32, #tpu.memory_space<vmem>>
        %dma_start3A_389 = arith.constant 0 : i32
        %dma_start3A_390 = tpu.memref_slice %arg9[%dma_start3A_385, %dma_start3A_389] : memref<4x128xi32, #tpu.memory_space<vmem>> -> memref<1x128xi32, #tpu.memory_space<vmem>>
        %dma_start3A_391 = tpu.memref_squeeze %dma_start3A_390 : memref<1x128xi32, #tpu.memory_space<vmem>> -> memref<128xi32, #tpu.memory_space<vmem>>
        %dma_start3A_392 = arith.constant 0 : i32
        %dma_start3A_393 = arith.constant 0 : i32
        %dma_start3A_394 = tpu.memref_slice %arg3[%dma_start3A_392, %dma_start3A_393] : memref<1000000x32xf32, #tpu.memory_space<hbm>> -> memref<1000000x32xf32, #tpu.memory_space<hbm>>
        tpu.enqueue_indirect_dma source(%dma_start3A_394 : memref<1000000x32xf32, #tpu.memory_space<hbm>>) target(%dma_start3A_388 : memref<128x32xf32, #tpu.memory_space<vmem>>) offsets(%dma_start3A_391 : memref<128xi32, #tpu.memory_space<vmem>>) semaphore(%arg15 : memref<!tpu.dma_semaphore, #tpu.memory_space<semaphore_mem>>)
      } else {
      }
      %dma_wait3A_269 = arith.constant 0 : i32
      %dma_wait3A_270 = arith.constant 0 : i32
      %dma_wait3A_271 = tpu.memref_slice %arg5[%dma_wait3A_269, %dma_wait3A_270] : memref<819200x32xf32, #tpu.memory_space<hbm>> -> memref<512x32xf32, #tpu.memory_space<hbm>>
      %dma_wait3A_272 = arith.constant 0 : i32
      %dma_wait3A_273 = arith.constant 0 : i32
      %dma_wait3A_274 = tpu.memref_slice %arg5[%dma_wait3A_272, %dma_wait3A_273] : memref<819200x32xf32, #tpu.memory_space<hbm>> -> memref<512x32xf32, #tpu.memory_space<hbm>>
      tpu.wait_dma2 semaphore(%arg25 : memref<!tpu.dma_semaphore, #tpu.memory_space<semaphore_mem>>) src(%dma_wait3A_274 : memref<512x32xf32, #tpu.memory_space<hbm>>) dst(%arg22 : memref<512x32xf32, #tpu.memory_space<vmem>>)
      %dma_wait3A_275 = arith.constant 0 : i32
      %dma_wait3A_276 = arith.constant 0 : i32
      %dma_wait3A_277 = tpu.memref_slice %arg5[%dma_wait3A_275, %dma_wait3A_276] : memref<819200x32xf32, #tpu.memory_space<hbm>> -> memref<512x32xf32, #tpu.memory_space<hbm>>
      %dma_wait3A_278 = arith.constant 0 : i32
      %dma_wait3A_279 = arith.constant 0 : i32
      %dma_wait3A_280 = tpu.memref_slice %arg5[%dma_wait3A_278, %dma_wait3A_279] : memref<819200x32xf32, #tpu.memory_space<hbm>> -> memref<512x32xf32, #tpu.memory_space<hbm>>
      tpu.wait_dma2 semaphore(%arg25 : memref<!tpu.dma_semaphore, #tpu.memory_space<semaphore_mem>>) src(%dma_wait3A_280 : memref<512x32xf32, #tpu.memory_space<hbm>>) dst(%arg23 : memref<512x32xf32, #tpu.memory_space<vmem>>)
      %gt3A_281 = arith.constant 0 : i32
      %gt3A_282 = arith.cmpi sgt, %scan3A_139, %gt3A_281 : i32
      %convert_element_type3A_283 = arith.extui %gt3A_282 : i1 to i32
      %cond3A_284 = arith.constant 0 : i32
      %cond3A_285 = arith.cmpi ne, %convert_element_type3A_283, %cond3A_284 : i32
      scf.if %cond3A_285 {
        %dma_wait3A_303 = arith.constant 0 : i32
        %dma_wait3A_304 = arith.constant 0 : i32
        %dma_wait3A_305 = tpu.memref_slice %arg5[%dma_wait3A_303, %dma_wait3A_304] : memref<819200x32xf32, #tpu.memory_space<hbm>> -> memref<512x32xf32, #tpu.memory_space<hbm>>
        %dma_wait3A_306 = arith.constant 0 : i32
        %dma_wait3A_307 = arith.constant 0 : i32
        %dma_wait3A_308 = tpu.memref_slice %arg5[%dma_wait3A_306, %dma_wait3A_307] : memref<819200x32xf32, #tpu.memory_space<hbm>> -> memref<512x32xf32, #tpu.memory_space<hbm>>
        tpu.wait_dma2 semaphore(%arg26 : memref<!tpu.dma_semaphore, #tpu.memory_space<semaphore_mem>>) src(%arg24 : memref<512x32xf32, #tpu.memory_space<vmem>>) dst(%dma_wait3A_308 : memref<512x32xf32, #tpu.memory_space<hbm>>)
      } else {
      }
      %add3A_286 = arith.constant 1 : i32
      %add3A_287 = arith.addi %mul3A_142, %add3A_286 : i32
      %scan3A_288 = arith.constant 0 : i32
      %scan3A_289 = arith.constant 0 : i32
      %scan3A_290 = arith.constant 128 : i32
      %scan3A_291 = arith.addi %scan3A_289, %scan3A_290 : i32
      %scan3A_292 = arith.constant 1 : i32
      %scan3A_293 = scf.for %scan3A_303 = %scan3A_289 to %scan3A_291 step %scan3A_292 iter_args(%scan3A_304 = %scan3A_288) -> (i32)  : i32 {
        %mul3A_305 = arith.constant 4 : i32
        %mul3A_306 = arith.muli %scan3A_303, %mul3A_305 : i32
        %add3A_307 = arith.constant 0 : i32
        %add3A_308 = arith.addi %mul3A_306, %add3A_307 : i32
        %broadcast_in_dim3A = vector.broadcast %add3A_308 : i32 to vector<16xi32>
        %gather3A = tpu.vector_load_idx %arg20[%broadcast_in_dim3A] : memref<512xf32, #tpu.memory_space<vmem>>[vector<16xi32>], vector<16xf32>,
        %gather3A_309 = tpu.vector_load_idx %arg21[%broadcast_in_dim3A] : memref<512xf32, #tpu.memory_space<vmem>>[vector<16xi32>], vector<16xf32>,
        %get3A_310 = arith.index_cast %add3A_308 : i32 to index
        %get3A_311 = arith.constant 0 : index
        %get3A_312 = tpu.vector_load %arg22[%get3A_310, %get3A_311] {strides = array<i32>} : memref<512x32xf32, #tpu.memory_space<vmem>>, vector<16xf32>,
        %mul3A_313 = arith.mulf %get3A_312, %gather3A : vector<16xf32>
        %get3A_314 = arith.index_cast %add3A_308 : i32 to index
        %get3A_315 = arith.constant 0 : index
        %get3A_316 = tpu.vector_load %arg23[%get3A_314, %get3A_315] {strides = array<i32>} : memref<512x32xf32, #tpu.memory_space<vmem>>, vector<16xf32>,
        %mul3A_317 = arith.mulf %get3A_316, %gather3A_309 : vector<16xf32>
        %add3A_318 = arith.addf %mul3A_313, %mul3A_317 : vector<16xf32>
        %swap3A = arith.index_cast %add3A_308 : i32 to index
        %swap3A_319 = arith.constant 0 : index
        %swap3A_320 = tpu.vector_load %arg24[%swap3A, %swap3A_319] {strides = array<i32>} : memref<512x32xf32, #tpu.memory_space<vmem>>, vector<16xf32>,
        tpu.vector_store %arg24[%swap3A, %swap3A_319], %add3A_318 {strides = array<i32>} : memref<512x32xf32, #tpu.memory_space<vmem>>, vector<16xf32>,
        %get3A_321 = arith.index_cast %add3A_308 : i32 to index
        %get3A_322 = arith.constant 16 : index
        %get3A_323 = tpu.vector_load %arg22[%get3A_321, %get3A_322] {strides = array<i32>} : memref<512x32xf32, #tpu.memory_space<vmem>>, vector<16xf32>,
        %mul3A_324 = arith.mulf %get3A_323, %gather3A : vector<16xf32>
        %get3A_325 = arith.index_cast %add3A_308 : i32 to index
        %get3A_326 = arith.constant 16 : index
        %get3A_327 = tpu.vector_load %arg23[%get3A_325, %get3A_326] {strides = array<i32>} : memref<512x32xf32, #tpu.memory_space<vmem>>, vector<16xf32>,
        %mul3A_328 = arith.mulf %get3A_327, %gather3A_309 : vector<16xf32>
        %add3A_329 = arith.addf %mul3A_324, %mul3A_328 : vector<16xf32>
        %swap3A_330 = arith.index_cast %add3A_308 : i32 to index
        %swap3A_331 = arith.constant 16 : index
        %swap3A_332 = tpu.vector_load %arg24[%swap3A_330, %swap3A_331] {strides = array<i32>} : memref<512x32xf32, #tpu.memory_space<vmem>>, vector<16xf32>,
        tpu.vector_store %arg24[%swap3A_330, %swap3A_331], %add3A_329 {strides = array<i32>} : memref<512x32xf32, #tpu.memory_space<vmem>>, vector<16xf32>,
        %mul3A_333 = arith.constant 4 : i32
        %mul3A_334 = arith.muli %scan3A_303, %mul3A_333 : i32
        %add3A_335 = arith.constant 1 : i32
        %add3A_336 = arith.addi %mul3A_334, %add3A_335 : i32
        %broadcast_in_dim3A_337 = vector.broadcast %add3A_336 : i32 to vector<16xi32>
        %gather3A_338 = tpu.vector_load_idx %arg20[%broadcast_in_dim3A_337] : memref<512xf32, #tpu.memory_space<vmem>>[vector<16xi32>], vector<16xf32>,
        %gather3A_339 = tpu.vector_load_idx %arg21[%broadcast_in_dim3A_337] : memref<512xf32, #tpu.memory_space<vmem>>[vector<16xi32>], vector<16xf32>,
        %get3A_340 = arith.index_cast %add3A_336 : i32 to index
        %get3A_341 = arith.constant 0 : index
        %get3A_342 = tpu.vector_load %arg22[%get3A_340, %get3A_341] {strides = array<i32>} : memref<512x32xf32, #tpu.memory_space<vmem>>, vector<16xf32>,
        %mul3A_343 = arith.mulf %get3A_342, %gather3A_338 : vector<16xf32>
        %get3A_344 = arith.index_cast %add3A_336 : i32 to index
        %get3A_345 = arith.constant 0 : index
        %get3A_346 = tpu.vector_load %arg23[%get3A_344, %get3A_345] {strides = array<i32>} : memref<512x32xf32, #tpu.memory_space<vmem>>, vector<16xf32>,
        %mul3A_347 = arith.mulf %get3A_346, %gather3A_339 : vector<16xf32>
        %add3A_348 = arith.addf %mul3A_343, %mul3A_347 : vector<16xf32>
        %swap3A_349 = arith.index_cast %add3A_336 : i32 to index
        %swap3A_350 = arith.constant 0 : index
        %swap3A_351 = tpu.vector_load %arg24[%swap3A_349, %swap3A_350] {strides = array<i32>} : memref<512x32xf32, #tpu.memory_space<vmem>>, vector<16xf32>,
        tpu.vector_store %arg24[%swap3A_349, %swap3A_350], %add3A_348 {strides = array<i32>} : memref<512x32xf32, #tpu.memory_space<vmem>>, vector<16xf32>,
        %get3A_352 = arith.index_cast %add3A_336 : i32 to index
        %get3A_353 = arith.constant 16 : index
        %get3A_354 = tpu.vector_load %arg22[%get3A_352, %get3A_353] {strides = array<i32>} : memref<512x32xf32, #tpu.memory_space<vmem>>, vector<16xf32>,
        %mul3A_355 = arith.mulf %get3A_354, %gather3A_338 : vector<16xf32>
        %get3A_356 = arith.index_cast %add3A_336 : i32 to index
        %get3A_357 = arith.constant 16 : index
        %get3A_358 = tpu.vector_load %arg23[%get3A_356, %get3A_357] {strides = array<i32>} : memref<512x32xf32, #tpu.memory_space<vmem>>, vector<16xf32>,
        %mul3A_359 = arith.mulf %get3A_358, %gather3A_339 : vector<16xf32>
        %add3A_360 = arith.addf %mul3A_355, %mul3A_359 : vector<16xf32>
        %swap3A_361 = arith.index_cast %add3A_336 : i32 to index
        %swap3A_362 = arith.constant 16 : index
        %swap3A_363 = tpu.vector_load %arg24[%swap3A_361, %swap3A_362] {strides = array<i32>} : memref<512x32xf32, #tpu.memory_space<vmem>>, vector<16xf32>,
        tpu.vector_store %arg24[%swap3A_361, %swap3A_362], %add3A_360 {strides = array<i32>} : memref<512x32xf32, #tpu.memory_space<vmem>>, vector<16xf32>,
        %mul3A_364 = arith.constant 4 : i32
        %mul3A_365 = arith.muli %scan3A_303, %mul3A_364 : i32
        %add3A_366 = arith.constant 2 : i32
        %add3A_367 = arith.addi %mul3A_365, %add3A_366 : i32
        %broadcast_in_dim3A_368 = vector.broadcast %add3A_367 : i32 to vector<16xi32>
        %gather3A_369 = tpu.vector_load_idx %arg20[%broadcast_in_dim3A_368] : memref<512xf32, #tpu.memory_space<vmem>>[vector<16xi32>], vector<16xf32>,
        %gather3A_370 = tpu.vector_load_idx %arg21[%broadcast_in_dim3A_368] : memref<512xf32, #tpu.memory_space<vmem>>[vector<16xi32>], vector<16xf32>,
        %get3A_371 = arith.index_cast %add3A_367 : i32 to index
        %get3A_372 = arith.constant 0 : index
        %get3A_373 = tpu.vector_load %arg22[%get3A_371, %get3A_372] {strides = array<i32>} : memref<512x32xf32, #tpu.memory_space<vmem>>, vector<16xf32>,
        %mul3A_374 = arith.mulf %get3A_373, %gather3A_369 : vector<16xf32>
        %get3A_375 = arith.index_cast %add3A_367 : i32 to index
        %get3A_376 = arith.constant 0 : index
        %get3A_377 = tpu.vector_load %arg23[%get3A_375, %get3A_376] {strides = array<i32>} : memref<512x32xf32, #tpu.memory_space<vmem>>, vector<16xf32>,
        %mul3A_378 = arith.mulf %get3A_377, %gather3A_370 : vector<16xf32>
        %add3A_379 = arith.addf %mul3A_374, %mul3A_378 : vector<16xf32>
        %swap3A_380 = arith.index_cast %add3A_367 : i32 to index
        %swap3A_381 = arith.constant 0 : index
        %swap3A_382 = tpu.vector_load %arg24[%swap3A_380, %swap3A_381] {strides = array<i32>} : memref<512x32xf32, #tpu.memory_space<vmem>>, vector<16xf32>,
        tpu.vector_store %arg24[%swap3A_380, %swap3A_381], %add3A_379 {strides = array<i32>} : memref<512x32xf32, #tpu.memory_space<vmem>>, vector<16xf32>,
        %get3A_383 = arith.index_cast %add3A_367 : i32 to index
        %get3A_384 = arith.constant 16 : index
        %get3A_385 = tpu.vector_load %arg22[%get3A_383, %get3A_384] {strides = array<i32>} : memref<512x32xf32, #tpu.memory_space<vmem>>, vector<16xf32>,
        %mul3A_386 = arith.mulf %get3A_385, %gather3A_369 : vector<16xf32>
        %get3A_387 = arith.index_cast %add3A_367 : i32 to index
        %get3A_388 = arith.constant 16 : index
        %get3A_389 = tpu.vector_load %arg23[%get3A_387, %get3A_388] {strides = array<i32>} : memref<512x32xf32, #tpu.memory_space<vmem>>, vector<16xf32>,
        %mul3A_390 = arith.mulf %get3A_389, %gather3A_370 : vector<16xf32>
        %add3A_391 = arith.addf %mul3A_386, %mul3A_390 : vector<16xf32>
        %swap3A_392 = arith.index_cast %add3A_367 : i32 to index
        %swap3A_393 = arith.constant 16 : index
        %swap3A_394 = tpu.vector_load %arg24[%swap3A_392, %swap3A_393] {strides = array<i32>} : memref<512x32xf32, #tpu.memory_space<vmem>>, vector<16xf32>,
        tpu.vector_store %arg24[%swap3A_392, %swap3A_393], %add3A_391 {strides = array<i32>} : memref<512x32xf32, #tpu.memory_space<vmem>>, vector<16xf32>,
        %mul3A_395 = arith.constant 4 : i32
        %mul3A_396 = arith.muli %scan3A_303, %mul3A_395 : i32
        %add3A_397 = arith.constant 3 : i32
        %add3A_398 = arith.addi %mul3A_396, %add3A_397 : i32
        %broadcast_in_dim3A_399 = vector.broadcast %add3A_398 : i32 to vector<16xi32>
        %gather3A_400 = tpu.vector_load_idx %arg20[%broadcast_in_dim3A_399] : memref<512xf32, #tpu.memory_space<vmem>>[vector<16xi32>], vector<16xf32>,
        %gather3A_401 = tpu.vector_load_idx %arg21[%broadcast_in_dim3A_399] : memref<512xf32, #tpu.memory_space<vmem>>[vector<16xi32>], vector<16xf32>,
        %get3A_402 = arith.index_cast %add3A_398 : i32 to index
        %get3A_403 = arith.constant 0 : index
        %get3A_404 = tpu.vector_load %arg22[%get3A_402, %get3A_403] {strides = array<i32>} : memref<512x32xf32, #tpu.memory_space<vmem>>, vector<16xf32>,
        %mul3A_405 = arith.mulf %get3A_404, %gather3A_400 : vector<16xf32>
        %get3A_406 = arith.index_cast %add3A_398 : i32 to index
        %get3A_407 = arith.constant 0 : index
        %get3A_408 = tpu.vector_load %arg23[%get3A_406, %get3A_407] {strides = array<i32>} : memref<512x32xf32, #tpu.memory_space<vmem>>, vector<16xf32>,
        %mul3A_409 = arith.mulf %get3A_408, %gather3A_401 : vector<16xf32>
        %add3A_410 = arith.addf %mul3A_405, %mul3A_409 : vector<16xf32>
        %swap3A_411 = arith.index_cast %add3A_398 : i32 to index
        %swap3A_412 = arith.constant 0 : index
        %swap3A_413 = tpu.vector_load %arg24[%swap3A_411, %swap3A_412] {strides = array<i32>} : memref<512x32xf32, #tpu.memory_space<vmem>>, vector<16xf32>,
        tpu.vector_store %arg24[%swap3A_411, %swap3A_412], %add3A_410 {strides = array<i32>} : memref<512x32xf32, #tpu.memory_space<vmem>>, vector<16xf32>,
        %get3A_414 = arith.index_cast %add3A_398 : i32 to index
        %get3A_415 = arith.constant 16 : index
        %get3A_416 = tpu.vector_load %arg22[%get3A_414, %get3A_415] {strides = array<i32>} : memref<512x32xf32, #tpu.memory_space<vmem>>, vector<16xf32>,
        %mul3A_417 = arith.mulf %get3A_416, %gather3A_400 : vector<16xf32>
        %get3A_418 = arith.index_cast %add3A_398 : i32 to index
        %get3A_419 = arith.constant 16 : index
        %get3A_420 = tpu.vector_load %arg23[%get3A_418, %get3A_419] {strides = array<i32>} : memref<512x32xf32, #tpu.memory_space<vmem>>, vector<16xf32>,
        %mul3A_421 = arith.mulf %get3A_420, %gather3A_401 : vector<16xf32>
        %add3A_422 = arith.addf %mul3A_417, %mul3A_421 : vector<16xf32>
        %swap3A_423 = arith.index_cast %add3A_398 : i32 to index
        %swap3A_424 = arith.constant 16 : index
        %swap3A_425 = tpu.vector_load %arg24[%swap3A_423, %swap3A_424] {strides = array<i32>} : memref<512x32xf32, #tpu.memory_space<vmem>>, vector<16xf32>,
        tpu.vector_store %arg24[%swap3A_423, %swap3A_424], %add3A_422 {strides = array<i32>} : memref<512x32xf32, #tpu.memory_space<vmem>>, vector<16xf32>,
        %scan3A_426 = arith.constant 0 : i32
        scf.yield %scan3A_426 : i32
      }
      %scan3A_294 = arith.constant 128 : i32
      %mul3A_295 = arith.constant 512 : i32
      %mul3A_296 = arith.muli %add3A_287, %mul3A_295 : i32
      %add3A_297 = arith.addi %mul3A_2, %mul3A_296 : i32
      %dma_start3A_298 = arith.constant 0 : i32
      %dma_start3A_299 = tpu.memref_slice %arg5[%add3A_297, %dma_start3A_298] : memref<819200x32xf32, #tpu.memory_space<hbm>> -> memref<512x32xf32, #tpu.memory_space<hbm>>
      %dma_start3A_300 = arith.constant 0 : i32
      %dma_start3A_301 = tpu.memref_slice %arg5[%add3A_297, %dma_start3A_300] : memref<819200x32xf32, #tpu.memory_space<hbm>> -> memref<512x32xf32, #tpu.memory_space<hbm>>
      tpu.enqueue_dma source(%arg24 : memref<512x32xf32, #tpu.memory_space<vmem>>) target(%dma_start3A_301 : memref<512x32xf32, #tpu.memory_space<hbm>>) target_semaphore(%arg26 : memref<!tpu.dma_semaphore, #tpu.memory_space<semaphore_mem>>)
      %scan3A_302 = arith.constant 0 : i32
      scf.yield %scan3A_302 : i32
    }
    %scan3A_127 = arith.constant 25 : i32
    %dma_wait3A = arith.constant 0 : i32
    %dma_wait3A_128 = arith.constant 0 : i32
    %dma_wait3A_129 = tpu.memref_slice %arg5[%dma_wait3A, %dma_wait3A_128] : memref<819200x32xf32, #tpu.memory_space<hbm>> -> memref<512x32xf32, #tpu.memory_space<hbm>>
    %dma_wait3A_130 = arith.constant 0 : i32
    %dma_wait3A_131 = arith.constant 0 : i32
    %dma_wait3A_132 = tpu.memref_slice %arg5[%dma_wait3A_130, %dma_wait3A_131] : memref<819200x32xf32, #tpu.memory_space<hbm>> -> memref<512x32xf32, #tpu.memory_space<hbm>>
    tpu.wait_dma2 semaphore(%arg16 : memref<!tpu.dma_semaphore, #tpu.memory_space<semaphore_mem>>) src(%arg14 : memref<512x32xf32, #tpu.memory_space<vmem>>) dst(%dma_wait3A_132 : memref<512x32xf32, #tpu.memory_space<hbm>>)
    %dma_wait3A_133 = arith.constant 0 : i32
    %dma_wait3A_134 = arith.constant 0 : i32
    %dma_wait3A_135 = tpu.memref_slice %arg5[%dma_wait3A_133, %dma_wait3A_134] : memref<819200x32xf32, #tpu.memory_space<hbm>> -> memref<512x32xf32, #tpu.memory_space<hbm>>
    %dma_wait3A_136 = arith.constant 0 : i32
    %dma_wait3A_137 = arith.constant 0 : i32
    %dma_wait3A_138 = tpu.memref_slice %arg5[%dma_wait3A_136, %dma_wait3A_137] : memref<819200x32xf32, #tpu.memory_space<hbm>> -> memref<512x32xf32, #tpu.memory_space<hbm>>
    tpu.wait_dma2 semaphore(%arg26 : memref<!tpu.dma_semaphore, #tpu.memory_space<semaphore_mem>>) src(%arg24 : memref<512x32xf32, #tpu.memory_space<vmem>>) dst(%dma_wait3A_138 : memref<512x32xf32, #tpu.memory_space<hbm>>)
    return
  }
}

</mosaic_0001>

<sc_bundles>
// kernel: kernel.3.cloned.1.call-start
scs
__scs_entry_jumppad:
0x0: {  	(pc) =	sbr.rel $0x88, $3  }
0x1: {  	(tag) =	ssettag $0x0;
	lr =	simm.s32 $0x1  }
0x2: {  	[smem:$0x3F9B] =	sst lr;
	_ =	strace $0xD0000000  }
0x3: {  	_ = 	snop  }
0x4: {  	_ = 	snop  }
0x5: {  	_ = 	snop  }
0x6: {  	_ = 	snop  }
0x7: {  	_ = 	snop  }
__scs_overlays_trampoline_lowered:
0x8: {  	[smem:$0x3FAA] =	sst s0  }
0x9: {  	[smem:$0x3FAB] =	sst s1  }
0xa: {  	[smem:$0x3FAC] =	sst s2  }
0xb: {  	[smem:$0x3FAD] =	sst s3  }
0xc: {  	[smem:$0x3FAE] =	sst s4  }
0xd: {  	[smem:$0x3FAF] =	sst s5  }
0xe: {  	[smem:$0x3FB0] =	sst s6  }
0xf: {  	[smem:$0x3FB1] =	sst s7  }
0x10: {  	[smem:$0x3FB2] =	sst s8  }
0x11: {  	[smem:$0x3FB3] =	sst s9;
	s0 =	simm.s32 @!p0 $0x0  }
0x12: {  	s1 =	sld [smem:$0x3F99];
	s0 =	simm.s32 @p0 $0x1  }
0x13: {  	[smem:$0x3FB4] =	sst s0;
	s0 =	simm.s32 @!p1 $0x0  }
0x14: {  	s2 =	sld [smem:$0x3F98];
	s0 =	simm.s32 @p1 $0x1  }
0x15: {  	[smem:$0x3FB5] =	sst s0;
	s0 =	simm.s32 @!p2 $0x0  }
0x16: {  	s3 =	sld [smem:$0x3FDB];
	s0 =	simm.s32 @p2 $0x1  }
0x17: {  	s4 =	simm.s32 $0x1BF5;
	[smem:$0x3FB7] =	sst s0  }
0x18: {  	s0 =	sld [smem:$0x3F9A];
	_ =	swait.ge [sflag:s4], $0x0  }
0x19: {  	s7 =	sld [smem:$0x3F9B]  }
0x1a: {  	s8 =	sadd.s32 $0xFFFFE003, lr  }
0x1b: {  	s9 =	sadd.s32 $0xFFFFFEF7, lr;
	s5 =	simm.s32 $0xFFFFFFFF;
	p2 =	slt.u32 s8, $0xFFFFF086  }
0x1c: {  	p1 =	slt.u32 s9, $0xF7A;
	s5 =	simm.s32 @!p2 $0x0  }
0x1d: {  	s5 =	simm.s32 @p1 $0x1;
	p0 =	seq.s32 s7, s2  }
0x1e: {  	s7 =	smul.u32 @!p0 $0xF7A, s2;
	p2 =	seq.s32 @!p0 s5, $0x0  }
0x1f: {  	s9 =	smul.u32 $0xF7A, s1;
	s8 =	simm.s32 @!p0 $0x1BF5;
	p2 =	por !p2, p0  }
0x20: {  	[sflag:s8] =	ssyncset.s32 @!p0 $0xFFFFF086;
	s6 =	sadd.s32 @!p0 s3, s7;
	s7 =	simm.s32 @!p0 $0x108  }
0x21: {  	s3 =	sadd.s32 s3, s9;
	s6 =	sadd.s32 @!p0 $0x88, s6;
	s7 =	simm.s32 @p2 $0x1082  }
0x22: {  	[simem:s7], [sflag:s8] =	dma.local @!p0 [hbm:s6], $0xF7A  }
0x23: {  	s9 =	sor.u32 $0xD0000000, s2;
	s6 =	simm.s32 $0x108;
	_ =	swait.ge @!p0 [sflag:s8], $0x0  }
0x24: {  	s3 =	sadd.s32 $0x88, s3;
	s6 =	simm.s32 @!p1 $0x1082;
	[sflag:s4] =	ssyncset.s32 $0xFFFFF086  }
0x25: {  	[simem:s6], [sflag:s4] =	dma.local [hbm:s3], $0xF7A  }
0x26: {  	[smem:$0x3F9B] =	sst s1;
	(tag) =	ssettag s2;
	_ =	strace s9  }
0x27: {  	s1 =	sld [smem:$0x3FAB]  }
0x28: {  	s2 =	sld [smem:$0x3FAC]  }
0x29: {  	s4 =	sld [smem:$0x3FAE]  }
0x2a: {  	p0 =	seq.s32 s5, $0x0;
	s5 =	sld [smem:$0x3FAF]  }
0x2b: {  	s6 =	sld [smem:$0x3FB0]  }
0x2c: {  	s7 =	sld [smem:$0x3FB1]  }
0x2d: {  	s3 =	simm.s32 $0x108;
	s8 =	sld [smem:$0x3FB2]  }
0x2e: {  	s3 =	simm.s32 @!p0 $0x1082;
	s9 =	sld [smem:$0x3FB3]  }
0x2f: {  	lr =	sadd.s32 s0, s3;
	s0 =	sld [smem:$0x3FAA]  }
0x30: {  	s3 =	sld [smem:$0x3FAD]  }
0x31: {  	[smem:$0x3FB6] =	sst s10  }
0x32: {  	s10 =	sld [smem:$0x3FB4];
	_ =	sdelay $0x3  }
0x33: {  	p0 =	seq.s32 s10, $0x1;
	s10 =	sld [smem:$0x3FB6];
	_ =	sdelay $0x3  }
0x34: {  	[smem:$0x3FB6] =	sst s10  }
0x35: {  	s10 =	sld [smem:$0x3FB5];
	_ =	sdelay $0x3  }
0x36: {  	p1 =	seq.s32 s10, $0x1;
	s10 =	sld [smem:$0x3FB6];
	_ =	sdelay $0x3  }
0x37: {  	[smem:$0x3FB6] =	sst s10  }
0x38: {  	s10 =	sld [smem:$0x3FB7]  }
0x39: {  	_ = 	snop;
	(pc) =	sbr.ind lr, $3  }
0x3a: {  	_ = 	snop  }
0x3b: {  	_ = 	snop  }
0x3c: {  	p2 =	seq.s32 s10, $0x1;
	s10 =	sld [smem:$0x3FB6]  }
0x3d: {  	_ =	shalt  }
0x3e: {  	_ =	shalt  }
0x3f: {  	_ =	shalt  }
0x40: {  	_ =	shalt  }
0x41: {  	_ =	shalt  }
0x42: {  	_ =	shalt  }
0x43: {  	_ =	shalt  }
0x44: {  	_ =	shalt  }
0x45: {  	_ =	shalt  }
0x46: {  	_ =	shalt  }
0x47: {  	_ =	shalt  }
0x48: {  	_ =	shalt  }
0x49: {  	_ =	shalt  }
0x4a: {  	_ =	shalt  }
0x4b: {  	_ =	shalt  }
0x4c: {  	_ =	shalt  }
0x4d: {  	_ =	shalt  }
0x4e: {  	_ =	shalt  }
0x4f: {  	_ =	shalt  }
0x50: {  	_ =	shalt  }
0x51: {  	_ =	shalt  }
0x52: {  	_ =	shalt  }
0x53: {  	_ =	shalt  }
0x54: {  	_ =	shalt  }
0x55: {  	_ =	shalt  }
0x56: {  	_ =	shalt  }
0x57: {  	_ =	shalt  }
0x58: {  	_ =	shalt  }
0x59: {  	_ =	shalt  }
0x5a: {  	_ =	shalt  }
0x5b: {  	_ =	shalt  }
0x5c: {  	_ =	shalt  }
0x5d: {  	_ =	shalt  }
0x5e: {  	_ =	shalt  }
0x5f: {  	_ =	shalt  }
0x60: {  	_ =	shalt  }
0x61: {  	_ =	shalt  }
0x62: {  	_ =	shalt  }
0x63: {  	_ =	shalt  }
0x64: {  	_ =	shalt  }
0x65: {  	_ =	shalt  }
0x66: {  	_ =	shalt  }
0x67: {  	_ =	shalt  }
0x68: {  	_ =	shalt  }
0x69: {  	_ =	shalt  }
0x6a: {  	_ =	shalt  }
0x6b: {  	_ =	shalt  }
0x6c: {  	_ =	shalt  }
0x6d: {  	_ =	shalt  }
0x6e: {  	_ =	shalt  }
0x6f: {  	_ =	shalt  }
0x70: {  	_ =	shalt  }
0x71: {  	_ =	shalt  }
0x72: {  	_ =	shalt  }
0x73: {  	_ =	shalt  }
0x74: {  	_ =	shalt  }
0x75: {  	_ =	shalt  }
0x76: {  	_ =	shalt  }
0x77: {  	_ =	shalt  }
0x78: {  	_ =	shalt  }
0x79: {  	_ =	shalt  }
0x7a: {  	_ =	shalt  }
0x7b: {  	_ =	shalt  }
0x7c: {  	_ =	shalt  }
0x7d: {  	_ =	shalt  }
0x7e: {  	_ =	shalt  }
0x7f: {  	_ =	shalt  }
0x80: {  	_ =	shalt  }
0x81: {  	_ =	shalt  }
0x82: {  	_ =	shalt  }
0x83: {  	_ =	shalt  }
0x84: {  	_ =	shalt  }
0x85: {  	_ =	shalt  }
0x86: {  	_ =	shalt  }
0x87: {  	_ =	shalt  }
.Lfunc_end0:
.L_simem_size_0:
called_computation.1_lowered:
.L_overlay_start_0:
0x88: {  	s2 =	sld [smem:$0x3FD9]  }
0x89: {  	s3 =	sld [smem:$0x3FFE];
	_ =	sdelay $0x1  }
0x8a: {  	s1 =	srdreg.scid  }
0x8b: {  	s0 =	sand.u32 $0x1, s1  }
0x8c: {  	s17 =	sshll.u32 s0, $0xA;
	s2 =	sadd.s32 s3, s2  }
0x8d: {  	s2 =	sadd.s32 s2, s17  }
0x8e: {  	[smem:$0x3FC2] =	sst s2  }
0x8f: {  	_ = 	snop  }
0x90: {  	s2 =	sld [smem:$0x3FD0];
	(tm) =	ssettm $0x1  }
0x91: {  	s18 =	sld [smem:$0x3FFB];
	_ =	sdelay $0x3  }
0x92: {  	_ =	strace s18  }
0x93: {  	s3 =	sld [smem:$0x3FFC];
	_ =	sdelay $0x3  }
0x94: {  	_ =	strace s3  }
0x95: {  	s3 =	sld [smem:$0x3FFD];
	_ =	sdelay $0x3  }
0x96: {  	_ =	strace s3  }
0x97: {  	_ =	strace $0x8FFFFFFF  }
0x98: {  	s19 =	sld [smem:$0x3FDB];
	_ =	sdelay $0x1  }
0x99: {  	s4 =	simm.s32 $_scs_section_size  }
0x9a: {  	s5 =	simm.s32 $_size__tile_overlayer_lowered;
	s6 =	simm.s32 $_tile_overlayer_lowered  }
0x9b: {  	s22 =	simm.s32 $0x1BFF;
	s21 =	sshll.u32 s6, $0x1;
	s3 =	sadd.s32 s4, s19  }
0x9c: {  	s7 =	simm.s32 $0x0;
	s20 =	sshll.u32 s5, $0x1;
	s5 =	sadd.s32 s21, s3  }
0x9d: {  	[timem:s7], [sflag:s22] =	dma.local [hbm:s5], s20  }
0x9e: {  	_ =	swait.ge [sflag:s22], s20  }
0x9f: {  	s4 =	ssub.s32 $0x0, s20;
	[sflag:s22] =	ssyncset.done $0x0  }
0xa0: {  	[sflag:s22] =	ssyncadd.s32 s4;
	_ =	sdelay $0x1  }
0xa1: {  	s23 =	simm.s32 $0x1B8B  }
0xa2: {  	_ =	swait.ge [sflag:s23], $0x1  }
0xa3: {  	[sflag:s23] =	ssyncset.done $0x0  }
0xa4: {  	s25 =	simm.s32 $0x1B8E;
	s24 =	sld [smem:$0x3FFE];
	[sflag:s23] =	ssyncadd.s32 $0xFFFFFFFF  }
0xa5: {  	s26 =	simm.s32 $execute0_lowered;
	[smem:$0x3FD2] =	sst s25  }
0xa6: {  	s5 =	sshll.u32 s26, $0x1;
	_ =	strace $0x80000046;
	[dreg:$0x1] =	wrdreg $0xFFFFFFFF  }
0xa7: {  	s28 =	simm.s32 $_size_execute0_lowered;
	s3 =	sadd.s32 s3, s5;
	[dreg:$0x0] =	wrdreg $0x0  }
0xa8: {  	s5 =	sshll.u32 s28, $0x1;
	[dreg:$0x2] =	wrdreg s3  }
0xa9: {  	[dreg:$0x3] =	wrdreg s5  }
0xaa: {  	[dreg:$0x4] =	wrdreg $0xC0  }
0xab: {  	_ =	task [dreg:s7], $0x5FFFF  }
0xac: {  	[dreg:$0x1] =	wrdreg $0xFFFFFFFF  }
0xad: {  	[dreg:$0x0] =	wrdreg $0x60  }
0xae: {  	[dreg:$0x2] =	wrdreg s24  }
0xaf: {  	[dreg:$0x3] =	wrdreg s2  }
0xb0: {  	[dreg:$0x4] =	wrdreg $0x9  }
0xb1: {  	_ =	task.clear_ibuf [dreg:s7], $0x5FFFF;
	_ =	strace $0x90000046  }
0xb2: {  	s29 =	simm.s32 $0x9;
	_ =	strace $0x80000048  }
0xb3: {  	_ =	swait.ge [sflag:s29], $0x1  }
0xb4: {  	[sflag:s29] =	ssyncadd.s32 $0xFFFFFFFF  }
0xb5: {  	_ =	strace $0x90000048  }
0xb6: {  	_ =	sfence  }
0xb7: {  	s30 =	sld [smem:$0x0];
	_ =	sdelay $0x2  }
0xb8: {  	s31 =	sshll.u32 s1, $0xD;
	s1 =	sshrl.u32 s1, $0x2  }
0xb9: {  	s3 =	sand.u32 $0x4000, s31;
	s1 =	sadd.s32 s1, s30  }
0xba: {  	s0 =	sor.u32 s3, s0;
	s1 =	sshll.u32 s1, $0x11  }
0xbb: {  	s0 =	sor.u32 s1, s0  }
0xbc: {  	s0 =	sadd.s32 $0x8F2B, s0  }
0xbd: {  	[sflag:s0] =	ssyncadd.remote.s32 $0x1  }
0xbe: {  	_ =	sfence.sel $0xFFFF  }
0xbf: {  	[dreg:$0x0] =	wrdreg $0xFFFFFFFF;
	(pc) =	sbr.abs _section_cstart, $3  }
0xc0: {  	[dreg:$0x1] =	wrdreg $0xFFFFFFFF  }
0xc1: {  	_ =	task.clear_ibuf [dreg:s7], $0x2FFFF;
	_ =	strace $0x9FFFFFFF  }
0xc2: {  	(tm) =	ssettm $0x7FFFFFFF  }
0xc3: {  	_ =	shalt  }
tec
execute0_lowered:
.L_overlay_start_1:
0x0: {  	(tag) =	ssettag $0x1  }
0x1: {  	s0 =	rddreg [dreg:$0x0]  }
0x2: {  	s1 =	srdreg.scid;
	s2 =	stileid.u32;
	s3 =	simm.s32 $0x0  }
0x3: {  	s1 =	sand.u32 $0x1, s1;
	s2 =	sshll.u32 s2, $0x1;
	[smem:$0x7FF] =	sst s3  }
0x4: {  	s5 =	sadd.s32 $0x1000, s0;
	s25 =	sadd.s32 $0xF43400, s0;
	s0 =	sadd.s32 $0xE00, s0  }
0x5: {  	s2 =	sor.u32 s1, s2;
	_ =	strace $0x80000047;
	[smem:$0x7F6] =	sst s25  }
0x6: {  	[smem:$0x7F7] =	sst s0;
	s30 =	smul.u32 $0xC8000, s2  }
0x7: {  	v0 =	vimm.s32 $0xECA86420;
	s1 =	ssub.s32 $0x2, s1;
	[smem:$0x7F8] =	sst s5;
	s4 =	smul.u32 $0x6400, s2  }
0x8: {  	vm0 =	vcmask $0xB08;
	vm1 =	vcmask $0x1310;
	vm2 =	vcmask $0x1B18;
	s26 =	sshrl.u32 s1, $0x1;
	[smem:$0x7FA] =	sst s30  }
0x9: {  	vm3 =	vcmask $0x2B28;
	v1 =	vlaneseq.u32;
	vm8 =	vmmov $0xff;
	s28 =	ssub.s32 s1, s26;
	[smem:$0x7FB] =	sst s4;
	s31 =	sadd.s32 $0x400, s4  }
0xa: {  	vm12 =	vcmask $0xF0C;
	vm13 =	vcmask $0x1714;
	v0 =	vunpack.c.l.s4.s8 v0;
	s29 =	sshrl.u32 s4, $0x3;
	s0 =	smax.u32 s28, $0x1;
	[smem:$0x7FC] =	sst s31  }
0xb: {  	vm14 =	vcmask $0x1F1C;
	vm15 =	vcmask $0x2724;
	v2 =	vimm.f32 $5.000000000e-01;
	s1 =	sadd.s32 s5, s29;
	[smem:$0x7FD] =	sst s0  }
0xc: {  	vm4 =	vcmask $0x300;
	v1 =	vmul.u32 $0x2, v1;
	v0 =	vunpack.c.0.s8.s32 v0;
	s2 =	simm.s32 $0x0;
	[smem:$0x7F9] =	sst s1  }
.LBB2_1:
0xd: {  	s1 =	sld [smem:$0x7F7];
	_ =	sdelay $0x1  }
0xe: {  	[smem:$0x7F5] =	sst s2;
	s0 =	simm.s32 $0x0;
	s22 =	simm.s32 $0x5  }
0xf: {  	[tilespmem:s0], [sflag:$0x5] =	stream.linear.gather [hbm4b:s1+s0], $0x100, $0x38;
	[tilespmem:$0x19500] =	vst v63  }
0x10: {  	_ =	swait.ge [sflag:s22], $0x100  }
0x11: {  	[sflag:s22] =	ssyncset.done $0x0  }
0x12: {  	[sflag:s22] =	ssyncadd.s32 $0xFFFFFF00  }
0x13: {  	v3 =	vld [tilespmem:$0x0]  }
0x14: {  	v4 =	vld [tilespmem:$0x10]  }
0x15: {  	v5 =	vld [tilespmem:$0x20]  }
0x16: {  	v6 =	vld [tilespmem:$0x30]  }
0x17: {  	s23 =	sld [smem:$0x7F9];
	v7 =	vld [tilespmem:$0x40]  }
0x18: {  	v8 =	vld [tilespmem:$0x50]  }
0x19: {  	s3 =	simm.s32 $0x100;
	v9 =	vld [tilespmem:$0x60]  }
0x1a: {  	v10 =	vld [tilespmem:$0x70];
	[tilespmem:s3], [sflag:$0x5] =	stream.linear.gather [hbm4b:s23+s0], $0x200, $0x38  }
0x1b: {  	_ =	swait.ge [sflag:s22], $0x200  }
0x1c: {  	[sflag:s22] =	ssyncset.done $0x0  }
0x1d: {  	s24 =	simm.s32 $0x0;
	[sflag:s22] =	ssyncadd.s32 $0xFFFFFE00  }
0x1e: {  	v12 =	vld [tilespmem:s24+$0x100];
	_ =	sdelay $0x4  }
0x1f: {  	v11 =	vmul.u32 v5, v12;
	_ =	sdelay $0x1  }
0x20: {  	v13 =	vadd.s32 v6, v11  }
0x21: {  	(v2sf) =	vpush v13, $0xF  }
0x22: {  	(v2sf) =	vpush v13, $0xB;
	_ =	sdelay $0x1  }
0x23: {  	(v2sf) =	vpush v13, $0x6;
	_ =	sdelay $0x1  }
0x24: {  	(v2sf) =	vpush v13, $0xE  }
0x25: {  	(v2sf) =	vpush v13, $0xA;
	_ =	sdelay $0x1  }
0x26: {  	(v2sf) =	vpush v13, $0xD;
	_ =	sdelay $0x1  }
0x27: {  	(v2sf) =	vpush v13, $0x9;
	_ =	sdelay $0x1  }
0x28: {  	(v2sf) =	vpush v13, $0x5;
	_ =	sdelay $0x1  }
0x29: {  	(v2sf) =	vpush v13, $0xC  }
0x2a: {  	(v2sf) =	vpush v13, $0x8;
	s25 =	spop (v2sf)  }
0x2b: {  	s26 =	smulhi.u32 $0x431BDE83, s25;
	s4 =	spop (v2sf)  }
0x2c: {  	s1 =	sshra.s32 s25, $0x1F;
	s5 =	smulhi.u32 $0x431BDE83, s4  }
0x2d: {  	(v2sf) =	vpush v13, $0x4;
	s6 =	spop (v2sf);
	s1 =	smul.u32 $0x431BDE83, s1  }
0x2e: {  	(v2sf) =	vpush v13, $0x3;
	s4 =	sshra.s32 s4, $0x1F;
	s0 =	smulhi.u32 $0x431BDE83, s6  }
0x2f: {  	s7 =	spop (v2sf);
	s4 =	smul.u32 $0x431BDE83, s4  }
0x30: {  	s9 =	smulhi.u32 $0x431BDE83, s7;
	s8 =	spop (v2sf)  }
0x31: {  	s7 =	sshra.s32 s7, $0x1F;
	s10 =	smulhi.u32 $0x431BDE83, s8  }
0x32: {  	s11 =	spop (v2sf);
	s7 =	smul.u32 $0x431BDE83, s7  }
0x33: {  	(v2sf) =	vpush v13, $0x2;
	s8 =	sshra.s32 s8, $0x1F;
	s12 =	smulhi.u32 $0x431BDE83, s11  }
0x34: {  	s13 =	spop (v2sf);
	s24 =	smul.u32 $0x431BDE83, s8  }
0x35: {  	(v2sf) =	vpush v13, $0x1;
	s11 =	sshra.s32 s11, $0x1F;
	s14 =	smulhi.u32 $0x431BDE83, s13  }
0x36: {  	s15 =	spop (v2sf);
	s11 =	smul.u32 $0x431BDE83, s11  }
0x37: {  	(v2sf) =	vpush v13, $0x0;
	s28 =	sshra.s32 s13, $0x1F;
	s16 =	smulhi.u32 $0x431BDE83, s15  }
0x38: {  	s1 =	sadd.s32 s1, s26;
	s17 =	spop (v2sf);
	s26 =	smul.u32 $0x431BDE83, s28  }
0x39: {  	(v2sf) =	vpush v13, $0x7;
	s18 =	smulhi.u32 $0x431BDE83, s17;
	s19 =	spop (v2sf)  }
0x3a: {  	v11 =	vmul.u32 v3, v12;
	s8 =	sadd.s32 s4, s5;
	s4 =	sshra.s32 s17, $0x1F;
	s20 =	smulhi.u32 $0x431BDE83, s19  }
0x3b: {  	s5 =	sadd.s32 s11, s12;
	s17 =	sshra.s32 s15, $0x1F;
	s11 =	smul.u32 $0x431BDE83, s4  }
0x3c: {  	v11 =	vadd.s32 v4, v11;
	s21 =	spop (v2sf);
	s4 =	sadd.s32 s7, s9;
	s7 =	smul.u32 $0x431BDE83, s17  }
0x3d: {  	s22 =	smulhi.u32 $0x431BDE83, s21;
	s23 =	spop (v2sf);
	(v2sf) =	vpush v11, $0x7  }
0x3e: {  	s2 =	sadd.s32 s24, s10;
	s19 =	sshra.s32 s19, $0x1F;
	s3 =	smulhi.u32 $0x431BDE83, s23;
	(v2sf) =	vpush v11, $0x0  }
0x3f: {  	s24 =	sadd.s32 s11, s18;
	s18 =	sshra.s32 s6, $0x1F;
	s11 =	smul.u32 $0x431BDE83, s19;
	(v2sf) =	vpush v11, $0x1  }
0x40: {  	s21 =	sshra.s32 s21, $0x1F;
	s6 =	sadd.s32 s26, s14;
	s14 =	smul.u32 $0x431BDE83, s18  }
0x41: {  	s23 =	sshra.s32 s23, $0x1F;
	s18 =	smul.u32 $0x431BDE83, s21;
	(v2sf) =	vpush v11, $0x2  }
0x42: {  	s15 =	sadd.s32 s7, s16;
	s16 =	smul.u32 $0x431BDE83, s23;
	s25 =	spop (v2sf)  }
0x43: {  	s13 =	smulhi.u32 $0x431BDE83, s25;
	s26 =	sshra.s32 s25, $0x1F  }
0x44: {  	(v2sf) =	vpush v11, $0x3;
	s28 =	spop (v2sf);
	s25 =	smul.u32 $0x431BDE83, s26  }
0x45: {  	s31 =	sshrl.u32 s5, $0x1F;
	s29 =	smulhi.u32 $0x431BDE83, s28;
	s26 =	sshra.s32 s28, $0x1F  }
0x46: {  	s5 =	sshra.s32 s5, $0x12;
	(v2sf) =	vpush v11, $0x4;
	s12 =	spop (v2sf);
	s19 =	smul.u32 $0x431BDE83, s26  }
0x47: {  	s21 =	sadd.s32 s11, s20;
	s9 =	smulhi.u32 $0x431BDE83, s12;
	s12 =	sshra.s32 s12, $0x1F  }
0x48: {  	s18 =	sadd.s32 s18, s22;
	(v2sf) =	vpush v11, $0xC;
	s10 =	spop (v2sf);
	s12 =	smul.u32 $0x431BDE83, s12  }
0x49: {  	s11 =	sadd.s32 s16, s3;
	s17 =	smulhi.u32 $0x431BDE83, s10;
	s10 =	sshra.s32 s10, $0x1F  }
0x4a: {  	s25 =	sadd.s32 s25, s13;
	s10 =	smul.u32 $0x431BDE83, s10;
	s12 =	sadd.s32 s12, s9  }
0x4b: {  	s26 =	sadd.s32 s19, s29;
	s19 =	sadd.s32 s14, s0;
	s3 =	sshra.s32 s12, $0x12  }
0x4c: {  	s29 =	sshrl.u32 s12, $0x1F;
	s7 =	spop (v2sf);
	s17 =	sadd.s32 s10, s17  }
0x4d: {  	s23 =	spop (v2sf);
	s28 =	sshra.s32 s7, $0x1F;
	s7 =	smulhi.u32 $0x431BDE83, s7  }
0x4e: {  	(v2sf) =	vpush v11, $0x8;
	s14 =	sshra.s32 s17, $0x1F;
	s22 =	spop (v2sf);
	s9 =	smul.u32 $0x431BDE83, s28  }
0x4f: {  	(v2sf) =	vpush v11, $0xD;
	s13 =	sshra.s32 s23, $0x1F;
	s16 =	smulhi.u32 $0x431BDE83, s23;
	s23 =	sshrl.u32 s24, $0x1F  }
0x50: {  	(v2sf) =	vpush v11, $0x9;
	s24 =	sshra.s32 s24, $0x12;
	v14 =	vmov s14;
	s20 =	spop (v2sf);
	s13 =	smul.u32 $0x431BDE83, s13  }
0x51: {  	(v2sf) =	vpush v11, $0x5;
	s28 =	sshra.s32 s22, $0x1F;
	v14 =	vsel vm4, s3, v14;
	s3 =	sshrl.u32 s4, $0x1F;
	s4 =	sshra.s32 s4, $0x12  }
0x52: {  	v18 =	vmov s29;
	v15 =	vmov s23;
	s23 =	sshra.s32 s26, $0x12;
	v17 =	vmov s24;
	s24 =	sshrl.u32 s26, $0x1F;
	s28 =	smul.u32 $0x431BDE83, s28  }
0x53: {  	(v2sf) =	vpush v11, $0xE;
	v18 =	vnsel vm4, $0x0, v18;
	s10 =	spop (v2sf);
	s30 =	sadd.s32 s9, s7;
	s9 =	smulhi.u32 $0x431BDE83, s22  }
0x54: {  	s22 =	sshrl.u32 s21, $0x1F;
	s21 =	sshra.s32 s21, $0x12;
	v18 =	vsel vm0, s24, v18;
	s24 =	sshra.s32 s18, $0x1F  }
0x55: {  	(v2sf) =	vpush v11, $0xA;
	v15 =	vsel vm0, s31, v15;
	v17 =	vsel vm0, s5, v17;
	s31 =	simm.s32 $0x10;
	s16 =	sadd.s32 s13, s16;
	s0 =	spop (v2sf)  }
0x56: {  	vm9 =	vcmask $0x704;
	(v2sf) =	vpush v11, $0xF;
	v17 =	vsel vm1, s4, v17;
	s4 =	sshra.s32 s11, $0x12;
	s9 =	sadd.s32 s28, s9;
	s28 =	sshra.s32 s12, $0x1F  }
0x57: {  	(v2sf) =	vpush v11, $0xB;
	v16 =	vmov s22;
	v19 =	vmov s21;
	s12 =	sshrl.u32 s6, $0x1F;
	s6 =	sshra.s32 s6, $0x12;
	s7 =	spop (v2sf)  }
0x58: {  	v15 =	vsel vm1, s3, v15;
	v14 =	vsel vm9, s28, v14;
	s28 =	sshra.s32 s26, $0x1F;
	s26 =	sshrl.u32 s2, $0x1F;
	v16 =	vsel vm0, s12, v16;
	s12 =	sshrl.u32 s25, $0x1F  }
0x59: {  	v19 =	vsel vm0, s6, v19;
	s6 =	sshrl.u32 s1, $0x1F;
	v14 =	vsel vm0, s23, v14;
	v16 =	vsel vm1, s26, v16;
	s26 =	sshra.s32 s11, $0x1F;
	s11 =	sshrl.u32 s11, $0x1F  }
0x5a: {  	v15 =	vsel vm2, s6, v15;
	s6 =	sshra.s32 s8, $0x12;
	v18 =	vsel vm1, s12, v18;
	v14 =	vsel vm12, s28, v14;
	s28 =	sshra.s32 s2, $0x12;
	s2 =	sshra.s32 s25, $0x12  }
0x5b: {  	s12 =	sshra.s32 s17, $0x12;
	v18 =	vsel vm2, s11, v18;
	s11 =	sshra.s32 s19, $0x1F;
	v14 =	vsel vm1, s2, v14;
	s2 =	sshra.s32 s25, $0x1F;
	v19 =	vsel vm1, s28, v19  }
0x5c: {  	v20 =	vmul.u32 v7, v12;
	v12 =	vmul.u32 v9, v12;
	s25 =	sshra.s32 s1, $0x12;
	s28 =	sshra.s32 s20, $0x1F;
	v19 =	vsel vm2, s6, v19;
	s6 =	smulhi.u32 $0x431BDE83, s10  }
0x5d: {  	vm6 =	vcmask $0x2320;
	s14 =	spop (v2sf);
	v14 =	vsel vm13, s2, v14;
	v17 =	vsel vm2, s25, v17;
	s25 =	sshra.s32 s0, $0x1F;
	s0 =	smulhi.u32 $0x431BDE83, s0  }
0x5e: {  	vm11 =	vcmask $0x2F2C;
	v12 =	vadd.s32 v10, v12;
	s13 =	spop (v2sf);
	v14 =	vsel vm2, s4, v14;
	s4 =	smul.u32 $0x431BDE83, s28;
	s28 =	sshra.s32 s18, $0x12  }
0x5f: {  	v20 =	vadd.s32 v8, v20;
	v12 =	vand.u32 $0x1, v12;
	s18 =	sshrl.u32 s18, $0x1F;
	s22 =	spop (v2sf);
	v14 =	vsel vm14, s26, v14;
	s26 =	sshrl.u32 s8, $0x1F  }
0x60: {  	vm7 =	veq.s32 v12, $0x0;
	s8 =	smulhi.u32 $0x431BDE83, s20;
	s20 =	sshrl.u32 s15, $0x1F;
	v12 =	vsel vm6, s18, v18;
	s18 =	sshra.s32 s7, $0x1F;
	v14 =	vsel vm6, s28, v14  }
0x61: {  	v20 =	vand.u32 $0x1, v20;
	s23 =	spop (v2sf);
	v16 =	vsel vm2, s26, v16;
	s26 =	sshra.s32 s15, $0x12;
	s28 =	sshra.s32 s15, $0x1F;
	v14 =	vsel vm15, s24, v14  }
0x62: {  	vm5 =	veq.s32 v20, $0x0;
	v12 =	vsel vm3, s20, v12;
	s20 =	sshra.s32 s30, $0x1F;
	s18 =	smul.u32 $0x431BDE83, s18;
	s21 =	spop (v2sf);
	v14 =	vsel vm3, s26, v14  }
0x63: {  	v20 =	vsel vm5, $0xBF000000, v2;
	s15 =	sadd.s32 s4, s8;
	s4 =	sshra.s32 s19, $0x12;
	v14 =	vsel vm11, s28, v14;
	s28 =	simm.s32 $0x0  }
0x64: {  	v18 =	vsel vm7, $0xBF000000, v2;
	s8 =	sshrl.u32 s19, $0x1F;
	s19 =	sshrl.u32 s17, $0x1F;
	s24 =	sshra.s32 s14, $0x1F;
	[tilespmem:s28+$0x700] =	vst v20  }
0x65: {  	v15 =	vcombine.low v16, v15;
	v16 =	vmov s20;
	s20 =	sshra.s32 s9, $0x1F;
	s14 =	smulhi.u32 $0x431BDE83, s14;
	s5 =	spop (v2sf);
	[tilespmem:s28+$0x900] =	vst v18  }
0x66: {  	vm5 =	vmmov vm3;
	(v2sf) =	vpush v11, $0x6;
	vm7 =	vcmask $0x3330;
	s26 =	sshra.s32 s10, $0x1F;
	s10 =	smul.u32 $0x431BDE83, s25;
	s25 =	sshra.s32 s16, $0x12;
	v18 =	vld [tilespmem:s31+$0x100]  }
0x67: {  	v17 =	vcombine.low v19, v17;
	v12 =	vsel vm7, s8, v12;
	vm3 =	vcmask $0x3734;
	s3 =	spop (v2sf);
	s17 =	smul.u32 $0x431BDE83, s26;
	s26 =	sshra.s32 s16, $0x1F  }
0x68: {  	v16 =	vsel vm4, s25, v16;
	v15 =	vperm.xlane v15, v0;
	s16 =	sshrl.u32 s16, $0x1F;
	v14 =	vsel vm7, s4, v14;
	s4 =	sshra.s32 s13, $0x1F;
	s13 =	smulhi.u32 $0x431BDE83, s13  }
0x69: {  	s28 =	sshra.s32 s9, $0x12;
	v16 =	vsel vm9, s26, v16;
	v14 =	vsel vm3, s11, v14;
	vm3 =	vcmask $0x3B38;
	s8 =	sadd.s32 s17, s6;
	s6 =	smulhi.u32 $0x431BDE83, s7  }
0x6a: {  	s25 =	sshra.s32 s15, $0x12;
	s2 =	spop (v2sf);
	v16 =	vsel vm0, s28, v16;
	s4 =	smul.u32 $0x431BDE83, s4;
	v12 =	vsel vm3, s19, v12;
	v14 =	vsel vm3, s12, v14  }
0x6b: {  	s26 =	sshra.s32 s15, $0x1F;
	s28 =	sshra.s32 s22, $0x1F;
	s22 =	smulhi.u32 $0x431BDE83, s22;
	v16 =	vsel vm12, s20, v16;
	v12 =	vperm.xlane v12, v1;
	v19 =	vmul.u32 v5, v18  }
0x6c: {  	v17 =	vperm.xlane v17, v0;
	s0 =	sadd.s32 s10, s0;
	s10 =	sshra.s32 s2, $0x1F;
	s2 =	smulhi.u32 $0x431BDE83, s2;
	v14 =	vperm.xlane v14, v1;
	v16 =	vsel vm1, s25, v16  }
0x6d: {  	s17 =	sshra.s32 s23, $0x1F;
	s19 =	smul.u32 $0x431BDE83, s24;
	s6 =	sadd.s32 s18, s6;
	v16 =	vsel vm13, s26, v16;
	v15 =	vsel vm8, v12, v15;
	v12 =	vadd.s32 v6, v19  }
0x6e: {  	s24 =	sshra.s32 s8, $0x12;
	s20 =	sshrl.u32 s6, $0x1F;
	s6 =	sshra.s32 s6, $0x12;
	v14 =	vsel vm8, v14, v17;
	v17 =	vmov s16;
	(v2sf) =	vpush v12, $0xF  }
0x6f: {  	s11 =	sshra.s32 s21, $0x1F;
	s7 =	smul.u32 $0x431BDE83, s17;
	s25 =	sshra.s32 s8, $0x1F;
	v16 =	vsel vm2, s24, v16;
	v21 =	vmov s6;
	(v2sf) =	vpush v12, $0xB  }
0x70: {  	s29 =	sshrl.u32 s30, $0x1F;
	s9 =	sshrl.u32 s9, $0x1F;
	s11 =	smul.u32 $0x431BDE83, s11;
	v14 =	vadd.s32 v15, v14;
	v15 =	vsel vm14, s25, v16;
	(v2sf) =	vpush v12, $0x6  }
0x71: {  	s12 =	sshra.s32 s5, $0x1F;
	s5 =	smulhi.u32 $0x431BDE83, s5;
	s19 =	sadd.s32 s19, s14;
	v16 =	vnsel vm4, $0x0, v17;
	v17 =	vmov s20;
	(v2sf) =	vpush v12, $0xE  }
0x72: {  	s26 =	smul.u32 $0x431BDE83, s28;
	s28 =	sshra.s32 s0, $0x12;
	s25 =	sshrl.u32 s19, $0x1F;
	v20 =	vmul.u32 v7, v18;
	v14 =	vmul.u32 $0xF4240, v14;
	v16 =	vsel vm0, s9, v16  }
0x73: {  	s15 =	sshrl.u32 s15, $0x1F;
	s10 =	smul.u32 $0x431BDE83, s10;
	s4 =	sadd.s32 s4, s13;
	v15 =	vsel vm6, s28, v15;
	v19 =	vmov s25;
	(v2sf) =	vpush v12, $0xA  }
0x74: {  	s18 =	sshra.s32 s0, $0x1F;
	s9 =	sshra.s32 s19, $0x12;
	s19 =	sshrl.u32 s4, $0x1F;
	v16 =	vsel vm1, s15, v16;
	v20 =	vadd.s32 v8, v20;
	(v2sf) =	vpush v12, $0xD  }
0x75: {  	s1 =	spop (v2sf);
	s17 =	sshra.s32 s3, $0x1F;
	s12 =	smul.u32 $0x431BDE83, s12;
	v15 =	vsel vm15, s18, v15;
	v17 =	vsel vm0, s19, v17;
	(v2sf) =	vpush v12, $0x9  }
0x76: {  	s8 =	sshrl.u32 s8, $0x1F;
	s0 =	sshrl.u32 s0, $0x1F;
	s24 =	smulhi.u32 $0x431BDE83, s23;
	v13 =	vsub.s32 v13, v14;
	v20 =	vand.u32 $0x1, v20;
	(v2sf) =	vpush v12, $0x5  }
0x77: {  	s5 =	sadd.s32 s12, s5;
	s14 =	sadd.s32 s26, s22;
	s22 =	smul.u32 $0x431BDE83, s17;
	vm9 =	vlt.s32 v13, $0x0;
	v14 =	vadd.s32 $0xF4240, v13;
	(v2sf) =	vpush v12, $0xC  }
0x78: {  	s26 =	sshra.s32 s1, $0x1F;
	s1 =	smulhi.u32 $0x431BDE83, s1;
	s7 =	sadd.s32 s7, s24;
	v16 =	vsel vm2, s8, v16;
	v14 =	vsel vm9, v14, v13;
	(v2sf) =	vpush v12, $0x8  }
0x79: {  	s17 =	simm.s32 $0x0;
	s28 =	smulhi.u32 $0x431BDE83, s21;
	s21 =	sshra.s32 s7, $0x12;
	v13 =	vmul.u32 v3, v18;
	v18 =	vmul.u32 v9, v18;
	(v2sf) =	vpush v12, $0x4  }
0x7a: {  	s20 =	sshrl.u32 s14, $0x1F;
	s4 =	sshra.s32 s4, $0x12;
	s14 =	sshra.s32 s14, $0x12;
	v15 =	vsel vm5, s21, v15;
	vm9 =	veq.s32 v20, $0x0;
	(v2sf) =	vpush v12, $0x3  }
0x7b: {  	s24 =	sshrl.u32 s5, $0x1F;
	s13 =	smul.u32 $0x431BDE83, s26;
	s5 =	sshra.s32 s5, $0x12;
	v20 =	vmov s9;
	v18 =	vadd.s32 v10, v18;
	(v2sf) =	vpush v12, $0x2  }
0x7c: {  	s25 =	smulhi.u32 $0x431BDE83, s3;
	s26 =	sshra.s32 s7, $0x1F;
	s11 =	sadd.s32 s11, s28;
	v22 =	vsel vm9, $0xBF000000, v2;
	v18 =	vand.u32 $0x1, v18;
	(v2sf) =	vpush v12, $0x1  }
0x7d: {  	s28 =	sshrl.u32 s7, $0x1F;
	s21 =	sadd.s32 s10, s2;
	v13 =	vadd.s32 v4, v13;
	vm9 =	veq.s32 v18, $0x0;
	(v2sf) =	vpush v12, $0x0;
	s3 =	spop (v2sf)  }
0x7e: {  	s23 =	sshrl.u32 s11, $0x1F;
	v18 =	vsel vm0, s20, v19;
	v19 =	vsel vm0, s4, v21;
	(v2sf) =	vpush v12, $0x7;
	s9 =	smulhi.u32 $0x431BDE83, s3;
	s4 =	spop (v2sf)  }
0x7f: {  	s1 =	sadd.s32 s13, s1;
	v16 =	vsel vm6, s0, v16;
	v63 =	vsel vm1, s23, v17;
	(v2sf) =	vpush v13, $0x7;
	s10 =	smulhi.u32 $0x431BDE83, s4;
	s16 =	spop (v2sf)  }
0x80: {  	s11 =	sshra.s32 s11, $0x12;
	v17 =	vsel vm11, s26, v15;
	v20 =	vsel vm0, s14, v20;
	(v2sf) =	vpush v13, $0x0;
	s23 =	smulhi.u32 $0x431BDE83, s16;
	s18 =	spop (v2sf)  }
0x81: {  	s8 =	sadd.s32 s22, s25;
	s25 =	sshrl.u32 s21, $0x1F;
	v20 =	vsel vm1, s5, v20;
	v23 =	vsel vm9, $0xBF000000, v2;
	(v2sf) =	vpush v13, $0x1;
	s12 =	smulhi.u32 $0x431BDE83, s18  }
0x82: {  	v18 =	vsel vm1, s24, v18;
	v19 =	vsel vm1, s11, v19;
	s24 =	sshrl.u32 s8, $0x1F;
	(v2sf) =	vpush v13, $0x2;
	s19 =	spop (v2sf);
	[dreg:$0x6] =	wrdreg s23  }
0x83: {  	s26 =	sshra.s32 s8, $0x12;
	[tilespmem:s17+$0x500] =	vst v14;
	v14 =	vsel vm2, s24, v63;
	v15 =	vsel vm2, s25, v18;
	s15 =	smulhi.u32 $0x431BDE83, s19;
	(v2sf) =	vpush v13, $0x3;
	s20 =	spop (v2sf)  }
0x84: {  	[tilespmem:s31+$0x700] =	vst v22;
	v18 =	vsel vm5, s28, v16;
	s28 =	sshra.s32 s21, $0x12;
	v14 =	vcombine.low v15, v14;
	s23 =	smulhi.u32 $0x431BDE83, s20;
	(v2sf) =	vpush v13, $0x4;
	s22 =	spop (v2sf)  }
0x85: {  	s7 =	simm.s32 $0x80;
	[tilespmem:s31+$0x900] =	vst v23;
	v15 =	vsel vm2, s26, v19;
	v16 =	vsel vm2, s28, v20;
	s5 =	smulhi.u32 $0x431BDE83, s22;
	(v2sf) =	vpush v13, $0xC;
	s0 =	spop (v2sf)  }
.LBB2_2:
0x86: {  	[dreg:$0x3] =	wrdreg s7  }
0x87: {  	s2 =	smulhi.u32 $0x431BDE83, s0;
	s16 =	sshra.s32 s16, $0x1F;
	[smem:$0x7EB] =	sst s23  }
0x88: {  	s23 =	spop (v2sf);
	s16 =	smul.u32 $0x431BDE83, s16  }
0x89: {  	[smem:$0x7ED] =	sst s2;
	s25 =	smulhi.u32 $0x431BDE83, s23;
	s2 =	smov.u32 s31  }
0x8a: {  	s21 =	spop (v2sf);
	[dreg:$0xa] =	wrdreg s2  }
0x8b: {  	s26 =	smulhi.u32 $0x431BDE83, s21;
	[smem:$0x7F4] =	sst s16  }
0x8c: {  	[smem:$0x7EC] =	sst s25  }
0x8d: {  	s6 =	sshra.s32 s1, $0x12;
	s25 =	spop (v2sf);
	[smem:$0x7EE] =	sst s26  }
0x8e: {  	(v2sf) =	vpush v13, $0x8;
	v15 =	vcombine.low v16, v15;
	v16 =	vsel vm7, s6, v17;
	s8 =	smulhi.u32 $0x431BDE83, s25;
	s6 =	spop (v2sf)  }
0x8f: {  	(v2sf) =	vpush v13, $0xD;
	s13 =	smulhi.u32 $0x431BDE83, s6;
	s26 =	spop (v2sf)  }
0x90: {  	s28 =	sshrl.u32 s1, $0x1F;
	(v2sf) =	vpush v13, $0x9;
	[smem:$0x7EF] =	sst s8;
	s24 =	smulhi.u32 $0x431BDE83, s26  }
0x91: {  	s14 =	sshra.s32 s30, $0x12;
	s30 =	spop (v2sf);
	[smem:$0x7F3] =	sst s13  }
0x92: {  	p0 =	sne.s32 s7, $0x7C0;
	v17 =	vsel vm7, s28, v18;
	(v2sf) =	vpush v13, $0x5;
	s28 =	smulhi.u32 $0x431BDE83, s30;
	s7 =	spop (v2sf)  }
0x93: {  	s18 =	sshra.s32 s18, $0x1F;
	(v2sf) =	vpush v13, $0xE;
	[smem:$0x7F1] =	sst s24;
	s8 =	smulhi.u32 $0x431BDE83, s7  }
0x94: {  	s11 =	sshra.s32 s1, $0x1F;
	vm10 =	vcmask $0x3734;
	v17 =	vsel vm3, s29, v17;
	s29 =	smul.u32 $0x431BDE83, s18;
	(v2sf) =	vpush v13, $0xA;
	[smem:$0x7F2] =	sst s28  }
0x95: {  	s4 =	sshra.s32 s4, $0x1F;
	v16 =	vsel vm10, s11, v16;
	(v2sf) =	vpush v13, $0xF;
	[smem:$0x7F0] =	sst s8;
	s8 =	spop (v2sf)  }
0x96: {  	s22 =	sshra.s32 s22, $0x1F;
	v14 =	vperm.xlane v14, v0;
	v15 =	vperm.xlane v15, v0;
	v16 =	vsel vm3, s14, v16;
	s28 =	smul.u32 $0x431BDE83, s4;
	s11 =	spop (v2sf)  }
0x97: {  	v17 =	vperm.xlane v17, v1;
	v16 =	vperm.xlane v16, v1;
	(v2sf) =	vpush v13, $0xB;
	s4 =	smul.u32 $0x431BDE83, s22;
	s13 =	spop (v2sf)  }
0x98: {  	s3 =	sshra.s32 s3, $0x1F;
	(v2sf) =	vpush v13, $0x6;
	[dreg:$0x1d] =	wrdreg s11;
	s14 =	spop (v2sf)  }
0x99: {  	v14 =	vsel vm8, v17, v14;
	v15 =	vsel vm8, v16, v15;
	s24 =	smov.u32 s17;
	s11 =	smul.u32 $0x431BDE83, s3;
	s17 =	spop (v2sf)  }
0x9a: {  	s19 =	sshra.s32 s19, $0x1F;
	v14 =	vadd.s32 v14, v15;
	[dreg:$0x17] =	wrdreg s14;
	s18 =	spop (v2sf)  }
0x9b: {  	s20 =	sshra.s32 s20, $0x1F;
	v14 =	vmul.u32 $0xF4240, v14;
	s14 =	smul.u32 $0x431BDE83, s19;
	s19 =	spop (v2sf)  }
0x9c: {  	s1 =	sshra.s32 s0, $0x1F;
	s3 =	smul.u32 $0x431BDE83, s20;
	s20 =	spop (v2sf)  }
0x9d: {  	s2 =	sshra.s32 s23, $0x1F;
	v14 =	vsub.s32 v11, v14;
	s31 =	smulhi.u32 $0x431BDE83, s8;
	s22 =	spop (v2sf)  }
0x9e: {  	s6 =	sshra.s32 s6, $0x1F;
	v11 =	vmov v13;
	vm9 =	vlt.s32 v14, $0x0;
	v13 =	vadd.s32 $0xF4240, v14;
	[dreg:$0x1a] =	wrdreg s13;
	s23 =	spop (v2sf)  }
0x9f: {  	s0 =	sshra.s32 s26, $0x1F;
	v13 =	vsel vm9, v13, v14;
	[dreg:$0x1c] =	wrdreg s17;
	s16 =	spop (v2sf)  }
0xa0: {  	[tilespmem:s24+$0x300] =	vst v13;
	s24 =	smul.u32 $0x431BDE83, s2;
	s13 =	sshra.s32 s21, $0x1F;
	[dreg:$0x15] =	wrdreg s16  }
0xa1: {  	s17 =	sshra.s32 s25, $0x1F;
	s25 =	spop (v2sf);
	s16 =	smul.u32 $0x431BDE83, s6  }
0xa2: {  	s6 =	sshra.s32 s30, $0x1F;
	s30 =	smul.u32 $0x431BDE83, s0;
	s21 =	spop (v2sf)  }
0xa3: {  	s7 =	sshra.s32 s7, $0x1F;
	[dreg:$0x13] =	wrdreg s21;
	s26 =	spop (v2sf)  }
0xa4: {  	s21 =	sadd.s32 s28, s10;
	s10 =	sld [smem:$0x7EB];
	s2 =	spop (v2sf)  }
0xa5: {  	s0 =	smul.u32 $0x431BDE83, s7;
	[dreg:$0x11] =	wrdreg s2  }
0xa6: {  	s2 =	smul.u32 $0x431BDE83, s6;
	s6 =	spop (v2sf)  }
0xa7: {  	s7 =	sshra.s32 s8, $0x1F;
	[dreg:$0xe] =	wrdreg s6;
	s8 =	spop (v2sf)  }
0xa8: {  	s28 =	sadd.s32 s3, s10;
	s10 =	sadd.s32 s4, s5;
	s4 =	sld [smem:$0x7EE]  }
0xa9: {  	s6 =	sadd.s32 s11, s9;
	s11 =	smul.u32 $0x431BDE83, s7;
	s7 =	sld [smem:$0x7EF]  }
0xaa: {  	s1 =	smul.u32 $0x431BDE83, s1;
	[dreg:$0xb] =	wrdreg s8  }
0xab: {  	s13 =	smul.u32 $0x431BDE83, s13;
	s8 =	sadd.s32 s14, s15;
	s15 =	sld [smem:$0x7EC]  }
0xac: {  	s17 =	smul.u32 $0x431BDE83, s17;
	s3 =	sld [smem:$0x7F2]  }
0xad: {  	s29 =	sadd.s32 s29, s12;
	s12 =	sld [smem:$0x7F1];
	s9 =	sadd.s32 s13, s4  }
0xae: {  	s7 =	sadd.s32 s17, s7;
	s14 =	sadd.s32 s24, s15;
	s24 =	sld [smem:$0x7ED]  }
0xaf: {  	s15 =	sadd.s32 s2, s3;
	s3 =	sshrl.u32 s28, $0x1F;
	s28 =	sshra.s32 s28, $0x12  }
0xb0: {  	s17 =	sshrl.u32 s14, $0x1F;
	s14 =	sshra.s32 s14, $0x12;
	s2 =	sshra.s32 s15, $0x12  }
0xb1: {  	v16 =	vmov s14;
	s14 =	sshra.s32 s29, $0x12;
	s5 =	sadd.s32 s1, s24;
	s24 =	sadd.s32 s11, s31  }
0xb2: {  	v14 =	vmov s17;
	s11 =	sld [smem:$0x7F0];
	s1 =	sadd.s32 s30, s12;
	s12 =	sshra.s32 s15, $0x1F  }
0xb3: {  	v14 =	vsel vm0, s3, v14;
	s3 =	sshrl.u32 s29, $0x1F;
	v16 =	vsel vm0, s28, v16;
	s28 =	sshrl.u32 s15, $0x1F;
	s15 =	sshrl.u32 s7, $0x1F  }
0xb4: {  	s13 =	sshra.s32 s24, $0x1F;
	v14 =	vsel vm1, s3, v14;
	s3 =	sshrl.u32 s6, $0x1F;
	s6 =	sshra.s32 s6, $0x12  }
0xb5: {  	v16 =	vsel vm1, s14, v16;
	s14 =	sshra.s32 s5, $0x12;
	v13 =	vmov s13;
	s13 =	sshrl.u32 s9, $0x1F;
	s9 =	sshra.s32 s9, $0x12  }
0xb6: {  	v14 =	vsel vm2, s3, v14;
	s3 =	rddreg [dreg:$0x1d];
	s11 =	sadd.s32 s0, s11;
	v15 =	vmov s13;
	s13 =	sshrl.u32 s8, $0x1F  }
0xb7: {  	vm9 =	vcmask $0x704;
	s4 =	sshra.s32 s11, $0x12;
	s0 =	sshra.s32 s11, $0x1F;
	s11 =	sshrl.u32 s11, $0x1F  }
0xb8: {  	v18 =	vmov s9;
	s8 =	sshra.s32 s8, $0x12;
	v13 =	vsel vm4, s4, v13;
	s4 =	sshrl.u32 s10, $0x1F;
	v17 =	vmov s11;
	s10 =	sshra.s32 s10, $0x12  }
0xb9: {  	s11 =	sshra.s32 s1, $0x1F;
	v13 =	vsel vm9, s0, v13;
	v15 =	vsel vm0, s4, v15;
	s4 =	sld [smem:$0x7F3];
	v18 =	vsel vm0, s10, v18;
	s10 =	sshra.s32 s7, $0x12  }
0xba: {  	v17 =	vnsel vm4, $0x0, v17;
	v13 =	vsel vm0, s2, v13;
	s2 =	sshra.s32 s1, $0x12;
	v15 =	vsel vm1, s13, v15;
	s1 =	sshrl.u32 s1, $0x1F;
	s13 =	sshra.s32 s21, $0x12  }
0xbb: {  	v17 =	vsel vm0, s28, v17;
	v18 =	vsel vm1, s8, v18;
	s28 =	sld [smem:$0x7F4];
	s8 =	smulhi.u32 $0x431BDE83, s3;
	v13 =	vsel vm12, s12, v13;
	s12 =	sshra.s32 s7, $0x1F  }
0xbc: {  	v17 =	vsel vm1, s1, v17;
	v18 =	vsel vm2, s13, v18;
	s13 =	rddreg [dreg:$0x17];
	s1 =	sshra.s32 s18, $0x1F;
	s0 =	sadd.s32 s16, s4;
	v13 =	vsel vm1, s2, v13  }
0xbd: {  	s4 =	sshrl.u32 s21, $0x1F;
	s21 =	rddreg [dreg:$0x6];
	v13 =	vsel vm13, s11, v13;
	s16 =	sshra.s32 s0, $0x12  }
0xbe: {  	s1 =	smul.u32 $0x431BDE83, s1;
	s2 =	sshra.s32 s0, $0x1F;
	s7 =	sadd.s32 s28, s21;
	v13 =	vsel vm2, s16, v13  }
0xbf: {  	s0 =	sshrl.u32 s0, $0x1F;
	s21 =	sshrl.u32 s5, $0x1F;
	s28 =	sshra.s32 s7, $0x12;
	v13 =	vsel vm14, s2, v13  }
0xc0: {  	v16 =	vsel vm2, s6, v16;
	v15 =	vsel vm2, s4, v15;
	s4 =	sshrl.u32 s7, $0x1F;
	s6 =	sshra.s32 s7, $0x1F;
	s7 =	rddreg [dreg:$0x1a];
	v13 =	vsel vm6, s10, v13  }
0xc1: {  	s11 =	sshra.s32 s24, $0x12;
	s16 =	sshra.s32 s3, $0x1F;
	s3 =	smulhi.u32 $0x431BDE83, s7;
	v13 =	vsel vm15, s12, v13  }
0xc2: {  	v16 =	vcombine.low v18, v16;
	v17 =	vsel vm2, s0, v17;
	s2 =	sshra.s32 s5, $0x1F;
	s10 =	sshrl.u32 s24, $0x1F;
	s24 =	smulhi.u32 $0x431BDE83, s13;
	v13 =	vsel vm5, s14, v13  }
0xc3: {  	v14 =	vcombine.low v15, v14;
	v15 =	vsel vm6, s15, v17;
	s9 =	sshra.s32 s7, $0x1F;
	s12 =	rddreg [dreg:$0x1c];
	v13 =	vsel vm11, s2, v13;
	s2 =	smul.u32 $0x431BDE83, s16  }
0xc4: {  	v15 =	vsel vm5, s21, v15;
	s15 =	sshra.s32 s12, $0x1F;
	s16 =	smul.u32 $0x431BDE83, s9;
	v13 =	vsel vm7, s28, v13  }
0xc5: {  	s17 =	rddreg [dreg:$0xa];
	v16 =	vperm.xlane v16, v0;
	v15 =	vsel vm7, s4, v15;
	s14 =	sshra.s32 s13, $0x1F;
	s28 =	smul.u32 $0x431BDE83, s15;
	v13 =	vsel vm10, s6, v13  }
0xc6: {  	v14 =	vperm.xlane v14, v0;
	v15 =	vsel vm3, s10, v15;
	s9 =	sshra.s32 s20, $0x1F;
	s30 =	sadd.s32 s2, s8;
	s2 =	smul.u32 $0x431BDE83, s14;
	v13 =	vsel vm3, s11, v13  }
0xc7: {  	v15 =	vperm.xlane v15, v1;
	s15 =	rddreg [dreg:$0x3];
	s0 =	sadd.s32 s16, s3;
	s16 =	smulhi.u32 $0x431BDE83, s12;
	v13 =	vperm.xlane v13, v1  }
0xc8: {  	s6 =	sshra.s32 s19, $0x1F;
	s8 =	sshra.s32 s22, $0x1F;
	s19 =	smulhi.u32 $0x431BDE83, s19  }
0xc9: {  	v14 =	vsel vm8, v15, v14;
	s31 =	sshra.s32 s15, $0x2;
	s21 =	sshra.s32 s30, $0x1F;
	s7 =	smul.u32 $0x431BDE83, s6;
	v13 =	vsel vm8, v13, v16  }
0xca: {  	s13 =	sshra.s32 s0, $0x12;
	s14 =	sshra.s32 s0, $0x1F;
	s8 =	smul.u32 $0x431BDE83, s8;
	v15 =	vmov s21;
	v13 =	vadd.s32 v14, v13  }
0xcb: {  	s11 =	sadd.s32 s2, s24;
	s3 =	sadd.s32 s28, s16;
	s28 =	smulhi.u32 $0x431BDE83, s18;
	v14 =	vsel vm4, s13, v15;
	v15 =	vld [tilespmem:s31+$0x100];
	v13 =	vmul.u32 $0xF4240, v13  }
0xcc: {  	s0 =	sshrl.u32 s0, $0x1F;
	s16 =	smulhi.u32 $0x431BDE83, s20;
	s21 =	sshra.s32 s11, $0x12;
	v14 =	vsel vm9, s14, v14  }
0xcd: {  	s20 =	rddreg [dreg:$0x13];
	s18 =	smulhi.u32 $0x431BDE83, s22;
	s24 =	sshra.s32 s11, $0x1F;
	v12 =	vsub.s32 v12, v13;
	v13 =	vsel vm0, s21, v14  }
0xce: {  	s4 =	sshra.s32 s3, $0x12;
	s12 =	sshra.s32 s3, $0x1F;
	s10 =	sshra.s32 s20, $0x1F;
	vm9 =	vlt.s32 v12, $0x0;
	v14 =	vadd.s32 $0xF4240, v12;
	v13 =	vsel vm12, s24, v13  }
0xcf: {  	v16 =	vmov s0;
	s2 =	sadd.s32 s1, s28;
	s1 =	sadd.s32 s7, s19;
	s19 =	rddreg [dreg:$0x11];
	v12 =	vsel vm9, v14, v12;
	v13 =	vsel vm1, s4, v13  }
0xd0: {  	s10 =	smul.u32 $0x431BDE83, s10;
	s0 =	sshra.s32 s19, $0x1F;
	s14 =	sshra.s32 s2, $0x12;
	v14 =	vnsel vm4, $0x0, v16;
	v16 =	vmul.u32 v5, v15;
	[tilespmem:s17+$0x500] =	vst v12;
	v12 =	vsel vm13, s12, v13  }
0xd1: {  	s5 =	sshra.s32 s23, $0x1F;
	s15 =	sshra.s32 s2, $0x1F;
	s0 =	smul.u32 $0x431BDE83, s0;
	v12 =	vsel vm2, s14, v12  }
0xd2: {  	s29 =	sshrl.u32 s30, $0x1F;
	s28 =	sshra.s32 s25, $0x1F;
	s24 =	smul.u32 $0x431BDE83, s9;
	v18 =	vsel vm14, s15, v12;
	v12 =	vadd.s32 v6, v16  }
0xd3: {  	s11 =	sshrl.u32 s11, $0x1F;
	s3 =	sshrl.u32 s3, $0x1F;
	s9 =	smul.u32 $0x431BDE83, s28;
	(v2sf) =	vpush v12, $0xF  }
0xd4: {  	s8 =	sadd.s32 s8, s18;
	s21 =	rddreg [dreg:$0x15];
	s28 =	smulhi.u32 $0x431BDE83, s23;
	(v2sf) =	vpush v12, $0xB  }
0xd5: {  	s18 =	rddreg [dreg:$0xe];
	s13 =	sshra.s32 s21, $0x1F;
	s21 =	smulhi.u32 $0x431BDE83, s21;
	(v2sf) =	vpush v12, $0x6  }
0xd6: {  	s22 =	sshra.s32 s1, $0x12;
	s23 =	sshra.s32 s8, $0x12;
	s7 =	smul.u32 $0x431BDE83, s13;
	(v2sf) =	vpush v12, $0xE  }
0xd7: {  	s4 =	sshra.s32 s18, $0x1F;
	s18 =	smulhi.u32 $0x431BDE83, s18;
	s12 =	sshra.s32 s26, $0x1F  }
0xd8: {  	v17 =	vmul.u32 v7, v15;
	v20 =	vmov s23;
	v13 =	vmul.u32 v3, v15;
	s6 =	sadd.s32 s24, s16;
	s7 =	sadd.s32 s7, s21;
	s21 =	smul.u32 $0x431BDE83, s12  }
0xd9: {  	v15 =	vmul.u32 v9, v15;
	v14 =	vsel vm0, s11, v14;
	s16 =	rddreg [dreg:$0xb];
	s14 =	sshrl.u32 s8, $0x1F;
	s8 =	smul.u32 $0x431BDE83, s4;
	(v2sf) =	vpush v12, $0xA  }
0xda: {  	s2 =	sshrl.u32 s2, $0x1F;
	v17 =	vadd.s32 v8, v17;
	v14 =	vsel vm1, s3, v14;
	s15 =	smul.u32 $0x431BDE83, s5;
	s5 =	sshra.s32 s16, $0x1F;
	(v2sf) =	vpush v12, $0xD  }
0xdb: {  	s24 =	sshrl.u32 s6, $0x1F;
	v17 =	vand.u32 $0x1, v17;
	v16 =	vsel vm6, s22, v18;
	s22 =	sshra.s32 s6, $0x12;
	s11 =	smul.u32 $0x431BDE83, s5;
	(v2sf) =	vpush v12, $0x9  }
0xdc: {  	vm9 =	veq.s32 v17, $0x0;
	v17 =	vmov s24;
	s6 =	sshra.s32 s1, $0x1F;
	s24 =	sadd.s32 s15, s28;
	s28 =	smulhi.u32 $0x431BDE83, s25;
	(v2sf) =	vpush v12, $0x5  }
0xdd: {  	v15 =	vadd.s32 v10, v15;
	s1 =	sshrl.u32 s1, $0x1F;
	v19 =	vmov s22;
	s15 =	sshrl.u32 s7, $0x1F;
	s22 =	smulhi.u32 $0x431BDE83, s20;
	(v2sf) =	vpush v12, $0xC  }
0xde: {  	v15 =	vand.u32 $0x1, v15;
	v18 =	vmov s14;
	s25 =	sshra.s32 s7, $0x12;
	s20 =	smulhi.u32 $0x431BDE83, s16;
	s13 =	sshrl.u32 s24, $0x1F;
	(v2sf) =	vpush v12, $0x8  }
0xdf: {  	vm10 =	veq.s32 v15, $0x0;
	v15 =	vsel vm15, s6, v16;
	s23 =	sshra.s32 s24, $0x12;
	s24 =	smulhi.u32 $0x431BDE83, s26;
	s9 =	sadd.s32 s9, s28;
	(v2sf) =	vpush v12, $0x4  }
0xe0: {  	v16 =	vsel vm9, $0xBF000000, v2;
	v17 =	vsel vm0, s13, v17;
	s28 =	sadd.s32 s10, s22;
	s13 =	smulhi.u32 $0x431BDE83, s19;
	s26 =	sshra.s32 s9, $0x12;
	(v2sf) =	vpush v12, $0x3  }
0xe1: {  	[tilespmem:s31+$0x700] =	vst v16;
	v16 =	vsel vm0, s15, v18;
	v18 =	vsel vm0, s23, v19;
	s3 =	sshrl.u32 s28, $0x1F;
	s6 =	sadd.s32 s21, s24;
	s12 =	sshra.s32 s28, $0x12;
	(v2sf) =	vpush v12, $0x2  }
0xe2: {  	v19 =	vsel vm0, s25, v20;
	s15 =	sshra.s32 s9, $0x1F;
	s19 =	sshrl.u32 s9, $0x1F;
	v20 =	vsel vm1, s3, v17;
	(v2sf) =	vpush v12, $0x1;
	s3 =	spop (v2sf)  }
0xe3: {  	s10 =	sshrl.u32 s6, $0x1F;
	(v2sf) =	vpush v12, $0x0;
	s9 =	smulhi.u32 $0x431BDE83, s3;
	s4 =	spop (v2sf)  }
0xe4: {  	v13 =	vadd.s32 v4, v13;
	s14 =	sshra.s32 s6, $0x12;
	v16 =	vsel vm1, s10, v16;
	(v2sf) =	vpush v12, $0x7;
	s10 =	smulhi.u32 $0x431BDE83, s4;
	s16 =	spop (v2sf)  }
0xe5: {  	v14 =	vsel vm2, s2, v14;
	s6 =	sadd.s32 s8, s18;
	(v2sf) =	vpush v13, $0x7;
	s24 =	smulhi.u32 $0x431BDE83, s16;
	s18 =	spop (v2sf)  }
0xe6: {  	v14 =	vsel vm6, s1, v14;
	s1 =	sadd.s32 s11, s20;
	v63 =	vsel vm1, s12, v18;
	s0 =	sadd.s32 s0, s13;
	(v2sf) =	vpush v13, $0x0;
	s12 =	smulhi.u32 $0x431BDE83, s18  }
.Ltmp0:
0xe7: {  	v21 =	vsel vm10, $0xBF000000, v2;
	s21 =	rddreg [dreg:$0x3];
	v15 =	vsel vm5, s26, v15;
	s25 =	sshrl.u32 s0, $0x1F;
	(v2sf) =	vpush v13, $0x1;
	(pc) =	sbr.rel @p0 .LBB2_2-.Ltmp0, $4  }
0xe8: {  	v18 =	vsel vm5, s19, v14;
	v19 =	vsel vm1, s14, v19;
	s26 =	sshrl.u32 s6, $0x1F;
	(v2sf) =	vpush v13, $0x2;
	s19 =	spop (v2sf);
	[dreg:$0x6] =	wrdreg s24  }
0xe9: {  	v17 =	vsel vm11, s15, v15;
	s28 =	sshra.s32 s6, $0x12;
	v14 =	vsel vm2, s25, v20;
	s15 =	smulhi.u32 $0x431BDE83, s19;
	(v2sf) =	vpush v13, $0x3;
	s20 =	spop (v2sf)  }
0xea: {  	s0 =	sshra.s32 s0, $0x12;
	v15 =	vsel vm2, s26, v16;
	v16 =	vsel vm2, s28, v19;
	s23 =	smulhi.u32 $0x431BDE83, s20;
	(v2sf) =	vpush v13, $0x4;
	s22 =	spop (v2sf)  }
0xeb: {  	[tilespmem:s31+$0x900] =	vst v21;
	s7 =	sadd.s32 $0x40, s21;
	v14 =	vcombine.low v15, v14;
	v15 =	vsel vm2, s0, v63;
	s5 =	smulhi.u32 $0x431BDE83, s22;
	(v2sf) =	vpush v13, $0xC;
	s0 =	spop (v2sf)  }
0xec: {  	s2 =	smulhi.u32 $0x431BDE83, s0;
	s3 =	sshra.s32 s3, $0x1F  }
0xed: {  	s21 =	sshra.s32 s16, $0x1F;
	s8 =	smul.u32 $0x431BDE83, s3  }
0xee: {  	s26 =	sshra.s32 s19, $0x1F;
	s3 =	smul.u32 $0x431BDE83, s21  }
0xef: {  	s11 =	sshra.s32 s20, $0x1F;
	s13 =	smul.u32 $0x431BDE83, s26  }
0xf0: {  	s28 =	sshra.s32 s22, $0x1F;
	s14 =	smul.u32 $0x431BDE83, s11  }
0xf1: {  	s21 =	smul.u32 $0x431BDE83, s28;
	s11 =	sshra.s32 s0, $0x1F;
	[smem:$0x7C9] =	sst s2  }
0xf2: {  	s25 =	sshra.s32 s18, $0x1F;
	s2 =	spop (v2sf);
	s18 =	smul.u32 $0x431BDE83, s11  }
0xf3: {  	s24 =	smulhi.u32 $0x431BDE83, s2;
	s7 =	spop (v2sf)  }
0xf4: {  	[smem:$0x7D4] =	sst s3;
	s3 =	smul.u32 $0x431BDE83, s25  }
0xf5: {  	s2 =	sshra.s32 s2, $0x1F;
	s6 =	smulhi.u32 $0x431BDE83, s7  }
0xf6: {  	s8 =	sadd.s32 s8, s9;
	s2 =	smul.u32 $0x431BDE83, s2;
	s16 =	sshra.s32 s7, $0x1F  }
0xf7: {  	s17 =	sshra.s32 s4, $0x1F;
	[smem:$0x7E0] =	sst s8;
	s0 =	smul.u32 $0x431BDE83, s16  }
0xf8: {  	s3 =	sadd.s32 s3, s12;
	[smem:$0x7CA] =	sst s6;
	s6 =	smul.u32 $0x431BDE83, s17  }
0xf9: {  	s17 =	spop (v2sf);
	[smem:$0x7DD] =	sst s3  }
0xfa: {  	s19 =	smulhi.u32 $0x431BDE83, s17;
	s22 =	spop (v2sf)  }
0xfb: {  	[smem:$0x7CB] =	sst s0;
	s25 =	smulhi.u32 $0x431BDE83, s22  }
0xfc: {  	s26 =	spop (v2sf);
	s0 =	sshra.s32 s22, $0x1F;
	s6 =	sadd.s32 s6, s10  }
0xfd: {  	s10 =	sadd.s32 s14, s23;
	s28 =	smulhi.u32 $0x431BDE83, s26;
	[smem:$0x7E1] =	sst s6  }
0xfe: {  	s0 =	smul.u32 $0x431BDE83, s0;
	[smem:$0x7DC] =	sst s10  }
0xff: {  	s16 =	spop (v2sf);
	[smem:$0x7D2] =	sst s25  }
0x100: {  	s20 =	sshra.s32 s17, $0x1F;
	s17 =	smulhi.u32 $0x431BDE83, s16;
	[smem:$0x7CE] =	sst s28  }
0x101: {  	s4 =	smul.u32 $0x431BDE83, s20;
	s7 =	sshra.s32 s26, $0x1F;
	[smem:$0x7D3] =	sst s0  }
0x102: {  	s11 =	smul.u32 $0x431BDE83, s7;
	s0 =	sshra.s32 s16, $0x1F;
	[smem:$0x7D0] =	sst s17  }
0x103: {  	s17 =	spop (v2sf);
	s0 =	smul.u32 $0x431BDE83, s0  }
0x104: {  	[smem:$0x7CF] =	sst s11;
	s20 =	smulhi.u32 $0x431BDE83, s17;
	s17 =	sshra.s32 s17, $0x1F  }
0x105: {  	s25 =	spop (v2sf);
	s22 =	smul.u32 $0x431BDE83, s17  }
0x106: {  	[smem:$0x7D1] =	sst s0;
	s7 =	smulhi.u32 $0x431BDE83, s25  }
0x107: {  	s0 =	sshra.s32 s25, $0x1F;
	s26 =	spop (v2sf);
	[smem:$0x7CC] =	sst s20  }
0x108: {  	s11 =	smul.u32 $0x431BDE83, s0;
	s16 =	spop (v2sf)  }
0x109: {  	s28 =	sshra.s32 s26, $0x1F;
	s17 =	smulhi.u32 $0x431BDE83, s26;
	[smem:$0x7CD] =	sst s22  }
0x10a: {  	s28 =	smul.u32 $0x431BDE83, s28;
	s20 =	sshra.s32 s16, $0x1F;
	s26 =	spop (v2sf)  }
0x10b: {  	(v2sf) =	vpush v13, $0x8;
	s22 =	sadd.s32 s13, s15;
	s13 =	sld [smem:$0x7CA];
	s25 =	smul.u32 $0x431BDE83, s20  }
0x10c: {  	(v2sf) =	vpush v13, $0xD;
	[smem:$0x7D6] =	sst s17;
	s20 =	smulhi.u32 $0x431BDE83, s16  }
0x10d: {  	s8 =	spop (v2sf);
	[smem:$0x7DF] =	sst s22  }
0x10e: {  	(v2sf) =	vpush v13, $0x9;
	s15 =	sadd.s32 s2, s24;
	[smem:$0x7D5] =	sst s28;
	s16 =	spop (v2sf)  }
0x10f: {  	s9 =	sshra.s32 s8, $0x1F;
	s0 =	smulhi.u32 $0x431BDE83, s8;
	[smem:$0x7D7] =	sst s25  }
0x110: {  	s14 =	smul.u32 $0x431BDE83, s9;
	s17 =	sshra.s32 s16, $0x1F;
	s9 =	sld [smem:$0x7C9]  }
0x111: {  	s24 =	smulhi.u32 $0x431BDE83, s16;
	s16 =	sadd.s32 s11, s7;
	s11 =	sld [smem:$0x7D3]  }
0x112: {  	(v2sf) =	vpush v13, $0x5;
	[smem:$0x7D9] =	sst s0  }
0x113: {  	[smem:$0x7DE] =	sst s16  }
0x114: {  	[smem:$0x7D8] =	sst s14  }
0x115: {  	[smem:$0x7DB] =	sst s24  }
0x116: {  	s0 =	smul.u32 $0x431BDE83, s17;
	s14 =	sld [smem:$0x7CB]  }
0x117: {  	s24 =	sadd.s32 s21, s5;
	s5 =	sld [smem:$0x7CC]  }
0x118: {  	s23 =	spop (v2sf);
	[smem:$0x7DA] =	sst s0  }
0x119: {  	s0 =	spop (v2sf);
	s3 =	sadd.s32 s18, s9;
	s9 =	sld [smem:$0x7CF]  }
0x11a: {  	s6 =	spop (v2sf);
	s8 =	sshra.s32 s0, $0x1F;
	[smem:$0x7E2] =	sst s3  }
0x11b: {  	s16 =	smulhi.u32 $0x431BDE83, s0;
	s10 =	sshra.s32 s6, $0x1F;
	s2 =	spop (v2sf)  }
0x11c: {  	s12 =	sadd.s32 s14, s13;
	s14 =	smulhi.u32 $0x431BDE83, s6;
	s6 =	sld [smem:$0x7CD]  }
0x11d: {  	s18 =	smul.u32 $0x431BDE83, s10;
	s0 =	spop (v2sf);
	s21 =	sshra.s32 s2, $0x1F  }
0x11e: {  	(v2sf) =	vpush v13, $0xE;
	s13 =	smul.u32 $0x431BDE83, s21;
	s22 =	sshra.s32 s0, $0x1F;
	s21 =	sld [smem:$0x7D0]  }
0x11f: {  	s19 =	sadd.s32 s4, s19;
	s10 =	smul.u32 $0x431BDE83, s22;
	s22 =	sld [smem:$0x7D1]  }
0x120: {  	s28 =	sshra.s32 s26, $0x1F;
	s17 =	smul.u32 $0x431BDE83, s8;
	s8 =	sld [smem:$0x7CE]  }
0x121: {  	s3 =	spop (v2sf);
	s4 =	sadd.s32 s6, s5;
	s6 =	sld [smem:$0x7D5]  }
0x122: {  	s7 =	sshra.s32 s3, $0x1F;
	s5 =	sadd.s32 s22, s21;
	s22 =	sld [smem:$0x7D4]  }
0x123: {  	s8 =	sadd.s32 s9, s8;
	s9 =	smul.u32 $0x431BDE83, s7;
	s7 =	sld [smem:$0x7D2]  }
0x124: {  	s28 =	smul.u32 $0x431BDE83, s28;
	s21 =	rddreg [dreg:$0x6]  }
0x125: {  	s25 =	smulhi.u32 $0x431BDE83, s26;
	s21 =	sadd.s32 s22, s21;
	s22 =	sld [smem:$0x7D6]  }
0x126: {  	s26 =	sshra.s32 s23, $0x1F;
	s3 =	smulhi.u32 $0x431BDE83, s3;
	s14 =	sadd.s32 s18, s14  }
0x127: {  	[smem:$0x7E5] =	sst s14;
	s11 =	sadd.s32 s11, s7;
	s7 =	smulhi.u32 $0x431BDE83, s2  }
0x128: {  	s3 =	sadd.s32 s9, s3;
	s2 =	sadd.s32 s6, s22;
	s22 =	sld [smem:$0x7D7]  }
0x129: {  	s23 =	smulhi.u32 $0x431BDE83, s23;
	[smem:$0x7E9] =	sst s3;
	s7 =	sadd.s32 s13, s7  }
0x12a: {  	s26 =	smul.u32 $0x431BDE83, s26;
	s14 =	sshra.s32 s15, $0x12;
	[smem:$0x7E7] =	sst s7  }
0x12b: {  	s20 =	sadd.s32 s22, s20;
	s22 =	sadd.s32 s28, s25;
	s25 =	sld [smem:$0x7D8]  }
0x12c: {  	s18 =	sshra.s32 s4, $0x1F;
	s9 =	sshra.s32 s1, $0x12;
	s28 =	sld [smem:$0x7D9]  }
0x12d: {  	s3 =	sshrl.u32 s24, $0x1F;
	s6 =	smulhi.u32 $0x431BDE83, s0;
	s0 =	spop (v2sf)  }
0x12e: {  	s24 =	sshra.s32 s24, $0x12;
	[smem:$0x7E3] =	sst s2;
	s2 =	sshra.s32 s0, $0x1F  }
0x12f: {  	s0 =	smulhi.u32 $0x431BDE83, s0;
	s25 =	sadd.s32 s25, s28;
	s28 =	sld [smem:$0x7DA]  }
0x130: {  	s13 =	sshrl.u32 s15, $0x1F;
	s2 =	smul.u32 $0x431BDE83, s2;
	[smem:$0x7E4] =	sst s25  }
0x131: {  	s15 =	sshra.s32 s4, $0x12;
	s6 =	sadd.s32 s10, s6;
	s25 =	sld [smem:$0x7DB]  }
0x132: {  	s4 =	sshrl.u32 s4, $0x1F;
	[smem:$0x7E8] =	sst s6;
	s0 =	sadd.s32 s2, s0  }
0x133: {  	s10 =	sshra.s32 s30, $0x12;
	s2 =	sshra.s32 s5, $0x1F;
	[smem:$0x7EA] =	sst s0  }
0x134: {  	(v2sf) =	vpush v13, $0xA;
	s0 =	sshra.s32 s5, $0x12;
	s5 =	sshrl.u32 s5, $0x1F;
	s28 =	sadd.s32 s28, s25  }
0x135: {  	vm10 =	vcmask $0x3734;
	(v2sf) =	vpush v13, $0xF;
	v23 =	vmov s4;
	s25 =	sshrl.u32 s1, $0x1F;
	s1 =	sshra.s32 s1, $0x1F;
	[smem:$0x7E6] =	sst s28  }
0x136: {  	(v2sf) =	vpush v13, $0xB;
	v19 =	vsel vm7, s9, v17;
	v23 =	vnsel vm4, $0x0, v23;
	s28 =	sadd.s32 s26, s23;
	s23 =	sadd.s32 s17, s16;
	s16 =	sld [smem:$0x7DC]  }
0x137: {  	v23 =	vsel vm0, s5, v23;
	s5 =	sshra.s32 s20, $0x1F;
	s26 =	sshrl.u32 s12, $0x1F;
	s17 =	sld [smem:$0x7DD];
	v49 =	vsel vm7, s25, v18;
	v50 =	vsel vm10, s1, v19  }
0x138: {  	(v2sf) =	vpush v13, $0x6;
	s12 =	sshra.s32 s12, $0x12;
	v17 =	vsel vm3, s29, v49;
	s29 =	sld [smem:$0x7DF];
	v18 =	vsel vm3, s10, v50;
	s10 =	sshra.s32 s8, $0x1F  }
0x139: {  	v21 =	vmov s26;
	s30 =	sshrl.u32 s16, $0x1F;
	s6 =	sshra.s32 s16, $0x12;
	s16 =	sld [smem:$0x7DE]  }
0x13a: {  	s26 =	sshra.s32 s11, $0x1F;
	v24 =	vmov s12;
	s12 =	sld [smem:$0x7E1];
	v21 =	vsel vm0, s3, v21;
	s3 =	sshra.s32 s19, $0x1F  }
0x13b: {  	vm9 =	vcmask $0x704;
	v20 =	vmov s13;
	s7 =	sshrl.u32 s17, $0x1F;
	s17 =	sshra.s32 s17, $0x12;
	s1 =	sshrl.u32 s29, $0x1F  }
0x13c: {  	v22 =	vmov s14;
	v24 =	vsel vm0, s24, v24;
	s9 =	sshra.s32 s29, $0x12;
	s29 =	sshra.s32 s8, $0x12;
	v20 =	vsel vm0, s30, v20;
	s25 =	sshra.s32 s16, $0x1F  }
0x13d: {  	s8 =	sshrl.u32 s8, $0x1F;
	s4 =	sshrl.u32 s12, $0x1F;
	v22 =	vsel vm0, s6, v22;
	s30 =	sld [smem:$0x7E2];
	v20 =	vsel vm1, s7, v20;
	v51 =	vmov s25  }
0x13e: {  	v21 =	vsel vm1, s1, v21;
	s1 =	sshra.s32 s21, $0x12;
	s7 =	sshrl.u32 s21, $0x1F;
	v22 =	vsel vm1, s17, v22;
	s25 =	sld [smem:$0x7E0];
	v19 =	vsel vm4, s15, v51  }
0x13f: {  	s17 =	sshra.s32 s20, $0x12;
	v24 =	vsel vm1, s9, v24;
	s9 =	sshrl.u32 s20, $0x1F;
	v21 =	vsel vm2, s4, v21;
	s4 =	sshra.s32 s22, $0x12;
	v19 =	vsel vm9, s18, v19  }
0x140: {  	s6 =	sshra.s32 s30, $0x12;
	s24 =	sshrl.u32 s30, $0x1F;
	s15 =	sshrl.u32 s16, $0x1F;
	v19 =	vsel vm0, s0, v19  }
0x141: {  	s16 =	sshra.s32 s16, $0x12;
	s18 =	sshra.s32 s11, $0x12;
	s13 =	sshrl.u32 s25, $0x1F;
	v19 =	vsel vm12, s2, v19  }
0x142: {  	v15 =	vcombine.low v16, v15;
	v14 =	vperm.xlane v14, v0;
	s14 =	sshra.s32 s25, $0x12;
	s0 =	sshrl.u32 s11, $0x1F;
	s11 =	sshra.s32 s12, $0x12;
	v19 =	vsel vm1, s29, v19  }
0x143: {  	v23 =	vsel vm1, s8, v23;
	s25 =	sshra.s32 s19, $0x12;
	s12 =	sshrl.u32 s19, $0x1F;
	v22 =	vsel vm2, s14, v22;
	s14 =	spop (v2sf);
	v19 =	vsel vm13, s10, v19  }
0x144: {  	v20 =	vsel vm2, s13, v20;
	s13 =	sshra.s32 s22, $0x1F;
	v23 =	vsel vm2, s0, v23;
	s0 =	spop (v2sf);
	s10 =	sshra.s32 s21, $0x1F;
	v19 =	vsel vm2, s18, v19  }
0x145: {  	v15 =	vperm.xlane v15, v0;
	v23 =	vsel vm6, s12, v23;
	s21 =	sshra.s32 s14, $0x1F;
	s12 =	spop (v2sf);
	v19 =	vsel vm14, s26, v19;
	s26 =	sld [smem:$0x7E3]  }
0x146: {  	v17 =	vperm.xlane v17, v1;
	v26 =	vmov s9;
	v23 =	vsel vm5, s24, v23;
	s14 =	smulhi.u32 $0x431BDE83, s14;
	s18 =	sshrl.u32 s22, $0x1F;
	s22 =	sld [smem:$0x7E5]  }
0x147: {  	v26 =	vnsel vm4, $0x0, v26;
	s19 =	sshra.s32 s30, $0x1F;
	s2 =	spop (v2sf);
	v23 =	vsel vm7, s7, v23;
	v19 =	vsel vm6, s25, v19;
	s25 =	sld [smem:$0x7E4]  }
0x148: {  	v24 =	vsel vm2, s11, v24;
	s8 =	sshra.s32 s12, $0x1F;
	v23 =	vsel vm3, s15, v23;
	s15 =	sld [smem:$0x7E7];
	v19 =	vsel vm15, s3, v19;
	s20 =	sshra.s32 s26, $0x1F  }
0x149: {  	v26 =	vsel vm0, s18, v26;
	s18 =	sld [smem:$0x7E9];
	s3 =	sshrl.u32 s23, $0x1F;
	s11 =	sshrl.u32 s22, $0x1F;
	v19 =	vsel vm5, s6, v19;
	v25 =	vmov s20  }
0x14a: {  	v18 =	vperm.xlane v18, v1;
	s6 =	sshra.s32 s22, $0x12;
	s22 =	sld [smem:$0x7E8];
	s29 =	sshra.s32 s25, $0x12;
	v19 =	vsel vm11, s19, v19;
	v25 =	vsel vm4, s17, v25  }
0x14b: {  	v14 =	vsel vm8, v17, v14;
	s30 =	sshra.s32 s25, $0x1F;
	s19 =	smul.u32 $0x431BDE83, s8;
	v19 =	vsel vm7, s1, v19;
	v25 =	vsel vm9, s5, v25;
	s5 =	sshra.s32 s23, $0x12  }
0x14c: {  	v20 =	vcombine.low v21, v20;
	v53 =	vcombine.low v24, v22;
	s23 =	sld [smem:$0x7E6];
	v19 =	vsel vm10, s10, v19;
	s10 =	sshra.s32 s2, $0x1F;
	s2 =	smulhi.u32 $0x431BDE83, s2  }
0x14d: {  	v15 =	vsel vm8, v18, v15;
	s20 =	sshrl.u32 s25, $0x1F;
	v30 =	vmov s6;
	s6 =	sld [smem:$0x7EA];
	v25 =	vsel vm0, s4, v25;
	s4 =	smul.u32 $0x431BDE83, s21  }
0x14e: {  	v20 =	vperm.xlane v20, v0;
	v21 =	vperm.xlane v53, v0;
	s17 =	sshrl.u32 s15, $0x1F;
	s21 =	smulhi.u32 $0x431BDE83, s12;
	v25 =	vsel vm12, s13, v25;
	s13 =	sshra.s32 s28, $0x1F  }
0x14f: {  	v57 =	vperm.xlane v23, v1;
	v27 =	vmov s3;
	v25 =	vsel vm1, s29, v25;
	s24 =	sshra.s32 s23, $0x12;
	s25 =	sshra.s32 s23, $0x1F;
	s29 =	sshra.s32 s28, $0x12  }
0x150: {  	v28 =	vmov s11;
	v26 =	vsel vm1, s20, v26;
	v27 =	vsel vm0, s17, v27;
	s9 =	sshrl.u32 s23, $0x1F;
	s23 =	sshrl.u32 s22, $0x1F;
	s4 =	sadd.s32 s4, s14  }
0x151: {  	v19 =	vsel vm3, s16, v19;
	v29 =	vmov s5;
	s14 =	sshrl.u32 s6, $0x1F;
	v25 =	vsel vm13, s30, v25;
	s30 =	sshra.s32 s0, $0x1F;
	s0 =	smulhi.u32 $0x431BDE83, s0  }
0x152: {  	v19 =	vperm.xlane v19, v1;
	v28 =	vsel vm0, s23, v28;
	v26 =	vsel vm2, s9, v26;
	s20 =	sshrl.u32 s4, $0x1F;
	s23 =	sshra.s32 s6, $0x12;
	s4 =	sshra.s32 s4, $0x12  }
0x153: {  	v27 =	vsel vm1, s14, v27;
	v25 =	vsel vm2, s24, v25;
	s24 =	sshra.s32 s15, $0x12;
	s7 =	smul.u32 $0x431BDE83, s30;
	s30 =	sshrl.u32 s28, $0x1F;
	v28 =	vsel vm1, s20, v28  }
0x154: {  	s28 =	sshrl.u32 s18, $0x1F;
	v25 =	vsel vm14, s25, v25;
	s25 =	sshra.s32 s22, $0x12;
	v29 =	vsel vm0, s24, v29;
	s22 =	smul.u32 $0x431BDE83, s10;
	v26 =	vsel vm6, s30, v26  }
0x155: {  	s24 =	sadd.s32 s19, s21;
	v25 =	vsel vm6, s29, v25;
	s29 =	sshra.s32 s18, $0x12;
	s0 =	sadd.s32 s7, s0;
	v30 =	vsel vm0, s25, v30;
	v29 =	vsel vm1, s23, v29  }
0x156: {  	s25 =	sshra.s32 s18, $0x1F;
	s30 =	sshrl.u32 s24, $0x1F;
	v26 =	vsel vm5, s28, v26;
	s6 =	sshra.s32 s24, $0x12;
	v25 =	vsel vm15, s13, v25;
	v30 =	vsel vm1, s4, v30  }
0x157: {  	s1 =	sadd.s32 s22, s2;
	v28 =	vsel vm2, s30, v28;
	v25 =	vsel vm5, s29, v25;
	s29 =	sshrl.u32 s0, $0x1F;
	s0 =	sshra.s32 s0, $0x12;
	v52 =	vsel vm2, s6, v30  }
0x158: {  	s7 =	sshra.s32 s1, $0x12;
	s8 =	sshrl.u32 s1, $0x1F;
	v25 =	vsel vm11, s25, v25;
	v27 =	vsel vm2, s29, v27;
	v29 =	vsel vm2, s0, v29  }
0x159: {  	s9 =	sshrl.u32 s26, $0x1F;
	s10 =	sshra.s32 s1, $0x1F;
	v56 =	vsel vm7, s8, v26;
	v54 =	vsel vm7, s7, v25;
	v55 =	vcombine.low v28, v27  }
0x15a: {  	s11 =	sshra.s32 s26, $0x12;
	v16 =	vcombine.low v52, v29;
	v25 =	vsel vm3, s9, v56;
	v22 =	vsel vm10, s10, v54  }
0x15b: {  	v59 =	vperm.xlane v25, v1;
	v22 =	vsel vm3, s11, v22;
	v58 =	vperm.xlane v55, v0  }
0x15c: {  	v14 =	vadd.s32 v14, v15;
	v16 =	vperm.xlane v16, v0;
	v22 =	vperm.xlane v22, v1  }
0x15d: {  	v14 =	vmul.u32 $0xF4240, v14;
	v17 =	vsel vm8, v57, v20;
	v19 =	vsel vm8, v19, v21  }
0x15e: {  	v17 =	vadd.s32 v17, v19;
	v15 =	vsel vm8, v59, v58;
	v16 =	vsel vm8, v22, v16  }
0x15f: {  	v11 =	vsub.s32 v11, v14;
	v60 =	vmul.u32 $0xF4240, v17;
	v15 =	vadd.s32 v15, v16  }
0x160: {  	v61 =	vadd.s32 $0xF4240, v11;
	vm9 =	vlt.s32 v11, $0x0;
	v15 =	vmul.u32 $0xF4240, v15  }
0x161: {  	v11 =	vsel vm9, v61, v11;
	v12 =	vsub.s32 v12, v60  }
0x162: {  	s12 =	rddreg [dreg:$0xa];
	vm9 =	vlt.s32 v12, $0x0;
	v14 =	vadd.s32 $0xF4240, v12;
	v62 =	vsub.s32 v13, v15  }
0x163: {  	[tilespmem:s12+$0x300] =	vst v11;
	s13 =	sld [smem:$0x7F6];
	v11 =	vsel vm9, v14, v12;
	vm9 =	vlt.s32 v62, $0x0;
	v63 =	vadd.s32 $0xF4240, v62  }
0x164: {  	[tilespmem:s31+$0x500] =	vst v11;
	v12 =	vsel vm9, v63, v62  }
0x165: {  	s16 =	simm.s32 $0xB00;
	s14 =	simm.s32 $0x80;
	s15 =	simm.s32 $0x300;
	[tilespmem:s31+$0x300] =	vst v12  }
0x166: {  	[tilespmem:s16], [sflag:$0x1] =	stream.indirect.gather [hbm4b:s13+s14], $0x20, s15, s14, $0xb8;
	[tilespmem:$0x19500] =	vst v63  }
0x167: {  	s17 =	simm.s32 $0x500;
	s18 =	simm.s32 $0x4B00  }
0x168: {  	[tilespmem:s18], [sflag:$0x1] =	stream.indirect.gather [hbm4b:s13+s14], $0x20, s17, s14, $0xb8;
	[tilespmem:$0x19500] =	vst v63  }
0x169: {  	s20 =	simm.s32 $0x1B00;
	s19 =	simm.s32 $0x380  }
0x16a: {  	[tilespmem:s20], [sflag:$0x1] =	stream.indirect.gather [hbm4b:s13+s14], $0x20, s19, s14, $0xb8;
	[tilespmem:$0x19500] =	vst v63  }
0x16b: {  	s21 =	simm.s32 $0x580;
	s22 =	simm.s32 $0x5B00  }
0x16c: {  	[tilespmem:s22], [sflag:$0x1] =	stream.indirect.gather [hbm4b:s13+s14], $0x20, s21, s14, $0xb8;
	[tilespmem:$0x19500] =	vst v63  }
0x16d: {  	s23 =	simm.s32 $0x400;
	s24 =	simm.s32 $0x2B00  }
0x16e: {  	[tilespmem:s24], [sflag:$0x1] =	stream.indirect.gather [hbm4b:s13+s14], $0x20, s23, s14, $0xb8;
	[tilespmem:$0x19500] =	vst v63  }
0x16f: {  	s26 =	simm.s32 $0x6B00;
	s25 =	simm.s32 $0x600  }
0x170: {  	[tilespmem:s26], [sflag:$0x1] =	stream.indirect.gather [hbm4b:s13+s14], $0x20, s25, s14, $0xb8;
	[tilespmem:$0x19500] =	vst v63  }
0x171: {  	s28 =	simm.s32 $0x480;
	s29 =	simm.s32 $0x3B00  }
0x172: {  	[tilespmem:s29], [sflag:$0x1] =	stream.indirect.gather [hbm4b:s13+s14], $0x20, s28, s14, $0xb8;
	[tilespmem:$0x19500] =	vst v63  }
0x173: {  	s30 =	simm.s32 $0x680;
	s31 =	simm.s32 $0x7B00  }
0x174: {  	[tilespmem:s31], [sflag:$0x1] =	stream.indirect.gather [hbm4b:s13+s14], $0x20, s30, s14, $0xb8;
	[tilespmem:$0x19500] =	vst v63  }
0x175: {  	vm3 =	vmmov vm5;
	s13 =	simm.s32 $0x0  }
.LBB2_4:
0x176: {  	s0 =	sld [smem:$0x7FB];
	_ =	sdelay $0x1  }
0x177: {  	s1 =	sshll.u32 s13, $0xA  }
0x178: {  	s18 =	sld [smem:$0x7F8];
	s0 =	sadd.s32 s1, s0  }
0x179: {  	[smem:$0x7C6] =	sst s13;
	s19 =	simm.s32 $0xCB00;
	s0 =	sadd.s32 $0x200, s0  }
0x17a: {  	s2 =	simm.s32 $0x0;
	[smem:$0x7C8] =	sst s0;
	s0 =	sshrl.u32 s0, $0x3  }
0x17b: {  	s20 =	simm.s32 $0x5;
	[smem:$0x7C7] =	sst s1;
	s0 =	sadd.s32 s18, s0  }
0x17c: {  	[tilespmem:s19], [sflag:$0x5] =	stream.linear.gather [hbm4b:s0+s2], $0x200, $0x38;
	[tilespmem:$0x19500] =	vst v63  }
0x17d: {  	_ =	swait.ge [sflag:s20], $0x200  }
0x17e: {  	[sflag:s20] =	ssyncset.done $0x0  }
0x17f: {  	s21 =	simm.s32 $0x0;
	[sflag:s20] =	ssyncadd.s32 $0xFFFFFE00  }
0x180: {  	v12 =	vld [tilespmem:s21+$0xCB00];
	_ =	sdelay $0x4  }
0x181: {  	v11 =	vmul.u32 v5, v12;
	_ =	sdelay $0x1  }
0x182: {  	v13 =	vadd.s32 v6, v11  }
0x183: {  	(v2sf) =	vpush v13, $0xF  }
0x184: {  	(v2sf) =	vpush v13, $0xB;
	_ =	sdelay $0x1  }
0x185: {  	(v2sf) =	vpush v13, $0x6  }
0x186: {  	(v2sf) =	vpush v13, $0xE  }
0x187: {  	(v2sf) =	vpush v13, $0xA  }
0x188: {  	(v2sf) =	vpush v13, $0xD  }
0x189: {  	(v2sf) =	vpush v13, $0x9  }
0x18a: {  	(v2sf) =	vpush v13, $0x5;
	_ =	sdelay $0x2  }
0x18b: {  	(v2sf) =	vpush v13, $0xC  }
0x18c: {  	(v2sf) =	vpush v13, $0x8;
	_ =	sdelay $0x2  }
0x18d: {  	(v2sf) =	vpush v13, $0x4;
	s22 =	spop (v2sf)  }
0x18e: {  	s4 =	smulhi.u32 $0x431BDE83, s22;
	s3 =	spop (v2sf)  }
0x18f: {  	s0 =	sshra.s32 s22, $0x1F;
	s7 =	smulhi.u32 $0x431BDE83, s3  }
0x190: {  	s10 =	spop (v2sf);
	s0 =	smul.u32 $0x431BDE83, s0  }
0x191: {  	s3 =	sshra.s32 s3, $0x1F;
	s1 =	smulhi.u32 $0x431BDE83, s10;
	s11 =	spop (v2sf)  }
0x192: {  	s22 =	smul.u32 $0x431BDE83, s3;
	s23 =	spop (v2sf)  }
0x193: {  	s24 =	sshra.s32 s10, $0x1F;
	s12 =	smulhi.u32 $0x431BDE83, s11;
	s14 =	spop (v2sf)  }
0x194: {  	s3 =	smul.u32 $0x431BDE83, s24;
	s16 =	spop (v2sf);
	(v2sf) =	vpush v13, $0x3  }
0x195: {  	s25 =	sshra.s32 s11, $0x1F;
	s2 =	smulhi.u32 $0x431BDE83, s23;
	s17 =	spop (v2sf);
	(v2sf) =	vpush v13, $0x2  }
0x196: {  	s11 =	smul.u32 $0x431BDE83, s25  }
0x197: {  	s26 =	sshra.s32 s23, $0x1F;
	s15 =	smulhi.u32 $0x431BDE83, s14  }
0x198: {  	s30 =	sshra.s32 s14, $0x1F;
	s14 =	smul.u32 $0x431BDE83, s26;
	s18 =	spop (v2sf);
	(v2sf) =	vpush v13, $0x1  }
0x199: {  	s9 =	smulhi.u32 $0x431BDE83, s16;
	s20 =	spop (v2sf);
	(v2sf) =	vpush v13, $0x0  }
0x19a: {  	s10 =	smul.u32 $0x431BDE83, s30  }
0x19b: {  	v11 =	vmul.u32 v3, v12;
	s16 =	sshra.s32 s16, $0x1F;
	s6 =	smulhi.u32 $0x431BDE83, s17  }
0x19c: {  	s13 =	smul.u32 $0x431BDE83, s16;
	s21 =	spop (v2sf);
	(v2sf) =	vpush v13, $0x7  }
0x19d: {  	v11 =	vadd.s32 v4, v11;
	s17 =	sshra.s32 s17, $0x1F;
	s19 =	smulhi.u32 $0x431BDE83, s18  }
0x19e: {  	s16 =	smul.u32 $0x431BDE83, s17;
	(v2sf) =	vpush v11, $0x7  }
0x19f: {  	s23 =	sshra.s32 s18, $0x1F;
	s8 =	smulhi.u32 $0x431BDE83, s20;
	(v2sf) =	vpush v11, $0x0  }
0x1a0: {  	s0 =	sadd.s32 s0, s4;
	s4 =	sadd.s32 s22, s7;
	s17 =	smul.u32 $0x431BDE83, s23  }
0x1a1: {  	s7 =	sadd.s32 s11, s12;
	s24 =	sshra.s32 s20, $0x1F;
	s5 =	smulhi.u32 $0x431BDE83, s21  }
0x1a2: {  	s2 =	sadd.s32 s14, s2;
	s18 =	smul.u32 $0x431BDE83, s24;
	s25 =	sshra.s32 s21, $0x1F;
	(v2sf) =	vpush v11, $0x1  }
0x1a3: {  	s10 =	sadd.s32 s10, s15;
	s20 =	smul.u32 $0x431BDE83, s25;
	(v2sf) =	vpush v11, $0x2;
	s26 =	spop (v2sf)  }
0x1a4: {  	s9 =	sadd.s32 s13, s9;
	s23 =	smulhi.u32 $0x431BDE83, s26;
	s24 =	spop (v2sf)  }
0x1a5: {  	s29 =	sshrl.u32 s10, $0x1F;
	s21 =	sshra.s32 s26, $0x1F;
	s25 =	smulhi.u32 $0x431BDE83, s24  }
0x1a6: {  	s6 =	sadd.s32 s16, s6;
	s24 =	sshra.s32 s24, $0x1F;
	s21 =	smul.u32 $0x431BDE83, s21  }
0x1a7: {  	s31 =	sshrl.u32 s9, $0x1F;
	s30 =	spop (v2sf);
	s22 =	smul.u32 $0x431BDE83, s24  }
0x1a8: {  	s9 =	sshra.s32 s9, $0x12;
	(v2sf) =	vpush v11, $0x3;
	s15 =	smulhi.u32 $0x431BDE83, s30;
	s26 =	spop (v2sf)  }
0x1a9: {  	s17 =	sadd.s32 s17, s19;
	(v2sf) =	vpush v11, $0x4;
	s30 =	sshra.s32 s30, $0x1F;
	s12 =	smulhi.u32 $0x431BDE83, s26  }
0x1aa: {  	s18 =	sadd.s32 s18, s8;
	s24 =	sshra.s32 s26, $0x1F;
	s11 =	smul.u32 $0x431BDE83, s30  }
0x1ab: {  	s13 =	sadd.s32 s20, s5;
	(v2sf) =	vpush v11, $0xC;
	s26 =	spop (v2sf);
	s14 =	smul.u32 $0x431BDE83, s24  }
0x1ac: {  	s8 =	sadd.s32 s21, s23;
	s24 =	smulhi.u32 $0x431BDE83, s26;
	s19 =	sshra.s32 s26, $0x1F  }
0x1ad: {  	s21 =	sshra.s32 s17, $0x12;
	s26 =	spop (v2sf);
	s19 =	smul.u32 $0x431BDE83, s19  }
0x1ae: {  	s30 =	sshra.s32 s26, $0x1F;
	s16 =	spop (v2sf);
	s26 =	smulhi.u32 $0x431BDE83, s26  }
0x1af: {  	s22 =	sadd.s32 s22, s25;
	s28 =	smul.u32 $0x431BDE83, s30;
	s30 =	sshra.s32 s16, $0x1F  }
0x1b0: {  	(v2sf) =	vpush v11, $0x8;
	s11 =	sadd.s32 s11, s15;
	s14 =	sadd.s32 s14, s12;
	s20 =	smul.u32 $0x431BDE83, s30  }
0x1b1: {  	(v2sf) =	vpush v11, $0xD;
	s30 =	spop (v2sf);
	s5 =	sadd.s32 s19, s24;
	s19 =	smulhi.u32 $0x431BDE83, s16  }
0x1b2: {  	(v2sf) =	vpush v11, $0x9;
	s24 =	sshra.s32 s30, $0x1F;
	s12 =	spop (v2sf);
	s25 =	smulhi.u32 $0x431BDE83, s30  }
0x1b3: {  	v17 =	vmov s21;
	(v2sf) =	vpush v11, $0x5;
	s21 =	sshra.s32 s11, $0x1F;
	s24 =	smul.u32 $0x431BDE83, s24;
	s30 =	sshra.s32 s12, $0x1F  }
0x1b4: {  	(v2sf) =	vpush v11, $0xE;
	s28 =	sadd.s32 s28, s26;
	s26 =	sshra.s32 s18, $0x12;
	s23 =	smul.u32 $0x431BDE83, s30  }
0x1b5: {  	(v2sf) =	vpush v11, $0xA;
	s16 =	sadd.s32 s3, s1;
	v19 =	vmov s26;
	s26 =	sshra.s32 s22, $0x1F;
	s30 =	smulhi.u32 $0x431BDE83, s12  }
0x1b6: {  	vm10 =	vcmask $0x704;
	vm12 =	vcmask $0xF0C;
	s12 =	sadd.s32 s20, s19;
	s19 =	sshrl.u32 s17, $0x1F;
	s20 =	sshra.s32 s14, $0x12  }
0x1b7: {  	vm13 =	vcmask $0x1714;
	vm14 =	vcmask $0x1F1C;
	s17 =	spop (v2sf);
	v19 =	vsel vm0, s9, v19;
	s9 =	sshrl.u32 s22, $0x1F;
	s3 =	sadd.s32 s24, s25  }
0x1b8: {  	vm5 =	vcmask $0x2320;
	vm11 =	vcmask $0x2F2C;
	(v2sf) =	vpush v11, $0xF;
	s24 =	sshrl.u32 s14, $0x1F;
	s25 =	sshrl.u32 s18, $0x1F;
	s15 =	spop (v2sf)  }
0x1b9: {  	v20 =	vmul.u32 v7, v12;
	(v2sf) =	vpush v11, $0xB;
	s18 =	sshra.s32 s5, $0x1F;
	v15 =	vmov s19;
	s1 =	sadd.s32 s23, s30;
	s23 =	sshra.s32 s14, $0x1F  }
0x1ba: {  	s30 =	sshra.s32 s10, $0x12;
	v14 =	vmov s18;
	s14 =	spop (v2sf);
	v16 =	vmov s25;
	s25 =	sshra.s32 s7, $0x12;
	v18 =	vmov s24  }
0x1bb: {  	s24 =	sshra.s32 s11, $0x12;
	v15 =	vsel vm0, s29, v15;
	v14 =	vsel vm4, s20, v14;
	s20 =	sshrl.u32 s7, $0x1F;
	v16 =	vsel vm0, s31, v16;
	s7 =	sshra.s32 s22, $0x12  }
0x1bc: {  	v17 =	vsel vm0, s30, v17;
	v18 =	vnsel vm4, $0x0, v18;
	s30 =	sshra.s32 s8, $0x12;
	s22 =	sshrl.u32 s0, $0x1F;
	s0 =	sshra.s32 s0, $0x12;
	v14 =	vsel vm10, s23, v14  }
0x1bd: {  	s23 =	sshrl.u32 s11, $0x1F;
	v15 =	vsel vm1, s20, v15;
	v17 =	vsel vm1, s25, v17;
	s25 =	sshrl.u32 s4, $0x1F;
	v14 =	vsel vm0, s24, v14;
	s24 =	sshrl.u32 s2, $0x1F  }
0x1be: {  	v18 =	vsel vm0, s23, v18;
	v15 =	vsel vm2, s22, v15;
	s22 =	sshra.s32 s4, $0x12;
	s23 =	sshra.s32 s6, $0x1F;
	v14 =	vsel vm12, s21, v14;
	s21 =	sshra.s32 s2, $0x12  }
0x1bf: {  	v12 =	vmul.u32 v9, v12;
	(v2sf) =	vpush v11, $0x6;
	v16 =	vsel vm1, s24, v16;
	s24 =	sshra.s32 s8, $0x1F;
	s8 =	sshrl.u32 s8, $0x1F;
	s10 =	spop (v2sf)  }
0x1c0: {  	v18 =	vsel vm1, s9, v18;
	s9 =	sshra.s32 s16, $0x1F;
	v14 =	vsel vm1, s7, v14;
	v16 =	vsel vm2, s25, v16;
	s25 =	sshra.s32 s6, $0x12;
	s18 =	spop (v2sf)  }
0x1c1: {  	v20 =	vadd.s32 v8, v20;
	v18 =	vsel vm2, s8, v18;
	s8 =	simm.s32 $0x10;
	v14 =	vsel vm13, s26, v14;
	s26 =	sshra.s32 s13, $0x12;
	s19 =	spop (v2sf)  }
0x1c2: {  	v20 =	vand.u32 $0x1, v20;
	v12 =	vadd.s32 v10, v12;
	v14 =	vsel vm2, s30, v14;
	s30 =	sshra.s32 s17, $0x1F;
	s17 =	smulhi.u32 $0x431BDE83, s17;
	s11 =	spop (v2sf)  }
0x1c3: {  	vm9 =	veq.s32 v20, $0x0;
	v19 =	vsel vm1, s21, v19;
	v14 =	vsel vm14, s24, v14;
	s21 =	smul.u32 $0x431BDE83, s30;
	s24 =	sshra.s32 s13, $0x1F;
	s7 =	spop (v2sf)  }
0x1c4: {  	v12 =	vand.u32 $0x1, v12;
	v20 =	vsel vm9, $0xBF000000, v2;
	s30 =	sshra.s32 s16, $0x12;
	v14 =	vsel vm5, s26, v14;
	s26 =	sshrl.u32 s13, $0x1F;
	s2 =	spop (v2sf)  }
0x1c5: {  	vm9 =	veq.s32 v12, $0x0;
	v14 =	vsel vm15, s24, v14;
	s24 =	sshrl.u32 s6, $0x1F;
	s13 =	sadd.s32 s21, s17;
	v12 =	vsel vm5, s26, v18;
	s26 =	sshra.s32 s15, $0x1F  }
0x1c6: {  	v15 =	vcombine.low v16, v15;
	s21 =	sshrl.u32 s16, $0x1F;
	v18 =	vsel vm9, $0xBF000000, v2;
	v14 =	vsel vm3, s25, v14;
	s25 =	simm.s32 $0x0;
	s20 =	smul.u32 $0x431BDE83, s26  }
0x1c7: {  	vm5 =	vcmask $0x3330;
	v12 =	vsel vm3, s24, v12;
	s24 =	sshra.s32 s12, $0x12;
	v14 =	vsel vm11, s23, v14;
	[tilespmem:s25+$0xD100] =	vst v20;
	s23 =	sshra.s32 s10, $0x1F;
	s10 =	smulhi.u32 $0x431BDE83, s10  }
0x1c8: {  	vm6 =	vmmov vm3;
	v17 =	vsel vm2, s0, v17;
	[tilespmem:s25+$0xD300] =	vst v18;
	v12 =	vsel vm5, s21, v12;
	s21 =	sshra.s32 s18, $0x1F;
	s25 =	sshra.s32 s12, $0x1F;
	s18 =	smulhi.u32 $0x431BDE83, s18  }
0x1c9: {  	v15 =	vperm.xlane v15, v0;
	v18 =	vsel vm2, s22, v19;
	s12 =	sshrl.u32 s12, $0x1F;
	v14 =	vsel vm5, s30, v14;
	s30 =	sshra.s32 s14, $0x1F;
	v19 =	vld [tilespmem:s8+$0xCB00];
	s14 =	smulhi.u32 $0x431BDE83, s14  }
0x1ca: {  	vm3 =	vcmask $0x3734;
	s22 =	sshra.s32 s28, $0x1F;
	v16 =	vcombine.low v18, v17;
	v18 =	vmov s12;
	s12 =	sshra.s32 s2, $0x1F;
	s2 =	smulhi.u32 $0x431BDE83, s2  }
0x1cb: {  	s16 =	sshrl.u32 s5, $0x1F;
	s17 =	sshra.s32 s5, $0x12;
	v20 =	vmov s22;
	v14 =	vsel vm3, s9, v14;
	s9 =	smulhi.u32 $0x431BDE83, s15;
	vm3 =	vcmask $0x3B38  }
0x1cc: {  	s4 =	spop (v2sf);
	s15 =	sshra.s32 s7, $0x1F;
	s7 =	smulhi.u32 $0x431BDE83, s7;
	v12 =	vsel vm3, s16, v12;
	v14 =	vsel vm3, s17, v14;
	v16 =	vperm.xlane v16, v0  }
0x1cd: {  	s26 =	sshra.s32 s3, $0x12;
	s6 =	spop (v2sf);
	v17 =	vsel vm4, s24, v20;
	s12 =	smul.u32 $0x431BDE83, s12;
	v12 =	vperm.xlane v12, v1;
	v14 =	vperm.xlane v14, v1  }
0x1ce: {  	vm7 =	vmmov vm8;
	s5 =	spop (v2sf);
	s22 =	sshra.s32 s13, $0x12;
	s16 =	smul.u32 $0x431BDE83, s30;
	v17 =	vsel vm10, s25, v17;
	v20 =	vmul.u32 v5, v19  }
0x1cf: {  	s24 =	sshra.s32 s1, $0x12;
	s30 =	sshra.s32 s3, $0x1F;
	s17 =	smul.u32 $0x431BDE83, s23;
	v17 =	vsel vm0, s26, v17;
	v12 =	vsel vm8, v12, v15;
	v14 =	vsel vm8, v14, v16  }
0x1d0: {  	s25 =	sshra.s32 s1, $0x1F;
	s3 =	sshrl.u32 s3, $0x1F;
	s0 =	sadd.s32 s20, s9;
	v17 =	vsel vm12, s30, v17;
	v14 =	vadd.s32 v12, v14;
	v12 =	vadd.s32 v6, v20  }
0x1d1: {  	vm3 =	vcmask $0x2320;
	s20 =	smul.u32 $0x431BDE83, s21;
	s30 =	sshra.s32 s11, $0x1F;
	s14 =	sadd.s32 s16, s14;
	v15 =	vsel vm1, s24, v17;
	(v2sf) =	vpush v12, $0xF  }
0x1d2: {  	s9 =	smul.u32 $0x431BDE83, s30;
	v16 =	vnsel vm4, $0x0, v18;
	s30 =	sadd.s32 s17, s10;
	s17 =	sshrl.u32 s14, $0x1F;
	v15 =	vsel vm13, s25, v15;
	(v2sf) =	vpush v12, $0xB  }
0x1d3: {  	s15 =	smul.u32 $0x431BDE83, s15;
	s1 =	sshrl.u32 s1, $0x1F;
	s14 =	sshra.s32 s14, $0x12;
	v16 =	vsel vm0, s3, v16;
	v17 =	vmov s17;
	(v2sf) =	vpush v12, $0x6  }
0x1d4: {  	s26 =	sshra.s32 s19, $0x1F;
	s21 =	smulhi.u32 $0x431BDE83, s19;
	s23 =	sadd.s32 s20, s18;
	v21 =	vmov s14;
	v14 =	vmul.u32 $0xF4240, v14;
	(v2sf) =	vpush v12, $0xE  }
0x1d5: {  	s7 =	sadd.s32 s15, s7;
	s17 =	sshrl.u32 s23, $0x1F;
	s10 =	sshra.s32 s23, $0x12;
	v15 =	vsel vm2, s22, v15;
	v20 =	vmul.u32 v7, v19;
	v16 =	vsel vm1, s1, v16  }
0x1d6: {  	s24 =	sshra.s32 s13, $0x1F;
	s13 =	sshrl.u32 s13, $0x1F;
	s25 =	smul.u32 $0x431BDE83, s26;
	v17 =	vsel vm0, s17, v17;
	v21 =	vsel vm0, s10, v21;
	(v2sf) =	vpush v12, $0xA  }
0x1d7: {  	s26 =	sshra.s32 s0, $0x12;
	s3 =	sshra.s32 s30, $0x12;
	s22 =	sshra.s32 s4, $0x1F;
	v15 =	vsel vm14, s24, v15;
	v16 =	vsel vm2, s13, v16;
	(v2sf) =	vpush v12, $0xD  }
0x1d8: {  	s16 =	sadd.s32 s25, s21;
	s25 =	sshrl.u32 s30, $0x1F;
	s30 =	sshra.s32 s0, $0x1F;
	v15 =	vsel vm3, s26, v15;
	v13 =	vsub.s32 v13, v14;
	(v2sf) =	vpush v12, $0x9  }
0x1d9: {  	s21 =	smul.u32 $0x431BDE83, s22;
	s0 =	sshrl.u32 s0, $0x1F;
	s22 =	sshrl.u32 s7, $0x1F;
	v18 =	vmov s25;
	v20 =	vadd.s32 v8, v20;
	(v2sf) =	vpush v12, $0x5  }
0x1da: {  	s11 =	smulhi.u32 $0x431BDE83, s11;
	s24 =	sshra.s32 s6, $0x1F;
	v16 =	vsel vm3, s0, v16;
	v23 =	vsel vm1, s22, v17;
	(v2sf) =	vpush v12, $0xC  }
0x1db: {  	s29 =	sshrl.u32 s28, $0x1F;
	s2 =	sadd.s32 s12, s2;
	s18 =	smul.u32 $0x431BDE83, s24;
	vm9 =	vlt.s32 v13, $0x0;
	v14 =	vadd.s32 $0xF4240, v13;
	(v2sf) =	vpush v12, $0x8  }
0x1dc: {  	s19 =	sshrl.u32 s16, $0x1F;
	s24 =	sshra.s32 s7, $0x12;
	s25 =	smulhi.u32 $0x431BDE83, s4;
	v20 =	vand.u32 $0x1, v20;
	v15 =	vsel vm15, s30, v15;
	(v2sf) =	vpush v12, $0x4  }
0x1dd: {  	s23 =	sshrl.u32 s2, $0x1F;
	s26 =	sshra.s32 s5, $0x1F;
	s5 =	smulhi.u32 $0x431BDE83, s5;
	v18 =	vsel vm0, s19, v18;
	v21 =	vsel vm1, s24, v21;
	(v2sf) =	vpush v12, $0x3  }
0x1de: {  	s2 =	sshra.s32 s2, $0x12;
	s9 =	sadd.s32 s9, s11;
	s11 =	smul.u32 $0x431BDE83, s26;
	v14 =	vsel vm9, v14, v13;
	v13 =	vmul.u32 v3, v19;
	(v2sf) =	vpush v12, $0x2  }
0x1df: {  	s20 =	sshra.s32 s9, $0x12;
	s16 =	sshra.s32 s16, $0x12;
	s30 =	smulhi.u32 $0x431BDE83, s6;
	v19 =	vmul.u32 v9, v19;
	vm9 =	veq.s32 v20, $0x0;
	(v2sf) =	vpush v12, $0x1  }
0x1e0: {  	s26 =	sshra.s32 s9, $0x1F;
	v20 =	vmov s3;
	s17 =	sadd.s32 s21, s25;
	v15 =	vsel vm6, s20, v15;
	(v2sf) =	vpush v12, $0x0;
	s4 =	spop (v2sf)  }
0x1e1: {  	v18 =	vsel vm1, s23, v18;
	s14 =	sadd.s32 s18, s30;
	v13 =	vadd.s32 v4, v13;
	(v2sf) =	vpush v12, $0x7;
	s15 =	smulhi.u32 $0x431BDE83, s4;
	s6 =	spop (v2sf)  }
0x1e2: {  	v22 =	vsel vm9, $0xBF000000, v2;
	v20 =	vsel vm0, s16, v20;
	s18 =	simm.s32 $0x0;
	(v2sf) =	vpush v13, $0x7;
	s16 =	smulhi.u32 $0x431BDE83, s6;
	s7 =	spop (v2sf)  }
0x1e3: {  	s23 =	sshrl.u32 s17, $0x1F;
	v17 =	vsel vm11, s26, v15;
	v19 =	vadd.s32 v10, v19;
	(v2sf) =	vpush v13, $0x0;
	s22 =	smulhi.u32 $0x431BDE83, s7;
	s12 =	spop (v2sf)  }
0x1e4: {  	s3 =	sadd.s32 s11, s5;
	v20 =	vsel vm1, s2, v20;
	s24 =	sshrl.u32 s14, $0x1F;
	[tilespmem:s18+$0xCF00] =	vst v14;
	v14 =	vsel vm2, s23, v23;
	(v2sf) =	vpush v13, $0x1;
	s11 =	smulhi.u32 $0x431BDE83, s12  }
0x1e5: {  	s9 =	sshrl.u32 s9, $0x1F;
	v19 =	vand.u32 $0x1, v19;
	v15 =	vsel vm2, s24, v18;
	(v2sf) =	vpush v13, $0x2;
	s20 =	spop (v2sf);
	[dreg:$0x7] =	wrdreg s22  }
0x1e6: {  	s30 =	sshra.s32 s14, $0x12;
	v18 =	vsel vm6, s9, v16;
	vm9 =	veq.s32 v19, $0x0;
	s25 =	smulhi.u32 $0x431BDE83, s20;
	(v2sf) =	vpush v13, $0x3;
	s22 =	spop (v2sf)  }
0x1e7: {  	s26 =	sshra.s32 s17, $0x12;
	[tilespmem:s8+$0xD100] =	vst v22;
	v16 =	vsel vm2, s30, v20;
	v19 =	vsel vm9, $0xBF000000, v2;
	s31 =	smulhi.u32 $0x431BDE83, s22;
	(v2sf) =	vpush v13, $0x4;
	s23 =	spop (v2sf)  }
0x1e8: {  	s2 =	simm.s32 $0x80;
	v14 =	vcombine.low v15, v14;
	v15 =	vsel vm2, s26, v21;
	[tilespmem:s8+$0xD300] =	vst v19;
	s10 =	smulhi.u32 $0x431BDE83, s23;
	(v2sf) =	vpush v13, $0xC;
	s24 =	spop (v2sf)  }
.LBB2_5:
0x1e9: {  	[dreg:$0x4] =	wrdreg s2  }
0x1ea: {  	p0 =	sne.s32 s2, $0x7C0;
	s0 =	smulhi.u32 $0x431BDE83, s24;
	s30 =	spop (v2sf)  }
0x1eb: {  	s19 =	sshra.s32 s3, $0x12;
	s26 =	sshrl.u32 s3, $0x1F;
	[smem:$0x7BD] =	sst s10  }
0x1ec: {  	v15 =	vcombine.low v16, v15;
	s3 =	sshra.s32 s3, $0x1F;
	s17 =	smulhi.u32 $0x431BDE83, s30;
	s21 =	spop (v2sf)  }
0x1ed: {  	vm10 =	vcmask $0x3B38;
	[smem:$0x7BB] =	sst s25;
	v16 =	vsel vm5, s19, v17;
	v17 =	vsel vm5, s26, v18;
	s19 =	sshra.s32 s4, $0x1F;
	s1 =	smulhi.u32 $0x431BDE83, s21  }
0x1ee: {  	s9 =	sshra.s32 s28, $0x12;
	s25 =	spop (v2sf);
	v17 =	vsel vm10, s29, v17;
	s29 =	smul.u32 $0x431BDE83, s19  }
0x1ef: {  	[smem:$0x7BE] =	sst s0;
	s0 =	sshra.s32 s6, $0x1F;
	s2 =	smulhi.u32 $0x431BDE83, s25  }
0x1f0: {  	vm8 =	vcmask $0x3734;
	s20 =	sshra.s32 s20, $0x1F;
	[smem:$0x7BA] =	sst s31;
	s4 =	smul.u32 $0x431BDE83, s0  }
0x1f1: {  	(v2sf) =	vpush v13, $0x8;
	s22 =	sshra.s32 s22, $0x1F;
	v16 =	vsel vm8, s3, v16;
	[smem:$0x7BC] =	sst s17;
	s0 =	smul.u32 $0x431BDE83, s20  }
0x1f2: {  	(v2sf) =	vpush v13, $0xD;
	s31 =	spop (v2sf);
	v16 =	vsel vm10, s9, v16;
	s9 =	smul.u32 $0x431BDE83, s22  }
0x1f3: {  	(v2sf) =	vpush v13, $0x9;
	s17 =	smov.u32 s8;
	[smem:$0x7BF] =	sst s1;
	s5 =	smulhi.u32 $0x431BDE83, s31  }
0x1f4: {  	(v2sf) =	vpush v13, $0x5;
	s14 =	spop (v2sf);
	[dreg:$0x9] =	wrdreg s17  }
0x1f5: {  	s7 =	sshra.s32 s7, $0x1F;
	(v2sf) =	vpush v13, $0xE;
	[smem:$0x7C0] =	sst s2;
	s10 =	smulhi.u32 $0x431BDE83, s14  }
0x1f6: {  	s28 =	spop (v2sf);
	s2 =	smul.u32 $0x431BDE83, s7  }
0x1f7: {  	s3 =	smov.u32 s16;
	(v2sf) =	vpush v13, $0xA;
	[smem:$0x7C4] =	sst s5;
	s16 =	spop (v2sf)  }
0x1f8: {  	s13 =	smulhi.u32 $0x431BDE83, s28;
	(v2sf) =	vpush v13, $0xF;
	s17 =	spop (v2sf)  }
0x1f9: {  	[smem:$0x7C2] =	sst s10;
	s26 =	spop (v2sf)  }
0x1fa: {  	v14 =	vperm.xlane v14, v0;
	v15 =	vperm.xlane v15, v0;
	s10 =	smov.u32 s18;
	s18 =	smulhi.u32 $0x431BDE83, s16;
	(v2sf) =	vpush v13, $0xB;
	s6 =	spop (v2sf)  }
0x1fb: {  	v17 =	vperm.xlane v17, v1;
	v16 =	vperm.xlane v16, v1;
	[smem:$0x7C5] =	sst s2;
	(v2sf) =	vpush v13, $0x6;
	s1 =	spop (v2sf)  }
0x1fc: {  	s12 =	sshra.s32 s12, $0x1F;
	[smem:$0x7C3] =	sst s13;
	s7 =	spop (v2sf)  }
0x1fd: {  	v14 =	vsel vm7, v17, v14;
	v15 =	vsel vm7, v16, v15;
	s13 =	smul.u32 $0x431BDE83, s12;
	s12 =	spop (v2sf)  }
0x1fe: {  	v14 =	vadd.s32 v14, v15;
	[smem:$0x7C1] =	sst s18;
	s20 =	spop (v2sf)  }
0x1ff: {  	s5 =	sshra.s32 s23, $0x1F;
	v14 =	vmul.u32 $0xF4240, v14;
	[dreg:$0x1e] =	wrdreg s26;
	s23 =	spop (v2sf)  }
0x200: {  	s18 =	sshra.s32 s24, $0x1F;
	[dreg:$0x18] =	wrdreg s1;
	s22 =	spop (v2sf)  }
0x201: {  	s19 =	sshra.s32 s30, $0x1F;
	v14 =	vsub.s32 v11, v14;
	s1 =	smul.u32 $0x431BDE83, s18;
	s24 =	spop (v2sf)  }
0x202: {  	s26 =	sshra.s32 s21, $0x1F;
	v11 =	vmov v13;
	vm9 =	vlt.s32 v14, $0x0;
	v13 =	vadd.s32 $0xF4240, v14;
	s18 =	smul.u32 $0x431BDE83, s19;
	s30 =	spop (v2sf)  }
0x203: {  	s2 =	sshra.s32 s25, $0x1F;
	s19 =	smul.u32 $0x431BDE83, s26;
	v13 =	vsel vm9, v13, v14;
	s21 =	spop (v2sf)  }
0x204: {  	s25 =	sshra.s32 s31, $0x1F;
	s26 =	smul.u32 $0x431BDE83, s2;
	[tilespmem:s10+$0xCD00] =	vst v13;
	s10 =	spop (v2sf)  }
0x205: {  	s31 =	sshra.s32 s14, $0x1F;
	[dreg:$0x14] =	wrdreg s10;
	s10 =	smul.u32 $0x431BDE83, s25  }
0x206: {  	s14 =	spop (v2sf);
	s25 =	sshra.s32 s28, $0x1F;
	s28 =	smul.u32 $0x431BDE83, s31  }
0x207: {  	s31 =	sadd.s32 s29, s15;
	s15 =	sld [smem:$0x7BB];
	s2 =	spop (v2sf)  }
0x208: {  	[dreg:$0x12] =	wrdreg s2  }
0x209: {  	s2 =	smul.u32 $0x431BDE83, s25;
	s25 =	spop (v2sf)  }
0x20a: {  	[dreg:$0xf] =	wrdreg s25;
	s25 =	spop (v2sf)  }
0x20b: {  	[dreg:$0xc] =	wrdreg s25  }
0x20c: {  	s25 =	sadd.s32 s4, s3;
	s4 =	sld [smem:$0x7BA];
	_ =	sdelay $0x2  }
0x20d: {  	s29 =	sadd.s32 s9, s4;
	s9 =	sadd.s32 s0, s15;
	s15 =	sld [smem:$0x7BF]  }
0x20e: {  	_ = 	snop  }
0x20f: {  	s5 =	smul.u32 $0x431BDE83, s5;
	s16 =	sshra.s32 s16, $0x1F;
	s4 =	sld [smem:$0x7BD]  }
0x210: {  	s8 =	smulhi.u32 $0x431BDE83, s17;
	s15 =	sadd.s32 s19, s15;
	s19 =	sld [smem:$0x7C0]  }
0x211: {  	s16 =	smul.u32 $0x431BDE83, s16;
	s17 =	sshra.s32 s17, $0x1F;
	s3 =	sld [smem:$0x7BC]  }
0x212: {  	s17 =	smul.u32 $0x431BDE83, s17;
	s13 =	sadd.s32 s13, s11;
	s11 =	sld [smem:$0x7BE]  }
0x213: {  	s0 =	sadd.s32 s5, s4;
	s5 =	sadd.s32 s26, s19;
	s26 =	sld [smem:$0x7C1]  }
0x214: {  	s8 =	sadd.s32 s17, s8;
	s18 =	sadd.s32 s18, s3;
	s3 =	sld [smem:$0x7C2]  }
0x215: {  	s17 =	sshra.s32 s8, $0x1F  }
0x216: {  	s4 =	sadd.s32 s1, s11;
	s16 =	sadd.s32 s16, s26;
	s26 =	sld [smem:$0x7C3]  }
0x217: {  	s1 =	sadd.s32 s28, s3;
	s11 =	sshrl.u32 s18, $0x1F;
	s18 =	sshra.s32 s18, $0x12  }
0x218: {  	v13 =	vmov s17;
	v14 =	vmov s11;
	v16 =	vmov s18;
	s18 =	rddreg [dreg:$0x9];
	s17 =	sshra.s32 s1, $0x12;
	s11 =	sshra.s32 s5, $0x1F  }
0x219: {  	s3 =	sadd.s32 s2, s26;
	s2 =	sshra.s32 s16, $0x12;
	s26 =	sshrl.u32 s15, $0x1F  }
0x21a: {  	s15 =	sshra.s32 s15, $0x12;
	v13 =	vsel vm4, s2, v13;
	s2 =	sshra.s32 s16, $0x1F;
	s16 =	sshrl.u32 s16, $0x1F  }
0x21b: {  	vm9 =	vcmask $0x704;
	v15 =	vmov s26;
	s19 =	sshra.s32 s3, $0x12;
	s26 =	sshrl.u32 s29, $0x1F;
	v18 =	vmov s15;
	s15 =	sshra.s32 s3, $0x1F  }
0x21c: {  	s3 =	sshrl.u32 s3, $0x1F;
	v13 =	vsel vm9, s2, v13;
	s2 =	sshrl.u32 s0, $0x1F;
	v17 =	vmov s16;
	s16 =	sshra.s32 s29, $0x12  }
0x21d: {  	v14 =	vsel vm0, s26, v14;
	s0 =	sshra.s32 s0, $0x12;
	s26 =	sld [smem:$0x7C4];
	v13 =	vsel vm0, s19, v13;
	s19 =	sshrl.u32 s13, $0x1F  }
0x21e: {  	v15 =	vsel vm0, s2, v15;
	v16 =	vsel vm0, s16, v16;
	s16 =	sshrl.u32 s9, $0x1F;
	v17 =	vnsel vm4, $0x0, v17;
	s13 =	sshra.s32 s13, $0x12;
	s9 =	sshra.s32 s9, $0x12  }
0x21f: {  	v18 =	vsel vm0, s0, v18;
	s2 =	sshrl.u32 s25, $0x1F;
	v13 =	vsel vm12, s15, v13;
	s15 =	sshra.s32 s1, $0x1F;
	v17 =	vsel vm0, s3, v17;
	s3 =	sshra.s32 s5, $0x12  }
0x220: {  	vm3 =	vcmask $0x2320;
	v18 =	vsel vm1, s9, v18;
	s1 =	sshrl.u32 s1, $0x1F;
	s9 =	sshra.s32 s31, $0x12;
	s10 =	sadd.s32 s10, s26;
	v13 =	vsel vm1, s17, v13  }
0x221: {  	v14 =	vsel vm1, s19, v14;
	v15 =	vsel vm1, s16, v15;
	s16 =	sshra.s32 s4, $0x12;
	s26 =	sshrl.u32 s31, $0x1F;
	v13 =	vsel vm13, s15, v13;
	s17 =	sshra.s32 s10, $0x12  }
0x222: {  	v16 =	vsel vm1, s13, v16;
	v15 =	vsel vm2, s2, v15;
	s19 =	sshra.s32 s10, $0x1F;
	s15 =	sshra.s32 s25, $0x12;
	s25 =	sld [smem:$0x7C5];
	v13 =	vsel vm2, s17, v13  }
0x223: {  	v17 =	vsel vm1, s1, v17;
	s2 =	rddreg [dreg:$0x1e];
	v14 =	vsel vm2, s26, v14;
	s13 =	sshrl.u32 s10, $0x1F;
	s10 =	sshra.s32 s6, $0x1F;
	v13 =	vsel vm14, s19, v13  }
0x224: {  	v17 =	vsel vm2, s13, v17;
	s17 =	sshrl.u32 s5, $0x1F;
	v18 =	vsel vm2, s15, v18;
	s13 =	sshra.s32 s2, $0x1F;
	s19 =	rddreg [dreg:$0x7];
	v13 =	vsel vm3, s3, v13  }
0x225: {  	v14 =	vcombine.low v15, v14;
	s15 =	sshrl.u32 s4, $0x1F;
	v15 =	vsel vm3, s17, v17;
	s17 =	smul.u32 $0x431BDE83, s13;
	s5 =	sadd.s32 s25, s19;
	v13 =	vsel vm15, s11, v13  }
0x226: {  	vm11 =	vcmask $0x2F2C;
	s26 =	sshra.s32 s4, $0x1F;
	v15 =	vsel vm6, s15, v15;
	s3 =	smul.u32 $0x431BDE83, s10;
	s4 =	sshrl.u32 s5, $0x1F;
	v13 =	vsel vm6, s16, v13  }
0x227: {  	s13 =	sshra.s32 s8, $0x12;
	v15 =	vsel vm5, s4, v15;
	s4 =	sshra.s32 s22, $0x1F;
	v13 =	vsel vm11, s26, v13;
	s26 =	smulhi.u32 $0x431BDE83, s2  }
0x228: {  	v16 =	vsel vm2, s9, v16;
	s11 =	sshrl.u32 s8, $0x1F;
	s16 =	sshra.s32 s5, $0x12;
	s4 =	smul.u32 $0x431BDE83, s4  }
0x229: {  	v16 =	vcombine.low v18, v16;
	s5 =	sshra.s32 s5, $0x1F;
	v15 =	vsel vm10, s11, v15;
	s11 =	sshra.s32 s30, $0x1F;
	s30 =	smulhi.u32 $0x431BDE83, s30;
	v13 =	vsel vm5, s16, v13  }
0x22a: {  	s15 =	rddreg [dreg:$0x18];
	s25 =	sshra.s32 s7, $0x1F;
	s16 =	smulhi.u32 $0x431BDE83, s6;
	v13 =	vsel vm8, s5, v13  }
0x22b: {  	s9 =	sshra.s32 s20, $0x1F;
	v14 =	vperm.xlane v14, v0;
	s19 =	sshra.s32 s15, $0x1F;
	v16 =	vperm.xlane v16, v0;
	s6 =	smul.u32 $0x431BDE83, s25;
	v13 =	vsel vm10, s13, v13  }
0x22c: {  	s10 =	sshra.s32 s23, $0x1F;
	s2 =	sshra.s32 s24, $0x1F;
	v15 =	vperm.xlane v15, v1;
	s5 =	smul.u32 $0x431BDE83, s19;
	v13 =	vperm.xlane v13, v1  }
0x22d: {  	s28 =	sadd.s32 s17, s26;
	s19 =	smulhi.u32 $0x431BDE83, s15;
	s15 =	rddreg [dreg:$0x4]  }
0x22e: {  	s13 =	sshra.s32 s12, $0x1F;
	s17 =	sshra.s32 s28, $0x1F;
	v14 =	vsel vm7, v15, v14;
	s0 =	sadd.s32 s3, s16;
	v13 =	vsel vm7, v13, v16  }
0x22f: {  	s8 =	sshra.s32 s15, $0x2;
	s16 =	smulhi.u32 $0x431BDE83, s7;
	v15 =	vmov s17;
	s25 =	sshra.s32 s0, $0x12;
	v13 =	vadd.s32 v14, v13  }
0x230: {  	s15 =	smul.u32 $0x431BDE83, s10;
	s26 =	sshra.s32 s0, $0x1F;
	s5 =	sadd.s32 s5, s19;
	v14 =	vsel vm4, s25, v15;
	v15 =	vld [tilespmem:s8+$0xCB00];
	v13 =	vmul.u32 $0xF4240, v13  }
0x231: {  	s10 =	sshra.s32 s21, $0x1F;
	s1 =	smul.u32 $0x431BDE83, s13;
	s17 =	sshra.s32 s5, $0x12;
	v14 =	vsel vm9, s26, v14  }
0x232: {  	s19 =	sshra.s32 s5, $0x1F;
	s3 =	sadd.s32 s6, s16;
	s25 =	smulhi.u32 $0x431BDE83, s12;
	v12 =	vsub.s32 v12, v13;
	v13 =	vsel vm0, s17, v14  }
0x233: {  	s0 =	sshrl.u32 s0, $0x1F;
	s26 =	smul.u32 $0x431BDE83, s9;
	s9 =	sshra.s32 s3, $0x12;
	vm9 =	vlt.s32 v12, $0x0;
	v14 =	vadd.s32 $0xF4240, v12;
	v13 =	vsel vm12, s19, v13  }
0x234: {  	s13 =	smulhi.u32 $0x431BDE83, s20;
	v16 =	vmov s0;
	s12 =	sshra.s32 s3, $0x1F;
	s1 =	sadd.s32 s1, s25;
	v12 =	vsel vm9, v14, v12;
	v13 =	vsel vm1, s9, v13  }
0x235: {  	s29 =	sshrl.u32 s28, $0x1F;
	s20 =	smulhi.u32 $0x431BDE83, s23;
	s17 =	sshra.s32 s1, $0x12;
	v14 =	vnsel vm4, $0x0, v16;
	v16 =	vmul.u32 v5, v15;
	[tilespmem:s18+$0xCF00] =	vst v12;
	v12 =	vsel vm13, s12, v13  }
0x236: {  	s23 =	rddreg [dreg:$0x14];
	s10 =	smul.u32 $0x431BDE83, s10;
	s19 =	sshra.s32 s1, $0x1F;
	v12 =	vsel vm2, s17, v12  }
0x237: {  	s5 =	sshrl.u32 s5, $0x1F;
	s16 =	smul.u32 $0x431BDE83, s2;
	s7 =	sadd.s32 s15, s20;
	v18 =	vsel vm14, s19, v12;
	v12 =	vadd.s32 v6, v16  }
0x238: {  	s20 =	rddreg [dreg:$0xf];
	s3 =	sshrl.u32 s3, $0x1F;
	s25 =	smulhi.u32 $0x431BDE83, s22;
	(v2sf) =	vpush v12, $0xF  }
0x239: {  	s22 =	rddreg [dreg:$0x12];
	s0 =	sadd.s32 s26, s13;
	s13 =	sshra.s32 s14, $0x1F;
	(v2sf) =	vpush v12, $0xB  }
0x23a: {  	s2 =	sshra.s32 s22, $0x1F;
	s6 =	sadd.s32 s4, s25;
	s25 =	smulhi.u32 $0x431BDE83, s24;
	(v2sf) =	vpush v12, $0x6  }
0x23b: {  	s26 =	sshra.s32 s0, $0x12;
	s4 =	sshra.s32 s20, $0x1F;
	s2 =	smul.u32 $0x431BDE83, s2;
	(v2sf) =	vpush v12, $0xE  }
0x23c: {  	s1 =	sshrl.u32 s1, $0x1F;
	s9 =	smul.u32 $0x431BDE83, s11;
	s11 =	sshra.s32 s7, $0x12  }
0x23d: {  	v17 =	vmul.u32 v7, v15;
	v13 =	vmul.u32 v3, v15;
	s12 =	sshra.s32 s23, $0x1F;
	s15 =	sadd.s32 s16, s25;
	s16 =	smulhi.u32 $0x431BDE83, s21  }
0x23e: {  	v15 =	vmul.u32 v9, v15;
	v14 =	vsel vm0, s5, v14;
	s21 =	sshra.s32 s0, $0x1F;
	s0 =	sshrl.u32 s0, $0x1F;
	s12 =	smul.u32 $0x431BDE83, s12;
	(v2sf) =	vpush v12, $0xA  }
0x23f: {  	v17 =	vadd.s32 v8, v17;
	s9 =	sadd.s32 s9, s30;
	s30 =	smulhi.u32 $0x431BDE83, s23;
	v16 =	vsel vm3, s26, v18;
	s26 =	sshrl.u32 s6, $0x1F;
	(v2sf) =	vpush v12, $0xD  }
0x240: {  	s24 =	sshrl.u32 s15, $0x1F;
	v15 =	vadd.s32 v10, v15;
	s19 =	rddreg [dreg:$0xc];
	v18 =	vmov s26;
	s26 =	smul.u32 $0x431BDE83, s13;
	(v2sf) =	vpush v12, $0x9  }
0x241: {  	v17 =	vand.u32 $0x1, v17;
	v15 =	vand.u32 $0x1, v15;
	s5 =	sshra.s32 s19, $0x1F;
	s13 =	sshra.s32 s15, $0x12;
	s15 =	smulhi.u32 $0x431BDE83, s14;
	(v2sf) =	vpush v12, $0x5  }
0x242: {  	s6 =	sshra.s32 s6, $0x12;
	vm10 =	veq.s32 v15, $0x0;
	v15 =	vsel vm15, s21, v16;
	s21 =	sadd.s32 s12, s30;
	s30 =	smul.u32 $0x431BDE83, s5;
	(v2sf) =	vpush v12, $0xC  }
0x243: {  	s17 =	sshrl.u32 s7, $0x1F;
	s25 =	sshrl.u32 s9, $0x1F;
	vm9 =	veq.s32 v17, $0x0;
	v20 =	vmov s6;
	s6 =	smulhi.u32 $0x431BDE83, s22;
	(v2sf) =	vpush v12, $0x8  }
0x244: {  	v19 =	vmov s11;
	s10 =	sadd.s32 s10, s16;
	s16 =	sshra.s32 s9, $0x12;
	v16 =	vsel vm9, $0xBF000000, v2;
	s12 =	smulhi.u32 $0x431BDE83, s20;
	(v2sf) =	vpush v12, $0x4  }
0x245: {  	v17 =	vmov s17;
	s17 =	sshra.s32 s10, $0x12;
	s11 =	sshra.s32 s10, $0x1F;
	[tilespmem:s8+$0xD100] =	vst v16;
	v16 =	vsel vm0, s25, v18;
	s25 =	smul.u32 $0x431BDE83, s4;
	(v2sf) =	vpush v12, $0x3  }
0x246: {  	v15 =	vsel vm6, s17, v15;
	s23 =	sshrl.u32 s21, $0x1F;
	s5 =	sshra.s32 s21, $0x12;
	s17 =	smulhi.u32 $0x431BDE83, s19;
	(v2sf) =	vpush v12, $0x2  }
0x247: {  	v14 =	vsel vm1, s3, v14;
	v17 =	vsel vm0, s24, v17;
	s24 =	sadd.s32 s26, s15;
	s14 =	sadd.s32 s2, s6;
	(v2sf) =	vpush v12, $0x1;
	s4 =	spop (v2sf)  }
0x248: {  	v13 =	vadd.s32 v4, v13;
	v14 =	vsel vm2, s1, v14;
	s26 =	sshrl.u32 s24, $0x1F;
	(v2sf) =	vpush v12, $0x0;
	s15 =	smulhi.u32 $0x431BDE83, s4;
	s6 =	spop (v2sf)  }
0x249: {  	v18 =	vsel vm0, s13, v19;
	v19 =	vsel vm0, s16, v20;
	s9 =	sshra.s32 s24, $0x12;
	(v2sf) =	vpush v12, $0x7;
	s16 =	smulhi.u32 $0x431BDE83, s6;
	s7 =	spop (v2sf)  }
0x24a: {  	v14 =	vsel vm3, s0, v14;
	s19 =	sadd.s32 s25, s12;
	(v2sf) =	vpush v13, $0x7;
	s24 =	smulhi.u32 $0x431BDE83, s7;
	s12 =	spop (v2sf)  }
0x24b: {  	s13 =	sshrl.u32 s10, $0x1F;
	s21 =	rddreg [dreg:$0x4];
	v20 =	vsel vm1, s23, v17;
	v17 =	vsel vm11, s11, v15;
	(v2sf) =	vpush v13, $0x0;
	s11 =	smulhi.u32 $0x431BDE83, s12  }
.Ltmp1:
0x24c: {  	v21 =	vsel vm10, $0xBF000000, v2;
	v63 =	vsel vm1, s5, v18;
	s3 =	sadd.s32 s30, s17;
	s25 =	sshrl.u32 s14, $0x1F;
	(v2sf) =	vpush v13, $0x1;
	(pc) =	sbr.rel @p0 .LBB2_5-.Ltmp1, $4  }
0x24d: {  	v18 =	vsel vm6, s13, v14;
	v16 =	vsel vm1, s26, v16;
	s26 =	sshrl.u32 s19, $0x1F;
	(v2sf) =	vpush v13, $0x2;
	s20 =	spop (v2sf);
	[dreg:$0x7] =	wrdreg s24  }
0x24e: {  	v19 =	vsel vm1, s9, v19;
	v14 =	vsel vm2, s25, v20;
	s30 =	sshra.s32 s19, $0x12;
	s25 =	smulhi.u32 $0x431BDE83, s20;
	(v2sf) =	vpush v13, $0x3;
	s22 =	spop (v2sf)  }
0x24f: {  	s0 =	sshra.s32 s14, $0x12;
	v15 =	vsel vm2, s26, v16;
	v16 =	vsel vm2, s30, v19;
	s31 =	smulhi.u32 $0x431BDE83, s22;
	(v2sf) =	vpush v13, $0x4;
	s23 =	spop (v2sf)  }
0x250: {  	[tilespmem:s8+$0xD300] =	vst v21;
	s2 =	sadd.s32 $0x40, s21;
	v14 =	vcombine.low v15, v14;
	v15 =	vsel vm2, s0, v63;
	s10 =	smulhi.u32 $0x431BDE83, s23;
	(v2sf) =	vpush v13, $0xC;
	s24 =	spop (v2sf)  }
0x251: {  	s0 =	smulhi.u32 $0x431BDE83, s24;
	s30 =	spop (v2sf)  }
0x252: {  	s6 =	sshra.s32 s6, $0x1F;
	s1 =	smulhi.u32 $0x431BDE83, s30  }
0x253: {  	s12 =	sshra.s32 s12, $0x1F;
	s9 =	smul.u32 $0x431BDE83, s6  }
0x254: {  	s18 =	sshra.s32 s23, $0x1F;
	s17 =	smul.u32 $0x431BDE83, s12  }
0x255: {  	s14 =	sshra.s32 s22, $0x1F;
	s19 =	sshra.s32 s24, $0x1F;
	s22 =	smul.u32 $0x431BDE83, s18  }
0x256: {  	s13 =	sshra.s32 s20, $0x1F;
	s5 =	spop (v2sf);
	s20 =	smul.u32 $0x431BDE83, s19  }
0x257: {  	s7 =	sshra.s32 s7, $0x1F;
	s2 =	smulhi.u32 $0x431BDE83, s5  }
0x258: {  	[smem:$0x79D] =	sst s1;
	s1 =	smul.u32 $0x431BDE83, s7  }
0x259: {  	s7 =	smul.u32 $0x431BDE83, s13  }
0x25a: {  	[smem:$0x79E] =	sst s0;
	s0 =	sshra.s32 s30, $0x1F;
	s13 =	smul.u32 $0x431BDE83, s14  }
0x25b: {  	s21 =	sshra.s32 s5, $0x1F;
	s19 =	smul.u32 $0x431BDE83, s0  }
0x25c: {  	s23 =	spop (v2sf);
	s18 =	smul.u32 $0x431BDE83, s21  }
0x25d: {  	s4 =	sshra.s32 s4, $0x1F;
	s5 =	smulhi.u32 $0x431BDE83, s23  }
0x25e: {  	s24 =	sshra.s32 s23, $0x1F;
	[smem:$0x7A0] =	sst s2;
	s2 =	smul.u32 $0x431BDE83, s4  }
0x25f: {  	s26 =	spop (v2sf);
	s0 =	smul.u32 $0x431BDE83, s24  }
0x260: {  	[smem:$0x79F] =	sst s20;
	s9 =	sadd.s32 s9, s16;
	s30 =	smulhi.u32 $0x431BDE83, s26  }
0x261: {  	s4 =	spop (v2sf);
	[smem:$0x7B3] =	sst s9  }
0x262: {  	[smem:$0x7A7] =	sst s1;
	s12 =	smulhi.u32 $0x431BDE83, s4  }
0x263: {  	s14 =	sshra.s32 s4, $0x1F;
	s20 =	spop (v2sf);
	[smem:$0x7A1] =	sst s0  }
0x264: {  	s16 =	sadd.s32 s13, s31;
	[smem:$0x7A5] =	sst s30;
	s6 =	smul.u32 $0x431BDE83, s14  }
0x265: {  	s0 =	sshra.s32 s26, $0x1F;
	s21 =	smulhi.u32 $0x431BDE83, s20;
	s23 =	spop (v2sf)  }
0x266: {  	[smem:$0x7AE] =	sst s16;
	s0 =	smul.u32 $0x431BDE83, s0  }
0x267: {  	[smem:$0x7A2] =	sst s12;
	s30 =	smulhi.u32 $0x431BDE83, s23;
	s12 =	sshra.s32 s23, $0x1F  }
0x268: {  	s24 =	spop (v2sf);
	s23 =	smul.u32 $0x431BDE83, s12  }
0x269: {  	[smem:$0x7A3] =	sst s21;
	s14 =	smulhi.u32 $0x431BDE83, s24;
	s1 =	sshra.s32 s24, $0x1F  }
0x26a: {  	s26 =	spop (v2sf);
	s24 =	sadd.s32 s2, s15;
	[smem:$0x7A6] =	sst s0  }
0x26b: {  	s0 =	sshra.s32 s20, $0x1F;
	s21 =	spop (v2sf);
	s12 =	smulhi.u32 $0x431BDE83, s26  }
0x26c: {  	[smem:$0x7B2] =	sst s24;
	s0 =	smul.u32 $0x431BDE83, s0  }
0x26d: {  	s20 =	sshra.s32 s21, $0x1F;
	[smem:$0x7A9] =	sst s12;
	s12 =	smulhi.u32 $0x431BDE83, s21  }
0x26e: {  	s21 =	sadd.s32 s17, s11;
	s17 =	sadd.s32 s22, s10;
	s22 =	sld [smem:$0x79E]  }
0x26f: {  	s4 =	smul.u32 $0x431BDE83, s1;
	[smem:$0x7A4] =	sst s0;
	s0 =	sshra.s32 s26, $0x1F  }
0x270: {  	(v2sf) =	vpush v13, $0x8;
	s26 =	spop (v2sf);
	s1 =	smul.u32 $0x431BDE83, s0  }
0x271: {  	[smem:$0x7AF] =	sst s21;
	s0 =	smul.u32 $0x431BDE83, s20  }
0x272: {  	[smem:$0x7AB] =	sst s12;
	s20 =	spop (v2sf)  }
0x273: {  	s31 =	spop (v2sf);
	[smem:$0x7A8] =	sst s1  }
0x274: {  	s15 =	sshra.s32 s26, $0x1F;
	s21 =	smulhi.u32 $0x431BDE83, s20;
	[smem:$0x7AA] =	sst s0  }
0x275: {  	s0 =	smulhi.u32 $0x431BDE83, s26;
	s26 =	sadd.s32 s7, s25;
	s7 =	sld [smem:$0x79D]  }
0x276: {  	(v2sf) =	vpush v13, $0xD;
	s1 =	smul.u32 $0x431BDE83, s15;
	s25 =	sld [smem:$0x79F]  }
0x277: {  	s9 =	sshra.s32 s31, $0x1F;
	s16 =	smulhi.u32 $0x431BDE83, s31;
	s31 =	sld [smem:$0x7A0]  }
0x278: {  	s11 =	spop (v2sf);
	[smem:$0x7B1] =	sst s26  }
0x279: {  	s24 =	sshra.s32 s20, $0x1F;
	s20 =	smul.u32 $0x431BDE83, s9;
	s9 =	sld [smem:$0x7A1]  }
0x27a: {  	s24 =	smul.u32 $0x431BDE83, s24;
	s26 =	sshra.s32 s11, $0x1F;
	[smem:$0x7AC] =	sst s1  }
0x27b: {  	(v2sf) =	vpush v13, $0x9;
	[smem:$0x7AD] =	sst s0;
	s13 =	smul.u32 $0x431BDE83, s26  }
0x27c: {  	s0 =	spop (v2sf);
	s26 =	sadd.s32 s4, s14;
	s14 =	sadd.s32 s23, s30  }
0x27d: {  	s30 =	sld [smem:$0x7A2];
	s15 =	sadd.s32 s19, s7;
	s12 =	sadd.s32 s18, s31  }
0x27e: {  	s19 =	smulhi.u32 $0x431BDE83, s11;
	s7 =	sshra.s32 s0, $0x1F;
	[smem:$0x7B0] =	sst s26  }
0x27f: {  	s26 =	sld [smem:$0x7A5];
	s16 =	sadd.s32 s20, s16;
	s31 =	spop (v2sf)  }
0x280: {  	s18 =	sadd.s32 s9, s5;
	s11 =	smul.u32 $0x431BDE83, s7;
	s5 =	sld [smem:$0x7A3]  }
0x281: {  	s24 =	sadd.s32 s24, s21;
	s7 =	smulhi.u32 $0x431BDE83, s0;
	[smem:$0x7B5] =	sst s16  }
0x282: {  	s10 =	sshra.s32 s31, $0x1F;
	s23 =	sadd.s32 s6, s30;
	s30 =	sld [smem:$0x7A6]  }
0x283: {  	s25 =	sadd.s32 s25, s22;
	s9 =	smul.u32 $0x431BDE83, s10;
	s10 =	sld [smem:$0x7A4]  }
0x284: {  	s16 =	sshra.s32 s14, $0x1F;
	s13 =	sadd.s32 s13, s19;
	s19 =	sld [smem:$0x7AE]  }
0x285: {  	s22 =	spop (v2sf);
	[smem:$0x7B6] =	sst s13;
	s7 =	sadd.s32 s11, s7  }
0x286: {  	s2 =	sadd.s32 s10, s5;
	s10 =	sadd.s32 s30, s26;
	s26 =	sld [smem:$0x7A7]  }
0x287: {  	s6 =	smulhi.u32 $0x431BDE83, s31;
	s31 =	sshra.s32 s22, $0x1F;
	[smem:$0x7B7] =	sst s7  }
0x288: {  	s21 =	sshrl.u32 s12, $0x1F;
	s5 =	smul.u32 $0x431BDE83, s31;
	s31 =	rddreg [dreg:$0x7]  }
0x289: {  	s12 =	sshra.s32 s12, $0x12;
	s30 =	sadd.s32 s26, s31;
	s31 =	sld [smem:$0x7A8]  }
0x28a: {  	s11 =	sshra.s32 s15, $0x12;
	s0 =	spop (v2sf);
	s26 =	sld [smem:$0x7A9]  }
0x28b: {  	s7 =	sshrl.u32 s15, $0x1F;
	s15 =	sshra.s32 s14, $0x12;
	s14 =	sshrl.u32 s14, $0x1F  }
0x28c: {  	s1 =	sshra.s32 s0, $0x1F;
	s0 =	smulhi.u32 $0x431BDE83, s0;
	s20 =	sadd.s32 s9, s6  }
0x28d: {  	s4 =	smul.u32 $0x431BDE83, s1;
	s1 =	sadd.s32 s31, s26;
	s26 =	sld [smem:$0x7AA]  }
0x28e: {  	s9 =	sshrl.u32 s19, $0x1F;
	s6 =	sshrl.u32 s17, $0x1F;
	s31 =	sld [smem:$0x7AB]  }
0x28f: {  	(v2sf) =	vpush v13, $0x5;
	s17 =	sshra.s32 s17, $0x12;
	v20 =	vmov s7;
	s7 =	sshrl.u32 s23, $0x1F;
	[smem:$0x7B4] =	sst s1  }
0x290: {  	(v2sf) =	vpush v13, $0xE;
	s0 =	sadd.s32 s4, s0;
	s1 =	smulhi.u32 $0x431BDE83, s22;
	s22 =	sld [smem:$0x7AC]  }
0x291: {  	s4 =	sshrl.u32 s3, $0x1F;
	s26 =	sadd.s32 s26, s31;
	s31 =	sld [smem:$0x7AD]  }
0x292: {  	(v2sf) =	vpush v13, $0xA;
	s1 =	sadd.s32 s5, s1;
	s5 =	sshra.s32 s28, $0x12;
	s28 =	sld [smem:$0x7AF]  }
0x293: {  	vm3 =	vcmask $0x3B38;
	v23 =	vmov s14;
	s14 =	sshra.s32 s18, $0x1F;
	[smem:$0x7B9] =	sst s0;
	s0 =	sshra.s32 s3, $0x12;
	v54 =	vsel vm5, s4, v18  }
0x294: {  	v19 =	vsel vm5, s0, v17;
	v17 =	vsel vm3, s29, v54;
	s29 =	sld [smem:$0x7B1];
	s22 =	sadd.s32 s22, s31;
	s31 =	sshra.s32 s19, $0x12  }
0x295: {  	vm8 =	vcmask $0x3734;
	v21 =	vmov s21;
	(v2sf) =	vpush v13, $0xF;
	s13 =	sshrl.u32 s28, $0x1F;
	s19 =	sshra.s32 s28, $0x12;
	s28 =	sld [smem:$0x7B0]  }
0x296: {  	v24 =	vmov s12;
	(v2sf) =	vpush v13, $0xB;
	v21 =	vsel vm0, s6, v21;
	s6 =	sshra.s32 s18, $0x12;
	s18 =	sshrl.u32 s18, $0x1F;
	s3 =	sshra.s32 s3, $0x1F  }
0x297: {  	v24 =	vsel vm0, s17, v24;
	s17 =	sshra.s32 s25, $0x12;
	(v2sf) =	vpush v13, $0x6;
	s21 =	sshra.s32 s10, $0x1F;
	s0 =	sshra.s32 s2, $0x1F;
	v55 =	vsel vm8, s3, v19  }
0x298: {  	s3 =	sshrl.u32 s29, $0x1F;
	v18 =	vsel vm3, s5, v55;
	s5 =	sshra.s32 s23, $0x1F;
	s4 =	sshra.s32 s28, $0x1F  }
0x299: {  	vm9 =	vcmask $0x704;
	v22 =	vmov s11;
	v56 =	vmov s4;
	s4 =	sshra.s32 s29, $0x12;
	s29 =	sshra.s32 s23, $0x12;
	s23 =	sld [smem:$0x7B2]  }
0x29a: {  	v20 =	vsel vm0, s9, v20;
	v23 =	vnsel vm4, $0x0, v23;
	s9 =	sshrl.u32 s30, $0x1F;
	[smem:$0x7B8] =	sst s1;
	s1 =	sshra.s32 s2, $0x12;
	v22 =	vsel vm0, s31, v22  }
0x29b: {  	s2 =	sshrl.u32 s2, $0x1F;
	v20 =	vsel vm1, s13, v20;
	s13 =	sshra.s32 s30, $0x1F;
	v22 =	vsel vm1, s19, v22;
	s19 =	sshra.s32 s26, $0x1F;
	v19 =	vsel vm4, s15, v56  }
0x29c: {  	v23 =	vsel vm0, s2, v23;
	v19 =	vsel vm9, s16, v19;
	s15 =	sshrl.u32 s23, $0x1F;
	s11 =	sshra.s32 s23, $0x12;
	s23 =	sld [smem:$0x7B3]  }
0x29d: {  	vm11 =	vcmask $0x2320;
	v23 =	vsel vm1, s7, v23;
	s2 =	sshra.s32 s28, $0x12;
	s16 =	sshra.s32 s10, $0x12;
	v19 =	vsel vm0, s1, v19;
	s1 =	sshrl.u32 s10, $0x1F  }
0x29e: {  	v19 =	vsel vm12, s0, v19;
	s0 =	spop (v2sf);
	v20 =	vsel vm2, s15, v20;
	s15 =	sshra.s32 s26, $0x12;
	v23 =	vsel vm2, s1, v23;
	s1 =	sshrl.u32 s22, $0x1F  }
0x29f: {  	v21 =	vsel vm1, s3, v21;
	s3 =	spop (v2sf);
	v23 =	vsel vm11, s18, v23;
	s18 =	sshra.s32 s24, $0x1F;
	s10 =	sshrl.u32 s23, $0x1F  }
0x2a0: {  	v19 =	vsel vm1, s29, v19;
	s12 =	sshra.s32 s23, $0x12;
	s23 =	sshra.s32 s25, $0x1F;
	s29 =	sshra.s32 s3, $0x1F  }
0x2a1: {  	v24 =	vsel vm1, s4, v24;
	s25 =	sshrl.u32 s25, $0x1F;
	v19 =	vsel vm13, s5, v19;
	s4 =	spop (v2sf);
	s7 =	smul.u32 $0x431BDE83, s29  }
0x2a2: {  	v15 =	vcombine.low v16, v15;
	v19 =	vsel vm2, s16, v19;
	s16 =	sshrl.u32 s28, $0x1F;
	s28 =	sld [smem:$0x7B4];
	v24 =	vsel vm2, s12, v24;
	s12 =	smulhi.u32 $0x431BDE83, s3  }
0x2a3: {  	v14 =	vperm.xlane v14, v0;
	s5 =	sshra.s32 s30, $0x12;
	v23 =	vsel vm6, s25, v23;
	s25 =	sshra.s32 s4, $0x1F;
	s4 =	smulhi.u32 $0x431BDE83, s4  }
0x2a4: {  	v15 =	vperm.xlane v15, v0;
	v17 =	vperm.xlane v17, v1;
	s30 =	sshra.s32 s22, $0x12;
	v21 =	vsel vm2, s10, v21;
	s10 =	spop (v2sf);
	s29 =	smul.u32 $0x431BDE83, s25  }
0x2a5: {  	v22 =	vsel vm2, s11, v22;
	v19 =	vsel vm14, s21, v19;
	s11 =	spop (v2sf);
	v23 =	vsel vm5, s9, v23;
	s25 =	smulhi.u32 $0x431BDE83, s10;
	s31 =	sshra.s32 s28, $0x1F  }
0x2a6: {  	v19 =	vsel vm11, s6, v19;
	s6 =	sshrl.u32 s26, $0x1F;
	s3 =	spop (v2sf);
	v23 =	vsel vm3, s16, v23;
	s16 =	sshrl.u32 s24, $0x1F;
	v25 =	vmov s31  }
0x2a7: {  	v19 =	vsel vm15, s14, v19;
	v26 =	vmov s6;
	s6 =	sadd.s32 s7, s12;
	s12 =	sld [smem:$0x7B7];
	s14 =	sshrl.u32 s20, $0x1F;
	v25 =	vsel vm4, s15, v25  }
0x2a8: {  	v18 =	vperm.xlane v18, v1;
	s4 =	sadd.s32 s29, s4;
	s31 =	sshra.s32 s22, $0x1F;
	s22 =	sld [smem:$0x7B5];
	v26 =	vnsel vm4, $0x0, v26;
	v25 =	vsel vm9, s19, v25  }
0x2a9: {  	v19 =	vsel vm6, s17, v19;
	s17 =	sshra.s32 s24, $0x12;
	v26 =	vsel vm0, s1, v26;
	s15 =	sshra.s32 s0, $0x1F;
	s0 =	smulhi.u32 $0x431BDE83, s0;
	v25 =	vsel vm0, s30, v25  }
0x2aa: {  	v26 =	vsel vm1, s16, v26;
	s16 =	sshrl.u32 s4, $0x1F;
	s1 =	smul.u32 $0x431BDE83, s15;
	s4 =	sshra.s32 s4, $0x12;
	v25 =	vsel vm12, s31, v25;
	vm12 =	vcmask $0x2F2C  }
0x2ab: {  	v58 =	vcombine.low v21, v20;
	s19 =	sshra.s32 s22, $0x12;
	s30 =	sshra.s32 s10, $0x1F;
	v19 =	vsel vm12, s23, v19;
	v25 =	vsel vm1, s17, v25;
	s23 =	sld [smem:$0x7B6]  }
0x2ac: {  	v14 =	vsel vm7, v17, v14;
	v59 =	vcombine.low v24, v22;
	s21 =	sshra.s32 s22, $0x1F;
	s31 =	sshra.s32 s11, $0x1F;
	s9 =	smul.u32 $0x431BDE83, s30;
	v25 =	vsel vm13, s18, v25  }
0x2ad: {  	v15 =	vsel vm7, v18, v15;
	v17 =	vperm.xlane v58, v0;
	s0 =	sadd.s32 s1, s0;
	s18 =	sshra.s32 s12, $0x12;
	v25 =	vsel vm2, s19, v25;
	s19 =	sshra.s32 s20, $0x12  }
0x2ae: {  	v18 =	vperm.xlane v59, v0;
	v19 =	vsel vm5, s5, v19;
	s20 =	smul.u32 $0x431BDE83, s31;
	s26 =	sshra.s32 s23, $0x12;
	v25 =	vsel vm14, s21, v25;
	s21 =	sld [smem:$0x7B8]  }
0x2af: {  	v23 =	vperm.xlane v23, v1;
	v19 =	vsel vm8, s13, v19;
	s13 =	sshrl.u32 s12, $0x1F;
	s31 =	smulhi.u32 $0x431BDE83, s11;
	v25 =	vsel vm11, s26, v25;
	s26 =	sld [smem:$0x7B9]  }
0x2b0: {  	v28 =	vmov s14;
	s12 =	sadd.s32 s9, s25;
	v19 =	vsel vm3, s2, v19;
	v27 =	vmov s13;
	s13 =	sshrl.u32 s6, $0x1F;
	s6 =	sshra.s32 s6, $0x12  }
0x2b1: {  	v29 =	vmov s18;
	v30 =	vmov s19;
	v19 =	vperm.xlane v19, v1;
	s24 =	sshrl.u32 s21, $0x1F;
	s30 =	sshra.s32 s21, $0x12;
	s21 =	sshra.s32 s23, $0x1F  }
0x2b2: {  	s2 =	sshra.s32 s12, $0x12;
	v27 =	vsel vm0, s24, v27;
	s29 =	sshrl.u32 s26, $0x1F;
	v29 =	vsel vm0, s30, v29;
	s11 =	sshra.s32 s26, $0x12;
	v61 =	vsel vm15, s21, v25  }
0x2b3: {  	s19 =	sshra.s32 s3, $0x1F;
	s3 =	smulhi.u32 $0x431BDE83, s3;
	s24 =	sshrl.u32 s22, $0x1F;
	v28 =	vsel vm0, s29, v28;
	v57 =	vsel vm0, s11, v30;
	v29 =	vsel vm1, s6, v29  }
0x2b4: {  	s25 =	sshra.s32 s0, $0x12;
	s5 =	sadd.s32 s20, s31;
	v27 =	vsel vm1, s13, v27;
	v62 =	vsel vm2, s24, v26;
	v29 =	vsel vm2, s2, v29;
	s2 =	smul.u32 $0x431BDE83, s19  }
0x2b5: {  	s17 =	sshrl.u32 s12, $0x1F;
	s18 =	sshrl.u32 s5, $0x1F;
	s26 =	sshrl.u32 s23, $0x1F;
	v21 =	vsel vm6, s25, v61;
	v28 =	vsel vm1, s16, v28;
	v16 =	vsel vm1, s4, v57  }
0x2b6: {  	s20 =	sshra.s32 s5, $0x12;
	s29 =	sshra.s32 s0, $0x1F;
	v27 =	vsel vm2, s17, v27;
	v22 =	vsel vm11, s26, v62;
	v28 =	vsel vm2, s18, v28;
	s2 =	sadd.s32 s2, s3  }
0x2b7: {  	s0 =	sshrl.u32 s0, $0x1F;
	v21 =	vsel vm12, s29, v21;
	v16 =	vsel vm2, s20, v16;
	v60 =	vcombine.low v28, v27;
	s30 =	sshra.s32 s2, $0x12  }
0x2b8: {  	v22 =	vsel vm6, s0, v22;
	v16 =	vcombine.low v16, v29;
	s31 =	sshrl.u32 s2, $0x1F;
	s2 =	sshra.s32 s2, $0x1F;
	v21 =	vsel vm5, s30, v21  }
0x2b9: {  	s4 =	sshra.s32 s28, $0x12;
	s3 =	sshrl.u32 s28, $0x1F;
	v20 =	vperm.xlane v60, v0;
	v22 =	vsel vm5, s31, v22;
	v21 =	vsel vm8, s2, v21  }
0x2ba: {  	v16 =	vperm.xlane v16, v0;
	v22 =	vsel vm3, s3, v22;
	v21 =	vsel vm3, s4, v21  }
0x2bb: {  	v14 =	vadd.s32 v14, v15;
	v15 =	vperm.xlane v22, v1;
	v21 =	vperm.xlane v21, v1  }
0x2bc: {  	v14 =	vmul.u32 $0xF4240, v14;
	v17 =	vsel vm7, v23, v17;
	v18 =	vsel vm7, v19, v18  }
0x2bd: {  	v17 =	vadd.s32 v17, v18;
	v15 =	vsel vm7, v15, v20;
	v16 =	vsel vm7, v21, v16  }
0x2be: {  	v11 =	vsub.s32 v11, v14;
	v14 =	vmul.u32 $0xF4240, v17;
	v15 =	vadd.s32 v15, v16  }
0x2bf: {  	v63 =	vadd.s32 $0xF4240, v11;
	vm9 =	vlt.s32 v11, $0x0;
	v15 =	vmul.u32 $0xF4240, v15  }
0x2c0: {  	v11 =	vsel vm9, v63, v11;
	v12 =	vsub.s32 v12, v14  }
0x2c1: {  	s5 =	rddreg [dreg:$0x9];
	vm9 =	vlt.s32 v12, $0x0;
	v14 =	vadd.s32 $0xF4240, v12;
	v13 =	vsub.s32 v13, v15  }
0x2c2: {  	[tilespmem:s5+$0xCD00] =	vst v11;
	s6 =	sld [smem:$0x7F6];
	v11 =	vsel vm9, v14, v12;
	vm9 =	vlt.s32 v13, $0x0;
	v12 =	vadd.s32 $0xF4240, v13  }
0x2c3: {  	[tilespmem:s8+$0xCF00] =	vst v11;
	v12 =	vsel vm9, v12, v13  }
0x2c4: {  	s7 =	simm.s32 $0x80;
	s9 =	simm.s32 $0xD500;
	[tilespmem:s8+$0xCD00] =	vst v12;
	s8 =	simm.s32 $0xCD00  }
0x2c5: {  	[tilespmem:s9], [sflag:$0x3] =	stream.indirect.gather [hbm4b:s6+s7], $0x20, s8, s7, $0xb8;
	[tilespmem:$0x19500] =	vst v63  }
0x2c6: {  	s10 =	simm.s32 $0xCF00;
	s11 =	simm.s32 $0x11500  }
0x2c7: {  	[tilespmem:s11], [sflag:$0x3] =	stream.indirect.gather [hbm4b:s6+s7], $0x20, s10, s7, $0xb8;
	[tilespmem:$0x19500] =	vst v63  }
0x2c8: {  	s12 =	simm.s32 $0xCD80;
	s13 =	simm.s32 $0xE500  }
0x2c9: {  	[tilespmem:s13], [sflag:$0x3] =	stream.indirect.gather [hbm4b:s6+s7], $0x20, s12, s7, $0xb8;
	[tilespmem:$0x19500] =	vst v63  }
0x2ca: {  	s14 =	simm.s32 $0xCF80;
	s15 =	simm.s32 $0x12500  }
0x2cb: {  	[tilespmem:s15], [sflag:$0x3] =	stream.indirect.gather [hbm4b:s6+s7], $0x20, s14, s7, $0xb8;
	[tilespmem:$0x19500] =	vst v63  }
0x2cc: {  	s16 =	simm.s32 $0xCE00;
	s17 =	simm.s32 $0xF500  }
0x2cd: {  	[tilespmem:s17], [sflag:$0x3] =	stream.indirect.gather [hbm4b:s6+s7], $0x20, s16, s7, $0xb8;
	[tilespmem:$0x19500] =	vst v63  }
0x2ce: {  	s19 =	simm.s32 $0x13500;
	s18 =	simm.s32 $0xD000  }
0x2cf: {  	[tilespmem:s19], [sflag:$0x3] =	stream.indirect.gather [hbm4b:s6+s7], $0x20, s18, s7, $0xb8;
	[tilespmem:$0x19500] =	vst v63  }
0x2d0: {  	s21 =	simm.s32 $0x10500;
	s20 =	simm.s32 $0xCE80  }
0x2d1: {  	[tilespmem:s21], [sflag:$0x3] =	stream.indirect.gather [hbm4b:s6+s7], $0x20, s20, s7, $0xb8;
	[tilespmem:$0x19500] =	vst v63  }
0x2d2: {  	s22 =	simm.s32 $0xD080;
	s23 =	simm.s32 $0x14500;
	s24 =	simm.s32 $0x1  }
0x2d3: {  	[tilespmem:s23], [sflag:$0x3] =	stream.indirect.gather [hbm4b:s6+s7], $0x20, s22, s7, $0xb8;
	[tilespmem:$0x19500] =	vst v63  }
0x2d4: {  	_ =	swait.ge [sflag:s24], $0x4000  }
0x2d5: {  	[sflag:s24] =	ssyncset.done $0x0  }
0x2d6: {  	[sflag:s24] =	ssyncadd.s32 $0xFFFFC000  }
0x2d7: {  	s25 =	simm.s32 $0x0;
	_ =	swait.ge [sflag:s24], $0x4000  }
0x2d8: {  	v11 =	vmov s25;
	s13 =	sld [smem:$0x7C6]  }
0x2d9: {  	v11 =	vand.u32 $0xFFFFFFFC, v11  }
0x2da: {  	v11 =	vbroadcast v11, $0x0  }
0x2db: {  	[sflag:s24] =	ssyncset.done $0x0;
	p0 =	seq.s32 s13, $0x0  }
0x2dc: {  	[sflag:s24] =	ssyncadd.s32 $0xFFFFC000;
	s0 =	simm.s32 @!p0 $0x2  }
0x2dd: {  	_ =	swait.ge @!p0 [sflag:s0], $0x4000  }
0x2de: {  	[sflag:s0] =	ssyncset.done @!p0 $0x0  }
0x2df: {  	s10 =	simm.s32 $0x900;
	[sflag:s0] =	ssyncadd.s32 @!p0 $0xFFFFC000  }
0x2e0: {  	s26 =	simm.s32 $0xB40;
	v12 =	vld.idx.msk [tilespmem:v11+s10+$0x0], $0xffff  }
0x2e1: {  	s8 =	simm.s32 $0x700;
	v13 =	vld [tilespmem:s26+$0xFFFFFFC0]  }
0x2e2: {  	s28 =	simm.s32 $0x4B40;
	v11 =	vld.idx.msk [tilespmem:v11+s8+$0x0], $0xffff  }
0x2e3: {  	v14 =	vld [tilespmem:s28+$0xFFFFFFC0];
	_ =	sdelay $0x4  }
0x2e4: {  	v13 =	vmul.f32 v13, v11;
	v14 =	vmul.f32 v14, v12;
	_ =	sdelay $0x1  }
0x2e5: {  	v13 =	vadd.f32 v14, v13  }
0x2e6: {  	s2 =	simm.s32 $0x8B40  }
0x2e7: {  	[tilespmem:s2+$0xFFFFFFC0] =	vst v13  }
0x2e8: {  	v13 =	vld [tilespmem:s26+$0xFFFFFFD0]  }
0x2e9: {  	v14 =	vld [tilespmem:s28+$0xFFFFFFD0];
	_ =	sdelay $0x2  }
0x2ea: {  	s29 =	simm.s32 $0x1  }
0x2eb: {  	v15 =	vmov s29  }
0x2ec: {  	v11 =	vmul.f32 v13, v11;
	v13 =	vand.u32 $0xFFFFFFFD, v15;
	v12 =	vmul.f32 v14, v12  }
0x2ed: {  	v13 =	vbroadcast v13, $0x0  }
0x2ee: {  	v11 =	vadd.f32 v12, v11;
	_ =	sdelay $0x1  }
0x2ef: {  	[tilespmem:s2+$0xFFFFFFD0] =	vst v11  }
0x2f0: {  	v11 =	vld [tilespmem:s28+$0xFFFFFFE0]  }
0x2f1: {  	v14 =	vld [tilespmem:s26+$0xFFFFFFE0]  }
0x2f2: {  	v12 =	vld.idx.msk [tilespmem:v13+s10+$0x0], $0xffff  }
0x2f3: {  	v13 =	vld.idx.msk [tilespmem:v13+s8+$0x0], $0xffff;
	_ =	sdelay $0x4  }
0x2f4: {  	v11 =	vmul.f32 v11, v12;
	v14 =	vmul.f32 v14, v13;
	_ =	sdelay $0x1  }
0x2f5: {  	v11 =	vadd.f32 v11, v14;
	_ =	sdelay $0x1  }
0x2f6: {  	[tilespmem:s2+$0xFFFFFFE0] =	vst v11  }
0x2f7: {  	v11 =	vld [tilespmem:s26+$0xFFFFFFF0]  }
0x2f8: {  	v14 =	vld [tilespmem:s28+$0xFFFFFFF0]  }
0x2f9: {  	s30 =	simm.s32 $0x2  }
0x2fa: {  	v15 =	vmov s30  }
0x2fb: {  	v15 =	vand.u32 $0xFFFFFFFE, v15  }
0x2fc: {  	v15 =	vbroadcast v15, $0x0  }
0x2fd: {  	v11 =	vmul.f32 v11, v13;
	v12 =	vmul.f32 v14, v12;
	_ =	sdelay $0x1  }
0x2fe: {  	v11 =	vadd.f32 v12, v11;
	_ =	sdelay $0x1  }
0x2ff: {  	[tilespmem:s2+$0xFFFFFFF0] =	vst v11  }
0x300: {  	v11 =	vld.idx.msk [tilespmem:v15+s8+$0x0], $0xffff  }
0x301: {  	v12 =	vld [tilespmem:s26+$0x0]  }
0x302: {  	v13 =	vld.idx.msk [tilespmem:v15+s10+$0x0], $0xffff  }
0x303: {  	v14 =	vld [tilespmem:s28+$0x0];
	_ =	sdelay $0x4  }
0x304: {  	v12 =	vmul.f32 v12, v11;
	v14 =	vmul.f32 v14, v13;
	_ =	sdelay $0x1  }
0x305: {  	v12 =	vadd.f32 v14, v12;
	_ =	sdelay $0x1  }
0x306: {  	[tilespmem:s2+$0x0] =	vst v12  }
0x307: {  	v12 =	vld [tilespmem:s26+$0x10]  }
0x308: {  	v14 =	vld [tilespmem:s28+$0x10];
	_ =	sdelay $0x3  }
0x309: {  	s31 =	simm.s32 $0x3  }
0x30a: {  	v11 =	vmul.f32 v12, v11;
	v12 =	vmul.f32 v14, v13;
	v13 =	vmov s31;
	_ =	sdelay $0x1  }
0x30b: {  	v11 =	vadd.f32 v12, v11;
	_ =	sdelay $0x1  }
0x30c: {  	[tilespmem:s2+$0x10] =	vst v11  }
0x30d: {  	v12 =	vld.idx.msk [tilespmem:v13+s8+$0x0], $0xffff  }
0x30e: {  	v13 =	vld.idx.msk [tilespmem:v13+s10+$0x0], $0xffff  }
0x30f: {  	v11 =	vld [tilespmem:s28+$0x20]  }
0x310: {  	v14 =	vld [tilespmem:s26+$0x20];
	_ =	sdelay $0x4  }
0x311: {  	v11 =	vmul.f32 v11, v13;
	v14 =	vmul.f32 v14, v12;
	_ =	sdelay $0x1  }
0x312: {  	v11 =	vadd.f32 v11, v14;
	_ =	sdelay $0x1  }
0x313: {  	[tilespmem:s2+$0x20] =	vst v11  }
0x314: {  	v14 =	vld [tilespmem:s26+$0x30]  }
0x315: {  	v15 =	vld [tilespmem:s28+$0x30]  }
0x316: {  	s3 =	simm.s32 $0x4  }
0x317: {  	v11 =	vmov s3  }
0x318: {  	s1 =	simm.s32 $0x8BC0;
	v11 =	vand.u32 $0xFFFFFFFC, v11  }
0x319: {  	s5 =	simm.s32 $0x8BC0;
	vm6 =	vmmov vm12;
	s4 =	simm.s32 $0xBC0;
	s9 =	simm.s32 $0x4BC0;
	v11 =	vbroadcast v11, $0x0  }
0x31a: {  	vm8 =	vmmov vm7;
	s11 =	simm.s32 $0xBC0;
	s12 =	simm.s32 $0x8;
	s7 =	simm.s32 $0x4BC0;
	v12 =	vmul.f32 v14, v12;
	v13 =	vmul.f32 v15, v13  }
.LBB2_7:
0x31b: {  	s5 =	sadd.s32 $0x80, s5;
	s9 =	sadd.s32 $0x80, s9;
	s11 =	sadd.s32 $0x80, s11  }
0x31c: {  	p1 =	sne.s32 s12, $0x1FC;
	s6 =	smov.u32 s12;
	s12 =	sadd.s32 $0x4, s12;
	v12 =	vadd.f32 v13, v12  }
0x31d: {  	_ = 	snop  }
0x31e: {  	[tilespmem:s2+$0x30] =	vst v12;
	s2 =	smov.u32 s1;
	s1 =	smov.u32 s5  }
0x31f: {  	v12 =	vld.idx.msk [tilespmem:v11+s10+$0x0], $0xffff  }
0x320: {  	v13 =	vmov s6;
	v14 =	vld [tilespmem:s4+$0xFFFFFFC0]  }
0x321: {  	v13 =	vand.u32 $0xFFFFFFFC, v13;
	v15 =	vld.idx.msk [tilespmem:v11+s8+$0x0], $0xffff  }
0x322: {  	v11 =	vbroadcast v13, $0x0;
	v13 =	vld [tilespmem:s7+$0xFFFFFFC0];
	_ =	sdelay $0x4  }
0x323: {  	v14 =	vmul.f32 v14, v15;
	v13 =	vmul.f32 v13, v12;
	_ =	sdelay $0x1  }
0x324: {  	v13 =	vadd.f32 v13, v14;
	_ =	sdelay $0x1  }
0x325: {  	[tilespmem:s2+$0xFFFFFFC0] =	vst v13  }
0x326: {  	v13 =	vld [tilespmem:s4+$0xFFFFFFD0]  }
0x327: {  	v14 =	vld [tilespmem:s7+$0xFFFFFFD0];
	_ =	sdelay $0x1  }
0x328: {  	s0 =	sadd.s32 $0x1, s3  }
0x329: {  	v16 =	vmov s0  }
0x32a: {  	v13 =	vmul.f32 v13, v15;
	v15 =	vand.u32 $0xFFFFFFFD, v16  }
0x32b: {  	v12 =	vmul.f32 v14, v12;
	v14 =	vbroadcast v15, $0x0;
	_ =	sdelay $0x1  }
0x32c: {  	v12 =	vadd.f32 v12, v13;
	_ =	sdelay $0x1  }
0x32d: {  	[tilespmem:s2+$0xFFFFFFD0] =	vst v12  }
0x32e: {  	v12 =	vld [tilespmem:s7+$0xFFFFFFE0]  }
0x32f: {  	v13 =	vld.idx.msk [tilespmem:v14+s10+$0x0], $0xffff  }
0x330: {  	v14 =	vld.idx.msk [tilespmem:v14+s8+$0x0], $0xffff  }
0x331: {  	v15 =	vld [tilespmem:s4+$0xFFFFFFE0];
	_ =	sdelay $0x3  }
0x332: {  	v12 =	vmul.f32 v12, v13  }
0x333: {  	v15 =	vmul.f32 v15, v14;
	_ =	sdelay $0x1  }
0x334: {  	v12 =	vadd.f32 v12, v15;
	_ =	sdelay $0x1  }
0x335: {  	[tilespmem:s2+$0xFFFFFFE0] =	vst v12  }
0x336: {  	v12 =	vld [tilespmem:s4+$0xFFFFFFF0]  }
0x337: {  	v15 =	vld [tilespmem:s7+$0xFFFFFFF0]  }
0x338: {  	s0 =	sadd.s32 $0x2, s3  }
0x339: {  	v16 =	vmov s0  }
0x33a: {  	v16 =	vand.u32 $0xFFFFFFFE, v16  }
0x33b: {  	v12 =	vmul.f32 v12, v14;
	v14 =	vbroadcast v16, $0x0  }
0x33c: {  	v13 =	vmul.f32 v15, v13;
	_ =	sdelay $0x1  }
0x33d: {  	v12 =	vadd.f32 v13, v12;
	_ =	sdelay $0x1  }
0x33e: {  	[tilespmem:s2+$0xFFFFFFF0] =	vst v12  }
0x33f: {  	v12 =	vld.idx.msk [tilespmem:v14+s8+$0x0], $0xffff  }
0x340: {  	v13 =	vld [tilespmem:s4+$0x0]  }
0x341: {  	v14 =	vld.idx.msk [tilespmem:v14+s10+$0x0], $0xffff  }
0x342: {  	v15 =	vld [tilespmem:s7+$0x0];
	_ =	sdelay $0x3  }
0x343: {  	v13 =	vmul.f32 v13, v12  }
0x344: {  	v15 =	vmul.f32 v15, v14;
	_ =	sdelay $0x1  }
0x345: {  	v13 =	vadd.f32 v15, v13;
	_ =	sdelay $0x1  }
0x346: {  	[tilespmem:s2+$0x0] =	vst v13  }
0x347: {  	v13 =	vld [tilespmem:s4+$0x10]  }
0x348: {  	v15 =	vld [tilespmem:s7+$0x10];
	_ =	sdelay $0x3  }
0x349: {  	s0 =	sadd.s32 $0x3, s3;
	s3 =	smov.u32 s6;
	v12 =	vmul.f32 v13, v12  }
0x34a: {  	v13 =	vmul.f32 v15, v14;
	v14 =	vmov s0;
	_ =	sdelay $0x1  }
0x34b: {  	v12 =	vadd.f32 v13, v12;
	_ =	sdelay $0x1  }
0x34c: {  	[tilespmem:s2+$0x10] =	vst v12  }
0x34d: {  	v12 =	vld.idx.msk [tilespmem:v14+s8+$0x0], $0xffff  }
0x34e: {  	v13 =	vld.idx.msk [tilespmem:v14+s10+$0x0], $0xffff  }
0x34f: {  	v14 =	vld [tilespmem:s7+$0x20]  }
0x350: {  	v15 =	vld [tilespmem:s4+$0x20];
	_ =	sdelay $0x3  }
0x351: {  	v14 =	vmul.f32 v14, v13  }
0x352: {  	v15 =	vmul.f32 v15, v12;
	_ =	sdelay $0x1  }
0x353: {  	v14 =	vadd.f32 v14, v15;
	_ =	sdelay $0x1  }
0x354: {  	[tilespmem:s2+$0x20] =	vst v14  }
0x355: {  	v14 =	vld [tilespmem:s4+$0x30];
	s4 =	smov.u32 s11  }
0x356: {  	v15 =	vld [tilespmem:s7+$0x30];
	s7 =	smov.u32 s9  }
.Ltmp2:
0x357: {  	(pc) =	sbr.rel @p1 .LBB2_7-.Ltmp2, $3  }
0x358: {  	_ =	sdelay $0x1  }
0x359: {  	v12 =	vmul.f32 v14, v12  }
0x35a: {  	v13 =	vmul.f32 v15, v13  }
0x35b: {  	_ = 	snop  }
0x35c: {  	v12 =	vadd.f32 v13, v12;
	_ =	sdelay $0x1  }
0x35d: {  	[tilespmem:s2+$0x30] =	vst v12  }
0x35e: {  	v12 =	vld.idx.msk [tilespmem:v11+s10+$0x0], $0xffff  }
0x35f: {  	v47 =	vld [tilespmem:s4+$0xFFFFFFC0]  }
0x360: {  	v11 =	vld.idx.msk [tilespmem:v11+s8+$0x0], $0xffff  }
0x361: {  	v14 =	vld [tilespmem:s7+$0xFFFFFFC0];
	_ =	sdelay $0x4  }
0x362: {  	v13 =	vmul.f32 v47, v11;
	v14 =	vmul.f32 v14, v12;
	_ =	sdelay $0x1  }
0x363: {  	v13 =	vadd.f32 v14, v13;
	_ =	sdelay $0x1  }
0x364: {  	[tilespmem:s1+$0xFFFFFFC0] =	vst v13  }
0x365: {  	v13 =	vld [tilespmem:s4+$0xFFFFFFD0]  }
0x366: {  	v48 =	vld [tilespmem:s7+$0xFFFFFFD0];
	_ =	sdelay $0x2  }
0x367: {  	s0 =	sadd.s32 $0x1, s3  }
0x368: {  	v15 =	vmov s0  }
0x369: {  	v49 =	vand.u32 $0xFFFFFFFD, v15;
	v11 =	vmul.f32 v13, v11;
	v12 =	vmul.f32 v48, v12  }
0x36a: {  	v13 =	vbroadcast v49, $0x0  }
0x36b: {  	v11 =	vadd.f32 v12, v11;
	_ =	sdelay $0x1  }
0x36c: {  	[tilespmem:s1+$0xFFFFFFD0] =	vst v11  }
0x36d: {  	v11 =	vld [tilespmem:s7+$0xFFFFFFE0]  }
0x36e: {  	v51 =	vld [tilespmem:s4+$0xFFFFFFE0]  }
0x36f: {  	v50 =	vld.idx.msk [tilespmem:v13+s10+$0x0], $0xffff  }
0x370: {  	v13 =	vld.idx.msk [tilespmem:v13+s8+$0x0], $0xffff;
	_ =	sdelay $0x4  }
0x371: {  	v11 =	vmul.f32 v11, v50;
	v14 =	vmul.f32 v51, v13;
	_ =	sdelay $0x1  }
0x372: {  	v11 =	vadd.f32 v11, v14;
	_ =	sdelay $0x1  }
0x373: {  	[tilespmem:s1+$0xFFFFFFE0] =	vst v11  }
0x374: {  	v11 =	vld [tilespmem:s4+$0xFFFFFFF0]  }
0x375: {  	v52 =	vld [tilespmem:s7+$0xFFFFFFF0]  }
0x376: {  	s24 =	sadd.s32 $0x2, s3  }
0x377: {  	v53 =	vmov s24  }
0x378: {  	v15 =	vand.u32 $0xFFFFFFFE, v53  }
0x379: {  	v15 =	vbroadcast v15, $0x0  }
0x37a: {  	v11 =	vmul.f32 v11, v13;
	v12 =	vmul.f32 v52, v50;
	_ =	sdelay $0x1  }
0x37b: {  	v11 =	vadd.f32 v12, v11;
	_ =	sdelay $0x1  }
0x37c: {  	[tilespmem:s1+$0xFFFFFFF0] =	vst v11  }
0x37d: {  	v11 =	vld.idx.msk [tilespmem:v15+s8+$0x0], $0xffff  }
0x37e: {  	v54 =	vld [tilespmem:s4+$0x0]  }
0x37f: {  	v55 =	vld.idx.msk [tilespmem:v15+s10+$0x0], $0xffff  }
0x380: {  	v56 =	vld [tilespmem:s7+$0x0];
	_ =	sdelay $0x4  }
0x381: {  	v12 =	vmul.f32 v54, v11;
	v14 =	vmul.f32 v56, v55;
	_ =	sdelay $0x1  }
0x382: {  	v12 =	vadd.f32 v14, v12;
	_ =	sdelay $0x1  }
0x383: {  	[tilespmem:s1+$0x0] =	vst v12  }
0x384: {  	v12 =	vld [tilespmem:s4+$0x10]  }
0x385: {  	v57 =	vld [tilespmem:s7+$0x10];
	_ =	sdelay $0x3  }
0x386: {  	s25 =	sadd.s32 $0x3, s3  }
0x387: {  	v59 =	vmov s25;
	v11 =	vmul.f32 v12, v11;
	v58 =	vmul.f32 v57, v55;
	_ =	sdelay $0x1  }
0x388: {  	v11 =	vadd.f32 v58, v11;
	_ =	sdelay $0x1  }
0x389: {  	[tilespmem:s1+$0x10] =	vst v11  }
0x38a: {  	v11 =	vld.idx.msk [tilespmem:v59+s8+$0x0], $0xffff  }
0x38b: {  	v60 =	vld.idx.msk [tilespmem:v59+s10+$0x0], $0xffff  }
0x38c: {  	v61 =	vld [tilespmem:s7+$0x20]  }
0x38d: {  	v62 =	vld [tilespmem:s4+$0x20];
	_ =	sdelay $0x4  }
0x38e: {  	v13 =	vmul.f32 v61, v60;
	v14 =	vmul.f32 v62, v11;
	_ =	sdelay $0x1  }
0x38f: {  	v13 =	vadd.f32 v13, v14;
	_ =	sdelay $0x1  }
0x390: {  	[tilespmem:s1+$0x20] =	vst v13  }
0x391: {  	v13 =	vld [tilespmem:s4+$0x30]  }
0x392: {  	v63 =	vld [tilespmem:s7+$0x30];
	_ =	sdelay $0x3  }
0x393: {  	s28 =	sld [smem:$0x7FA]  }
0x394: {  	p1 =	seq.s32 s13, $0x18;
	v11 =	vmul.f32 v13, v11;
	v12 =	vmul.f32 v63, v60  }
.Ltmp3:
0x395: {  	s26 =	sshll.u32 s13, $0xF;
	(pc) =	sbr.rel @p1 .LBB2_12-.Ltmp3, $4  }
0x396: {  	s0 =	sadd.s32 s28, s26;
	v11 =	vadd.f32 v12, v11  }
0x397: {  	s29 =	rddreg [dreg:$0x1];
	s0 =	sshrl.u32 s0, $0x3  }
0x398: {  	s30 =	simm.s32 $0x0;
	s31 =	simm.s32 $0x8B00;
	s0 =	sadd.s32 s29, s0;
	[tilespmem:s1+$0x30] =	vst v11  }
0x399: {  	[hbm4b:s0+s30] =	stream.linear.scatter [tilespmem:s31], [sflag:$0x2], $0x4000, $0x38;
	[tilespmem:$0x19500] =	vst v63  }
0x39a: {  	s0 =	sld [smem:$0x7FC]  }
0x39b: {  	s1 =	sld [smem:$0x7C7];
	_ =	sdelay $0x1  }
0x39c: {  	s22 =	sld [smem:$0x7F8]  }
0x39d: {  	s0 =	sadd.s32 s1, s0  }
0x39e: {  	s23 =	simm.s32 $0x0;
	s0 =	sshrl.u32 s0, $0x3  }
0x39f: {  	s2 =	simm.s32 $0x100;
	s24 =	simm.s32 $0x5;
	s0 =	sadd.s32 s22, s0  }
0x3a0: {  	[tilespmem:s2], [sflag:$0x5] =	stream.linear.gather [hbm4b:s0+s23], $0x200, $0x38;
	[tilespmem:$0x19500] =	vst v63  }
0x3a1: {  	_ =	swait.ge [sflag:s24], $0x200  }
0x3a2: {  	[sflag:s24] =	ssyncset.done $0x0  }
0x3a3: {  	s25 =	simm.s32 $0x0;
	[sflag:s24] =	ssyncadd.s32 $0xFFFFFE00  }
0x3a4: {  	v12 =	vld [tilespmem:s25+$0x100];
	_ =	sdelay $0x4  }
0x3a5: {  	v11 =	vmul.u32 v5, v12;
	_ =	sdelay $0x1  }
0x3a6: {  	v13 =	vadd.s32 v6, v11  }
0x3a7: {  	(v2sf) =	vpush v13, $0xF  }
0x3a8: {  	(v2sf) =	vpush v13, $0xB;
	_ =	sdelay $0x1  }
0x3a9: {  	(v2sf) =	vpush v13, $0x6;
	_ =	sdelay $0x1  }
0x3aa: {  	(v2sf) =	vpush v13, $0xE  }
0x3ab: {  	(v2sf) =	vpush v13, $0xA;
	_ =	sdelay $0x1  }
0x3ac: {  	(v2sf) =	vpush v13, $0xD;
	_ =	sdelay $0x1  }
0x3ad: {  	(v2sf) =	vpush v13, $0x9;
	_ =	sdelay $0x1  }
0x3ae: {  	(v2sf) =	vpush v13, $0x5;
	_ =	sdelay $0x1  }
0x3af: {  	(v2sf) =	vpush v13, $0xC  }
0x3b0: {  	(v2sf) =	vpush v13, $0x8;
	s26 =	spop (v2sf)  }
0x3b1: {  	s29 =	smulhi.u32 $0x431BDE83, s26;
	s4 =	spop (v2sf)  }
0x3b2: {  	s1 =	sshra.s32 s26, $0x1F;
	s5 =	smulhi.u32 $0x431BDE83, s4  }
0x3b3: {  	(v2sf) =	vpush v13, $0x4;
	s6 =	spop (v2sf);
	s1 =	smul.u32 $0x431BDE83, s1  }
0x3b4: {  	(v2sf) =	vpush v13, $0x3;
	s4 =	sshra.s32 s4, $0x1F;
	s0 =	smulhi.u32 $0x431BDE83, s6  }
0x3b5: {  	s7 =	spop (v2sf);
	s4 =	smul.u32 $0x431BDE83, s4  }
0x3b6: {  	s8 =	smulhi.u32 $0x431BDE83, s7;
	s9 =	spop (v2sf)  }
0x3b7: {  	s7 =	sshra.s32 s7, $0x1F;
	s10 =	smulhi.u32 $0x431BDE83, s9  }
0x3b8: {  	s11 =	spop (v2sf);
	s7 =	smul.u32 $0x431BDE83, s7  }
0x3b9: {  	(v2sf) =	vpush v13, $0x2;
	s9 =	sshra.s32 s9, $0x1F;
	s12 =	smulhi.u32 $0x431BDE83, s11  }
0x3ba: {  	s13 =	spop (v2sf);
	s9 =	smul.u32 $0x431BDE83, s9  }
0x3bb: {  	(v2sf) =	vpush v13, $0x1;
	s11 =	sshra.s32 s11, $0x1F;
	s14 =	smulhi.u32 $0x431BDE83, s13  }
0x3bc: {  	(v2sf) =	vpush v13, $0x0;
	s15 =	spop (v2sf);
	s25 =	smul.u32 $0x431BDE83, s11  }
0x3bd: {  	s30 =	sshra.s32 s13, $0x1F;
	s16 =	smulhi.u32 $0x431BDE83, s15  }
0x3be: {  	s17 =	spop (v2sf);
	s13 =	smul.u32 $0x431BDE83, s30  }
0x3bf: {  	(v2sf) =	vpush v13, $0x7;
	s18 =	smulhi.u32 $0x431BDE83, s17;
	s19 =	spop (v2sf)  }
0x3c0: {  	v11 =	vmul.u32 v3, v12;
	s11 =	sadd.s32 s4, s5;
	s4 =	sshra.s32 s17, $0x1F;
	s20 =	smulhi.u32 $0x431BDE83, s19  }
0x3c1: {  	s1 =	sadd.s32 s1, s29;
	s30 =	sshra.s32 s15, $0x1F;
	s29 =	smul.u32 $0x431BDE83, s4  }
0x3c2: {  	v11 =	vadd.s32 v4, v11;
	s21 =	spop (v2sf);
	s4 =	sadd.s32 s7, s8;
	s7 =	smul.u32 $0x431BDE83, s30  }
0x3c3: {  	s19 =	sshra.s32 s19, $0x1F;
	s22 =	smulhi.u32 $0x431BDE83, s21;
	s23 =	spop (v2sf);
	(v2sf) =	vpush v11, $0x7  }
0x3c4: {  	s2 =	sadd.s32 s9, s10;
	s10 =	smul.u32 $0x431BDE83, s19;
	(v2sf) =	vpush v11, $0x0  }
0x3c5: {  	s15 =	sshra.s32 s6, $0x1F;
	s5 =	sadd.s32 s25, s12;
	s3 =	smulhi.u32 $0x431BDE83, s23;
	(v2sf) =	vpush v11, $0x1  }
0x3c6: {  	s21 =	sshra.s32 s21, $0x1F;
	s12 =	sadd.s32 s29, s18;
	s29 =	smul.u32 $0x431BDE83, s15  }
0x3c7: {  	s6 =	sadd.s32 s13, s14;
	s23 =	sshra.s32 s23, $0x1F;
	s13 =	smul.u32 $0x431BDE83, s21  }
0x3c8: {  	s14 =	smul.u32 $0x431BDE83, s23;
	(v2sf) =	vpush v11, $0x2;
	s24 =	spop (v2sf)  }
0x3c9: {  	(v2sf) =	vpush v11, $0x3;
	s26 =	smulhi.u32 $0x431BDE83, s24;
	s24 =	sshra.s32 s24, $0x1F  }
0x3ca: {  	s28 =	spop (v2sf);
	s30 =	smul.u32 $0x431BDE83, s24  }
0x3cb: {  	s15 =	sadd.s32 s7, s16;
	(v2sf) =	vpush v11, $0x4;
	s17 =	smulhi.u32 $0x431BDE83, s28;
	s25 =	spop (v2sf)  }
0x3cc: {  	s21 =	sadd.s32 s10, s20;
	s8 =	smulhi.u32 $0x431BDE83, s25;
	s23 =	sshra.s32 s25, $0x1F  }
0x3cd: {  	s13 =	sadd.s32 s13, s22;
	s24 =	sshra.s32 s28, $0x1F;
	s16 =	smul.u32 $0x431BDE83, s23  }
0x3ce: {  	s14 =	sadd.s32 s14, s3;
	(v2sf) =	vpush v11, $0xC;
	s9 =	spop (v2sf);
	s23 =	smul.u32 $0x431BDE83, s24  }
0x3cf: {  	s24 =	sadd.s32 s30, s26;
	s18 =	smulhi.u32 $0x431BDE83, s9;
	s9 =	sshra.s32 s9, $0x1F  }
0x3d0: {  	s26 =	sshrl.u32 s12, $0x1F;
	s9 =	smul.u32 $0x431BDE83, s9;
	s8 =	sadd.s32 s16, s8  }
0x3d1: {  	s23 =	sadd.s32 s23, s17;
	s3 =	sshra.s32 s8, $0x12;
	s28 =	sshrl.u32 s8, $0x1F  }
0x3d2: {  	v15 =	vmov s26;
	s26 =	sshra.s32 s23, $0x1F;
	s7 =	spop (v2sf);
	s18 =	sadd.s32 s9, s18  }
0x3d3: {  	(v2sf) =	vpush v11, $0x8;
	s19 =	spop (v2sf);
	s25 =	sshra.s32 s7, $0x1F;
	s7 =	smulhi.u32 $0x431BDE83, s7  }
0x3d4: {  	v18 =	vmov s28;
	s28 =	sshrl.u32 s2, $0x1F;
	s22 =	spop (v2sf);
	s9 =	smul.u32 $0x431BDE83, s25  }
0x3d5: {  	(v2sf) =	vpush v11, $0xD;
	s30 =	sshra.s32 s19, $0x1F;
	s25 =	smulhi.u32 $0x431BDE83, s19;
	s19 =	sadd.s32 s29, s0  }
0x3d6: {  	s29 =	sshra.s32 s21, $0x12;
	s17 =	smul.u32 $0x431BDE83, s30;
	s16 =	sshra.s32 s22, $0x1F  }
0x3d7: {  	(v2sf) =	vpush v11, $0x9;
	s20 =	spop (v2sf);
	v19 =	vmov s29;
	s29 =	sshra.s32 s24, $0x1F;
	s30 =	smul.u32 $0x431BDE83, s16  }
0x3d8: {  	vm10 =	vcmask $0x704;
	(v2sf) =	vpush v11, $0x5;
	s10 =	spop (v2sf);
	s31 =	sadd.s32 s9, s7;
	s16 =	smulhi.u32 $0x431BDE83, s22  }
0x3d9: {  	vm7 =	vmmov vm6;
	vm12 =	vcmask $0xF0C;
	vm13 =	vcmask $0x1714;
	s9 =	sshrl.u32 s21, $0x1F;
	s22 =	sshra.s32 s12, $0x12;
	s21 =	sshra.s32 s18, $0x1F  }
0x3da: {  	vm14 =	vcmask $0x1F1C;
	vm5 =	vmmov vm11;
	vm15 =	vcmask $0x2724;
	s17 =	sadd.s32 s17, s25;
	s25 =	sshra.s32 s8, $0x1F;
	s0 =	spop (v2sf)  }
0x3db: {  	v20 =	vmul.u32 v7, v12;
	(v2sf) =	vpush v11, $0xE;
	v14 =	vmov s21;
	s7 =	sadd.s32 s30, s16;
	s30 =	sshrl.u32 s5, $0x1F;
	s16 =	sshra.s32 s5, $0x12  }
0x3dc: {  	(v2sf) =	vpush v11, $0xA;
	v18 =	vnsel vm4, $0x0, v18;
	s5 =	sshrl.u32 s6, $0x1F;
	s6 =	sshra.s32 s6, $0x12;
	v14 =	vsel vm4, s3, v14;
	s3 =	sshrl.u32 s4, $0x1F  }
0x3dd: {  	(v2sf) =	vpush v11, $0xF;
	v17 =	vmov s22;
	s4 =	sshra.s32 s4, $0x12;
	s12 =	spop (v2sf);
	v14 =	vsel vm10, s25, v14;
	s25 =	sshra.s32 s23, $0x12  }
0x3de: {  	(v2sf) =	vpush v11, $0xB;
	v15 =	vsel vm0, s30, v15;
	s30 =	sshra.s32 s24, $0x12;
	v17 =	vsel vm0, s16, v17;
	s24 =	sshrl.u32 s24, $0x1F;
	s16 =	sshra.s32 s14, $0x1F  }
0x3df: {  	v19 =	vsel vm0, s6, v19;
	s6 =	sshra.s32 s11, $0x12;
	v14 =	vsel vm0, s25, v14;
	s25 =	sshrl.u32 s23, $0x1F;
	v17 =	vsel vm1, s4, v17;
	s4 =	sshra.s32 s14, $0x12  }
0x3e0: {  	v16 =	vmov s9;
	s14 =	sshrl.u32 s14, $0x1F;
	v14 =	vsel vm12, s26, v14;
	s26 =	sshra.s32 s2, $0x12;
	v18 =	vsel vm0, s25, v18;
	s25 =	smulhi.u32 $0x431BDE83, s20  }
0x3e1: {  	v16 =	vsel vm0, s5, v16;
	v14 =	vsel vm1, s30, v14;
	s30 =	sshrl.u32 s1, $0x1F;
	v19 =	vsel vm1, s26, v19;
	s26 =	sshra.s32 s20, $0x1F;
	s20 =	sshrl.u32 s19, $0x1F  }
0x3e2: {  	v15 =	vsel vm1, s3, v15;
	v18 =	vsel vm1, s24, v18;
	s24 =	sshra.s32 s10, $0x1F;
	s21 =	spop (v2sf);
	v14 =	vsel vm13, s29, v14;
	s29 =	sshra.s32 s1, $0x12  }
0x3e3: {  	v15 =	vsel vm2, s30, v15;
	s30 =	sshrl.u32 s11, $0x1F;
	v18 =	vsel vm2, s14, v18;
	v19 =	vsel vm2, s6, v19;
	s6 =	smulhi.u32 $0x431BDE83, s10;
	s14 =	simm.s32 $0x10  }
0x3e4: {  	v12 =	vmul.u32 v9, v12;
	v16 =	vsel vm1, s28, v16;
	s8 =	spop (v2sf);
	v14 =	vsel vm2, s4, v14;
	s4 =	smul.u32 $0x431BDE83, s26;
	s26 =	sshra.s32 s13, $0x1F  }
0x3e5: {  	v20 =	vadd.s32 v8, v20;
	v16 =	vsel vm2, s30, v16;
	v17 =	vsel vm2, s29, v17;
	s30 =	sshra.s32 s15, $0x12;
	s29 =	sshra.s32 s0, $0x1F;
	s28 =	sshra.s32 s21, $0x1F  }
0x3e6: {  	vm6 =	vcmask $0x2B28;
	v20 =	vand.u32 $0x1, v20;
	s0 =	smulhi.u32 $0x431BDE83, s0;
	s9 =	spop (v2sf);
	v14 =	vsel vm14, s16, v14;
	s16 =	sshra.s32 s13, $0x12  }
0x3e7: {  	v12 =	vadd.s32 v10, v12;
	vm9 =	veq.s32 v20, $0x0;
	s13 =	sshrl.u32 s13, $0x1F;
	s23 =	spop (v2sf);
	v14 =	vsel vm11, s16, v14;
	s16 =	sshra.s32 s15, $0x1F  }
0x3e8: {  	v12 =	vand.u32 $0x1, v12;
	v20 =	vsel vm9, $0xBF000000, v2;
	(v2sf) =	vpush v11, $0x6;
	s15 =	sshrl.u32 s15, $0x1F;
	s11 =	sadd.s32 s4, s25;
	s4 =	sshra.s32 s19, $0x12  }
0x3e9: {  	vm9 =	veq.s32 v12, $0x0;
	s19 =	sshra.s32 s19, $0x1F;
	v12 =	vsel vm11, s13, v18;
	s13 =	smul.u32 $0x431BDE83, s24;
	s25 =	sshra.s32 s12, $0x1F;
	v14 =	vsel vm15, s26, v14  }
0x3ea: {  	v15 =	vcombine.low v16, v15;
	v18 =	vsel vm9, $0xBF000000, v2;
	s24 =	sshra.s32 s17, $0x1F;
	s22 =	spop (v2sf);
	v14 =	vsel vm6, s30, v14;
	s30 =	simm.s32 $0x0  }
0x3eb: {  	vm11 =	vcmask $0x3330;
	s26 =	sshrl.u32 s18, $0x1F;
	v12 =	vsel vm6, s15, v12;
	s15 =	smul.u32 $0x431BDE83, s29;
	v14 =	vsel vm7, s16, v14;
	[tilespmem:s30+$0x700] =	vst v20;
	s16 =	sshra.s32 s31, $0x1F  }
0x3ec: {  	v12 =	vsel vm11, s20, v12;
	s20 =	sshra.s32 s17, $0x12;
	[tilespmem:s30+$0x900] =	vst v18;
	v14 =	vsel vm11, s4, v14;
	v16 =	vmov s16;
	s4 =	sshra.s32 s8, $0x1F;
	s8 =	smulhi.u32 $0x431BDE83, s8  }
0x3ed: {  	v17 =	vcombine.low v19, v17;
	s18 =	sshra.s32 s18, $0x12;
	s29 =	sshra.s32 s7, $0x12;
	v18 =	vld [tilespmem:s14+$0x100];
	v16 =	vsel vm4, s20, v16;
	s20 =	smul.u32 $0x431BDE83, s25  }
0x3ee: {  	v15 =	vperm.xlane v15, v0;
	s5 =	spop (v2sf);
	s17 =	sshrl.u32 s17, $0x1F;
	vm7 =	vmmov vm3;
	vm3 =	vcmask $0x3734;
	s4 =	smul.u32 $0x431BDE83, s4  }
0x3ef: {  	v17 =	vperm.xlane v17, v0;
	s10 =	sadd.s32 s13, s6;
	v12 =	vsel vm7, s26, v12;
	v14 =	vsel vm3, s19, v14;
	s25 =	sshra.s32 s9, $0x1F;
	s9 =	smulhi.u32 $0x431BDE83, s9  }
0x3f0: {  	s3 =	spop (v2sf);
	s30 =	sshra.s32 s7, $0x1F;
	v12 =	vperm.xlane v12, v1;
	v16 =	vsel vm10, s24, v16;
	v14 =	vsel vm7, s18, v14;
	s24 =	smul.u32 $0x431BDE83, s28  }
0x3f1: {  	s2 =	spop (v2sf);
	s16 =	sshra.s32 s11, $0x12;
	vm3 =	vcmask $0x2F2C;
	v16 =	vsel vm0, s29, v16;
	v14 =	vperm.xlane v14, v1;
	s29 =	smulhi.u32 $0x431BDE83, s12  }
0x3f2: {  	v15 =	vsel vm8, v12, v15;
	s4 =	sadd.s32 s4, s8;
	s8 =	sshra.s32 s2, $0x1F;
	s2 =	smulhi.u32 $0x431BDE83, s2;
	v16 =	vsel vm12, s30, v16;
	v19 =	vmul.u32 v5, v18  }
0x3f3: {  	s13 =	sshra.s32 s10, $0x12;
	s19 =	sshra.s32 s11, $0x1F;
	s8 =	smul.u32 $0x431BDE83, s8;
	v16 =	vsel vm1, s16, v16;
	v14 =	vsel vm8, v14, v17;
	v17 =	vmov s17  }
0x3f4: {  	s0 =	sadd.s32 s15, s0;
	s30 =	sshra.s32 s23, $0x1F;
	s16 =	smulhi.u32 $0x431BDE83, s21;
	v20 =	vmul.u32 v7, v18;
	v16 =	vsel vm13, s19, v16;
	v12 =	vadd.s32 v6, v19  }
0x3f5: {  	s7 =	sshrl.u32 s7, $0x1F;
	s12 =	smul.u32 $0x431BDE83, s30;
	s6 =	sadd.s32 s20, s29;
	v14 =	vadd.s32 v15, v14;
	v16 =	vsel vm2, s13, v16;
	(v2sf) =	vpush v12, $0xF  }
0x3f6: {  	s19 =	sshra.s32 s10, $0x1F;
	s30 =	sshrl.u32 s6, $0x1F;
	s6 =	sshra.s32 s6, $0x12;
	v14 =	vmul.u32 $0xF4240, v14;
	v20 =	vadd.s32 v8, v20;
	(v2sf) =	vpush v12, $0xB  }
0x3f7: {  	s26 =	simm.s32 $0x0;
	s1 =	spop (v2sf);
	s21 =	smul.u32 $0x431BDE83, s25;
	v21 =	vmov s6;
	v15 =	vsel vm14, s19, v16;
	(v2sf) =	vpush v12, $0x6  }
0x3f8: {  	s11 =	sshrl.u32 s11, $0x1F;
	s17 =	sshra.s32 s5, $0x1F;
	s5 =	smulhi.u32 $0x431BDE83, s5;
	v16 =	vnsel vm4, $0x0, v17;
	v17 =	vmov s30;
	(v2sf) =	vpush v12, $0xE  }
0x3f9: {  	s25 =	sshra.s32 s0, $0x12;
	s17 =	smul.u32 $0x431BDE83, s17;
	s29 =	sadd.s32 s24, s16;
	v20 =	vand.u32 $0x1, v20;
	v16 =	vsel vm0, s7, v16;
	(v2sf) =	vpush v12, $0xA  }
0x3fa: {  	s16 =	smulhi.u32 $0x431BDE83, s23;
	s24 =	sshrl.u32 s4, $0x1F;
	s18 =	sshrl.u32 s29, $0x1F;
	v15 =	vsel vm5, s25, v15;
	v13 =	vsub.s32 v13, v14;
	(v2sf) =	vpush v12, $0xD  }
0x3fb: {  	s13 =	sshra.s32 s22, $0x1F;
	s9 =	sadd.s32 s21, s9;
	s22 =	smulhi.u32 $0x431BDE83, s22;
	v19 =	vmov s18;
	v17 =	vsel vm0, s24, v17;
	(v2sf) =	vpush v12, $0x9  }
0x3fc: {  	s21 =	sshra.s32 s1, $0x1F;
	s23 =	sshra.s32 s0, $0x1F;
	s1 =	smulhi.u32 $0x431BDE83, s1;
	vm9 =	vlt.s32 v13, $0x0;
	v14 =	vadd.s32 $0xF4240, v13;
	(v2sf) =	vpush v12, $0x5  }
0x3fd: {  	s20 =	sshra.s32 s3, $0x1F;
	s10 =	sshrl.u32 s10, $0x1F;
	s13 =	smul.u32 $0x431BDE83, s13;
	v16 =	vsel vm1, s11, v16;
	v15 =	vsel vm15, s23, v15;
	(v2sf) =	vpush v12, $0xC  }
0x3fe: {  	s4 =	sshra.s32 s4, $0x12;
	s0 =	sshrl.u32 s0, $0x1F;
	s30 =	smul.u32 $0x431BDE83, s20;
	v14 =	vsel vm9, v14, v13;
	v13 =	vmul.u32 v3, v18;
	(v2sf) =	vpush v12, $0x8  }
0x3ff: {  	s15 =	smul.u32 $0x431BDE83, s21;
	s12 =	sadd.s32 s12, s16;
	s7 =	sshra.s32 s29, $0x12;
	v18 =	vmul.u32 v9, v18;
	vm9 =	veq.s32 v20, $0x0;
	(v2sf) =	vpush v12, $0x4  }
0x400: {  	s5 =	sadd.s32 s17, s5;
	s21 =	smulhi.u32 $0x431BDE83, s3;
	s29 =	sshra.s32 s12, $0x12;
	v20 =	vmov s7;
	v16 =	vsel vm2, s10, v16;
	(v2sf) =	vpush v12, $0x3  }
0x401: {  	s25 =	sshrl.u32 s9, $0x1F;
	s9 =	sshra.s32 s9, $0x12;
	s20 =	sshrl.u32 s5, $0x1F;
	v15 =	vsel vm6, s29, v15;
	v22 =	vsel vm9, $0xBF000000, v2;
	(v2sf) =	vpush v12, $0x2  }
0x402: {  	s24 =	sshrl.u32 s31, $0x1F;
	s13 =	sadd.s32 s13, s22;
	s22 =	sshra.s32 s5, $0x12;
	v20 =	vsel vm0, s9, v20;
	v18 =	vadd.s32 v10, v18;
	(v2sf) =	vpush v12, $0x1  }
0x403: {  	s23 =	sshra.s32 s12, $0x1F;
	s12 =	sshrl.u32 s12, $0x1F;
	s18 =	sadd.s32 s30, s21;
	v16 =	vsel vm5, s0, v16;
	v18 =	vand.u32 $0x1, v18;
	(v2sf) =	vpush v12, $0x0  }
0x404: {  	s1 =	sadd.s32 s15, s1;
	s16 =	sshrl.u32 s13, $0x1F;
	v13 =	vadd.s32 v4, v13;
	vm9 =	veq.s32 v18, $0x0;
	s3 =	spop (v2sf);
	(v2sf) =	vpush v12, $0x7  }
0x405: {  	s13 =	sshra.s32 s13, $0x12;
	v18 =	vsel vm0, s25, v19;
	v19 =	vsel vm0, s4, v21;
	s9 =	smulhi.u32 $0x431BDE83, s3;
	(v2sf) =	vpush v13, $0x7;
	s4 =	spop (v2sf)  }
0x406: {  	s29 =	sshrl.u32 s18, $0x1F;
	v63 =	vsel vm1, s16, v17;
	v17 =	vsel vm3, s23, v15;
	s17 =	smulhi.u32 $0x431BDE83, s4;
	(v2sf) =	vpush v13, $0x0;
	s5 =	spop (v2sf)  }
0x407: {  	[tilespmem:s26+$0x500] =	vst v14;
	v20 =	vsel vm1, s22, v20;
	v14 =	vsel vm2, s29, v63;
	s25 =	sadd.s32 s8, s2;
	s28 =	smulhi.u32 $0x431BDE83, s5;
	(v2sf) =	vpush v13, $0x1;
	s6 =	spop (v2sf)  }
0x408: {  	v23 =	vsel vm9, $0xBF000000, v2;
	v18 =	vsel vm1, s20, v18;
	s8 =	sshrl.u32 s25, $0x1F;
	s11 =	smulhi.u32 $0x431BDE83, s6;
	(v2sf) =	vpush v13, $0x2;
	s19 =	spop (v2sf)  }
0x409: {  	v19 =	vsel vm1, s13, v19;
	s7 =	sshra.s32 s25, $0x12;
	v15 =	vsel vm2, s8, v18;
	s15 =	smulhi.u32 $0x431BDE83, s19;
	(v2sf) =	vpush v13, $0x3;
	s21 =	spop (v2sf)  }
0x40a: {  	s30 =	sshra.s32 s18, $0x12;
	[tilespmem:s14+$0x700] =	vst v22;
	v18 =	vsel vm6, s12, v16;
	v16 =	vsel vm2, s7, v20;
	s18 =	smulhi.u32 $0x431BDE83, s21;
	(v2sf) =	vpush v13, $0x4;
	s22 =	spop (v2sf)  }
0x40b: {  	s2 =	simm.s32 $0x80;
	[tilespmem:s14+$0x900] =	vst v23;
	v14 =	vcombine.low v15, v14;
	v15 =	vsel vm2, s30, v19;
	s8 =	smulhi.u32 $0x431BDE83, s22;
	(v2sf) =	vpush v13, $0xC;
	s23 =	spop (v2sf)  }
.LBB2_10:
0x40c: {  	[dreg:$0x5] =	wrdreg s2  }
0x40d: {  	s0 =	smulhi.u32 $0x431BDE83, s23;
	[smem:$0x791] =	sst s11  }
0x40e: {  	s25 =	spop (v2sf);
	s12 =	sshra.s32 s1, $0x12;
	[smem:$0x793] =	sst s8  }
0x40f: {  	s7 =	sshrl.u32 s1, $0x1F;
	[dreg:$0x16] =	wrdreg s28;
	s11 =	smulhi.u32 $0x431BDE83, s25  }
0x410: {  	s29 =	sshra.s32 s1, $0x1F;
	s30 =	spop (v2sf);
	[smem:$0x794] =	sst s0  }
0x411: {  	s21 =	sshra.s32 s21, $0x1F;
	s13 =	smulhi.u32 $0x431BDE83, s30;
	s20 =	spop (v2sf)  }
0x412: {  	v15 =	vcombine.low v16, v15;
	vm10 =	vcmask $0x3734;
	s4 =	sshra.s32 s4, $0x1F;
	v16 =	vsel vm11, s12, v17;
	s0 =	smul.u32 $0x431BDE83, s21;
	[smem:$0x792] =	sst s11  }
0x413: {  	v17 =	vsel vm11, s7, v18;
	s7 =	sshra.s32 s31, $0x12;
	v16 =	vsel vm10, s29, v16;
	s16 =	smulhi.u32 $0x431BDE83, s20;
	s8 =	spop (v2sf)  }
0x414: {  	p1 =	sne.s32 s2, $0x7C0;
	(v2sf) =	vpush v13, $0x8;
	v16 =	vsel vm7, s7, v16;
	s7 =	smul.u32 $0x431BDE83, s4;
	[smem:$0x795] =	sst s13  }
0x415: {  	(v2sf) =	vpush v13, $0xD;
	s2 =	smulhi.u32 $0x431BDE83, s8;
	s13 =	smov.u32 s14;
	[smem:$0x796] =	sst s16  }
0x416: {  	(v2sf) =	vpush v13, $0x9;
	s11 =	spop (v2sf);
	[dreg:$0x8] =	wrdreg s13  }
0x417: {  	(v2sf) =	vpush v13, $0x5;
	s10 =	smulhi.u32 $0x431BDE83, s11;
	s7 =	sadd.s32 s7, s17;
	s17 =	sld [smem:$0x792]  }
0x418: {  	(v2sf) =	vpush v13, $0xE;
	s28 =	spop (v2sf);
	[smem:$0x79B] =	sst s2  }
0x419: {  	(v2sf) =	vpush v13, $0xA;
	s12 =	smulhi.u32 $0x431BDE83, s28;
	s31 =	spop (v2sf)  }
0x41a: {  	s3 =	sshra.s32 s3, $0x1F;
	(v2sf) =	vpush v13, $0xF;
	s16 =	smulhi.u32 $0x431BDE83, s31;
	s14 =	spop (v2sf)  }
0x41b: {  	s6 =	sshra.s32 s6, $0x1F;
	v17 =	vsel vm7, s24, v17;
	[smem:$0x799] =	sst s10;
	(v2sf) =	vpush v13, $0xB;
	s24 =	smulhi.u32 $0x431BDE83, s14  }
0x41c: {  	s29 =	smov.u32 s26;
	s10 =	smul.u32 $0x431BDE83, s6;
	(v2sf) =	vpush v13, $0x6;
	s26 =	spop (v2sf)  }
0x41d: {  	s5 =	sshra.s32 s5, $0x1F;
	s1 =	spop (v2sf);
	[smem:$0x797] =	sst s24  }
0x41e: {  	s24 =	smov.u32 s15;
	s15 =	smul.u32 $0x431BDE83, s3;
	s2 =	spop (v2sf)  }
0x41f: {  	s3 =	smul.u32 $0x431BDE83, s5;
	s5 =	spop (v2sf)  }
0x420: {  	s19 =	sshra.s32 s19, $0x1F;
	v14 =	vperm.xlane v14, v0;
	v15 =	vperm.xlane v15, v0;
	[smem:$0x798] =	sst s16;
	s6 =	spop (v2sf)  }
0x421: {  	s25 =	sshra.s32 s25, $0x1F;
	v17 =	vperm.xlane v17, v1;
	v16 =	vperm.xlane v16, v1;
	s16 =	smul.u32 $0x431BDE83, s19;
	s19 =	spop (v2sf)  }
0x422: {  	s4 =	sshra.s32 s22, $0x1F;
	[smem:$0x79A] =	sst s12;
	s22 =	spop (v2sf)  }
0x423: {  	s20 =	sshra.s32 s20, $0x1F;
	v14 =	vsel vm8, v17, v14;
	v15 =	vsel vm8, v16, v15;
	[dreg:$0x1b] =	wrdreg s1;
	s21 =	spop (v2sf)  }
0x424: {  	v14 =	vadd.s32 v14, v15;
	s12 =	sshra.s32 s23, $0x1F;
	s1 =	smul.u32 $0x431BDE83, s20;
	s23 =	spop (v2sf)  }
0x425: {  	s13 =	sshra.s32 s30, $0x1F;
	v14 =	vmul.u32 $0xF4240, v14;
	[dreg:$0x19] =	wrdreg s2;
	s30 =	spop (v2sf)  }
0x426: {  	s2 =	smul.u32 $0x431BDE83, s25;
	s25 =	spop (v2sf)  }
0x427: {  	s8 =	sshra.s32 s8, $0x1F;
	v14 =	vsub.s32 v11, v14;
	[smem:$0x79C] =	sst s3;
	s20 =	spop (v2sf)  }
0x428: {  	v11 =	vmov v13;
	vm9 =	vlt.s32 v14, $0x0;
	v13 =	vadd.s32 $0xF4240, v14;
	s3 =	smul.u32 $0x431BDE83, s12;
	s12 =	sshra.s32 s11, $0x1F;
	s11 =	spop (v2sf)  }
0x429: {  	[dreg:$0x1f] =	wrdreg s26;
	s26 =	sshra.s32 s28, $0x1F;
	v13 =	vsel vm9, v13, v14;
	s28 =	spop (v2sf)  }
0x42a: {  	[tilespmem:s29+$0x300] =	vst v13;
	s29 =	smul.u32 $0x431BDE83, s8;
	s8 =	spop (v2sf)  }
0x42b: {  	[dreg:$0x10] =	wrdreg s8;
	s8 =	spop (v2sf)  }
0x42c: {  	[dreg:$0xd] =	wrdreg s8  }
0x42d: {  	s8 =	sadd.s32 s15, s9;
	s9 =	sld [smem:$0x791]  }
0x42e: {  	s15 =	sadd.s32 s0, s18;
	s18 =	sld [smem:$0x793]  }
0x42f: {  	s4 =	smul.u32 $0x431BDE83, s4  }
0x430: {  	s0 =	sadd.s32 s10, s9;
	s10 =	sadd.s32 s16, s24;
	s24 =	sld [smem:$0x794]  }
0x431: {  	s16 =	sadd.s32 s2, s17;
	s17 =	sadd.s32 s4, s18;
	s4 =	sld [smem:$0x795]  }
0x432: {  	s13 =	smul.u32 $0x431BDE83, s13;
	s31 =	sshra.s32 s31, $0x1F;
	s9 =	sld [smem:$0x796]  }
0x433: {  	s31 =	smul.u32 $0x431BDE83, s31;
	s18 =	sld [smem:$0x797]  }
0x434: {  	s14 =	sshra.s32 s14, $0x1F;
	s2 =	sadd.s32 s3, s24;
	s24 =	sld [smem:$0x798]  }
0x435: {  	s14 =	smul.u32 $0x431BDE83, s14;
	s3 =	sld [smem:$0x799]  }
0x436: {  	s12 =	smul.u32 $0x431BDE83, s12;
	s13 =	sadd.s32 s13, s4;
	s4 =	sld [smem:$0x79A]  }
0x437: {  	s26 =	smul.u32 $0x431BDE83, s26;
	s9 =	sadd.s32 s1, s9  }
0x438: {  	s14 =	sadd.s32 s14, s18;
	s18 =	sadd.s32 s31, s24;
	s1 =	sadd.s32 s12, s3  }
0x439: {  	s12 =	sshra.s32 s14, $0x1F;
	s24 =	sshrl.u32 s16, $0x1F;
	s26 =	sadd.s32 s26, s4  }
0x43a: {  	s3 =	sshrl.u32 s13, $0x1F;
	s16 =	sshra.s32 s16, $0x12;
	s13 =	sshra.s32 s13, $0x12  }
0x43b: {  	vm9 =	vcmask $0x704;
	s31 =	sshra.s32 s18, $0x12;
	v13 =	vmov s12;
	v14 =	vmov s24;
	s4 =	sshra.s32 s18, $0x1F;
	s18 =	sshrl.u32 s18, $0x1F  }
0x43c: {  	v15 =	vmov s3;
	s24 =	sshra.s32 s26, $0x12;
	s3 =	sshrl.u32 s15, $0x1F;
	v18 =	vmov s13;
	s13 =	sshra.s32 s26, $0x1F;
	v13 =	vsel vm4, s31, v13  }
0x43d: {  	v16 =	vmov s16;
	s15 =	sshra.s32 s15, $0x12;
	s16 =	sshra.s32 s1, $0x12;
	v17 =	vmov s18;
	s18 =	sshrl.u32 s0, $0x1F;
	v13 =	vsel vm9, s4, v13  }
0x43e: {  	v14 =	vsel vm0, s3, v14;
	s3 =	sshra.s32 s1, $0x1F;
	s4 =	sshrl.u32 s17, $0x1F;
	v13 =	vsel vm0, s24, v13;
	s24 =	sld [smem:$0x79B]  }
0x43f: {  	s0 =	sshra.s32 s0, $0x12;
	s1 =	sshrl.u32 s1, $0x1F;
	v15 =	vsel vm0, s4, v15;
	s4 =	sshra.s32 s17, $0x12  }
0x440: {  	v14 =	vsel vm1, s18, v14;
	s18 =	sshra.s32 s10, $0x12;
	v13 =	vsel vm12, s13, v13;
	v18 =	vsel vm0, s4, v18;
	s4 =	sshrl.u32 s10, $0x1F;
	s10 =	sshra.s32 s9, $0x1F  }
0x441: {  	s13 =	sshra.s32 s2, $0x12;
	v13 =	vsel vm1, s16, v13;
	s16 =	sshrl.u32 s26, $0x1F;
	s17 =	sadd.s32 s29, s24  }
0x442: {  	v16 =	vsel vm0, s15, v16;
	v17 =	vnsel vm4, $0x0, v17;
	v15 =	vsel vm1, s4, v15;
	s4 =	sshra.s32 s9, $0x12;
	s29 =	sshrl.u32 s8, $0x1F;
	s15 =	sshra.s32 s17, $0x12  }
0x443: {  	v13 =	vsel vm13, s3, v13;
	v17 =	vsel vm0, s16, v17;
	s24 =	sshra.s32 s17, $0x1F;
	s12 =	sshrl.u32 s17, $0x1F;
	s17 =	sld [smem:$0x79C]  }
0x444: {  	s3 =	sshrl.u32 s7, $0x1F;
	s8 =	sshra.s32 s8, $0x12;
	v17 =	vsel vm1, s1, v17;
	s1 =	sshra.s32 s6, $0x1F;
	v13 =	vsel vm2, s15, v13  }
0x445: {  	v18 =	vsel vm1, s18, v18;
	s16 =	rddreg [dreg:$0x16];
	v14 =	vsel vm2, s29, v14;
	s15 =	sshrl.u32 s9, $0x1F;
	s1 =	smul.u32 $0x431BDE83, s1;
	v13 =	vsel vm14, s24, v13  }
0x446: {  	v15 =	vsel vm2, s3, v15;
	v17 =	vsel vm2, s12, v17;
	s24 =	sshra.s32 s2, $0x1F;
	s2 =	sshrl.u32 s2, $0x1F;
	v13 =	vsel vm5, s4, v13;
	s18 =	sadd.s32 s17, s16  }
0x447: {  	v14 =	vcombine.low v15, v14;
	v15 =	vsel vm5, s15, v17;
	s16 =	sshrl.u32 s14, $0x1F;
	v13 =	vsel vm15, s10, v13;
	s10 =	rddreg [dreg:$0x1f];
	s3 =	sshra.s32 s18, $0x12  }
0x448: {  	v15 =	vsel vm6, s2, v15;
	s9 =	sshrl.u32 s18, $0x1F;
	s29 =	sshra.s32 s10, $0x1F;
	s10 =	smulhi.u32 $0x431BDE83, s10  }
0x449: {  	vm3 =	vcmask $0x2F2C;
	s12 =	sshra.s32 s18, $0x1F;
	s18 =	rddreg [dreg:$0x19];
	v15 =	vsel vm11, s9, v15;
	s4 =	smul.u32 $0x431BDE83, s29  }
0x44a: {  	v16 =	vsel vm1, s0, v16;
	s7 =	sshra.s32 s7, $0x12;
	v13 =	vsel vm6, s13, v13;
	s13 =	rddreg [dreg:$0x1b];
	v15 =	vsel vm7, s16, v15;
	s16 =	smulhi.u32 $0x431BDE83, s18  }
0x44b: {  	v16 =	vsel vm2, s8, v16;
	v18 =	vsel vm2, s7, v18;
	v13 =	vsel vm3, s24, v13;
	s15 =	sshra.s32 s13, $0x1F;
	s29 =	sshra.s32 s5, $0x1F;
	s5 =	smulhi.u32 $0x431BDE83, s5  }
0x44c: {  	v16 =	vcombine.low v18, v16;
	s17 =	sshra.s32 s14, $0x12;
	v13 =	vsel vm11, s3, v13;
	s14 =	smul.u32 $0x431BDE83, s15  }
0x44d: {  	s24 =	sshra.s32 s18, $0x1F;
	s3 =	smulhi.u32 $0x431BDE83, s13;
	v13 =	vsel vm10, s12, v13  }
0x44e: {  	s7 =	sshra.s32 s19, $0x1F;
	v14 =	vperm.xlane v14, v0;
	v16 =	vperm.xlane v16, v0;
	s8 =	smul.u32 $0x431BDE83, s24;
	s12 =	sshra.s32 s22, $0x1F;
	v13 =	vsel vm7, s17, v13  }
0x44f: {  	v15 =	vperm.xlane v15, v1;
	s31 =	sadd.s32 s4, s10;
	s10 =	sshra.s32 s21, $0x1F;
	s17 =	smul.u32 $0x431BDE83, s29;
	v13 =	vperm.xlane v13, v1  }
0x450: {  	s15 =	sshra.s32 s31, $0x1F;
	s8 =	sadd.s32 s8, s16;
	s16 =	smul.u32 $0x431BDE83, s7  }
0x451: {  	v14 =	vsel vm8, v15, v14;
	s0 =	sadd.s32 s14, s3;
	s29 =	rddreg [dreg:$0x5];
	s10 =	smul.u32 $0x431BDE83, s10;
	v13 =	vsel vm8, v13, v16  }
0x452: {  	v15 =	vmov s15;
	s18 =	sshra.s32 s0, $0x12;
	s24 =	sshra.s32 s0, $0x1F;
	s14 =	sshra.s32 s29, $0x2;
	v13 =	vadd.s32 v14, v13  }
0x453: {  	s9 =	sshra.s32 s8, $0x12;
	s15 =	smulhi.u32 $0x431BDE83, s6;
	s29 =	sshra.s32 s30, $0x1F;
	v14 =	vsel vm4, s18, v15;
	v15 =	vld [tilespmem:s14+$0x100];
	v13 =	vmul.u32 $0xF4240, v13  }
0x454: {  	s13 =	sshra.s32 s8, $0x1F;
	s3 =	sadd.s32 s17, s5;
	s7 =	smul.u32 $0x431BDE83, s29;
	v14 =	vsel vm9, s24, v14  }
0x455: {  	s1 =	sadd.s32 s1, s15;
	s15 =	smul.u32 $0x431BDE83, s12;
	s12 =	sshra.s32 s20, $0x1F;
	v12 =	vsub.s32 v12, v13;
	v13 =	vsel vm0, s9, v14  }
0x456: {  	s0 =	sshrl.u32 s0, $0x1F;
	s18 =	sshra.s32 s3, $0x12;
	s12 =	smul.u32 $0x431BDE83, s12;
	vm9 =	vlt.s32 v12, $0x0;
	v14 =	vadd.s32 $0xF4240, v12;
	v13 =	vsel vm12, s13, v13  }
0x457: {  	s26 =	rddreg [dreg:$0x8];
	v16 =	vmov s0;
	s24 =	sshra.s32 s3, $0x1F;
	s13 =	smulhi.u32 $0x431BDE83, s19;
	v12 =	vsel vm9, v14, v12;
	v13 =	vsel vm1, s18, v13  }
0x458: {  	s2 =	sshra.s32 s23, $0x1F;
	s17 =	sshra.s32 s1, $0x12;
	s19 =	smulhi.u32 $0x431BDE83, s22;
	v14 =	vnsel vm4, $0x0, v16;
	v16 =	vmul.u32 v5, v15;
	[tilespmem:s26+$0x500] =	vst v12;
	v12 =	vsel vm13, s24, v13  }
0x459: {  	s9 =	sshra.s32 s25, $0x1F;
	s22 =	smulhi.u32 $0x431BDE83, s21;
	s18 =	sshra.s32 s1, $0x1F;
	v12 =	vsel vm2, s17, v12  }
0x45a: {  	s8 =	sshrl.u32 s8, $0x1F;
	s3 =	sshrl.u32 s3, $0x1F;
	s9 =	smul.u32 $0x431BDE83, s9;
	v18 =	vsel vm14, s18, v12;
	v12 =	vadd.s32 v6, v16  }
0x45b: {  	s1 =	sshrl.u32 s1, $0x1F;
	s0 =	sadd.s32 s16, s13;
	s13 =	sshra.s32 s11, $0x1F;
	(v2sf) =	vpush v12, $0xF  }
0x45c: {  	s16 =	smul.u32 $0x431BDE83, s2;
	s6 =	sadd.s32 s15, s19;
	s2 =	sshra.s32 s28, $0x1F;
	(v2sf) =	vpush v12, $0xB  }
0x45d: {  	s29 =	sadd.s32 s10, s22;
	s19 =	rddreg [dreg:$0x10];
	s22 =	smulhi.u32 $0x431BDE83, s30;
	(v2sf) =	vpush v12, $0x6  }
0x45e: {  	v17 =	vmul.u32 v7, v15;
	s30 =	smulhi.u32 $0x431BDE83, s25;
	s24 =	sshra.s32 s0, $0x12;
	s4 =	sshra.s32 s19, $0x1F  }
0x45f: {  	v13 =	vmul.u32 v3, v15;
	s15 =	sshrl.u32 s6, $0x1F;
	s17 =	smulhi.u32 $0x431BDE83, s23;
	s21 =	sshrl.u32 s29, $0x1F;
	(v2sf) =	vpush v12, $0xE  }
0x460: {  	v15 =	vmul.u32 v9, v15;
	v17 =	vadd.s32 v8, v17;
	s23 =	sshra.s32 s6, $0x12;
	s2 =	smul.u32 $0x431BDE83, s2;
	s18 =	rddreg [dreg:$0xd];
	(v2sf) =	vpush v12, $0xA  }
0x461: {  	v14 =	vsel vm0, s8, v14;
	v17 =	vand.u32 $0x1, v17;
	s7 =	sadd.s32 s7, s22;
	s9 =	sadd.s32 s9, s30;
	s22 =	smulhi.u32 $0x431BDE83, s20;
	(v2sf) =	vpush v12, $0xD  }
0x462: {  	s8 =	smul.u32 $0x431BDE83, s4;
	v16 =	vsel vm5, s24, v18;
	s5 =	sshra.s32 s18, $0x1F;
	vm9 =	veq.s32 v17, $0x0;
	s24 =	sshra.s32 s29, $0x12;
	(v2sf) =	vpush v12, $0x9  }
0x463: {  	v17 =	vmov s15;
	v18 =	vmov s21;
	s29 =	sadd.s32 s16, s17;
	s15 =	sshra.s32 s0, $0x1F;
	s21 =	smul.u32 $0x431BDE83, s13;
	(v2sf) =	vpush v12, $0x5  }
0x464: {  	v14 =	vsel vm1, s3, v14;
	v15 =	vadd.s32 v10, v15;
	s17 =	sshrl.u32 s7, $0x1F;
	s25 =	sshra.s32 s7, $0x12;
	s13 =	smulhi.u32 $0x431BDE83, s28;
	(v2sf) =	vpush v12, $0xC  }
0x465: {  	v15 =	vand.u32 $0x1, v15;
	s0 =	sshrl.u32 s0, $0x1F;
	v20 =	vmov s24;
	s16 =	sshrl.u32 s29, $0x1F;
	s24 =	smulhi.u32 $0x431BDE83, s11;
	(v2sf) =	vpush v12, $0x8  }
0x466: {  	v19 =	vmov s23;
	vm10 =	veq.s32 v15, $0x0;
	s23 =	sshra.s32 s29, $0x12;
	s30 =	sadd.s32 s12, s22;
	s11 =	smul.u32 $0x431BDE83, s5;
	(v2sf) =	vpush v12, $0x4  }
0x467: {  	v15 =	vsel vm15, s15, v16;
	v16 =	vsel vm9, $0xBF000000, v2;
	s29 =	sshra.s32 s9, $0x12;
	s22 =	smulhi.u32 $0x431BDE83, s18;
	s3 =	sshrl.u32 s30, $0x1F;
	(v2sf) =	vpush v12, $0x3  }
0x468: {  	v17 =	vsel vm0, s16, v17;
	[tilespmem:s14+$0x700] =	vst v16;
	v16 =	vsel vm0, s17, v18;
	s12 =	sshra.s32 s30, $0x12;
	s16 =	sshra.s32 s9, $0x1F;
	s17 =	smulhi.u32 $0x431BDE83, s19;
	(v2sf) =	vpush v12, $0x2  }
0x469: {  	v18 =	vsel vm0, s23, v19;
	v15 =	vsel vm6, s29, v15;
	s19 =	sshrl.u32 s9, $0x1F;
	s20 =	sadd.s32 s2, s13;
	s29 =	rddreg [dreg:$0x5];
	(v2sf) =	vpush v12, $0x1  }
0x46a: {  	v19 =	vsel vm0, s25, v20;
	s6 =	sadd.s32 s21, s24;
	v20 =	vsel vm1, s3, v17;
	s24 =	sshrl.u32 s31, $0x1F;
	(v2sf) =	vpush v12, $0x0;
	s3 =	spop (v2sf)  }
0x46b: {  	v13 =	vadd.s32 v4, v13;
	v14 =	vsel vm2, s1, v14;
	s1 =	sadd.s32 s11, s22;
	(v2sf) =	vpush v12, $0x7;
	s9 =	smulhi.u32 $0x431BDE83, s3;
	s4 =	spop (v2sf)  }
0x46c: {  	s7 =	sadd.s32 s8, s17;
	(v2sf) =	vpush v13, $0x7;
	s17 =	smulhi.u32 $0x431BDE83, s4;
	s5 =	spop (v2sf)  }
0x46d: {  	v14 =	vsel vm5, s0, v14;
	v21 =	vsel vm10, $0xBF000000, v2;
	s23 =	sshrl.u32 s20, $0x1F;
	s10 =	sshrl.u32 s6, $0x1F;
	(v2sf) =	vpush v13, $0x0;
	s28 =	smulhi.u32 $0x431BDE83, s5  }
.Ltmp4:
0x46e: {  	v63 =	vsel vm1, s12, v18;
	v17 =	vsel vm3, s16, v15;
	s15 =	sshra.s32 s6, $0x12;
	(v2sf) =	vpush v13, $0x1;
	s6 =	spop (v2sf);
	(pc) =	sbr.rel @p1 .LBB2_10-.Ltmp4, $4  }
0x46f: {  	v18 =	vsel vm6, s19, v14;
	v14 =	vsel vm2, s23, v20;
	s25 =	sshrl.u32 s7, $0x1F;
	s11 =	smulhi.u32 $0x431BDE83, s6;
	(v2sf) =	vpush v13, $0x2;
	s19 =	spop (v2sf)  }
0x470: {  	v16 =	vsel vm1, s10, v16;
	v19 =	vsel vm1, s15, v19;
	s30 =	sshra.s32 s7, $0x12;
	s15 =	smulhi.u32 $0x431BDE83, s19;
	(v2sf) =	vpush v13, $0x3;
	s21 =	spop (v2sf)  }
0x471: {  	s0 =	sshra.s32 s20, $0x12;
	v15 =	vsel vm2, s25, v16;
	v16 =	vsel vm2, s30, v19;
	s18 =	smulhi.u32 $0x431BDE83, s21;
	(v2sf) =	vpush v13, $0x4;
	s22 =	spop (v2sf)  }
0x472: {  	[tilespmem:s14+$0x900] =	vst v21;
	s2 =	sadd.s32 $0x40, s29;
	v14 =	vcombine.low v15, v14;
	v15 =	vsel vm2, s0, v63;
	s8 =	smulhi.u32 $0x431BDE83, s22;
	(v2sf) =	vpush v13, $0xC;
	s23 =	spop (v2sf)  }
0x473: {  	s0 =	smulhi.u32 $0x431BDE83, s23;
	s12 =	sshra.s32 s4, $0x1F  }
0x474: {  	s13 =	sshra.s32 s5, $0x1F;
	s10 =	smul.u32 $0x431BDE83, s12  }
0x475: {  	s16 =	sshra.s32 s6, $0x1F;
	s30 =	smul.u32 $0x431BDE83, s13  }
0x476: {  	s20 =	sshra.s32 s19, $0x1F;
	s12 =	smul.u32 $0x431BDE83, s16  }
0x477: {  	s21 =	sshra.s32 s21, $0x1F;
	s16 =	smul.u32 $0x431BDE83, s20  }
0x478: {  	s26 =	sshra.s32 s23, $0x1F;
	s20 =	smul.u32 $0x431BDE83, s21  }
0x479: {  	s4 =	smul.u32 $0x431BDE83, s26  }
0x47a: {  	[smem:$0x76D] =	sst s0;
	s0 =	spop (v2sf)  }
0x47b: {  	s29 =	smulhi.u32 $0x431BDE83, s0;
	s2 =	spop (v2sf)  }
0x47c: {  	s0 =	sshra.s32 s0, $0x1F;
	s7 =	smulhi.u32 $0x431BDE83, s2  }
0x47d: {  	s26 =	smul.u32 $0x431BDE83, s0;
	s5 =	sshra.s32 s2, $0x1F  }
0x47e: {  	s6 =	spop (v2sf);
	s0 =	smul.u32 $0x431BDE83, s5  }
0x47f: {  	s3 =	sshra.s32 s3, $0x1F;
	s13 =	smulhi.u32 $0x431BDE83, s6  }
0x480: {  	s25 =	sshra.s32 s22, $0x1F;
	[smem:$0x76F] =	sst s7;
	s7 =	smul.u32 $0x431BDE83, s3  }
0x481: {  	[smem:$0x76E] =	sst s4;
	s19 =	sshra.s32 s6, $0x1F;
	s3 =	smul.u32 $0x431BDE83, s25  }
0x482: {  	s21 =	spop (v2sf);
	s5 =	smul.u32 $0x431BDE83, s19  }
0x483: {  	s22 =	smulhi.u32 $0x431BDE83, s21;
	s23 =	spop (v2sf)  }
0x484: {  	[smem:$0x770] =	sst s0;
	s0 =	sshra.s32 s21, $0x1F;
	s25 =	smulhi.u32 $0x431BDE83, s23  }
0x485: {  	[smem:$0x771] =	sst s13;
	s2 =	sshra.s32 s23, $0x1F;
	s0 =	smul.u32 $0x431BDE83, s0  }
0x486: {  	s6 =	spop (v2sf);
	s4 =	smul.u32 $0x431BDE83, s2  }
0x487: {  	[smem:$0x777] =	sst s22;
	s13 =	smulhi.u32 $0x431BDE83, s6  }
0x488: {  	s19 =	spop (v2sf);
	s7 =	sadd.s32 s7, s9;
	[smem:$0x773] =	sst s25  }
0x489: {  	s21 =	smulhi.u32 $0x431BDE83, s19;
	[smem:$0x786] =	sst s7  }
0x48a: {  	s22 =	spop (v2sf);
	[smem:$0x778] =	sst s0  }
0x48b: {  	[smem:$0x775] =	sst s13;
	s0 =	sshra.s32 s6, $0x1F;
	s13 =	smulhi.u32 $0x431BDE83, s22  }
0x48c: {  	s2 =	sshra.s32 s19, $0x1F;
	s23 =	spop (v2sf);
	s0 =	smul.u32 $0x431BDE83, s0  }
0x48d: {  	[smem:$0x772] =	sst s21;
	s21 =	smul.u32 $0x431BDE83, s2  }
0x48e: {  	[smem:$0x774] =	sst s4;
	s2 =	sshra.s32 s23, $0x1F;
	s23 =	smulhi.u32 $0x431BDE83, s23  }
0x48f: {  	s19 =	spop (v2sf);
	[smem:$0x776] =	sst s0  }
0x490: {  	s6 =	smul.u32 $0x431BDE83, s2;
	s0 =	sshra.s32 s22, $0x1F;
	[smem:$0x77A] =	sst s23  }
0x491: {  	s22 =	spop (v2sf);
	s25 =	smul.u32 $0x431BDE83, s0  }
0x492: {  	[smem:$0x779] =	sst s6;
	s0 =	sshra.s32 s19, $0x1F;
	s6 =	smulhi.u32 $0x431BDE83, s22  }
0x493: {  	s4 =	sshra.s32 s22, $0x1F;
	s23 =	spop (v2sf);
	s2 =	smul.u32 $0x431BDE83, s0  }
0x494: {  	s9 =	smul.u32 $0x431BDE83, s4;
	s4 =	sadd.s32 s10, s17;
	s7 =	sshra.s32 s23, $0x1F  }
0x495: {  	(v2sf) =	vpush v13, $0x8;
	s0 =	smulhi.u32 $0x431BDE83, s23;
	s23 =	sadd.s32 s16, s15;
	s15 =	sld [smem:$0x76E]  }
0x496: {  	[smem:$0x787] =	sst s4  }
0x497: {  	[smem:$0x77D] =	sst s6  }
0x498: {  	(v2sf) =	vpush v13, $0xD;
	[smem:$0x785] =	sst s23  }
0x499: {  	[smem:$0x77B] =	sst s2  }
0x49a: {  	[smem:$0x77C] =	sst s9  }
0x49b: {  	(v2sf) =	vpush v13, $0x9;
	s17 =	smul.u32 $0x431BDE83, s7;
	[smem:$0x77F] =	sst s0  }
0x49c: {  	s9 =	sadd.s32 s20, s18;
	s20 =	sadd.s32 s12, s11;
	s12 =	sld [smem:$0x76D]  }
0x49d: {  	[smem:$0x782] =	sst s9  }
0x49e: {  	s18 =	spop (v2sf);
	[smem:$0x77E] =	sst s17  }
0x49f: {  	(v2sf) =	vpush v13, $0x5;
	[smem:$0x783] =	sst s20;
	s4 =	spop (v2sf)  }
0x4a0: {  	s22 =	sshra.s32 s18, $0x1F;
	s6 =	smulhi.u32 $0x431BDE83, s18;
	s17 =	sld [smem:$0x76F]  }
0x4a1: {  	s2 =	smul.u32 $0x431BDE83, s22;
	s9 =	spop (v2sf)  }
0x4a2: {  	s7 =	sshra.s32 s4, $0x1F;
	s23 =	smulhi.u32 $0x431BDE83, s4;
	s22 =	sld [smem:$0x770]  }
0x4a3: {  	s26 =	sadd.s32 s26, s29;
	[smem:$0x781] =	sst s6;
	s29 =	smul.u32 $0x431BDE83, s7  }
0x4a4: {  	s10 =	spop (v2sf);
	s6 =	sld [smem:$0x771]  }
0x4a5: {  	s11 =	sshra.s32 s9, $0x1F;
	s4 =	sadd.s32 s15, s12;
	[smem:$0x780] =	sst s2  }
0x4a6: {  	s7 =	sadd.s32 s25, s13;
	[smem:$0x788] =	sst s4;
	s20 =	smul.u32 $0x431BDE83, s11  }
0x4a7: {  	[smem:$0x784] =	sst s7;
	s13 =	spop (v2sf)  }
0x4a8: {  	s16 =	sshra.s32 s10, $0x1F;
	s15 =	smulhi.u32 $0x431BDE83, s10;
	s10 =	sld [smem:$0x772]  }
0x4a9: {  	(v2sf) =	vpush v13, $0xE;
	s7 =	sld [smem:$0x775];
	s11 =	sadd.s32 s22, s17;
	s17 =	smul.u32 $0x431BDE83, s16  }
0x4aa: {  	s18 =	sadd.s32 s3, s8;
	s16 =	smulhi.u32 $0x431BDE83, s9;
	s0 =	spop (v2sf)  }
0x4ab: {  	s8 =	sshra.s32 s13, $0x1F;
	s22 =	sadd.s32 s5, s6;
	s5 =	sld [smem:$0x773]  }
0x4ac: {  	s12 =	smul.u32 $0x431BDE83, s8;
	s9 =	sshra.s32 s0, $0x1F;
	s6 =	sld [smem:$0x774]  }
0x4ad: {  	s3 =	sadd.s32 s21, s10;
	s10 =	smul.u32 $0x431BDE83, s9;
	s9 =	sld [smem:$0x776]  }
0x4ae: {  	s2 =	spop (v2sf);
	s21 =	sld [smem:$0x777]  }
0x4af: {  	s25 =	sshra.s32 s2, $0x1F;
	s8 =	sadd.s32 s6, s5;
	s6 =	sld [smem:$0x779]  }
0x4b0: {  	s4 =	sadd.s32 s9, s7;
	s9 =	smul.u32 $0x431BDE83, s25;
	s25 =	sld [smem:$0x778]  }
0x4b1: {  	s15 =	sadd.s32 s17, s15;
	s7 =	smulhi.u32 $0x431BDE83, s13;
	s13 =	sld [smem:$0x77A]  }
0x4b2: {  	[smem:$0x78B] =	sst s15  }
0x4b3: {  	s25 =	sadd.s32 s25, s21;
	s21 =	sadd.s32 s30, s28;
	s28 =	sld [smem:$0x77B]  }
0x4b4: {  	s5 =	sadd.s32 s6, s13;
	s13 =	sld [smem:$0x77C]  }
0x4b5: {  	s19 =	smulhi.u32 $0x431BDE83, s19;
	s7 =	sadd.s32 s12, s7;
	s30 =	sld [smem:$0x77D]  }
0x4b6: {  	s15 =	sshra.s32 s26, $0x12;
	s17 =	sshra.s32 s3, $0x12;
	[smem:$0x78D] =	sst s7  }
0x4b7: {  	s12 =	sshrl.u32 s26, $0x1F;
	s6 =	smulhi.u32 $0x431BDE83, s0;
	[smem:$0x789] =	sst s5  }
0x4b8: {  	s0 =	spop (v2sf);
	s19 =	sadd.s32 s28, s19;
	s28 =	sld [smem:$0x77E]  }
0x4b9: {  	s5 =	smulhi.u32 $0x431BDE83, s2;
	s13 =	sadd.s32 s13, s30;
	s30 =	sld [smem:$0x77F]  }
0x4ba: {  	s2 =	sshra.s32 s0, $0x1F;
	s0 =	smulhi.u32 $0x431BDE83, s0;
	s6 =	sadd.s32 s10, s6  }
0x4bb: {  	s26 =	sshra.s32 s3, $0x1F;
	s2 =	smul.u32 $0x431BDE83, s2;
	[smem:$0x78E] =	sst s6  }
0x4bc: {  	s10 =	sshra.s32 s31, $0x12;
	s28 =	sadd.s32 s28, s30;
	s30 =	sld [smem:$0x780]  }
0x4bd: {  	s5 =	sadd.s32 s9, s5;
	s9 =	sshra.s32 s1, $0x12;
	[smem:$0x78A] =	sst s28  }
0x4be: {  	s6 =	sshrl.u32 s3, $0x1F;
	s3 =	sshra.s32 s4, $0x12;
	s28 =	sld [smem:$0x781]  }
0x4bf: {  	[smem:$0x78F] =	sst s5;
	s0 =	sadd.s32 s2, s0;
	s5 =	sshrl.u32 s18, $0x1F  }
0x4c0: {  	s18 =	sshra.s32 s18, $0x12;
	s2 =	sshra.s32 s4, $0x1F;
	v23 =	vmov s6;
	[smem:$0x790] =	sst s0  }
0x4c1: {  	(v2sf) =	vpush v13, $0xA;
	s4 =	sshrl.u32 s4, $0x1F;
	s0 =	sld [smem:$0x784];
	v23 =	vnsel vm4, $0x0, v23;
	s30 =	sadd.s32 s30, s28  }
0x4c2: {  	v23 =	vsel vm0, s4, v23;
	s4 =	sshra.s32 s19, $0x1F;
	s28 =	sshrl.u32 s1, $0x1F;
	[smem:$0x78C] =	sst s30  }
0x4c3: {  	s30 =	sadd.s32 s29, s23;
	s23 =	sadd.s32 s20, s16;
	s16 =	sld [smem:$0x782]  }
0x4c4: {  	vm9 =	vcmask $0x3734;
	v19 =	vsel vm11, s9, v17;
	s1 =	sshra.s32 s1, $0x1F;
	s29 =	sshrl.u32 s11, $0x1F;
	s20 =	sld [smem:$0x783];
	v49 =	vsel vm11, s28, v18  }
0x4c5: {  	(v2sf) =	vpush v13, $0xF;
	s11 =	sshra.s32 s11, $0x12;
	s28 =	sshra.s32 s0, $0x1F;
	v50 =	vsel vm9, s1, v19;
	v17 =	vsel vm7, s24, v49;
	s24 =	sld [smem:$0x785]  }
0x4c6: {  	v51 =	vmov s28;
	v18 =	vsel vm7, s10, v50;
	s10 =	sshra.s32 s8, $0x1F;
	s28 =	sld [smem:$0x786];
	v21 =	vmov s29;
	s29 =	sshrl.u32 s25, $0x1F  }
0x4c7: {  	v19 =	vsel vm4, s17, v51;
	s17 =	sshra.s32 s25, $0x12;
	v21 =	vsel vm0, s5, v21;
	s5 =	sshra.s32 s22, $0x1F;
	s31 =	sshrl.u32 s16, $0x1F  }
0x4c8: {  	vm3 =	vcmask $0x704;
	v15 =	vcombine.low v16, v15;
	s7 =	sshra.s32 s16, $0x12;
	s16 =	sshrl.u32 s20, $0x1F;
	s20 =	sshra.s32 s20, $0x12  }
0x4c9: {  	v14 =	vperm.xlane v14, v0;
	(v2sf) =	vpush v13, $0xB;
	v19 =	vsel vm3, s26, v19;
	s26 =	sshra.s32 s25, $0x1F;
	s25 =	sld [smem:$0x787];
	s1 =	sshrl.u32 s24, $0x1F  }
0x4ca: {  	v15 =	vperm.xlane v15, v0;
	(v2sf) =	vpush v13, $0x6;
	v22 =	vmov s15;
	s9 =	sshra.s32 s24, $0x12;
	s24 =	sshra.s32 s8, $0x12;
	s8 =	sshrl.u32 s8, $0x1F  }
0x4cb: {  	v20 =	vmov s12;
	v24 =	vmov s11;
	s12 =	sshrl.u32 s28, $0x1F;
	s15 =	sshra.s32 s28, $0x12;
	v19 =	vsel vm0, s3, v19;
	s28 =	sld [smem:$0x788]  }
0x4cc: {  	v20 =	vsel vm0, s31, v20;
	v22 =	vsel vm0, s7, v22;
	s7 =	sshrl.u32 s21, $0x1F;
	s31 =	sshra.s32 s19, $0x12;
	v19 =	vsel vm12, s2, v19;
	s2 =	sshra.s32 s22, $0x12  }
0x4cd: {  	v24 =	vsel vm0, s18, v24;
	s22 =	sshrl.u32 s22, $0x1F;
	v20 =	vsel vm1, s16, v20;
	v21 =	vsel vm1, s1, v21;
	s1 =	sshra.s32 s21, $0x12;
	s16 =	sshrl.u32 s0, $0x1F  }
0x4ce: {  	v17 =	vperm.xlane v17, v1;
	v22 =	vsel vm1, s20, v22;
	v24 =	vsel vm1, s9, v24;
	s9 =	sshrl.u32 s19, $0x1F;
	s20 =	sshra.s32 s13, $0x1F;
	s3 =	sshrl.u32 s25, $0x1F  }
0x4cf: {  	v18 =	vperm.xlane v18, v1;
	v23 =	vsel vm1, s8, v23;
	s11 =	sshra.s32 s25, $0x12;
	s25 =	sld [smem:$0x789];
	v20 =	vsel vm2, s12, v20;
	s12 =	sshra.s32 s13, $0x12  }
0x4d0: {  	v19 =	vsel vm1, s24, v19;
	s13 =	sshrl.u32 s13, $0x1F;
	v22 =	vsel vm2, s15, v22;
	s15 =	spop (v2sf);
	v23 =	vsel vm2, s29, v23;
	s29 =	sshra.s32 s30, $0x12  }
0x4d1: {  	v14 =	vsel vm8, v17, v14;
	v15 =	vsel vm8, v18, v15;
	s6 =	sshra.s32 s28, $0x12;
	s24 =	sshrl.u32 s28, $0x1F;
	v19 =	vsel vm13, s10, v19;
	s10 =	sshra.s32 s21, $0x1F  }
0x4d2: {  	v14 =	vadd.s32 v14, v15;
	s21 =	sshra.s32 s15, $0x1F;
	v23 =	vsel vm5, s22, v23;
	s15 =	smulhi.u32 $0x431BDE83, s15;
	v19 =	vsel vm2, s17, v19;
	s17 =	sshra.s32 s0, $0x12  }
0x4d3: {  	v21 =	vsel vm2, s3, v21;
	s3 =	smul.u32 $0x431BDE83, s21;
	v23 =	vsel vm6, s24, v23;
	s24 =	sld [smem:$0x78C];
	v19 =	vsel vm14, s26, v19;
	s0 =	sshra.s32 s25, $0x1F  }
0x4d4: {  	s18 =	sshra.s32 s28, $0x1F;
	s26 =	sld [smem:$0x78A];
	v23 =	vsel vm11, s7, v23;
	v25 =	vmov s0;
	v19 =	vsel vm5, s2, v19;
	s0 =	spop (v2sf)  }
0x4d5: {  	v26 =	vmov s9;
	v23 =	vsel vm7, s16, v23;
	s16 =	sld [smem:$0x78D];
	s3 =	sadd.s32 s3, s15;
	v19 =	vsel vm15, s5, v19;
	s5 =	sshra.s32 s23, $0x12  }
0x4d6: {  	v24 =	vsel vm2, s11, v24;
	v26 =	vnsel vm4, $0x0, v26;
	v25 =	vsel vm4, s31, v25;
	s9 =	sshrl.u32 s24, $0x1F;
	s21 =	sshrl.u32 s3, $0x1F;
	s3 =	sshra.s32 s3, $0x12  }
0x4d7: {  	v20 =	vcombine.low v21, v20;
	v53 =	vcombine.low v24, v22;
	s28 =	sshra.s32 s26, $0x12;
	s31 =	sshra.s32 s26, $0x1F;
	s19 =	sshrl.u32 s26, $0x1F;
	v25 =	vsel vm3, s4, v25  }
0x4d8: {  	s4 =	sshrl.u32 s23, $0x1F;
	s23 =	sld [smem:$0x78B];
	v19 =	vsel vm6, s6, v19;
	vm3 =	vcmask $0x2F2C;
	v25 =	vsel vm0, s12, v25;
	s12 =	spop (v2sf)  }
0x4d9: {  	v26 =	vsel vm0, s13, v26;
	v20 =	vperm.xlane v20, v0;
	s26 =	sshra.s32 s24, $0x12;
	v19 =	vsel vm3, s18, v19;
	s18 =	sshra.s32 s30, $0x1F;
	s2 =	spop (v2sf)  }
0x4da: {  	v21 =	vperm.xlane v53, v0;
	v57 =	vperm.xlane v23, v1;
	v25 =	vsel vm12, s20, v25;
	s8 =	sshra.s32 s12, $0x1F;
	s20 =	sshrl.u32 s16, $0x1F;
	s22 =	smulhi.u32 $0x431BDE83, s12  }
0x4db: {  	v29 =	vmov s5;
	v19 =	vsel vm11, s1, v19;
	s11 =	sshrl.u32 s23, $0x1F;
	s6 =	sshra.s32 s23, $0x12;
	v25 =	vsel vm1, s28, v25;
	s28 =	sshra.s32 s24, $0x1F  }
0x4dc: {  	v27 =	vmov s4;
	v26 =	vsel vm1, s19, v26;
	v19 =	vsel vm9, s10, v19;
	s10 =	sshra.s32 s2, $0x1F;
	s23 =	sld [smem:$0x78E];
	s19 =	smul.u32 $0x431BDE83, s8  }
0x4dd: {  	v17 =	vsel vm8, v57, v20;
	s2 =	smulhi.u32 $0x431BDE83, s2;
	v25 =	vsel vm13, s31, v25;
	s31 =	sshra.s32 s0, $0x1F;
	v19 =	vsel vm7, s17, v19;
	s17 =	sld [smem:$0x78F]  }
0x4de: {  	v26 =	vsel vm2, s9, v26;
	s0 =	smulhi.u32 $0x431BDE83, s0;
	v30 =	vmov s6;
	s6 =	sld [smem:$0x790];
	v25 =	vsel vm2, s26, v25;
	s26 =	sshra.s32 s16, $0x12  }
0x4df: {  	v27 =	vsel vm0, s20, v27;
	v28 =	vmov s11;
	s7 =	smul.u32 $0x431BDE83, s31;
	s31 =	sshrl.u32 s30, $0x1F;
	v25 =	vsel vm14, s28, v25;
	s24 =	sshrl.u32 s23, $0x1F  }
0x4e0: {  	s28 =	sshra.s32 s23, $0x12;
	v29 =	vsel vm0, s26, v29;
	s23 =	smul.u32 $0x431BDE83, s10;
	v26 =	vsel vm5, s31, v26;
	s26 =	sadd.s32 s19, s22;
	v25 =	vsel vm5, s29, v25  }
0x4e1: {  	s29 =	sshra.s32 s17, $0x12;
	v28 =	vsel vm0, s24, v28;
	s0 =	sadd.s32 s7, s0;
	v30 =	vsel vm0, s28, v30;
	s24 =	sshra.s32 s6, $0x12;
	v25 =	vsel vm15, s18, v25  }
0x4e2: {  	s28 =	sshra.s32 s17, $0x1F;
	s31 =	sshrl.u32 s26, $0x1F;
	s18 =	sshrl.u32 s6, $0x1F;
	v28 =	vsel vm1, s21, v28;
	v29 =	vsel vm1, s24, v29;
	v30 =	vsel vm1, s3, v30  }
0x4e3: {  	s30 =	sshrl.u32 s0, $0x1F;
	s0 =	sshra.s32 s0, $0x12;
	s6 =	sshra.s32 s26, $0x12;
	v25 =	vsel vm6, s29, v25;
	v27 =	vsel vm1, s18, v27;
	v28 =	vsel vm2, s31, v28  }
0x4e4: {  	s1 =	sadd.s32 s23, s2;
	s29 =	sshrl.u32 s17, $0x1F;
	v29 =	vsel vm2, s0, v29;
	v52 =	vsel vm2, s6, v30;
	v25 =	vsel vm3, s28, v25  }
0x4e5: {  	s7 =	sshra.s32 s1, $0x12;
	s8 =	sshrl.u32 s1, $0x1F;
	v26 =	vsel vm6, s29, v26;
	v27 =	vsel vm2, s30, v27;
	v16 =	vcombine.low v52, v29  }
0x4e6: {  	s9 =	sshrl.u32 s25, $0x1F;
	s10 =	sshra.s32 s1, $0x1F;
	v54 =	vsel vm11, s7, v25;
	v55 =	vcombine.low v28, v27;
	v56 =	vsel vm11, s8, v26  }
0x4e7: {  	s11 =	sshra.s32 s25, $0x12;
	v19 =	vperm.xlane v19, v1;
	v25 =	vsel vm7, s9, v56;
	v22 =	vsel vm9, s10, v54  }
0x4e8: {  	v16 =	vperm.xlane v16, v0;
	v22 =	vsel vm7, s11, v22;
	v58 =	vperm.xlane v55, v0  }
0x4e9: {  	v19 =	vsel vm8, v19, v21;
	v59 =	vperm.xlane v25, v1;
	v22 =	vperm.xlane v22, v1  }
0x4ea: {  	v14 =	vmul.u32 $0xF4240, v14;
	v17 =	vadd.s32 v17, v19  }
0x4eb: {  	v60 =	vmul.u32 $0xF4240, v17;
	v15 =	vsel vm8, v59, v58;
	v16 =	vsel vm8, v22, v16  }
0x4ec: {  	v15 =	vadd.s32 v15, v16  }
0x4ed: {  	v11 =	vsub.s32 v11, v14;
	v12 =	vsub.s32 v12, v60;
	v15 =	vmul.u32 $0xF4240, v15  }
0x4ee: {  	v61 =	vadd.s32 $0xF4240, v11;
	vm9 =	vlt.s32 v11, $0x0;
	v14 =	vadd.s32 $0xF4240, v12  }
0x4ef: {  	s12 =	rddreg [dreg:$0x8];
	v11 =	vsel vm9, v61, v11;
	vm9 =	vlt.s32 v12, $0x0;
	v62 =	vsub.s32 v13, v15  }
0x4f0: {  	s13 =	sld [smem:$0x7F6];
	[tilespmem:s12+$0x300] =	vst v11;
	v11 =	vsel vm9, v14, v12;
	vm9 =	vlt.s32 v62, $0x0;
	v63 =	vadd.s32 $0xF4240, v62  }
0x4f1: {  	[tilespmem:s14+$0x500] =	vst v11;
	v12 =	vsel vm9, v63, v62  }
0x4f2: {  	s15 =	simm.s32 $0x300;
	s16 =	simm.s32 $0xB00;
	[tilespmem:s14+$0x300] =	vst v12;
	s14 =	simm.s32 $0x80  }
0x4f3: {  	[tilespmem:s16], [sflag:$0x1] =	stream.indirect.gather [hbm4b:s13+s14], $0x20, s15, s14, $0xb8;
	[tilespmem:$0x19500] =	vst v63  }
0x4f4: {  	s17 =	simm.s32 $0x500;
	s18 =	simm.s32 $0x4B00  }
0x4f5: {  	[tilespmem:s18], [sflag:$0x1] =	stream.indirect.gather [hbm4b:s13+s14], $0x20, s17, s14, $0xb8;
	[tilespmem:$0x19500] =	vst v63  }
0x4f6: {  	s20 =	simm.s32 $0x1B00;
	s19 =	simm.s32 $0x380  }
0x4f7: {  	[tilespmem:s20], [sflag:$0x1] =	stream.indirect.gather [hbm4b:s13+s14], $0x20, s19, s14, $0xb8;
	[tilespmem:$0x19500] =	vst v63  }
0x4f8: {  	s22 =	simm.s32 $0x5B00;
	s21 =	simm.s32 $0x580  }
0x4f9: {  	[tilespmem:s22], [sflag:$0x1] =	stream.indirect.gather [hbm4b:s13+s14], $0x20, s21, s14, $0xb8;
	[tilespmem:$0x19500] =	vst v63  }
0x4fa: {  	s23 =	simm.s32 $0x400;
	s24 =	simm.s32 $0x2B00  }
0x4fb: {  	[tilespmem:s24], [sflag:$0x1] =	stream.indirect.gather [hbm4b:s13+s14], $0x20, s23, s14, $0xb8;
	[tilespmem:$0x19500] =	vst v63  }
0x4fc: {  	s25 =	simm.s32 $0x600;
	s26 =	simm.s32 $0x6B00  }
0x4fd: {  	[tilespmem:s26], [sflag:$0x1] =	stream.indirect.gather [hbm4b:s13+s14], $0x20, s25, s14, $0xb8;
	[tilespmem:$0x19500] =	vst v63  }
0x4fe: {  	s28 =	simm.s32 $0x480;
	s29 =	simm.s32 $0x3B00  }
0x4ff: {  	[tilespmem:s29], [sflag:$0x1] =	stream.indirect.gather [hbm4b:s13+s14], $0x20, s28, s14, $0xb8;
	[tilespmem:$0x19500] =	vst v63  }
0x500: {  	s31 =	simm.s32 $0x7B00;
	s30 =	simm.s32 $0x680  }
0x501: {  	[tilespmem:s31], [sflag:$0x1] =	stream.indirect.gather [hbm4b:s13+s14], $0x20, s30, s14, $0xb8;
	[tilespmem:$0x19500] =	vst v63  }
0x502: {  	s13 =	sld [smem:$0x7C6]  }
.LBB2_12:
0x503: {  	s1 =	simm.s32 $0x3  }
0x504: {  	s0 =	simm.s32 $0x0;
	_ =	swait.ge [sflag:s1], $0x4000  }
0x505: {  	v11 =	vmov s0;
	[sflag:s1] =	ssyncset.done $0x0  }
0x506: {  	v11 =	vand.u32 $0xFFFFFFFC, v11;
	[sflag:s1] =	ssyncadd.s32 $0xFFFFC000  }
0x507: {  	v11 =	vbroadcast v11, $0x0;
	_ =	swait.ge [sflag:s1], $0x4000  }
0x508: {  	[sflag:s1] =	ssyncset.done $0x0  }
0x509: {  	s0 =	simm.s32 @!p0 $0x4;
	[sflag:s1] =	ssyncadd.s32 $0xFFFFC000  }
0x50a: {  	_ =	swait.ge @!p0 [sflag:s0], $0x4000  }
0x50b: {  	[sflag:s0] =	ssyncset.done @!p0 $0x0  }
0x50c: {  	s10 =	simm.s32 $0xD300;
	[sflag:s0] =	ssyncadd.s32 @!p0 $0xFFFFC000  }
0x50d: {  	s28 =	simm.s32 $0xD540;
	v12 =	vld.idx.msk [tilespmem:v11+s10+$0x0], $0xffff  }
0x50e: {  	s8 =	simm.s32 $0xD100;
	v13 =	vld [tilespmem:s28+$0xFFFFFFC0]  }
0x50f: {  	s29 =	simm.s32 $0x11540;
	v11 =	vld.idx.msk [tilespmem:v11+s8+$0x0], $0xffff  }
0x510: {  	v14 =	vld [tilespmem:s29+$0xFFFFFFC0];
	_ =	sdelay $0x4  }
0x511: {  	v13 =	vmul.f32 v13, v11;
	v14 =	vmul.f32 v14, v12;
	_ =	sdelay $0x1  }
0x512: {  	v13 =	vadd.f32 v14, v13  }
0x513: {  	s2 =	simm.s32 $0x15540  }
0x514: {  	[tilespmem:s2+$0xFFFFFFC0] =	vst v13  }
0x515: {  	v13 =	vld [tilespmem:s28+$0xFFFFFFD0]  }
0x516: {  	v14 =	vld [tilespmem:s29+$0xFFFFFFD0];
	_ =	sdelay $0x2  }
0x517: {  	s3 =	simm.s32 $0x1  }
0x518: {  	v15 =	vmov s3  }
0x519: {  	v11 =	vmul.f32 v13, v11;
	v13 =	vand.u32 $0xFFFFFFFD, v15;
	v12 =	vmul.f32 v14, v12  }
0x51a: {  	v13 =	vbroadcast v13, $0x0  }
0x51b: {  	v11 =	vadd.f32 v12, v11;
	_ =	sdelay $0x1  }
0x51c: {  	[tilespmem:s2+$0xFFFFFFD0] =	vst v11  }
0x51d: {  	v11 =	vld [tilespmem:s29+$0xFFFFFFE0]  }
0x51e: {  	v14 =	vld [tilespmem:s28+$0xFFFFFFE0]  }
0x51f: {  	v12 =	vld.idx.msk [tilespmem:v13+s10+$0x0], $0xffff  }
0x520: {  	v13 =	vld.idx.msk [tilespmem:v13+s8+$0x0], $0xffff;
	_ =	sdelay $0x4  }
0x521: {  	v11 =	vmul.f32 v11, v12;
	v14 =	vmul.f32 v14, v13;
	_ =	sdelay $0x1  }
0x522: {  	v11 =	vadd.f32 v11, v14;
	_ =	sdelay $0x1  }
0x523: {  	[tilespmem:s2+$0xFFFFFFE0] =	vst v11  }
0x524: {  	v11 =	vld [tilespmem:s28+$0xFFFFFFF0]  }
0x525: {  	v14 =	vld [tilespmem:s29+$0xFFFFFFF0]  }
0x526: {  	s30 =	simm.s32 $0x2  }
0x527: {  	v15 =	vmov s30  }
0x528: {  	v15 =	vand.u32 $0xFFFFFFFE, v15  }
0x529: {  	v15 =	vbroadcast v15, $0x0  }
0x52a: {  	v11 =	vmul.f32 v11, v13;
	v12 =	vmul.f32 v14, v12;
	_ =	sdelay $0x1  }
0x52b: {  	v11 =	vadd.f32 v12, v11;
	_ =	sdelay $0x1  }
0x52c: {  	[tilespmem:s2+$0xFFFFFFF0] =	vst v11  }
0x52d: {  	v11 =	vld.idx.msk [tilespmem:v15+s8+$0x0], $0xffff  }
0x52e: {  	v12 =	vld [tilespmem:s28+$0x0]  }
0x52f: {  	v13 =	vld.idx.msk [tilespmem:v15+s10+$0x0], $0xffff  }
0x530: {  	v14 =	vld [tilespmem:s29+$0x0];
	_ =	sdelay $0x4  }
0x531: {  	v12 =	vmul.f32 v12, v11;
	v14 =	vmul.f32 v14, v13;
	_ =	sdelay $0x1  }
0x532: {  	v12 =	vadd.f32 v14, v12;
	_ =	sdelay $0x1  }
0x533: {  	[tilespmem:s2+$0x0] =	vst v12  }
0x534: {  	v12 =	vld [tilespmem:s28+$0x10]  }
0x535: {  	v14 =	vld [tilespmem:s29+$0x10];
	_ =	sdelay $0x3  }
0x536: {  	s31 =	simm.s32 $0x3  }
0x537: {  	v11 =	vmul.f32 v12, v11;
	v12 =	vmul.f32 v14, v13;
	v13 =	vmov s31;
	_ =	sdelay $0x1  }
0x538: {  	v11 =	vadd.f32 v12, v11;
	_ =	sdelay $0x1  }
0x539: {  	[tilespmem:s2+$0x10] =	vst v11  }
0x53a: {  	v12 =	vld.idx.msk [tilespmem:v13+s8+$0x0], $0xffff  }
0x53b: {  	v13 =	vld.idx.msk [tilespmem:v13+s10+$0x0], $0xffff  }
0x53c: {  	v11 =	vld [tilespmem:s29+$0x20]  }
0x53d: {  	v14 =	vld [tilespmem:s28+$0x20];
	_ =	sdelay $0x4  }
0x53e: {  	v11 =	vmul.f32 v11, v13;
	v14 =	vmul.f32 v14, v12;
	_ =	sdelay $0x1  }
0x53f: {  	v11 =	vadd.f32 v11, v14;
	_ =	sdelay $0x1  }
0x540: {  	[tilespmem:s2+$0x20] =	vst v11  }
0x541: {  	v14 =	vld [tilespmem:s28+$0x30]  }
0x542: {  	v15 =	vld [tilespmem:s29+$0x30]  }
0x543: {  	s3 =	simm.s32 $0x4  }
0x544: {  	v11 =	vmov s3  }
0x545: {  	s5 =	simm.s32 $0x155C0;
	v11 =	vand.u32 $0xFFFFFFFC, v11  }
0x546: {  	s9 =	simm.s32 $0x115C0;
	s11 =	simm.s32 $0xD5C0;
	s12 =	simm.s32 $0x8;
	v11 =	vbroadcast v11, $0x0  }
0x547: {  	s4 =	simm.s32 $0xD5C0;
	s7 =	simm.s32 $0x115C0;
	vm15 =	vcmask $0x2724;
	s1 =	simm.s32 $0x155C0;
	v12 =	vmul.f32 v14, v12;
	v13 =	vmul.f32 v15, v13  }
.LBB2_13:
0x548: {  	s5 =	sadd.s32 $0x80, s5;
	s9 =	sadd.s32 $0x80, s9;
	s11 =	sadd.s32 $0x80, s11  }
0x549: {  	p0 =	sne.s32 s12, $0x1FC;
	s6 =	smov.u32 s12;
	s12 =	sadd.s32 $0x4, s12;
	v12 =	vadd.f32 v13, v12  }
0x54a: {  	_ = 	snop  }
0x54b: {  	[tilespmem:s2+$0x30] =	vst v12;
	s2 =	smov.u32 s1;
	s1 =	smov.u32 s5  }
0x54c: {  	v12 =	vld.idx.msk [tilespmem:v11+s10+$0x0], $0xffff  }
0x54d: {  	v13 =	vmov s6;
	v14 =	vld [tilespmem:s4+$0xFFFFFFC0]  }
0x54e: {  	v13 =	vand.u32 $0xFFFFFFFC, v13;
	v15 =	vld.idx.msk [tilespmem:v11+s8+$0x0], $0xffff  }
0x54f: {  	v11 =	vbroadcast v13, $0x0;
	v13 =	vld [tilespmem:s7+$0xFFFFFFC0];
	_ =	sdelay $0x4  }
0x550: {  	v14 =	vmul.f32 v14, v15;
	v13 =	vmul.f32 v13, v12;
	_ =	sdelay $0x1  }
0x551: {  	v13 =	vadd.f32 v13, v14;
	_ =	sdelay $0x1  }
0x552: {  	[tilespmem:s2+$0xFFFFFFC0] =	vst v13  }
0x553: {  	v13 =	vld [tilespmem:s4+$0xFFFFFFD0]  }
0x554: {  	v14 =	vld [tilespmem:s7+$0xFFFFFFD0];
	_ =	sdelay $0x1  }
0x555: {  	s0 =	sadd.s32 $0x1, s3  }
0x556: {  	v16 =	vmov s0  }
0x557: {  	v13 =	vmul.f32 v13, v15;
	v15 =	vand.u32 $0xFFFFFFFD, v16  }
0x558: {  	v12 =	vmul.f32 v14, v12;
	v14 =	vbroadcast v15, $0x0;
	_ =	sdelay $0x1  }
0x559: {  	v12 =	vadd.f32 v12, v13;
	_ =	sdelay $0x1  }
0x55a: {  	[tilespmem:s2+$0xFFFFFFD0] =	vst v12  }
0x55b: {  	v12 =	vld [tilespmem:s7+$0xFFFFFFE0]  }
0x55c: {  	v13 =	vld.idx.msk [tilespmem:v14+s10+$0x0], $0xffff  }
0x55d: {  	v14 =	vld.idx.msk [tilespmem:v14+s8+$0x0], $0xffff  }
0x55e: {  	v15 =	vld [tilespmem:s4+$0xFFFFFFE0];
	_ =	sdelay $0x3  }
0x55f: {  	v12 =	vmul.f32 v12, v13  }
0x560: {  	v15 =	vmul.f32 v15, v14;
	_ =	sdelay $0x1  }
0x561: {  	v12 =	vadd.f32 v12, v15;
	_ =	sdelay $0x1  }
0x562: {  	[tilespmem:s2+$0xFFFFFFE0] =	vst v12  }
0x563: {  	v12 =	vld [tilespmem:s4+$0xFFFFFFF0]  }
0x564: {  	v15 =	vld [tilespmem:s7+$0xFFFFFFF0]  }
0x565: {  	s0 =	sadd.s32 $0x2, s3  }
0x566: {  	v16 =	vmov s0  }
0x567: {  	v16 =	vand.u32 $0xFFFFFFFE, v16  }
0x568: {  	v12 =	vmul.f32 v12, v14;
	v14 =	vbroadcast v16, $0x0  }
0x569: {  	v13 =	vmul.f32 v15, v13;
	_ =	sdelay $0x1  }
0x56a: {  	v12 =	vadd.f32 v13, v12;
	_ =	sdelay $0x1  }
0x56b: {  	[tilespmem:s2+$0xFFFFFFF0] =	vst v12  }
0x56c: {  	v12 =	vld.idx.msk [tilespmem:v14+s8+$0x0], $0xffff  }
0x56d: {  	v13 =	vld [tilespmem:s4+$0x0]  }
0x56e: {  	v14 =	vld.idx.msk [tilespmem:v14+s10+$0x0], $0xffff  }
0x56f: {  	v15 =	vld [tilespmem:s7+$0x0];
	_ =	sdelay $0x3  }
0x570: {  	v13 =	vmul.f32 v13, v12  }
0x571: {  	v15 =	vmul.f32 v15, v14;
	_ =	sdelay $0x1  }
0x572: {  	v13 =	vadd.f32 v15, v13;
	_ =	sdelay $0x1  }
0x573: {  	[tilespmem:s2+$0x0] =	vst v13  }
0x574: {  	v13 =	vld [tilespmem:s4+$0x10]  }
0x575: {  	v15 =	vld [tilespmem:s7+$0x10];
	_ =	sdelay $0x3  }
0x576: {  	s0 =	sadd.s32 $0x3, s3;
	s3 =	smov.u32 s6;
	v12 =	vmul.f32 v13, v12  }
0x577: {  	v13 =	vmul.f32 v15, v14;
	v14 =	vmov s0;
	_ =	sdelay $0x1  }
0x578: {  	v12 =	vadd.f32 v13, v12;
	_ =	sdelay $0x1  }
0x579: {  	[tilespmem:s2+$0x10] =	vst v12  }
0x57a: {  	v12 =	vld.idx.msk [tilespmem:v14+s8+$0x0], $0xffff  }
0x57b: {  	v13 =	vld.idx.msk [tilespmem:v14+s10+$0x0], $0xffff  }
0x57c: {  	v14 =	vld [tilespmem:s7+$0x20]  }
0x57d: {  	v15 =	vld [tilespmem:s4+$0x20];
	_ =	sdelay $0x3  }
0x57e: {  	v14 =	vmul.f32 v14, v13  }
0x57f: {  	v15 =	vmul.f32 v15, v12;
	_ =	sdelay $0x1  }
0x580: {  	v14 =	vadd.f32 v14, v15;
	_ =	sdelay $0x1  }
0x581: {  	[tilespmem:s2+$0x20] =	vst v14  }
0x582: {  	v14 =	vld [tilespmem:s4+$0x30];
	s4 =	smov.u32 s11  }
0x583: {  	v15 =	vld [tilespmem:s7+$0x30];
	s7 =	smov.u32 s9  }
.Ltmp5:
0x584: {  	(pc) =	sbr.rel @p0 .LBB2_13-.Ltmp5, $3  }
0x585: {  	_ =	sdelay $0x1  }
0x586: {  	v12 =	vmul.f32 v14, v12  }
0x587: {  	v13 =	vmul.f32 v15, v13  }
0x588: {  	_ = 	snop  }
0x589: {  	v12 =	vadd.f32 v13, v12;
	_ =	sdelay $0x1  }
0x58a: {  	[tilespmem:s2+$0x30] =	vst v12  }
0x58b: {  	v12 =	vld.idx.msk [tilespmem:v11+s10+$0x0], $0xffff  }
0x58c: {  	v47 =	vld [tilespmem:s4+$0xFFFFFFC0]  }
0x58d: {  	v11 =	vld.idx.msk [tilespmem:v11+s8+$0x0], $0xffff  }
0x58e: {  	v14 =	vld [tilespmem:s7+$0xFFFFFFC0];
	_ =	sdelay $0x4  }
0x58f: {  	v13 =	vmul.f32 v47, v11;
	v14 =	vmul.f32 v14, v12;
	_ =	sdelay $0x1  }
0x590: {  	v13 =	vadd.f32 v14, v13;
	_ =	sdelay $0x1  }
0x591: {  	[tilespmem:s1+$0xFFFFFFC0] =	vst v13  }
0x592: {  	v13 =	vld [tilespmem:s4+$0xFFFFFFD0]  }
0x593: {  	v48 =	vld [tilespmem:s7+$0xFFFFFFD0];
	_ =	sdelay $0x2  }
0x594: {  	s0 =	sadd.s32 $0x1, s3  }
0x595: {  	v15 =	vmov s0  }
0x596: {  	v49 =	vand.u32 $0xFFFFFFFD, v15;
	v11 =	vmul.f32 v13, v11;
	v12 =	vmul.f32 v48, v12  }
0x597: {  	v13 =	vbroadcast v49, $0x0  }
0x598: {  	v11 =	vadd.f32 v12, v11;
	_ =	sdelay $0x1  }
0x599: {  	[tilespmem:s1+$0xFFFFFFD0] =	vst v11  }
0x59a: {  	v11 =	vld [tilespmem:s7+$0xFFFFFFE0]  }
0x59b: {  	v51 =	vld [tilespmem:s4+$0xFFFFFFE0]  }
0x59c: {  	v50 =	vld.idx.msk [tilespmem:v13+s10+$0x0], $0xffff  }
0x59d: {  	v13 =	vld.idx.msk [tilespmem:v13+s8+$0x0], $0xffff;
	_ =	sdelay $0x4  }
0x59e: {  	v11 =	vmul.f32 v11, v50;
	v14 =	vmul.f32 v51, v13;
	_ =	sdelay $0x1  }
0x59f: {  	v11 =	vadd.f32 v11, v14;
	_ =	sdelay $0x1  }
0x5a0: {  	[tilespmem:s1+$0xFFFFFFE0] =	vst v11  }
0x5a1: {  	v11 =	vld [tilespmem:s4+$0xFFFFFFF0]  }
0x5a2: {  	v52 =	vld [tilespmem:s7+$0xFFFFFFF0]  }
0x5a3: {  	s25 =	sadd.s32 $0x2, s3  }
0x5a4: {  	v53 =	vmov s25  }
0x5a5: {  	v15 =	vand.u32 $0xFFFFFFFE, v53  }
0x5a6: {  	v15 =	vbroadcast v15, $0x0  }
0x5a7: {  	v11 =	vmul.f32 v11, v13;
	v12 =	vmul.f32 v52, v50;
	_ =	sdelay $0x1  }
0x5a8: {  	v11 =	vadd.f32 v12, v11;
	_ =	sdelay $0x1  }
0x5a9: {  	[tilespmem:s1+$0xFFFFFFF0] =	vst v11  }
0x5aa: {  	v11 =	vld.idx.msk [tilespmem:v15+s8+$0x0], $0xffff  }
0x5ab: {  	v54 =	vld [tilespmem:s4+$0x0]  }
0x5ac: {  	v55 =	vld.idx.msk [tilespmem:v15+s10+$0x0], $0xffff  }
0x5ad: {  	v56 =	vld [tilespmem:s7+$0x0];
	_ =	sdelay $0x4  }
0x5ae: {  	v12 =	vmul.f32 v54, v11;
	v14 =	vmul.f32 v56, v55;
	_ =	sdelay $0x1  }
0x5af: {  	v12 =	vadd.f32 v14, v12;
	_ =	sdelay $0x1  }
0x5b0: {  	[tilespmem:s1+$0x0] =	vst v12  }
0x5b1: {  	v12 =	vld [tilespmem:s4+$0x10]  }
0x5b2: {  	v57 =	vld [tilespmem:s7+$0x10];
	_ =	sdelay $0x3  }
0x5b3: {  	s26 =	sadd.s32 $0x3, s3  }
0x5b4: {  	v59 =	vmov s26;
	v11 =	vmul.f32 v12, v11;
	v58 =	vmul.f32 v57, v55;
	_ =	sdelay $0x1  }
0x5b5: {  	v11 =	vadd.f32 v58, v11;
	_ =	sdelay $0x1  }
0x5b6: {  	[tilespmem:s1+$0x10] =	vst v11  }
0x5b7: {  	v11 =	vld.idx.msk [tilespmem:v59+s8+$0x0], $0xffff  }
0x5b8: {  	v60 =	vld.idx.msk [tilespmem:v59+s10+$0x0], $0xffff  }
0x5b9: {  	v61 =	vld [tilespmem:s7+$0x20]  }
0x5ba: {  	v62 =	vld [tilespmem:s4+$0x20];
	_ =	sdelay $0x4  }
0x5bb: {  	v13 =	vmul.f32 v61, v60;
	v14 =	vmul.f32 v62, v11;
	_ =	sdelay $0x1  }
0x5bc: {  	v13 =	vadd.f32 v13, v14;
	_ =	sdelay $0x1  }
0x5bd: {  	[tilespmem:s1+$0x20] =	vst v13  }
0x5be: {  	v13 =	vld [tilespmem:s4+$0x30]  }
0x5bf: {  	v63 =	vld [tilespmem:s7+$0x30];
	_ =	sdelay $0x3  }
0x5c0: {  	s28 =	sld [smem:$0x7C8];
	s13 =	sadd.s32 $0x1, s13  }
0x5c1: {  	p0 =	sne.s32 s13, $0x19;
	v11 =	vmul.f32 v13, v11;
	v12 =	vmul.f32 v63, v60  }
.Ltmp6:
0x5c2: {  	_ = 	snop;
	(pc) =	sbr.rel @p0 .LBB2_4-.Ltmp6, $4  }
0x5c3: {  	s0 =	sshll.u32 s28, $0x2;
	v11 =	vadd.f32 v12, v11  }
0x5c4: {  	s29 =	rddreg [dreg:$0x1];
	s0 =	sand.u32 $0x1FFFF800, s0  }
0x5c5: {  	s30 =	simm.s32 $0x0;
	s31 =	simm.s32 $0x15500;
	s0 =	sadd.s32 s29, s0;
	[tilespmem:s1+$0x30] =	vst v11  }
0x5c6: {  	vm3 =	vcmask $0x2B28;
	[hbm4b:s0+s30] =	stream.linear.scatter [tilespmem:s31], [sflag:$0x4], $0x4000, $0x38;
	[tilespmem:$0x19500] =	vst v63  }
0x5c7: {  	s0 =	simm.s32 $0x2  }
0x5c8: {  	_ =	swait.ge [sflag:s0], $0x4000  }
0x5c9: {  	[sflag:s0] =	ssyncset.done $0x0  }
0x5ca: {  	s1 =	simm.s32 $0x4;
	[sflag:s0] =	ssyncadd.s32 $0xFFFFC000  }
0x5cb: {  	_ =	swait.ge [sflag:s1], $0x4000  }
0x5cc: {  	s2 =	sld [smem:$0x7F5]  }
0x5cd: {  	s31 =	sld [smem:$0x7FD];
	_ =	sdelay $0x1  }
0x5ce: {  	s2 =	sadd.s32 $0x1, s2  }
0x5cf: {  	p0 =	sne.s32 s2, s31  }
.Ltmp7:
0x5d0: {  	_ = 	snop;
	(pc) =	sbr.rel @p0 .LBB2_1-.Ltmp7, $3  }
0x5d1: {  	_ =	sdelay $0x1  }
0x5d2: {  	[sflag:s1] =	ssyncset.done $0x0  }
0x5d3: {  	vm12 =	vcmask $0xF0C;
	vm13 =	vcmask $0x1714;
	vm14 =	vcmask $0x1F1C;
	[sflag:s1] =	ssyncadd.s32 $0xFFFFC000  }
0x5d4: {  	_ =	sfence.sel $0x180000  }
0x5d5: {  	[bflag:$0x0] =	sbarrier.arrive $0xFFFF  }
0x5d6: {  	_ =	strace $0x90000047  }
0x5d7: {  	s0 =	stileid.u32;
	[bflag:$0x2] =	sbarrier.arrive $0xFFFF  }
0x5d8: {  	p0 =	sne.s32 s0, $0x0;
	s0 =	rddreg [dreg:$0x2]  }
0x5d9: {  	s0 =	sadd.s32 @!p0 $0x100000, s0  }
0x5da: {  	[sflag:s0] =	ssyncadd.tile.s32 @!p0 $0x1;
	_ =	shalt  }
.Lfunc_end2:
_tile_overlayer_lowered:
.L_overlay_start_2:
0x5db: {  	(tag) =	ssettag $0x2  }
0x5dc: {  	s0 =	rddreg [dreg:$0x0];
	s2 =	stileid.u32  }
0x5dd: {  	s1 =	rddreg [dreg:$0x1];
	p0 =	sne.s32 s2, $0x0  }
0x5de: {  	s3 =	rddreg [dreg:$0x2];
	[bflag:$0x3] =	sbarrier.arrive $0xFFFF;
	s2 =	simm.s32 @!p0 $0x1C05  }
0x5df: {  	[timem:s3], [sflag:s2] =	dma.local @!p0 [hbm:s0], s1  }
0x5e0: {  	s0 =	simm.s32 @!p0 $0x5  }
0x5e1: {  	_ =	swait.ge @!p0 [sflag:s0], s1  }
0x5e2: {  	s1 =	ssub.s32 @!p0 $0x0, s1;
	[sflag:s0] =	ssyncset.done @!p0 $0x0  }
0x5e3: {  	[sflag:s0] =	ssyncadd.s32 @!p0 s1  }
0x5e4: {  	[bflag:$0x3] =	sbarrier.arrive $0xFFFF  }
0x5e5: {  	_ =	shalt  }

// kernel: sparse-core-data-format-call.cloned.1.call-start
scs
called_computation_lowered:
.L_overlay_start_0:
0x0: {  	s2 =	sld [smem:$0x3FD9]  }
0x1: {  	s3 =	sld [smem:$0x3FFE];
	_ =	sdelay $0x1  }
0x2: {  	s1 =	srdreg.scid  }
0x3: {  	s0 =	sand.u32 $0x1, s1  }
0x4: {  	s18 =	sshll.u32 s0, $0xA;
	s2 =	sadd.s32 s3, s2  }
0x5: {  	s2 =	sadd.s32 s2, s18  }
0x6: {  	[smem:$0x3FC2] =	sst s2  }
0x7: {  	_ = 	snop  }
0x8: {  	s2 =	sld [smem:$0x3FD0];
	(tm) =	ssettm $0x1  }
0x9: {  	s19 =	sld [smem:$0x3FFB];
	_ =	sdelay $0x3  }
0xa: {  	_ =	strace s19  }
0xb: {  	s3 =	sld [smem:$0x3FFC];
	_ =	sdelay $0x3  }
0xc: {  	_ =	strace s3  }
0xd: {  	s3 =	sld [smem:$0x3FFD];
	_ =	sdelay $0x3  }
0xe: {  	_ =	strace s3  }
0xf: {  	_ =	strace $0x8FFFFFFF  }
0x10: {  	s20 =	sld [smem:$0x3FDB];
	_ =	sdelay $0x1  }
0x11: {  	s4 =	simm.s32 $_scs_section_size  }
0x12: {  	s5 =	simm.s32 $_size__tile_overlayer_lowered;
	s6 =	simm.s32 $_tile_overlayer_lowered  }
0x13: {  	s23 =	simm.s32 $0x1BFF;
	s22 =	sshll.u32 s6, $0x1;
	s3 =	sadd.s32 s4, s20  }
0x14: {  	s7 =	simm.s32 $0x0;
	s21 =	sshll.u32 s5, $0x1;
	s5 =	sadd.s32 s22, s3  }
0x15: {  	[timem:s7], [sflag:s23] =	dma.local [hbm:s5], s21  }
0x16: {  	_ =	swait.ge [sflag:s23], s21  }
0x17: {  	s4 =	ssub.s32 $0x0, s21;
	[sflag:s23] =	ssyncset.done $0x0  }
0x18: {  	[sflag:s23] =	ssyncadd.s32 s4;
	_ =	sdelay $0x1  }
0x19: {  	s24 =	simm.s32 $0x1B8B  }
0x1a: {  	_ =	swait.ge [sflag:s24], $0x1  }
0x1b: {  	[sflag:s24] =	ssyncset.done $0x0  }
0x1c: {  	s26 =	simm.s32 $0x1B8E;
	s25 =	sld [smem:$0x3FFE];
	[sflag:s24] =	ssyncadd.s32 $0xFFFFFFFF  }
0x1d: {  	s27 =	simm.s32 $execute0_lowered;
	[smem:$0x3FD2] =	sst s26  }
0x1e: {  	s5 =	sshll.u32 s27, $0x1;
	_ =	strace $0x80000049;
	[dreg:$0x1] =	wrdreg $0xFFFFFFFF  }
0x1f: {  	s28 =	simm.s32 $_size_execute0_lowered;
	s3 =	sadd.s32 s3, s5;
	[dreg:$0x0] =	wrdreg $0x0  }
0x20: {  	s5 =	sshll.u32 s28, $0x1;
	[dreg:$0x2] =	wrdreg s3  }
0x21: {  	[dreg:$0x3] =	wrdreg s5  }
0x22: {  	[dreg:$0x4] =	wrdreg $0xC0  }
0x23: {  	_ =	task [dreg:s7], $0x5FFFF  }
0x24: {  	[dreg:$0x1] =	wrdreg $0xFFFFFFFF  }
0x25: {  	[dreg:$0x0] =	wrdreg $0x60  }
0x26: {  	[dreg:$0x2] =	wrdreg s25  }
0x27: {  	[dreg:$0x3] =	wrdreg s2  }
0x28: {  	[dreg:$0x4] =	wrdreg $0x9  }
0x29: {  	_ =	task.clear_ibuf [dreg:s7], $0x5FFFF;
	_ =	strace $0x90000049  }
0x2a: {  	s29 =	simm.s32 $0x9;
	_ =	strace $0x8000004B  }
0x2b: {  	_ =	swait.ge [sflag:s29], $0x1  }
0x2c: {  	[sflag:s29] =	ssyncadd.s32 $0xFFFFFFFF  }
0x2d: {  	_ =	strace $0x9000004B  }
0x2e: {  	_ =	sfence  }
0x2f: {  	s30 =	sld [smem:$0x0];
	_ =	sdelay $0x2  }
0x30: {  	s31 =	sshll.u32 s1, $0xD;
	s1 =	sshrl.u32 s1, $0x2  }
0x31: {  	s3 =	sand.u32 $0x4000, s31;
	s1 =	sadd.s32 s1, s30  }
0x32: {  	s0 =	sor.u32 s3, s0;
	s1 =	sshll.u32 s1, $0x11  }
0x33: {  	s0 =	sor.u32 s1, s0  }
0x34: {  	s0 =	sadd.s32 $0x8F2B, s0  }
0x35: {  	[sflag:s0] =	ssyncadd.remote.s32 $0x1  }
0x36: {  	_ =	sfence.sel $0xFFFF  }
0x37: {  	[dreg:$0x0] =	wrdreg $0xFFFFFFFF;
	(pc) =	sbr.abs _section_cstart, $3  }
0x38: {  	[dreg:$0x1] =	wrdreg $0xFFFFFFFF  }
0x39: {  	_ =	task.clear_ibuf [dreg:s7], $0x2FFFF;
	_ =	strace $0x9FFFFFFF  }
0x3a: {  	(tm) =	ssettm $0x7FFFFFFF  }
0x3b: {  	_ =	shalt  }
tec
execute0_lowered:
.L_overlay_start_1:
0x0: {  	(tag) =	ssettag $0x1  }
0x1: {  	s0 =	srdreg.scid  }
0x2: {  	s1 =	sshll.u32 s0, $0x4  }
0x3: {  	s0 =	stileid.u32;
	s1 =	sand.u32 $0x10, s1  }
0x4: {  	s1 =	sor.u32 s0, s1  }
0x5: {  	s6 =	rddreg [dreg:$0x0];
	s4 =	simm.s32 $0x1;
	s2 =	sshll.u32 s1, $0x7  }
0x6: {  	s7 =	simm.s32 $0x2;
	s12 =	simm.s32 $0x0;
	s1 =	ssub.s32 $0x1000, s2  }
0x7: {  	s8 =	simm.s32 $0x8000;
	s13 =	simm.s32 $0x0;
	s3 =	sand.u32 $0xF80, s1  }
0x8: {  	s9 =	simm.s32 $0x0;
	s5 =	sshrl.u32 s1, $0xC;
	p0 =	sne.s32 s3, $0x0  }
.Ltmp0:
0x9: {  	s1 =	rddreg [dreg:$0x2];
	s4 =	simm.s32 @!p0 $0x0;
	(pc) =	sbr.rel .LBB1_1-.Ltmp0, $4  }
0xa: {  	s11 =	simm.s32 $0x0;
	s3 =	rddreg [dreg:$0x1];
	s5 =	sadd.s32 s4, s5  }
0xb: {  	_ =	strace $0x8000004A;
	s4 =	simm.s32 $0x1;
	s5 =	smul.u32 $0xC8, s5  }
0xc: {  	s6 =	sadd.s32 $0xE00, s6;
	s10 =	smov.u32 s2;
	[sflag:s4] =	ssyncpa.u1 $0x0  }
0xd: {  	p0 =	por $0x0, $0x0;
	[sflag:s7] =	ssyncpa.u1 $0x0;
	s7 =	sor.u32 $0x1, s5  }
.LBB1_4:
0xe: {  	s16 =	sshll.u32 s13, $0x3;
	s17 =	sand.u32 $0x78, s13  }
0xf: {  	s30 =	sand.u32 $0x3E00, s13;
	s12 =	sshll.u32 s12, $0xE;
	s16 =	sand.u32 $0xC00, s16  }
0x10: {  	s31 =	sand.u32 $0x7, s13;
	s16 =	sor.u32 s17, s16;
	s17 =	sadd.s32 s3, s30  }
0x11: {  	s13 =	sshll.u32 s31, $0x12;
	s16 =	sshrl.u32 s16, $0x3;
	s12 =	sadd.s32 s12, s17  }
0x12: {  	[tilespmem:s15+$0x0 ss:$0x81] =	vst.msk $0xffff, v0;
	s13 =	sor.u32 $0x400, s13;
	s12 =	sadd.s32 s16, s12  }
0x13: {  	[hbm4b:s12+s13] =	stream.strided.scatter [tilespmem:s14], [sflag:$0x2], $0x1000, s8, s13, $0x20;
	[tilespmem:$0x4040] =	vst v63  }
.LBB1_5:
0x14: {  	s14 =	sadd.s32 $0x1, s9  }
0x15: {  	s12 =	sadd.s32 $0x1000, s10;
	s16 =	smov.u32 s10;
	p2 =	sgt.s32 s14, $0xC7  }
0x16: {  	s16 =	smov.u32 @p2 s12  }
0x17: {  	s14 =	simm.s32 @p2 $0x0;
	p2 =	sgt.s32 s16, $0xFFF  }
0x18: {  	s16 =	smov.u32 @p2 s2;
	p2 =	sne.s32 s11, s7  }
.Ltmp1:
0x19: {  	p1 =	slt.u32 s11, $0x2;
	(pc) =	sbr.rel @!p2 .LBB1_6-.Ltmp1, $4  }
0x1a: {  	s15 =	simm.s32 @!p1 $0x2  }
0x1b: {  	s13 =	smov.u32 s10;
	p0 =	por !p0, !p0;
	_ =	swait.ge @!p1 [sflag:s15], $0x1000  }
0x1c: {  	s12 =	smov.u32 s9;
	[sflag:s15] =	ssyncset.done @!p1 $0x0;
	s9 =	smov.u32 s14  }
0x1d: {  	s11 =	sadd.s32 $0x1, s11;
	[sflag:s15] =	ssyncadd.s32 @!p1 $0xFFFFF000;
	s10 =	smov.u32 s16  }
.LBB1_1:
0x1e: {  	p1 =	sge.u32 s11, s5  }
0x1f: {  	s14 =	sand.u32 @!p1 $0x1FFFFFF, s9  }
0x20: {  	s15 =	smulhi.u32 @!p1 $0x147AE15, s14;
	_ =	sdelay $0x1  }
0x21: {  	s15 =	smul.u32 @!p1 $0xC8, s15  }
0x22: {  	s16 =	sxor.u32 @!p1 $0xFFFFFFFF, s11;
	s17 =	smul.u32 @!p1 $0xC80, s10  }
0x23: {  	s31 =	sadd.s32 $0xFFFFFFFF, s11;
	s16 =	sshll.u32 @!p1 s16, $0xC;
	s14 =	ssub.s32 @!p1 s14, s15  }
0x24: {  	s15 =	sand.u32 @!p1 $0x1000, s16;
	s16 =	sadd.s32 @!p1 s6, s17;
	s14 =	sshll.u32 @!p1 s14, $0x4  }
0x25: {  	s17 =	simm.s32 @!p1 $0x6400;
	s14 =	sadd.s32 @!p1 s14, s16;
	s16 =	simm.s32 @!p1 $0x20  }
0x26: {  	[tilespmem:s15], [sflag:$0x1] =	stream.strided.gather @!p1 [hbm4b:s14+s16], $0x1000, s17, s16, $0x38;
	[tilespmem:$0x4040] =	vst v63  }
0x27: {  	p1 =	sge.u32 s31, s5  }
.Ltmp2:
0x28: {  	_ = 	snop;
	(pc) =	sbr.rel @p1 .LBB1_5-.Ltmp2, $1  }
0x29: {  	_ =	sdelay $0x3  }
0x2a: {  	s14 =	simm.s32 $0x1  }
0x2b: {  	_ =	swait.ge [sflag:s4], $0x1000;
	s14 =	simm.s32 @!p0 $0x0  }
0x2c: {  	[sflag:s4] =	ssyncset.done $0x0;
	s15 =	sshll.u32 s14, $0xC  }
0x2d: {  	[sflag:s4] =	ssyncadd.s32 $0xFFFFF000;
	s18 =	sor.u32 $0x10, s15  }
0x2e: {  	s14 =	smul.u32 $0x4080, s14;
	v1 =	vld [tilespmem:s18+$0x0]  }
0x2f: {  	s30 =	sand.u32 $0x1, s11;
	v0 =	vld [tilespmem:s18+$0xFFFFFFF0]  }
0x30: {  	s15 =	smul.u32 $0x4080, s30;
	s14 =	sshrl.u32 s14, $0x2  }
0x31: {  	s16 =	sor.u32 $0x2000, s14  }
0x32: {  	s31 =	sshrl.u32 s15, $0x2;
	s15 =	sadd.s32 $0x0, s16  }
0x33: {  	s17 =	simm.s32 $0x4;
	s18 =	sadd.s32 $0x20, s18;
	s14 =	sor.u32 $0x2000, s31;
	[tilespmem:s15+$0x810 ss:$0x81] =	vst.msk $0xffff, v1  }
.LBB1_3:
0x34: {  	v1 =	vld [tilespmem:s18+$0x0];
	p1 =	sne.s32 s17, $0x1FC;
	[tilespmem:s15+$0x0 ss:$0x81] =	vst.msk $0xffff, v0;
	s15 =	smov.u32 s17;
	s17 =	sadd.s32 $0x4, s17  }
.Ltmp3:
0x35: {  	v0 =	vld [tilespmem:s18+$0xFFFFFFF0];
	(pc) =	sbr.rel @p1 .LBB1_3-.Ltmp3, $4  }
0x36: {  	_ = 	snop  }
0x37: {  	s15 =	sshra.s32 s15, $0x2  }
0x38: {  	s15 =	sadd.s32 s15, s16  }
0x39: {  	s18 =	sadd.s32 $0x20, s18;
	[tilespmem:s15+$0x810 ss:$0x81] =	vst.msk $0xffff, v1  }
.Ltmp4:
0x3a: {  	_ = 	snop;
	(pc) =	sbr.rel .LBB1_4-.Ltmp4, $1  }
0x3b: {  	_ =	sdelay $0x3  }
.LBB1_6:
0x3c: {  	_ =	sfence.sel $0x180000  }
0x3d: {  	s2 =	simm.s32 $0x1;
	[bflag:$0x0] =	sbarrier.arrive $0xFFFF  }
0x3e: {  	s31 =	simm.s32 $0x2;
	[sflag:s2] =	ssyncpa.u1 $0x1  }
0x3f: {  	[sflag:s31] =	ssyncpa.u1 $0x1  }
0x40: {  	p0 =	sne.s32 s0, $0x0;
	_ =	strace $0x9000004A  }
0x41: {  	s0 =	sadd.s32 @!p0 $0x100000, s1;
	[bflag:$0x2] =	sbarrier.arrive $0xFFFF  }
0x42: {  	[sflag:s0] =	ssyncadd.tile.s32 @!p0 $0x1;
	_ =	shalt  }
.Lfunc_end1:
_tile_overlayer_lowered:
.L_overlay_start_2:
0x43: {  	(tag) =	ssettag $0x2  }
0x44: {  	s0 =	rddreg [dreg:$0x0];
	s2 =	stileid.u32  }
0x45: {  	s1 =	rddreg [dreg:$0x1];
	p0 =	sne.s32 s2, $0x0  }
0x46: {  	s3 =	rddreg [dreg:$0x2];
	[bflag:$0x3] =	sbarrier.arrive $0xFFFF;
	s2 =	simm.s32 @!p0 $0x1C01  }
0x47: {  	[timem:s3], [sflag:s2] =	dma.local @!p0 [hbm:s0], s1  }
0x48: {  	s0 =	simm.s32 @!p0 $0x1  }
0x49: {  	_ =	swait.ge @!p0 [sflag:s0], s1  }
0x4a: {  	s1 =	ssub.s32 @!p0 $0x0, s1;
	[sflag:s0] =	ssyncset.done @!p0 $0x0  }
0x4b: {  	[sflag:s0] =	ssyncadd.s32 @!p0 s1  }
0x4c: {  	[bflag:$0x3] =	sbarrier.arrive $0xFFFF  }
0x4d: {  	_ =	shalt  }

</sc_bundles>
